<compile_context>
chip_gen: v7x
topology: tpu7x:2x2x1
jax: 0.10.2.dev20260603
libtpu: 0.0.44.dev20260713+nightly
codegen_flags: <defaults>
</compile_context>

<pallas_src>
import functools

import jax
import jax.numpy as jnp
from jax import lax
from jax.experimental import pallas as pl
from jax.experimental.pallas import tpu as pltpu
from jax.experimental.pallas import tpu_sc as plsc

N = 10000
E = 640000
EB = 128
KJ = 5
NC = 2
NS = 16
NW = NC * NS
RW = 157
ROWS_P = NW * RW
E_PAD = ROWS_P * EB
NIT = 31
TAIL = RW - NIT * KJ
KJA = 3
NITA = 52
TAILA = RW - NITA * KJA
ZR = 64
D_PAD = 48
DEG_W = 16
N_T = 10016
ROWS_T = N_T // NS
BN = 400


def _sc_mesh():
    return plsc.VectorSubcoreMesh(core_axis_name="c", subcore_axis_name="s")


_SC_PARAMS = pltpu.CompilerParams(use_tc_tiling_on_sc=False)


def _fill_zeros(ref, rows, width):
    zv = jnp.zeros((16,), jnp.float32)

    def body(r, carry):
        for j in range(width // 16):
            ref[r, pl.ds(j * 16, 16)] = zv
        return carry
    lax.fori_loop(0, rows, body, 0)


def _deg_partials(d1, d2):

    @functools.partial(
        pl.kernel,
        mesh=_sc_mesh(),
        compiler_params=_SC_PARAMS,
        out_type=[jax.ShapeDtypeStruct((NC, N_T, DEG_W), jnp.float32),
                  jax.ShapeDtypeStruct((NC, N_T, DEG_W), jnp.float32)],
        scratch_types=[
            pltpu.VMEM((RW, EB), jnp.int32),
            pltpu.VMEM((EB, DEG_W), jnp.float32),
            pltpu.VMEM((ROWS_T, DEG_W), jnp.float32),
            pltpu.VMEM_SHARED((N_T, DEG_W), jnp.float32),
            pltpu.VMEM_SHARED((N_T, DEG_W), jnp.float32),
        ],
    )
    def kern(d1h, d2h, o1, o2, idxv, onesv, zv, t1, t2):
        cid = lax.axis_index("c")
        sid = lax.axis_index("s")
        wid = sid * NC + cid
        r0 = sid * ROWS_T
        _fill_zeros(zv, ROWS_T, DEG_W)
        one = jnp.ones((16,), jnp.float32)

        def fill_ones(r, carry):
            onesv[r, pl.ds(0, 16)] = one
            return carry
        lax.fori_loop(0, EB, fill_ones, 0)
        pltpu.sync_copy(zv, t1.at[pl.ds(r0, ROWS_T)])
        pltpu.sync_copy(zv, t2.at[pl.ds(r0, ROWS_T)])
        plsc.subcore_barrier()
        for dh, tbl in ((d1h, t1), (d2h, t2)):
            pltpu.sync_copy(dh.at[pl.ds(wid * RW, RW)], idxv)

            def body(it, carry, tbl=tbl):
                for j in range(KJ):
                    pltpu.sync_copy(onesv, tbl.at[idxv.at[it * KJ + j]],
                                    add=True)
                return carry
            lax.fori_loop(0, NIT, body, 0)
            for j in range(TAIL):
                pltpu.sync_copy(onesv, tbl.at[idxv.at[NIT * KJ + j]],
                                add=True)
        plsc.subcore_barrier()
        pltpu.sync_copy(t1.at[pl.ds(r0, ROWS_T)], o1.at[cid, pl.ds(r0, ROWS_T)])
        pltpu.sync_copy(t2.at[pl.ds(r0, ROWS_T)], o2.at[cid, pl.ds(r0, ROWS_T)])

    return kern(d1, d2)


def _edge_agg_one(sh_in, dh_in, xs):

    @functools.partial(
        pl.kernel,
        mesh=_sc_mesh(),
        compiler_params=_SC_PARAMS,
        out_type=jax.ShapeDtypeStruct((NC, N_T, D_PAD), jnp.float32),
        scratch_types=[
            pltpu.VMEM((RW, EB), jnp.int32),
            pltpu.VMEM((RW, EB), jnp.int32),
            pltpu.VMEM((2, KJA, EB, D_PAD), jnp.float32),
            pltpu.VMEM((ZR, D_PAD), jnp.float32),
            pltpu.VMEM_SHARED((N_T, D_PAD), jnp.float32),
            pltpu.SemaphoreType.DMA,
            pltpu.SemaphoreType.DMA,
        ],
    )
    def kern(sh, dh, xh, o1, sv, dv, rowsv, zv, a1, sem0, sem1):
        cid = lax.axis_index("c")
        sid = lax.axis_index("s")
        wid = sid * NC + cid
        r0 = sid * ROWS_T
        _fill_zeros(zv, ZR, D_PAD)
        nfull, rem = divmod(ROWS_T, ZR)
        for zc in range(nfull):
            pltpu.sync_copy(zv, a1.at[pl.ds(r0 + zc * ZR, ZR)])
        if rem:
            pltpu.sync_copy(zv.at[pl.ds(0, rem)],
                            a1.at[pl.ds(r0 + nfull * ZR, rem)])
        pltpu.sync_copy(sh.at[pl.ds(wid * RW, RW)], sv)
        pltpu.sync_copy(dh.at[pl.ds(wid * RW, RW)], dv)
        plsc.subcore_barrier()

        def fire(itv, b, sem_b):
            for j in range(KJA):
                pltpu.async_copy(xh.at[sv.at[itv * KJA + j]],
                                 rowsv.at[b, j], sem_b)

        def drain(b, sem_b):
            for j in range(KJA):
                pltpu.make_async_copy(xh.at[sv.at[0]],
                                      rowsv.at[b, j], sem_b).wait()

        def scat(itv, b):
            for j in range(KJA):
                pltpu.sync_copy(rowsv.at[b, j], a1.at[dv.at[itv * KJA + j]],
                                add=True)

        fire(0, 0, sem0)

        def body(k, carry):
            drain(0, sem0)
            fire(2 * k + 1, 1, sem1)
            scat(2 * k, 0)
            drain(1, sem1)
            fire(2 * k + 2, 0, sem0)
            scat(2 * k + 1, 1)
            return carry

        lax.fori_loop(0, NITA // 2 - 1, body, 0)
        drain(0, sem0)
        fire(NITA - 1, 1, sem1)
        scat(NITA - 2, 0)
        for j in range(TAILA):
            pltpu.async_copy(xh.at[sv.at[NITA * KJA + j]],
                             rowsv.at[0, j], sem0)
        drain(1, sem1)
        scat(NITA - 1, 1)
        for j in range(TAILA):
            pltpu.make_async_copy(xh.at[sv.at[0]],
                                  rowsv.at[0, j], sem0).wait()
        for j in range(TAILA):
            pltpu.sync_copy(rowsv.at[0, j], a1.at[dv.at[NITA * KJA + j]],
                            add=True)
        plsc.subcore_barrier()
        pltpu.sync_copy(a1.at[pl.ds(r0, ROWS_T)], o1.at[cid, pl.ds(r0, ROWS_T)])

    return kern(sh_in, dh_in, xs)


def _enc_body(x_ref, d1_ref, d2_ref, wd_ref, bd_ref, fcw_ref, fcb_ref,
              l1w_ref, l1b_ref, wih_ref, whh_ref, bih_ref, bhh_ref,
              g1w_ref, g2w_ref, xs1_ref, xs2_ref, di1_ref, di2_ref):
    xb = x_ref[...]
    y = xb[:, :, 2:3]
    xc = xb[:, :, 3:].reshape(5 * BN, 392)
    co = jnp.maximum(
        jnp.dot(xc, wd_ref[...], preferred_element_type=jnp.float32)
        + bd_ref[...], 0.0)
    f = jnp.dot(co, fcw_ref[...], preferred_element_type=jnp.float32) + fcb_ref[...]
    l = jnp.maximum(
        jnp.dot(f, l1w_ref[...], preferred_element_type=jnp.float32)
        + l1b_ref[...], 0.0)
    xcat3 = jnp.concatenate([l.reshape(BN, 5, 40), y], axis=2)
    wih = wih_ref[...]
    whh = whh_ref[...]
    bih = bih_ref[...]
    bhh = bhh_ref[...]
    h = jnp.zeros((BN, 64), jnp.float32)
    for t in range(4):
        xt = xcat3[:, t, :]
        gi = jnp.dot(xt, wih, preferred_element_type=jnp.float32) + bih
        gh = jnp.dot(h, whh, preferred_element_type=jnp.float32) + bhh
        r = jax.nn.sigmoid(gi[:, 0:64] + gh[:, 0:64])
        z = jax.nn.sigmoid(gi[:, 64:128] + gh[:, 64:128])
        n = jnp.tanh(gi[:, 128:192] + r * gh[:, 128:192])
        h = (1.0 - z) * n + z * h
    hh = jnp.concatenate([xcat3[:, 4, :40], h], axis=1)
    pad = jnp.zeros((BN, D_PAD - 40), jnp.float32)
    for d_ref, gw_ref, xs_ref, di_ref in (
            (d1_ref, g1w_ref, xs1_ref, di1_ref),
            (d2_ref, g2w_ref, xs2_ref, di2_ref)):
        deg = d_ref[0, :, 0:1] + d_ref[1, :, 0:1] + 1.0
        dinv = lax.rsqrt(deg)
        xw = jnp.dot(hh, gw_ref[...], preferred_element_type=jnp.float32)
        xs_ref[...] = jnp.concatenate([xw * dinv, pad], axis=1)
        di_ref[...] = dinv


def _encoder(x, dp1, dp2, wd, bd, fcp, fcb, l1w, l1b,
             wihT, whhT, bih, bhh, g1w, g2w):
    full = lambda shape: pl.BlockSpec(shape, lambda i: tuple(0 for _ in shape))
    return pl.pallas_call(
        _enc_body,
        grid=(N // BN,),
        in_specs=[
            pl.BlockSpec((BN, 5, 395), lambda i: (i, 0, 0)),
            pl.BlockSpec((NC, BN, DEG_W), lambda i: (0, i, 0)),
            pl.BlockSpec((NC, BN, DEG_W), lambda i: (0, i, 0)),
            full((392, 784)),
            full((1, 784)),
            full((784, 80)),
            full((1, 80)),
            full((80, 40)),
            full((1, 40)),
            full((41, 192)),
            full((64, 192)),
            full((1, 192)),
            full((1, 192)),
            full((104, 40)),
            full((104, 40)),
        ],
        out_specs=[
            pl.BlockSpec((BN, D_PAD), lambda i: (i, 0)),
            pl.BlockSpec((BN, D_PAD), lambda i: (i, 0)),
            pl.BlockSpec((BN, 1), lambda i: (i, 0)),
            pl.BlockSpec((BN, 1), lambda i: (i, 0)),
        ],
        out_shape=[
            jax.ShapeDtypeStruct((N, D_PAD), jnp.float32),
            jax.ShapeDtypeStruct((N, D_PAD), jnp.float32),
            jax.ShapeDtypeStruct((N, 1), jnp.float32),
            jax.ShapeDtypeStruct((N, 1), jnp.float32),
        ],
    )(x, dp1, dp2, wd, bd, fcp, fcb, l1w, l1b,
      wihT, whhT, bih, bhh, g1w, g2w)


def _comb_body(a1_ref, a2_ref, xs1_ref, xs2_ref, di1_ref, di2_ref,
               b1_ref, b2_ref, mw1_ref, mw2_ref, mb_ref, out_ref):
    g1 = jnp.maximum(
        (a1_ref[0] + a1_ref[1] + xs1_ref[...])[:, :40] * di1_ref[...]
        + b1_ref[...], 0.0)
    g2 = jnp.maximum(
        (a2_ref[0] + a2_ref[1] + xs2_ref[...])[:, :40] * di2_ref[...]
        + b2_ref[...], 0.0)
    out_ref[...] = (
        jnp.dot(g1, mw1_ref[...], preferred_element_type=jnp.float32)
        + jnp.dot(g2, mw2_ref[...], preferred_element_type=jnp.float32)
        + mb_ref[...])


def _combine(a1, a2, xs1, xs2, di1, di2, b1, b2, mw1, mw2, mb):
    return pl.pallas_call(
        _comb_body,
        out_shape=jax.ShapeDtypeStruct((N, 1), jnp.float32),
    )(a1, a2, xs1, xs2, di1, di2, b1, b2, mw1, mw2, mb)


def kernel(x, edge_index, feat_edge_index, conv_w, conv_b, fc_w, fc_b,
           lin1_w, lin1_b, gru_w_ih, gru_w_hh, gru_b_ih, gru_b_hh,
           gcn1_w, gcn1_b, gcn2_w, gcn2_b, mlp_w, mlp_b):
    f32 = jnp.float32
    wd = jnp.einsum("pq,ck->pkqc", jnp.eye(49, dtype=f32),
                    conv_w[:, 0, :]).reshape(392, 784)
    bd = jnp.tile(conv_b, 49)[None, :]
    fcp = fc_w.reshape(16, 49, 80).transpose(1, 0, 2).reshape(784, 80)

    pad_src = jnp.zeros((E_PAD - E,), jnp.int32)
    pad_dst = jnp.full((E_PAD - E,), N, jnp.int32)
    s1 = jnp.concatenate([edge_index[0], pad_src]).reshape(ROWS_P, EB)
    d1 = jnp.concatenate([edge_index[1], pad_dst]).reshape(ROWS_P, EB)
    s2 = jnp.concatenate([feat_edge_index[0], pad_src]).reshape(ROWS_P, EB)
    d2 = jnp.concatenate([feat_edge_index[1], pad_dst]).reshape(ROWS_P, EB)

    dp1, dp2 = _deg_partials(d1, d2)
    xs1, xs2, di1, di2 = _encoder(
        x, dp1[:, :N], dp2[:, :N], wd, bd, fcp, fc_b[None],
        lin1_w, lin1_b[None], gru_w_ih.T, gru_w_hh.T, gru_b_ih[None],
        gru_b_hh[None], gcn1_w, gcn2_w)
    a1 = _edge_agg_one(s1, d1, xs1)
    a2 = _edge_agg_one(s2, d2, xs2)
    return _combine(a1[:, :N], a2[:, :N], xs1, xs2, di1, di2,
                    gcn1_b[None], gcn2_b[None],
                    mlp_w[:40], mlp_w[40:], mlp_b[None])

# --- scband reference (transcript-rebuilt; emitter-appended) ---
"""Pipeline reference for scband-tfsf-tf-15582141350533 (READ-ONLY COPY).

The authoritative reference and input builder live on the scoring server;
editing this copy changes nothing except your own understanding.
"""

import jax, jax.numpy as jnp
import numpy as np

N_NODES = 10000
N_EDGES = 640000


def _glorot(k, shape, fan_in):
    return jax.random.normal(k, shape, dtype=jnp.float32) * (1.0 / np.sqrt(fan_in))


def setup_inputs(seed: int = 0) -> dict:
    key = jax.random.key(seed)
    ks = jax.random.split(key, 12)
    inp = {}
    inp["x"] = jax.random.normal(ks[0], (N_NODES, 5, 395), dtype=jnp.float32)
    inp["edge_index"] = jax.random.randint(ks[1], (2, N_EDGES), 0, N_NODES, dtype=jnp.int32)
    inp["feat_edge_index"] = jax.random.randint(ks[2], (2, N_EDGES), 0, N_NODES, dtype=jnp.int32)
    # FeatureCNN params: Conv1d(1,16,kernel=8,stride=8) + Linear(16*49=784 -> 80)
    inp["conv_w"] = _glorot(ks[3], (16, 1, 8), 8)
    inp["conv_b"] = jnp.zeros((16,), dtype=jnp.float32)
    inp["fc_w"] = _glorot(ks[4], (784, 80), 784)
    inp["fc_b"] = jnp.zeros((80,), dtype=jnp.float32)
    # lin1: 80 -> 40
    inp["lin1_w"] = _glorot(ks[5], (80, 40), 80)
    inp["lin1_b"] = jnp.zeros((40,), dtype=jnp.float32)
    # GRU(input=41, hidden=64), PyTorch gate order r,z,n
    inp["gru_w_ih"] = _glorot(ks[6], (192, 41), 41)
    inp["gru_w_hh"] = _glorot(ks[7], (192, 64), 64)
    inp["gru_b_ih"] = jnp.zeros((192,), dtype=jnp.float32)
    inp["gru_b_hh"] = jnp.zeros((192,), dtype=jnp.float32)
    # GCN convs: 104 -> 40 each
    inp["gcn1_w"] = _glorot(ks[8], (104, 40), 104)
    inp["gcn1_b"] = jnp.zeros((40,), dtype=jnp.float32)
    inp["gcn2_w"] = _glorot(ks[9], (104, 40), 104)
    inp["gcn2_b"] = jnp.zeros((40,), dtype=jnp.float32)
    # mlp: 80 -> 1
    inp["mlp_w"] = _glorot(ks[10], (80, 1), 80)
    inp["mlp_b"] = jnp.zeros((1,), dtype=jnp.float32)
    return inp


def _cnn_gru(x, conv_w, conv_b, fc_w, fc_b, lin1_w, lin1_b, w_ih, w_hh, b_ih, b_hh):
    b = x.shape[0]
    y = x[:, :, 2].reshape(-1, 1)
    xc = x[:, :, 3:].reshape(-1, 1, 392)
    out = jax.lax.conv_general_dilated(xc, conv_w, window_strides=(8,), padding="VALID",
                                       dimension_numbers=("NCH", "OIH", "NCH"))
    out = jax.nn.relu(out + conv_b[None, :, None])
    out = out.reshape(out.shape[0], -1)
    out = out @ fc_w + fc_b  # FeatureCNN output: [N*5, 80]
    out = jax.nn.relu(out @ lin1_w + lin1_b)  # [N*5, 40]
    xcat = jnp.concatenate([out, y], axis=1).reshape(b, 5, 41)
    h = jnp.zeros((b, 64), dtype=x.dtype)
    for t in range(4):
        xt = xcat[:, t, :]
        gi = xt @ w_ih.T + b_ih
        gh = h @ w_hh.T + b_hh
        i_r, i_z, i_n = jnp.split(gi, 3, axis=1)
        h_r, h_z, h_n = jnp.split(gh, 3, axis=1)
        r = jax.nn.sigmoid(i_r + h_r)
        z = jax.nn.sigmoid(i_z + h_z)
        n = jnp.tanh(i_n + r * h_n)
        h = (1.0 - z) * n + z * h
    return jnp.concatenate([xcat[:, 4, :-1], h], axis=1)  # [N, 104]


def _gcn(x, edge_index, W, b):
    n = x.shape[0]
    loops = jnp.arange(n, dtype=edge_index.dtype)
    src = jnp.concatenate([edge_index[0], loops])
    dst = jnp.concatenate([edge_index[1], loops])
    xw = x @ W
    deg = jax.ops.segment_sum(jnp.ones_like(dst, dtype=x.dtype), dst, num_segments=n)
    dinv = jnp.where(deg > 0, jax.lax.rsqrt(jnp.maximum(deg, 1e-12)), 0.0)
    norm = dinv[src] * dinv[dst]
    msg = xw[src] * norm[:, None]
    return jax.ops.segment_sum(msg, dst, num_segments=n) + b


def reference(x, edge_index, feat_edge_index, conv_w, conv_b, fc_w, fc_b, lin1_w, lin1_b,
              gru_w_ih, gru_w_hh, gru_b_ih, gru_b_hh, gcn1_w, gcn1_b, gcn2_w, gcn2_b,
              mlp_w, mlp_b):
    h = _cnn_gru(x, conv_w, conv_b, fc_w, fc_b, lin1_w, lin1_b,
                 gru_w_ih, gru_w_hh, gru_b_ih, gru_b_hh)
    emb1 = jax.nn.relu(_gcn(h, edge_index, gcn1_w, gcn1_b))
    emb2 = jax.nn.relu(_gcn(h, feat_edge_index, gcn2_w, gcn2_b))
    emb = jnp.concatenate([emb1, emb2], axis=1)
    return emb @ mlp_w + mlp_b

if __name__ == "__main__":
    import jax
    _d = setup_inputs()
    print(jax.jit(kernel)(*tuple(_d.values())))

</pallas_src>

<mosaic_0001>
#map = affine_map<(d0, d1) -> (0, 0)>
#map1 = affine_map<(d0, d1) -> (0, 0, 0)>
module attributes {stable_mosaic.version = 14 : i64} {
  func.func @kern(%arg0: i32, %arg1: i32, %arg2: memref<5024x128xi32, #tpu.memory_space<hbm>>, %arg3: memref<5024x128xi32, #tpu.memory_space<hbm>>, %arg4: memref<10000x48xf32, #tpu.memory_space<hbm>>, %arg5: memref<2x10016x48xf32, #tpu.memory_space<hbm>>, %arg6: memref<157x128xi32, #tpu.memory_space<vmem>>, %arg7: memref<157x128xi32, #tpu.memory_space<vmem>>, %arg8: memref<2x3x128x48xf32, #tpu.memory_space<vmem>>, %arg9: memref<64x48xf32, #tpu.memory_space<vmem>>, %arg10: memref<10016x48xf32, #tpu.memory_space<vmem_shared>>, %arg11: memref<!tpu.dma_semaphore, #tpu.memory_space<semaphore_mem>>, %arg12: memref<!tpu.dma_semaphore, #tpu.memory_space<semaphore_mem>>) attributes {dimension_semantics = [#tpu.dimension_semantics<core_parallel>, #tpu.dimension_semantics<subcore_parallel>], iteration_bounds = array<i64: 2, 16>, scalar_prefetch = 0 : i64, scratch_operands = 7 : i64, tpu.core_type = #tpu.core_type<sc_vector_subcore>, window_params = [{transform_indices = #map}, {transform_indices = #map}, {transform_indices = #map}, {transform_indices = #map1}]} {
    %mul3A = arith.constant 2 : i32
    %mul3A_0 = arith.muli %arg1, %mul3A : i32
    %add3A = arith.addi %mul3A_0, %arg0 : i32
    %mul3A_1 = arith.constant 626 : i32
    %mul3A_2 = arith.muli %arg1, %mul3A_1 : i32
    %broadcast_in_dim3A = arith.constant 0.000000e+00 : f32
    %broadcast_in_dim3A_3 = vector.broadcast %broadcast_in_dim3A : f32 to vector<16xf32>
    %scan3A = arith.constant 0 : i32
    %scan3A_4 = arith.constant 0 : i32
    %scan3A_5 = arith.constant 64 : i32
    %scan3A_6 = arith.addi %scan3A_4, %scan3A_5 : i32
    %scan3A_7 = arith.constant 1 : i32
    scf.for %scan3A_240 = %scan3A_4 to %scan3A_6 step %scan3A_7  : i32 {
      %swap3A = arith.index_cast %scan3A_240 : i32 to index
      %swap3A_241 = arith.constant 0 : index
      %swap3A_242 = tpu.vector_load %arg9[%swap3A, %swap3A_241] {strides = array<i32>} : memref<64x48xf32, #tpu.memory_space<vmem>>, vector<1x16xf32>,
      %swap3A_243 = vector.shape_cast %swap3A_242 : vector<1x16xf32> to vector<16xf32>
      %swap3A_244 = vector.shape_cast %broadcast_in_dim3A_3 : vector<16xf32> to vector<1x16xf32>
      tpu.vector_store %arg9[%swap3A, %swap3A_241], %swap3A_244 {strides = array<i32>} : memref<64x48xf32, #tpu.memory_space<vmem>>, vector<1x16xf32>,
      %swap3A_245 = arith.index_cast %scan3A_240 : i32 to index
      %swap3A_246 = arith.constant 16 : index
      %swap3A_247 = tpu.vector_load %arg9[%swap3A_245, %swap3A_246] {strides = array<i32>} : memref<64x48xf32, #tpu.memory_space<vmem>>, vector<1x16xf32>,
      %swap3A_248 = vector.shape_cast %swap3A_247 : vector<1x16xf32> to vector<16xf32>
      %swap3A_249 = vector.shape_cast %broadcast_in_dim3A_3 : vector<16xf32> to vector<1x16xf32>
      tpu.vector_store %arg9[%swap3A_245, %swap3A_246], %swap3A_249 {strides = array<i32>} : memref<64x48xf32, #tpu.memory_space<vmem>>, vector<1x16xf32>,
      %swap3A_250 = arith.index_cast %scan3A_240 : i32 to index
      %swap3A_251 = arith.constant 32 : index
      %swap3A_252 = tpu.vector_load %arg9[%swap3A_250, %swap3A_251] {strides = array<i32>} : memref<64x48xf32, #tpu.memory_space<vmem>>, vector<1x16xf32>,
      %swap3A_253 = vector.shape_cast %swap3A_252 : vector<1x16xf32> to vector<16xf32>
      %swap3A_254 = vector.shape_cast %broadcast_in_dim3A_3 : vector<16xf32> to vector<1x16xf32>
      tpu.vector_store %arg9[%swap3A_250, %swap3A_251], %swap3A_254 {strides = array<i32>} : memref<64x48xf32, #tpu.memory_space<vmem>>, vector<1x16xf32>,
    }
    %scan3A_8 = arith.constant 64 : i32
    %add3A_9 = arith.constant 0 : i32
    %add3A_10 = arith.addi %mul3A_2, %add3A_9 : i32
    "tpu.region"() ({
      %run_scoped3A_240 = tpu.sem_alloc : memref<!tpu.dma_semaphore, #tpu.memory_space<semaphore_mem>>
      %dma_start3A_241 = arith.constant 0 : i32
      %dma_start3A_242 = tpu.memref_slice %arg10[%add3A_10, %dma_start3A_241] : memref<10016x48xf32, #tpu.memory_space<vmem_shared>> -> memref<64x48xf32, #tpu.memory_space<vmem_shared>>
      %dma_start3A_243 = arith.constant 0 : i32
      %dma_start3A_244 = tpu.memref_slice %arg10[%add3A_10, %dma_start3A_243] : memref<10016x48xf32, #tpu.memory_space<vmem_shared>> -> memref<64x48xf32, #tpu.memory_space<vmem_shared>>
      tpu.enqueue_dma source(%arg9 : memref<64x48xf32, #tpu.memory_space<vmem>>) target(%dma_start3A_244 : memref<64x48xf32, #tpu.memory_space<vmem_shared>>) target_semaphore(%run_scoped3A_240 : memref<!tpu.dma_semaphore, #tpu.memory_space<semaphore_mem>>)
      %dma_wait3A_245 = arith.constant 0 : i32
      %dma_wait3A_246 = tpu.memref_slice %arg10[%add3A_10, %dma_wait3A_245] : memref<10016x48xf32, #tpu.memory_space<vmem_shared>> -> memref<64x48xf32, #tpu.memory_space<vmem_shared>>
      %dma_wait3A_247 = arith.constant 0 : i32
      %dma_wait3A_248 = tpu.memref_slice %arg10[%add3A_10, %dma_wait3A_247] : memref<10016x48xf32, #tpu.memory_space<vmem_shared>> -> memref<64x48xf32, #tpu.memory_space<vmem_shared>>
      tpu.wait_dma2 semaphore(%run_scoped3A_240 : memref<!tpu.dma_semaphore, #tpu.memory_space<semaphore_mem>>) src(%arg9 : memref<64x48xf32, #tpu.memory_space<vmem>>) dst(%dma_wait3A_248 : memref<64x48xf32, #tpu.memory_space<vmem_shared>>)
      tpu.yield
    }) : () -> ()
    %add3A_11 = arith.constant 64 : i32
    %add3A_12 = arith.addi %mul3A_2, %add3A_11 : i32
    "tpu.region"() ({
      %run_scoped3A_240 = tpu.sem_alloc : memref<!tpu.dma_semaphore, #tpu.memory_space<semaphore_mem>>
      %dma_start3A_241 = arith.constant 0 : i32
      %dma_start3A_242 = tpu.memref_slice %arg10[%add3A_12, %dma_start3A_241] : memref<10016x48xf32, #tpu.memory_space<vmem_shared>> -> memref<64x48xf32, #tpu.memory_space<vmem_shared>>
      %dma_start3A_243 = arith.constant 0 : i32
      %dma_start3A_244 = tpu.memref_slice %arg10[%add3A_12, %dma_start3A_243] : memref<10016x48xf32, #tpu.memory_space<vmem_shared>> -> memref<64x48xf32, #tpu.memory_space<vmem_shared>>
      tpu.enqueue_dma source(%arg9 : memref<64x48xf32, #tpu.memory_space<vmem>>) target(%dma_start3A_244 : memref<64x48xf32, #tpu.memory_space<vmem_shared>>) target_semaphore(%run_scoped3A_240 : memref<!tpu.dma_semaphore, #tpu.memory_space<semaphore_mem>>)
      %dma_wait3A_245 = arith.constant 0 : i32
      %dma_wait3A_246 = tpu.memref_slice %arg10[%add3A_12, %dma_wait3A_245] : memref<10016x48xf32, #tpu.memory_space<vmem_shared>> -> memref<64x48xf32, #tpu.memory_space<vmem_shared>>
      %dma_wait3A_247 = arith.constant 0 : i32
      %dma_wait3A_248 = tpu.memref_slice %arg10[%add3A_12, %dma_wait3A_247] : memref<10016x48xf32, #tpu.memory_space<vmem_shared>> -> memref<64x48xf32, #tpu.memory_space<vmem_shared>>
      tpu.wait_dma2 semaphore(%run_scoped3A_240 : memref<!tpu.dma_semaphore, #tpu.memory_space<semaphore_mem>>) src(%arg9 : memref<64x48xf32, #tpu.memory_space<vmem>>) dst(%dma_wait3A_248 : memref<64x48xf32, #tpu.memory_space<vmem_shared>>)
      tpu.yield
    }) : () -> ()
    %add3A_13 = arith.constant 128 : i32
    %add3A_14 = arith.addi %mul3A_2, %add3A_13 : i32
    "tpu.region"() ({
      %run_scoped3A_240 = tpu.sem_alloc : memref<!tpu.dma_semaphore, #tpu.memory_space<semaphore_mem>>
      %dma_start3A_241 = arith.constant 0 : i32
      %dma_start3A_242 = tpu.memref_slice %arg10[%add3A_14, %dma_start3A_241] : memref<10016x48xf32, #tpu.memory_space<vmem_shared>> -> memref<64x48xf32, #tpu.memory_space<vmem_shared>>
      %dma_start3A_243 = arith.constant 0 : i32
      %dma_start3A_244 = tpu.memref_slice %arg10[%add3A_14, %dma_start3A_243] : memref<10016x48xf32, #tpu.memory_space<vmem_shared>> -> memref<64x48xf32, #tpu.memory_space<vmem_shared>>
      tpu.enqueue_dma source(%arg9 : memref<64x48xf32, #tpu.memory_space<vmem>>) target(%dma_start3A_244 : memref<64x48xf32, #tpu.memory_space<vmem_shared>>) target_semaphore(%run_scoped3A_240 : memref<!tpu.dma_semaphore, #tpu.memory_space<semaphore_mem>>)
      %dma_wait3A_245 = arith.constant 0 : i32
      %dma_wait3A_246 = tpu.memref_slice %arg10[%add3A_14, %dma_wait3A_245] : memref<10016x48xf32, #tpu.memory_space<vmem_shared>> -> memref<64x48xf32, #tpu.memory_space<vmem_shared>>
      %dma_wait3A_247 = arith.constant 0 : i32
      %dma_wait3A_248 = tpu.memref_slice %arg10[%add3A_14, %dma_wait3A_247] : memref<10016x48xf32, #tpu.memory_space<vmem_shared>> -> memref<64x48xf32, #tpu.memory_space<vmem_shared>>
      tpu.wait_dma2 semaphore(%run_scoped3A_240 : memref<!tpu.dma_semaphore, #tpu.memory_space<semaphore_mem>>) src(%arg9 : memref<64x48xf32, #tpu.memory_space<vmem>>) dst(%dma_wait3A_248 : memref<64x48xf32, #tpu.memory_space<vmem_shared>>)
      tpu.yield
    }) : () -> ()
    %add3A_15 = arith.constant 192 : i32
    %add3A_16 = arith.addi %mul3A_2, %add3A_15 : i32
    "tpu.region"() ({
      %run_scoped3A_240 = tpu.sem_alloc : memref<!tpu.dma_semaphore, #tpu.memory_space<semaphore_mem>>
      %dma_start3A_241 = arith.constant 0 : i32
      %dma_start3A_242 = tpu.memref_slice %arg10[%add3A_16, %dma_start3A_241] : memref<10016x48xf32, #tpu.memory_space<vmem_shared>> -> memref<64x48xf32, #tpu.memory_space<vmem_shared>>
      %dma_start3A_243 = arith.constant 0 : i32
      %dma_start3A_244 = tpu.memref_slice %arg10[%add3A_16, %dma_start3A_243] : memref<10016x48xf32, #tpu.memory_space<vmem_shared>> -> memref<64x48xf32, #tpu.memory_space<vmem_shared>>
      tpu.enqueue_dma source(%arg9 : memref<64x48xf32, #tpu.memory_space<vmem>>) target(%dma_start3A_244 : memref<64x48xf32, #tpu.memory_space<vmem_shared>>) target_semaphore(%run_scoped3A_240 : memref<!tpu.dma_semaphore, #tpu.memory_space<semaphore_mem>>)
      %dma_wait3A_245 = arith.constant 0 : i32
      %dma_wait3A_246 = tpu.memref_slice %arg10[%add3A_16, %dma_wait3A_245] : memref<10016x48xf32, #tpu.memory_space<vmem_shared>> -> memref<64x48xf32, #tpu.memory_space<vmem_shared>>
      %dma_wait3A_247 = arith.constant 0 : i32
      %dma_wait3A_248 = tpu.memref_slice %arg10[%add3A_16, %dma_wait3A_247] : memref<10016x48xf32, #tpu.memory_space<vmem_shared>> -> memref<64x48xf32, #tpu.memory_space<vmem_shared>>
      tpu.wait_dma2 semaphore(%run_scoped3A_240 : memref<!tpu.dma_semaphore, #tpu.memory_space<semaphore_mem>>) src(%arg9 : memref<64x48xf32, #tpu.memory_space<vmem>>) dst(%dma_wait3A_248 : memref<64x48xf32, #tpu.memory_space<vmem_shared>>)
      tpu.yield
    }) : () -> ()
    %add3A_17 = arith.constant 256 : i32
    %add3A_18 = arith.addi %mul3A_2, %add3A_17 : i32
    "tpu.region"() ({
      %run_scoped3A_240 = tpu.sem_alloc : memref<!tpu.dma_semaphore, #tpu.memory_space<semaphore_mem>>
      %dma_start3A_241 = arith.constant 0 : i32
      %dma_start3A_242 = tpu.memref_slice %arg10[%add3A_18, %dma_start3A_241] : memref<10016x48xf32, #tpu.memory_space<vmem_shared>> -> memref<64x48xf32, #tpu.memory_space<vmem_shared>>
      %dma_start3A_243 = arith.constant 0 : i32
      %dma_start3A_244 = tpu.memref_slice %arg10[%add3A_18, %dma_start3A_243] : memref<10016x48xf32, #tpu.memory_space<vmem_shared>> -> memref<64x48xf32, #tpu.memory_space<vmem_shared>>
      tpu.enqueue_dma source(%arg9 : memref<64x48xf32, #tpu.memory_space<vmem>>) target(%dma_start3A_244 : memref<64x48xf32, #tpu.memory_space<vmem_shared>>) target_semaphore(%run_scoped3A_240 : memref<!tpu.dma_semaphore, #tpu.memory_space<semaphore_mem>>)
      %dma_wait3A_245 = arith.constant 0 : i32
      %dma_wait3A_246 = tpu.memref_slice %arg10[%add3A_18, %dma_wait3A_245] : memref<10016x48xf32, #tpu.memory_space<vmem_shared>> -> memref<64x48xf32, #tpu.memory_space<vmem_shared>>
      %dma_wait3A_247 = arith.constant 0 : i32
      %dma_wait3A_248 = tpu.memref_slice %arg10[%add3A_18, %dma_wait3A_247] : memref<10016x48xf32, #tpu.memory_space<vmem_shared>> -> memref<64x48xf32, #tpu.memory_space<vmem_shared>>
      tpu.wait_dma2 semaphore(%run_scoped3A_240 : memref<!tpu.dma_semaphore, #tpu.memory_space<semaphore_mem>>) src(%arg9 : memref<64x48xf32, #tpu.memory_space<vmem>>) dst(%dma_wait3A_248 : memref<64x48xf32, #tpu.memory_space<vmem_shared>>)
      tpu.yield
    }) : () -> ()
    %add3A_19 = arith.constant 320 : i32
    %add3A_20 = arith.addi %mul3A_2, %add3A_19 : i32
    "tpu.region"() ({
      %run_scoped3A_240 = tpu.sem_alloc : memref<!tpu.dma_semaphore, #tpu.memory_space<semaphore_mem>>
      %dma_start3A_241 = arith.constant 0 : i32
      %dma_start3A_242 = tpu.memref_slice %arg10[%add3A_20, %dma_start3A_241] : memref<10016x48xf32, #tpu.memory_space<vmem_shared>> -> memref<64x48xf32, #tpu.memory_space<vmem_shared>>
      %dma_start3A_243 = arith.constant 0 : i32
      %dma_start3A_244 = tpu.memref_slice %arg10[%add3A_20, %dma_start3A_243] : memref<10016x48xf32, #tpu.memory_space<vmem_shared>> -> memref<64x48xf32, #tpu.memory_space<vmem_shared>>
      tpu.enqueue_dma source(%arg9 : memref<64x48xf32, #tpu.memory_space<vmem>>) target(%dma_start3A_244 : memref<64x48xf32, #tpu.memory_space<vmem_shared>>) target_semaphore(%run_scoped3A_240 : memref<!tpu.dma_semaphore, #tpu.memory_space<semaphore_mem>>)
      %dma_wait3A_245 = arith.constant 0 : i32
      %dma_wait3A_246 = tpu.memref_slice %arg10[%add3A_20, %dma_wait3A_245] : memref<10016x48xf32, #tpu.memory_space<vmem_shared>> -> memref<64x48xf32, #tpu.memory_space<vmem_shared>>
      %dma_wait3A_247 = arith.constant 0 : i32
      %dma_wait3A_248 = tpu.memref_slice %arg10[%add3A_20, %dma_wait3A_247] : memref<10016x48xf32, #tpu.memory_space<vmem_shared>> -> memref<64x48xf32, #tpu.memory_space<vmem_shared>>
      tpu.wait_dma2 semaphore(%run_scoped3A_240 : memref<!tpu.dma_semaphore, #tpu.memory_space<semaphore_mem>>) src(%arg9 : memref<64x48xf32, #tpu.memory_space<vmem>>) dst(%dma_wait3A_248 : memref<64x48xf32, #tpu.memory_space<vmem_shared>>)
      tpu.yield
    }) : () -> ()
    %add3A_21 = arith.constant 384 : i32
    %add3A_22 = arith.addi %mul3A_2, %add3A_21 : i32
    "tpu.region"() ({
      %run_scoped3A_240 = tpu.sem_alloc : memref<!tpu.dma_semaphore, #tpu.memory_space<semaphore_mem>>
      %dma_start3A_241 = arith.constant 0 : i32
      %dma_start3A_242 = tpu.memref_slice %arg10[%add3A_22, %dma_start3A_241] : memref<10016x48xf32, #tpu.memory_space<vmem_shared>> -> memref<64x48xf32, #tpu.memory_space<vmem_shared>>
      %dma_start3A_243 = arith.constant 0 : i32
      %dma_start3A_244 = tpu.memref_slice %arg10[%add3A_22, %dma_start3A_243] : memref<10016x48xf32, #tpu.memory_space<vmem_shared>> -> memref<64x48xf32, #tpu.memory_space<vmem_shared>>
      tpu.enqueue_dma source(%arg9 : memref<64x48xf32, #tpu.memory_space<vmem>>) target(%dma_start3A_244 : memref<64x48xf32, #tpu.memory_space<vmem_shared>>) target_semaphore(%run_scoped3A_240 : memref<!tpu.dma_semaphore, #tpu.memory_space<semaphore_mem>>)
      %dma_wait3A_245 = arith.constant 0 : i32
      %dma_wait3A_246 = tpu.memref_slice %arg10[%add3A_22, %dma_wait3A_245] : memref<10016x48xf32, #tpu.memory_space<vmem_shared>> -> memref<64x48xf32, #tpu.memory_space<vmem_shared>>
      %dma_wait3A_247 = arith.constant 0 : i32
      %dma_wait3A_248 = tpu.memref_slice %arg10[%add3A_22, %dma_wait3A_247] : memref<10016x48xf32, #tpu.memory_space<vmem_shared>> -> memref<64x48xf32, #tpu.memory_space<vmem_shared>>
      tpu.wait_dma2 semaphore(%run_scoped3A_240 : memref<!tpu.dma_semaphore, #tpu.memory_space<semaphore_mem>>) src(%arg9 : memref<64x48xf32, #tpu.memory_space<vmem>>) dst(%dma_wait3A_248 : memref<64x48xf32, #tpu.memory_space<vmem_shared>>)
      tpu.yield
    }) : () -> ()
    %add3A_23 = arith.constant 448 : i32
    %add3A_24 = arith.addi %mul3A_2, %add3A_23 : i32
    "tpu.region"() ({
      %run_scoped3A_240 = tpu.sem_alloc : memref<!tpu.dma_semaphore, #tpu.memory_space<semaphore_mem>>
      %dma_start3A_241 = arith.constant 0 : i32
      %dma_start3A_242 = tpu.memref_slice %arg10[%add3A_24, %dma_start3A_241] : memref<10016x48xf32, #tpu.memory_space<vmem_shared>> -> memref<64x48xf32, #tpu.memory_space<vmem_shared>>
      %dma_start3A_243 = arith.constant 0 : i32
      %dma_start3A_244 = tpu.memref_slice %arg10[%add3A_24, %dma_start3A_243] : memref<10016x48xf32, #tpu.memory_space<vmem_shared>> -> memref<64x48xf32, #tpu.memory_space<vmem_shared>>
      tpu.enqueue_dma source(%arg9 : memref<64x48xf32, #tpu.memory_space<vmem>>) target(%dma_start3A_244 : memref<64x48xf32, #tpu.memory_space<vmem_shared>>) target_semaphore(%run_scoped3A_240 : memref<!tpu.dma_semaphore, #tpu.memory_space<semaphore_mem>>)
      %dma_wait3A_245 = arith.constant 0 : i32
      %dma_wait3A_246 = tpu.memref_slice %arg10[%add3A_24, %dma_wait3A_245] : memref<10016x48xf32, #tpu.memory_space<vmem_shared>> -> memref<64x48xf32, #tpu.memory_space<vmem_shared>>
      %dma_wait3A_247 = arith.constant 0 : i32
      %dma_wait3A_248 = tpu.memref_slice %arg10[%add3A_24, %dma_wait3A_247] : memref<10016x48xf32, #tpu.memory_space<vmem_shared>> -> memref<64x48xf32, #tpu.memory_space<vmem_shared>>
      tpu.wait_dma2 semaphore(%run_scoped3A_240 : memref<!tpu.dma_semaphore, #tpu.memory_space<semaphore_mem>>) src(%arg9 : memref<64x48xf32, #tpu.memory_space<vmem>>) dst(%dma_wait3A_248 : memref<64x48xf32, #tpu.memory_space<vmem_shared>>)
      tpu.yield
    }) : () -> ()
    %add3A_25 = arith.constant 512 : i32
    %add3A_26 = arith.addi %mul3A_2, %add3A_25 : i32
    "tpu.region"() ({
      %run_scoped3A_240 = tpu.sem_alloc : memref<!tpu.dma_semaphore, #tpu.memory_space<semaphore_mem>>
      %dma_start3A_241 = arith.constant 0 : i32
      %dma_start3A_242 = tpu.memref_slice %arg10[%add3A_26, %dma_start3A_241] : memref<10016x48xf32, #tpu.memory_space<vmem_shared>> -> memref<64x48xf32, #tpu.memory_space<vmem_shared>>
      %dma_start3A_243 = arith.constant 0 : i32
      %dma_start3A_244 = tpu.memref_slice %arg10[%add3A_26, %dma_start3A_243] : memref<10016x48xf32, #tpu.memory_space<vmem_shared>> -> memref<64x48xf32, #tpu.memory_space<vmem_shared>>
      tpu.enqueue_dma source(%arg9 : memref<64x48xf32, #tpu.memory_space<vmem>>) target(%dma_start3A_244 : memref<64x48xf32, #tpu.memory_space<vmem_shared>>) target_semaphore(%run_scoped3A_240 : memref<!tpu.dma_semaphore, #tpu.memory_space<semaphore_mem>>)
      %dma_wait3A_245 = arith.constant 0 : i32
      %dma_wait3A_246 = tpu.memref_slice %arg10[%add3A_26, %dma_wait3A_245] : memref<10016x48xf32, #tpu.memory_space<vmem_shared>> -> memref<64x48xf32, #tpu.memory_space<vmem_shared>>
      %dma_wait3A_247 = arith.constant 0 : i32
      %dma_wait3A_248 = tpu.memref_slice %arg10[%add3A_26, %dma_wait3A_247] : memref<10016x48xf32, #tpu.memory_space<vmem_shared>> -> memref<64x48xf32, #tpu.memory_space<vmem_shared>>
      tpu.wait_dma2 semaphore(%run_scoped3A_240 : memref<!tpu.dma_semaphore, #tpu.memory_space<semaphore_mem>>) src(%arg9 : memref<64x48xf32, #tpu.memory_space<vmem>>) dst(%dma_wait3A_248 : memref<64x48xf32, #tpu.memory_space<vmem_shared>>)
      tpu.yield
    }) : () -> ()
    %add3A_27 = arith.constant 576 : i32
    %add3A_28 = arith.addi %mul3A_2, %add3A_27 : i32
    "tpu.region"() ({
      %run_scoped3A_240 = tpu.sem_alloc : memref<!tpu.dma_semaphore, #tpu.memory_space<semaphore_mem>>
      %dma_start3A_241 = arith.constant 0 : i32
      %dma_start3A_242 = arith.constant 0 : i32
      %dma_start3A_243 = tpu.memref_slice %arg9[%dma_start3A_241, %dma_start3A_242] : memref<64x48xf32, #tpu.memory_space<vmem>> -> memref<50x48xf32, #tpu.memory_space<vmem>>
      %dma_start3A_244 = arith.constant 0 : i32
      %dma_start3A_245 = tpu.memref_slice %arg10[%add3A_28, %dma_start3A_244] : memref<10016x48xf32, #tpu.memory_space<vmem_shared>> -> memref<50x48xf32, #tpu.memory_space<vmem_shared>>
      %dma_start3A_246 = arith.constant 0 : i32
      %dma_start3A_247 = tpu.memref_slice %arg10[%add3A_28, %dma_start3A_246] : memref<10016x48xf32, #tpu.memory_space<vmem_shared>> -> memref<50x48xf32, #tpu.memory_space<vmem_shared>>
      %dma_start3A_248 = arith.constant 0 : i32
      %dma_start3A_249 = arith.constant 0 : i32
      %dma_start3A_250 = tpu.memref_slice %arg9[%dma_start3A_248, %dma_start3A_249] : memref<64x48xf32, #tpu.memory_space<vmem>> -> memref<50x48xf32, #tpu.memory_space<vmem>>
      tpu.enqueue_dma source(%dma_start3A_250 : memref<50x48xf32, #tpu.memory_space<vmem>>) target(%dma_start3A_247 : memref<50x48xf32, #tpu.memory_space<vmem_shared>>) target_semaphore(%run_scoped3A_240 : memref<!tpu.dma_semaphore, #tpu.memory_space<semaphore_mem>>)
      %dma_wait3A_251 = arith.constant 0 : i32
      %dma_wait3A_252 = arith.constant 0 : i32
      %dma_wait3A_253 = tpu.memref_slice %arg9[%dma_wait3A_251, %dma_wait3A_252] : memref<64x48xf32, #tpu.memory_space<vmem>> -> memref<50x48xf32, #tpu.memory_space<vmem>>
      %dma_wait3A_254 = arith.constant 0 : i32
      %dma_wait3A_255 = tpu.memref_slice %arg10[%add3A_28, %dma_wait3A_254] : memref<10016x48xf32, #tpu.memory_space<vmem_shared>> -> memref<50x48xf32, #tpu.memory_space<vmem_shared>>
      %dma_wait3A_256 = arith.constant 0 : i32
      %dma_wait3A_257 = tpu.memref_slice %arg10[%add3A_28, %dma_wait3A_256] : memref<10016x48xf32, #tpu.memory_space<vmem_shared>> -> memref<50x48xf32, #tpu.memory_space<vmem_shared>>
      %dma_wait3A_258 = arith.constant 0 : i32
      %dma_wait3A_259 = arith.constant 0 : i32
      %dma_wait3A_260 = tpu.memref_slice %arg9[%dma_wait3A_258, %dma_wait3A_259] : memref<64x48xf32, #tpu.memory_space<vmem>> -> memref<50x48xf32, #tpu.memory_space<vmem>>
      tpu.wait_dma2 semaphore(%run_scoped3A_240 : memref<!tpu.dma_semaphore, #tpu.memory_space<semaphore_mem>>) src(%dma_wait3A_260 : memref<50x48xf32, #tpu.memory_space<vmem>>) dst(%dma_wait3A_257 : memref<50x48xf32, #tpu.memory_space<vmem_shared>>)
      tpu.yield
    }) : () -> ()
    %mul3A_29 = arith.constant 157 : i32
    %mul3A_30 = arith.muli %add3A, %mul3A_29 : i32
    "tpu.region"() ({
      %run_scoped3A_240 = tpu.sem_alloc : memref<!tpu.dma_semaphore, #tpu.memory_space<semaphore_mem>>
      %dma_start3A_241 = arith.constant 0 : i32
      %dma_start3A_242 = tpu.memref_slice %arg2[%mul3A_30, %dma_start3A_241] : memref<5024x128xi32, #tpu.memory_space<hbm>> -> memref<157x128xi32, #tpu.memory_space<hbm>>
      %dma_start3A_243 = arith.constant 0 : i32
      %dma_start3A_244 = tpu.memref_slice %arg2[%mul3A_30, %dma_start3A_243] : memref<5024x128xi32, #tpu.memory_space<hbm>> -> memref<157x128xi32, #tpu.memory_space<hbm>>
      tpu.enqueue_dma source(%dma_start3A_244 : memref<157x128xi32, #tpu.memory_space<hbm>>) target(%arg6 : memref<157x128xi32, #tpu.memory_space<vmem>>) target_semaphore(%run_scoped3A_240 : memref<!tpu.dma_semaphore, #tpu.memory_space<semaphore_mem>>)
      %dma_wait3A_245 = arith.constant 0 : i32
      %dma_wait3A_246 = tpu.memref_slice %arg2[%mul3A_30, %dma_wait3A_245] : memref<5024x128xi32, #tpu.memory_space<hbm>> -> memref<157x128xi32, #tpu.memory_space<hbm>>
      %dma_wait3A_247 = arith.constant 0 : i32
      %dma_wait3A_248 = tpu.memref_slice %arg2[%mul3A_30, %dma_wait3A_247] : memref<5024x128xi32, #tpu.memory_space<hbm>> -> memref<157x128xi32, #tpu.memory_space<hbm>>
      tpu.wait_dma2 semaphore(%run_scoped3A_240 : memref<!tpu.dma_semaphore, #tpu.memory_space<semaphore_mem>>) src(%dma_wait3A_248 : memref<157x128xi32, #tpu.memory_space<hbm>>) dst(%arg6 : memref<157x128xi32, #tpu.memory_space<vmem>>)
      tpu.yield
    }) : () -> ()
    %mul3A_31 = arith.constant 157 : i32
    %mul3A_32 = arith.muli %add3A, %mul3A_31 : i32
    "tpu.region"() ({
      %run_scoped3A_240 = tpu.sem_alloc : memref<!tpu.dma_semaphore, #tpu.memory_space<semaphore_mem>>
      %dma_start3A_241 = arith.constant 0 : i32
      %dma_start3A_242 = tpu.memref_slice %arg3[%mul3A_32, %dma_start3A_241] : memref<5024x128xi32, #tpu.memory_space<hbm>> -> memref<157x128xi32, #tpu.memory_space<hbm>>
      %dma_start3A_243 = arith.constant 0 : i32
      %dma_start3A_244 = tpu.memref_slice %arg3[%mul3A_32, %dma_start3A_243] : memref<5024x128xi32, #tpu.memory_space<hbm>> -> memref<157x128xi32, #tpu.memory_space<hbm>>
      tpu.enqueue_dma source(%dma_start3A_244 : memref<157x128xi32, #tpu.memory_space<hbm>>) target(%arg7 : memref<157x128xi32, #tpu.memory_space<vmem>>) target_semaphore(%run_scoped3A_240 : memref<!tpu.dma_semaphore, #tpu.memory_space<semaphore_mem>>)
      %dma_wait3A_245 = arith.constant 0 : i32
      %dma_wait3A_246 = tpu.memref_slice %arg3[%mul3A_32, %dma_wait3A_245] : memref<5024x128xi32, #tpu.memory_space<hbm>> -> memref<157x128xi32, #tpu.memory_space<hbm>>
      %dma_wait3A_247 = arith.constant 0 : i32
      %dma_wait3A_248 = tpu.memref_slice %arg3[%mul3A_32, %dma_wait3A_247] : memref<5024x128xi32, #tpu.memory_space<hbm>> -> memref<157x128xi32, #tpu.memory_space<hbm>>
      tpu.wait_dma2 semaphore(%run_scoped3A_240 : memref<!tpu.dma_semaphore, #tpu.memory_space<semaphore_mem>>) src(%dma_wait3A_248 : memref<157x128xi32, #tpu.memory_space<hbm>>) dst(%arg7 : memref<157x128xi32, #tpu.memory_space<vmem>>)
      tpu.yield
    }) : () -> ()
    %barrier3A = arith.constant 0 : index
    tpu.barrier barrier_id(%barrier3A)
    %dma_start3A = arith.constant 0 : i32
    %dma_start3A_33 = arith.constant 0 : i32
    %dma_start3A_34 = arith.constant 0 : i32
    %dma_start3A_35 = arith.constant 0 : i32
    %dma_start3A_36 = arith.constant 0 : i32
    %dma_start3A_37 = tpu.memref_slice %arg8[%dma_start3A_33, %dma_start3A_34, %dma_start3A_35, %dma_start3A_36] : memref<2x3x128x48xf32, #tpu.memory_space<vmem>> -> memref<1x1x128x48xf32, #tpu.memory_space<vmem>>
    %dma_start3A_38 = tpu.memref_squeeze %dma_start3A_37 : memref<1x1x128x48xf32, #tpu.memory_space<vmem>> -> memref<128x48xf32, #tpu.memory_space<vmem>>
    %dma_start3A_39 = arith.constant 0 : i32
    %dma_start3A_40 = tpu.memref_slice %arg6[%dma_start3A, %dma_start3A_39] : memref<157x128xi32, #tpu.memory_space<vmem>> -> memref<1x128xi32, #tpu.memory_space<vmem>>
    %dma_start3A_41 = tpu.memref_squeeze %dma_start3A_40 : memref<1x128xi32, #tpu.memory_space<vmem>> -> memref<128xi32, #tpu.memory_space<vmem>>
    %dma_start3A_42 = arith.constant 0 : i32
    %dma_start3A_43 = arith.constant 0 : i32
    %dma_start3A_44 = tpu.memref_slice %arg4[%dma_start3A_42, %dma_start3A_43] : memref<10000x48xf32, #tpu.memory_space<hbm>> -> memref<10000x48xf32, #tpu.memory_space<hbm>>
    tpu.enqueue_indirect_dma source(%dma_start3A_44 : memref<10000x48xf32, #tpu.memory_space<hbm>>) target(%dma_start3A_38 : memref<128x48xf32, #tpu.memory_space<vmem>>) offsets(%dma_start3A_41 : memref<128xi32, #tpu.memory_space<vmem>>) semaphore(%arg11 : memref<!tpu.dma_semaphore, #tpu.memory_space<semaphore_mem>>)
    %dma_start3A_45 = arith.constant 1 : i32
    %dma_start3A_46 = arith.constant 0 : i32
    %dma_start3A_47 = arith.constant 1 : i32
    %dma_start3A_48 = arith.constant 0 : i32
    %dma_start3A_49 = arith.constant 0 : i32
    %dma_start3A_50 = tpu.memref_slice %arg8[%dma_start3A_46, %dma_start3A_47, %dma_start3A_48, %dma_start3A_49] : memref<2x3x128x48xf32, #tpu.memory_space<vmem>> -> memref<1x1x128x48xf32, #tpu.memory_space<vmem>>
    %dma_start3A_51 = tpu.memref_squeeze %dma_start3A_50 : memref<1x1x128x48xf32, #tpu.memory_space<vmem>> -> memref<128x48xf32, #tpu.memory_space<vmem>>
    %dma_start3A_52 = arith.constant 0 : i32
    %dma_start3A_53 = tpu.memref_slice %arg6[%dma_start3A_45, %dma_start3A_52] : memref<157x128xi32, #tpu.memory_space<vmem>> -> memref<1x128xi32, #tpu.memory_space<vmem>>
    %dma_start3A_54 = tpu.memref_squeeze %dma_start3A_53 : memref<1x128xi32, #tpu.memory_space<vmem>> -> memref<128xi32, #tpu.memory_space<vmem>>
    %dma_start3A_55 = arith.constant 0 : i32
    %dma_start3A_56 = arith.constant 0 : i32
    %dma_start3A_57 = tpu.memref_slice %arg4[%dma_start3A_55, %dma_start3A_56] : memref<10000x48xf32, #tpu.memory_space<hbm>> -> memref<10000x48xf32, #tpu.memory_space<hbm>>
    tpu.enqueue_indirect_dma source(%dma_start3A_57 : memref<10000x48xf32, #tpu.memory_space<hbm>>) target(%dma_start3A_51 : memref<128x48xf32, #tpu.memory_space<vmem>>) offsets(%dma_start3A_54 : memref<128xi32, #tpu.memory_space<vmem>>) semaphore(%arg11 : memref<!tpu.dma_semaphore, #tpu.memory_space<semaphore_mem>>)
    %dma_start3A_58 = arith.constant 2 : i32
    %dma_start3A_59 = arith.constant 0 : i32
    %dma_start3A_60 = arith.constant 2 : i32
    %dma_start3A_61 = arith.constant 0 : i32
    %dma_start3A_62 = arith.constant 0 : i32
    %dma_start3A_63 = tpu.memref_slice %arg8[%dma_start3A_59, %dma_start3A_60, %dma_start3A_61, %dma_start3A_62] : memref<2x3x128x48xf32, #tpu.memory_space<vmem>> -> memref<1x1x128x48xf32, #tpu.memory_space<vmem>>
    %dma_start3A_64 = tpu.memref_squeeze %dma_start3A_63 : memref<1x1x128x48xf32, #tpu.memory_space<vmem>> -> memref<128x48xf32, #tpu.memory_space<vmem>>
    %dma_start3A_65 = arith.constant 0 : i32
    %dma_start3A_66 = tpu.memref_slice %arg6[%dma_start3A_58, %dma_start3A_65] : memref<157x128xi32, #tpu.memory_space<vmem>> -> memref<1x128xi32, #tpu.memory_space<vmem>>
    %dma_start3A_67 = tpu.memref_squeeze %dma_start3A_66 : memref<1x128xi32, #tpu.memory_space<vmem>> -> memref<128xi32, #tpu.memory_space<vmem>>
    %dma_start3A_68 = arith.constant 0 : i32
    %dma_start3A_69 = arith.constant 0 : i32
    %dma_start3A_70 = tpu.memref_slice %arg4[%dma_start3A_68, %dma_start3A_69] : memref<10000x48xf32, #tpu.memory_space<hbm>> -> memref<10000x48xf32, #tpu.memory_space<hbm>>
    tpu.enqueue_indirect_dma source(%dma_start3A_70 : memref<10000x48xf32, #tpu.memory_space<hbm>>) target(%dma_start3A_64 : memref<128x48xf32, #tpu.memory_space<vmem>>) offsets(%dma_start3A_67 : memref<128xi32, #tpu.memory_space<vmem>>) semaphore(%arg11 : memref<!tpu.dma_semaphore, #tpu.memory_space<semaphore_mem>>)
    %scan3A_71 = arith.constant 0 : i32
    %scan3A_72 = arith.constant 0 : i32
    %scan3A_73 = arith.constant 25 : i32
    %scan3A_74 = arith.addi %scan3A_72, %scan3A_73 : i32
    %scan3A_75 = arith.constant 1 : i32
    scf.for %scan3A_240 = %scan3A_72 to %scan3A_74 step %scan3A_75  : i32 {
      %dma_wait3A_241 = arith.constant 0 : i32
      %dma_wait3A_242 = arith.constant 0 : i32
      %dma_wait3A_243 = arith.constant 0 : i32
      %dma_wait3A_244 = arith.constant 0 : i32
      %dma_wait3A_245 = arith.constant 0 : i32
      %dma_wait3A_246 = tpu.memref_slice %arg8[%dma_wait3A_242, %dma_wait3A_243, %dma_wait3A_244, %dma_wait3A_245] : memref<2x3x128x48xf32, #tpu.memory_space<vmem>> -> memref<1x1x128x48xf32, #tpu.memory_space<vmem>>
      %dma_wait3A_247 = tpu.memref_squeeze %dma_wait3A_246 : memref<1x1x128x48xf32, #tpu.memory_space<vmem>> -> memref<128x48xf32, #tpu.memory_space<vmem>>
      %dma_wait3A_248 = arith.constant 0 : i32
      %dma_wait3A_249 = tpu.memref_slice %arg6[%dma_wait3A_241, %dma_wait3A_248] : memref<157x128xi32, #tpu.memory_space<vmem>> -> memref<1x128xi32, #tpu.memory_space<vmem>>
      %dma_wait3A_250 = tpu.memref_squeeze %dma_wait3A_249 : memref<1x128xi32, #tpu.memory_space<vmem>> -> memref<128xi32, #tpu.memory_space<vmem>>
      %dma_wait3A_251 = arith.constant 0 : i32
      %dma_wait3A_252 = arith.constant 0 : i32
      %dma_wait3A_253 = tpu.memref_slice %arg4[%dma_wait3A_251, %dma_wait3A_252] : memref<10000x48xf32, #tpu.memory_space<hbm>> -> memref<10000x48xf32, #tpu.memory_space<hbm>>
      tpu.wait_indirect_dma semaphore(%arg11 : memref<!tpu.dma_semaphore, #tpu.memory_space<semaphore_mem>>) src(%dma_wait3A_253 : memref<10000x48xf32, #tpu.memory_space<hbm>>) dst(%dma_wait3A_247 : memref<128x48xf32, #tpu.memory_space<vmem>>)
      %dma_wait3A_254 = arith.constant 0 : i32
      %dma_wait3A_255 = arith.constant 0 : i32
      %dma_wait3A_256 = arith.constant 1 : i32
      %dma_wait3A_257 = arith.constant 0 : i32
      %dma_wait3A_258 = arith.constant 0 : i32
      %dma_wait3A_259 = tpu.memref_slice %arg8[%dma_wait3A_255, %dma_wait3A_256, %dma_wait3A_257, %dma_wait3A_258] : memref<2x3x128x48xf32, #tpu.memory_space<vmem>> -> memref<1x1x128x48xf32, #tpu.memory_space<vmem>>
      %dma_wait3A_260 = tpu.memref_squeeze %dma_wait3A_259 : memref<1x1x128x48xf32, #tpu.memory_space<vmem>> -> memref<128x48xf32, #tpu.memory_space<vmem>>
      %dma_wait3A_261 = arith.constant 0 : i32
      %dma_wait3A_262 = tpu.memref_slice %arg6[%dma_wait3A_254, %dma_wait3A_261] : memref<157x128xi32, #tpu.memory_space<vmem>> -> memref<1x128xi32, #tpu.memory_space<vmem>>
      %dma_wait3A_263 = tpu.memref_squeeze %dma_wait3A_262 : memref<1x128xi32, #tpu.memory_space<vmem>> -> memref<128xi32, #tpu.memory_space<vmem>>
      %dma_wait3A_264 = arith.constant 0 : i32
      %dma_wait3A_265 = arith.constant 0 : i32
      %dma_wait3A_266 = tpu.memref_slice %arg4[%dma_wait3A_264, %dma_wait3A_265] : memref<10000x48xf32, #tpu.memory_space<hbm>> -> memref<10000x48xf32, #tpu.memory_space<hbm>>
      tpu.wait_indirect_dma semaphore(%arg11 : memref<!tpu.dma_semaphore, #tpu.memory_space<semaphore_mem>>) src(%dma_wait3A_266 : memref<10000x48xf32, #tpu.memory_space<hbm>>) dst(%dma_wait3A_260 : memref<128x48xf32, #tpu.memory_space<vmem>>)
      %dma_wait3A_267 = arith.constant 0 : i32
      %dma_wait3A_268 = arith.constant 0 : i32
      %dma_wait3A_269 = arith.constant 2 : i32
      %dma_wait3A_270 = arith.constant 0 : i32
      %dma_wait3A_271 = arith.constant 0 : i32
      %dma_wait3A_272 = tpu.memref_slice %arg8[%dma_wait3A_268, %dma_wait3A_269, %dma_wait3A_270, %dma_wait3A_271] : memref<2x3x128x48xf32, #tpu.memory_space<vmem>> -> memref<1x1x128x48xf32, #tpu.memory_space<vmem>>
      %dma_wait3A_273 = tpu.memref_squeeze %dma_wait3A_272 : memref<1x1x128x48xf32, #tpu.memory_space<vmem>> -> memref<128x48xf32, #tpu.memory_space<vmem>>
      %dma_wait3A_274 = arith.constant 0 : i32
      %dma_wait3A_275 = tpu.memref_slice %arg6[%dma_wait3A_267, %dma_wait3A_274] : memref<157x128xi32, #tpu.memory_space<vmem>> -> memref<1x128xi32, #tpu.memory_space<vmem>>
      %dma_wait3A_276 = tpu.memref_squeeze %dma_wait3A_275 : memref<1x128xi32, #tpu.memory_space<vmem>> -> memref<128xi32, #tpu.memory_space<vmem>>
      %dma_wait3A_277 = arith.constant 0 : i32
      %dma_wait3A_278 = arith.constant 0 : i32
      %dma_wait3A_279 = tpu.memref_slice %arg4[%dma_wait3A_277, %dma_wait3A_278] : memref<10000x48xf32, #tpu.memory_space<hbm>> -> memref<10000x48xf32, #tpu.memory_space<hbm>>
      tpu.wait_indirect_dma semaphore(%arg11 : memref<!tpu.dma_semaphore, #tpu.memory_space<semaphore_mem>>) src(%dma_wait3A_279 : memref<10000x48xf32, #tpu.memory_space<hbm>>) dst(%dma_wait3A_273 : memref<128x48xf32, #tpu.memory_space<vmem>>)
      %mul3A_280 = arith.constant 2 : i32
      %mul3A_281 = arith.muli %mul3A_280, %scan3A_240 : i32
      %add3A_282 = arith.constant 1 : i32
      %add3A_283 = arith.addi %mul3A_281, %add3A_282 : i32
      %mul3A_284 = arith.constant 3 : i32
      %mul3A_285 = arith.muli %add3A_283, %mul3A_284 : i32
      %add3A_286 = arith.constant 0 : i32
      %add3A_287 = arith.addi %mul3A_285, %add3A_286 : i32
      %dma_start3A_288 = arith.constant 1 : i32
      %dma_start3A_289 = arith.constant 0 : i32
      %dma_start3A_290 = arith.constant 0 : i32
      %dma_start3A_291 = arith.constant 0 : i32
      %dma_start3A_292 = tpu.memref_slice %arg8[%dma_start3A_288, %dma_start3A_289, %dma_start3A_290, %dma_start3A_291] : memref<2x3x128x48xf32, #tpu.memory_space<vmem>> -> memref<1x1x128x48xf32, #tpu.memory_space<vmem>>
      %dma_start3A_293 = tpu.memref_squeeze %dma_start3A_292 : memref<1x1x128x48xf32, #tpu.memory_space<vmem>> -> memref<128x48xf32, #tpu.memory_space<vmem>>
      %dma_start3A_294 = arith.constant 0 : i32
      %dma_start3A_295 = tpu.memref_slice %arg6[%add3A_287, %dma_start3A_294] : memref<157x128xi32, #tpu.memory_space<vmem>> -> memref<1x128xi32, #tpu.memory_space<vmem>>
      %dma_start3A_296 = tpu.memref_squeeze %dma_start3A_295 : memref<1x128xi32, #tpu.memory_space<vmem>> -> memref<128xi32, #tpu.memory_space<vmem>>
      %dma_start3A_297 = arith.constant 0 : i32
      %dma_start3A_298 = arith.constant 0 : i32
      %dma_start3A_299 = tpu.memref_slice %arg4[%dma_start3A_297, %dma_start3A_298] : memref<10000x48xf32, #tpu.memory_space<hbm>> -> memref<10000x48xf32, #tpu.memory_space<hbm>>
      tpu.enqueue_indirect_dma source(%dma_start3A_299 : memref<10000x48xf32, #tpu.memory_space<hbm>>) target(%dma_start3A_293 : memref<128x48xf32, #tpu.memory_space<vmem>>) offsets(%dma_start3A_296 : memref<128xi32, #tpu.memory_space<vmem>>) semaphore(%arg12 : memref<!tpu.dma_semaphore, #tpu.memory_space<semaphore_mem>>)
      %mul3A_300 = arith.constant 3 : i32
      %mul3A_301 = arith.muli %add3A_283, %mul3A_300 : i32
      %add3A_302 = arith.constant 1 : i32
      %add3A_303 = arith.addi %mul3A_301, %add3A_302 : i32
      %dma_start3A_304 = arith.constant 1 : i32
      %dma_start3A_305 = arith.constant 1 : i32
      %dma_start3A_306 = arith.constant 0 : i32
      %dma_start3A_307 = arith.constant 0 : i32
      %dma_start3A_308 = tpu.memref_slice %arg8[%dma_start3A_304, %dma_start3A_305, %dma_start3A_306, %dma_start3A_307] : memref<2x3x128x48xf32, #tpu.memory_space<vmem>> -> memref<1x1x128x48xf32, #tpu.memory_space<vmem>>
      %dma_start3A_309 = tpu.memref_squeeze %dma_start3A_308 : memref<1x1x128x48xf32, #tpu.memory_space<vmem>> -> memref<128x48xf32, #tpu.memory_space<vmem>>
      %dma_start3A_310 = arith.constant 0 : i32
      %dma_start3A_311 = tpu.memref_slice %arg6[%add3A_303, %dma_start3A_310] : memref<157x128xi32, #tpu.memory_space<vmem>> -> memref<1x128xi32, #tpu.memory_space<vmem>>
      %dma_start3A_312 = tpu.memref_squeeze %dma_start3A_311 : memref<1x128xi32, #tpu.memory_space<vmem>> -> memref<128xi32, #tpu.memory_space<vmem>>
      %dma_start3A_313 = arith.constant 0 : i32
      %dma_start3A_314 = arith.constant 0 : i32
      %dma_start3A_315 = tpu.memref_slice %arg4[%dma_start3A_313, %dma_start3A_314] : memref<10000x48xf32, #tpu.memory_space<hbm>> -> memref<10000x48xf32, #tpu.memory_space<hbm>>
      tpu.enqueue_indirect_dma source(%dma_start3A_315 : memref<10000x48xf32, #tpu.memory_space<hbm>>) target(%dma_start3A_309 : memref<128x48xf32, #tpu.memory_space<vmem>>) offsets(%dma_start3A_312 : memref<128xi32, #tpu.memory_space<vmem>>) semaphore(%arg12 : memref<!tpu.dma_semaphore, #tpu.memory_space<semaphore_mem>>)
      %mul3A_316 = arith.constant 3 : i32
      %mul3A_317 = arith.muli %add3A_283, %mul3A_316 : i32
      %add3A_318 = arith.constant 2 : i32
      %add3A_319 = arith.addi %mul3A_317, %add3A_318 : i32
      %dma_start3A_320 = arith.constant 1 : i32
      %dma_start3A_321 = arith.constant 2 : i32
      %dma_start3A_322 = arith.constant 0 : i32
      %dma_start3A_323 = arith.constant 0 : i32
      %dma_start3A_324 = tpu.memref_slice %arg8[%dma_start3A_320, %dma_start3A_321, %dma_start3A_322, %dma_start3A_323] : memref<2x3x128x48xf32, #tpu.memory_space<vmem>> -> memref<1x1x128x48xf32, #tpu.memory_space<vmem>>
      %dma_start3A_325 = tpu.memref_squeeze %dma_start3A_324 : memref<1x1x128x48xf32, #tpu.memory_space<vmem>> -> memref<128x48xf32, #tpu.memory_space<vmem>>
      %dma_start3A_326 = arith.constant 0 : i32
      %dma_start3A_327 = tpu.memref_slice %arg6[%add3A_319, %dma_start3A_326] : memref<157x128xi32, #tpu.memory_space<vmem>> -> memref<1x128xi32, #tpu.memory_space<vmem>>
      %dma_start3A_328 = tpu.memref_squeeze %dma_start3A_327 : memref<1x128xi32, #tpu.memory_space<vmem>> -> memref<128xi32, #tpu.memory_space<vmem>>
      %dma_start3A_329 = arith.constant 0 : i32
      %dma_start3A_330 = arith.constant 0 : i32
      %dma_start3A_331 = tpu.memref_slice %arg4[%dma_start3A_329, %dma_start3A_330] : memref<10000x48xf32, #tpu.memory_space<hbm>> -> memref<10000x48xf32, #tpu.memory_space<hbm>>
      tpu.enqueue_indirect_dma source(%dma_start3A_331 : memref<10000x48xf32, #tpu.memory_space<hbm>>) target(%dma_start3A_325 : memref<128x48xf32, #tpu.memory_space<vmem>>) offsets(%dma_start3A_328 : memref<128xi32, #tpu.memory_space<vmem>>) semaphore(%arg12 : memref<!tpu.dma_semaphore, #tpu.memory_space<semaphore_mem>>)
      %mul3A_332 = arith.constant 2 : i32
      %mul3A_333 = arith.muli %mul3A_332, %scan3A_240 : i32
      %mul3A_334 = arith.constant 3 : i32
      %mul3A_335 = arith.muli %mul3A_333, %mul3A_334 : i32
      %add3A_336 = arith.constant 0 : i32
      %add3A_337 = arith.addi %mul3A_335, %add3A_336 : i32
      %run_scoped3A_338 = arith.constant 0 : i32
      %run_scoped3A_339 = arith.constant 0 : i32
      "tpu.region"() ({
        %run_scoped3A_465 = tpu.sem_alloc : memref<!tpu.dma_semaphore, #tpu.memory_space<semaphore_mem>>
        %dma_start3A_466 = arith.constant 0 : i32
        %dma_start3A_467 = arith.constant 0 : i32
        %dma_start3A_468 = tpu.memref_slice %arg8[%run_scoped3A_338, %run_scoped3A_339, %dma_start3A_466, %dma_start3A_467] : memref<2x3x128x48xf32, #tpu.memory_space<vmem>> -> memref<1x1x128x48xf32, #tpu.memory_space<vmem>>
        %dma_start3A_469 = tpu.memref_squeeze %dma_start3A_468 : memref<1x1x128x48xf32, #tpu.memory_space<vmem>> -> memref<128x48xf32, #tpu.memory_space<vmem>>
        %dma_start3A_470 = arith.constant 0 : i32
        %dma_start3A_471 = tpu.memref_slice %arg7[%add3A_337, %dma_start3A_470] : memref<157x128xi32, #tpu.memory_space<vmem>> -> memref<1x128xi32, #tpu.memory_space<vmem>>
        %dma_start3A_472 = tpu.memref_squeeze %dma_start3A_471 : memref<1x128xi32, #tpu.memory_space<vmem>> -> memref<128xi32, #tpu.memory_space<vmem>>
        %dma_start3A_473 = arith.constant 0 : i32
        %dma_start3A_474 = arith.constant 0 : i32
        %dma_start3A_475 = tpu.memref_slice %arg10[%dma_start3A_473, %dma_start3A_474] : memref<10016x48xf32, #tpu.memory_space<vmem_shared>> -> memref<10016x48xf32, #tpu.memory_space<vmem_shared>>
        tpu.enqueue_indirect_dma source(%dma_start3A_469 : memref<128x48xf32, #tpu.memory_space<vmem>>) target(%dma_start3A_475 : memref<10016x48xf32, #tpu.memory_space<vmem_shared>>) offsets(%dma_start3A_472 : memref<128xi32, #tpu.memory_space<vmem>>) semaphore(%run_scoped3A_465 : memref<!tpu.dma_semaphore, #tpu.memory_space<semaphore_mem>>) {add = true}
        %dma_wait3A_476 = arith.constant 0 : i32
        %dma_wait3A_477 = arith.constant 0 : i32
        %dma_wait3A_478 = tpu.memref_slice %arg8[%run_scoped3A_338, %run_scoped3A_339, %dma_wait3A_476, %dma_wait3A_477] : memref<2x3x128x48xf32, #tpu.memory_space<vmem>> -> memref<1x1x128x48xf32, #tpu.memory_space<vmem>>
        %dma_wait3A_479 = tpu.memref_squeeze %dma_wait3A_478 : memref<1x1x128x48xf32, #tpu.memory_space<vmem>> -> memref<128x48xf32, #tpu.memory_space<vmem>>
        %dma_wait3A_480 = arith.constant 0 : i32
        %dma_wait3A_481 = tpu.memref_slice %arg7[%add3A_337, %dma_wait3A_480] : memref<157x128xi32, #tpu.memory_space<vmem>> -> memref<1x128xi32, #tpu.memory_space<vmem>>
        %dma_wait3A_482 = tpu.memref_squeeze %dma_wait3A_481 : memref<1x128xi32, #tpu.memory_space<vmem>> -> memref<128xi32, #tpu.memory_space<vmem>>
        %dma_wait3A_483 = arith.constant 0 : i32
        %dma_wait3A_484 = arith.constant 0 : i32
        %dma_wait3A_485 = tpu.memref_slice %arg10[%dma_wait3A_483, %dma_wait3A_484] : memref<10016x48xf32, #tpu.memory_space<vmem_shared>> -> memref<10016x48xf32, #tpu.memory_space<vmem_shared>>
        tpu.wait_indirect_dma semaphore(%run_scoped3A_465 : memref<!tpu.dma_semaphore, #tpu.memory_space<semaphore_mem>>) src(%dma_wait3A_479 : memref<128x48xf32, #tpu.memory_space<vmem>>) dst(%dma_wait3A_485 : memref<10016x48xf32, #tpu.memory_space<vmem_shared>>)
        tpu.yield
      }) : () -> ()
      %mul3A_340 = arith.constant 3 : i32
      %mul3A_341 = arith.muli %mul3A_333, %mul3A_340 : i32
      %add3A_342 = arith.constant 1 : i32
      %add3A_343 = arith.addi %mul3A_341, %add3A_342 : i32
      %run_scoped3A_344 = arith.constant 0 : i32
      %run_scoped3A_345 = arith.constant 1 : i32
      "tpu.region"() ({
        %run_scoped3A_465 = tpu.sem_alloc : memref<!tpu.dma_semaphore, #tpu.memory_space<semaphore_mem>>
        %dma_start3A_466 = arith.constant 0 : i32
        %dma_start3A_467 = arith.constant 0 : i32
        %dma_start3A_468 = tpu.memref_slice %arg8[%run_scoped3A_344, %run_scoped3A_345, %dma_start3A_466, %dma_start3A_467] : memref<2x3x128x48xf32, #tpu.memory_space<vmem>> -> memref<1x1x128x48xf32, #tpu.memory_space<vmem>>
        %dma_start3A_469 = tpu.memref_squeeze %dma_start3A_468 : memref<1x1x128x48xf32, #tpu.memory_space<vmem>> -> memref<128x48xf32, #tpu.memory_space<vmem>>
        %dma_start3A_470 = arith.constant 0 : i32
        %dma_start3A_471 = tpu.memref_slice %arg7[%add3A_343, %dma_start3A_470] : memref<157x128xi32, #tpu.memory_space<vmem>> -> memref<1x128xi32, #tpu.memory_space<vmem>>
        %dma_start3A_472 = tpu.memref_squeeze %dma_start3A_471 : memref<1x128xi32, #tpu.memory_space<vmem>> -> memref<128xi32, #tpu.memory_space<vmem>>
        %dma_start3A_473 = arith.constant 0 : i32
        %dma_start3A_474 = arith.constant 0 : i32
        %dma_start3A_475 = tpu.memref_slice %arg10[%dma_start3A_473, %dma_start3A_474] : memref<10016x48xf32, #tpu.memory_space<vmem_shared>> -> memref<10016x48xf32, #tpu.memory_space<vmem_shared>>
        tpu.enqueue_indirect_dma source(%dma_start3A_469 : memref<128x48xf32, #tpu.memory_space<vmem>>) target(%dma_start3A_475 : memref<10016x48xf32, #tpu.memory_space<vmem_shared>>) offsets(%dma_start3A_472 : memref<128xi32, #tpu.memory_space<vmem>>) semaphore(%run_scoped3A_465 : memref<!tpu.dma_semaphore, #tpu.memory_space<semaphore_mem>>) {add = true}
        %dma_wait3A_476 = arith.constant 0 : i32
        %dma_wait3A_477 = arith.constant 0 : i32
        %dma_wait3A_478 = tpu.memref_slice %arg8[%run_scoped3A_344, %run_scoped3A_345, %dma_wait3A_476, %dma_wait3A_477] : memref<2x3x128x48xf32, #tpu.memory_space<vmem>> -> memref<1x1x128x48xf32, #tpu.memory_space<vmem>>
        %dma_wait3A_479 = tpu.memref_squeeze %dma_wait3A_478 : memref<1x1x128x48xf32, #tpu.memory_space<vmem>> -> memref<128x48xf32, #tpu.memory_space<vmem>>
        %dma_wait3A_480 = arith.constant 0 : i32
        %dma_wait3A_481 = tpu.memref_slice %arg7[%add3A_343, %dma_wait3A_480] : memref<157x128xi32, #tpu.memory_space<vmem>> -> memref<1x128xi32, #tpu.memory_space<vmem>>
        %dma_wait3A_482 = tpu.memref_squeeze %dma_wait3A_481 : memref<1x128xi32, #tpu.memory_space<vmem>> -> memref<128xi32, #tpu.memory_space<vmem>>
        %dma_wait3A_483 = arith.constant 0 : i32
        %dma_wait3A_484 = arith.constant 0 : i32
        %dma_wait3A_485 = tpu.memref_slice %arg10[%dma_wait3A_483, %dma_wait3A_484] : memref<10016x48xf32, #tpu.memory_space<vmem_shared>> -> memref<10016x48xf32, #tpu.memory_space<vmem_shared>>
        tpu.wait_indirect_dma semaphore(%run_scoped3A_465 : memref<!tpu.dma_semaphore, #tpu.memory_space<semaphore_mem>>) src(%dma_wait3A_479 : memref<128x48xf32, #tpu.memory_space<vmem>>) dst(%dma_wait3A_485 : memref<10016x48xf32, #tpu.memory_space<vmem_shared>>)
        tpu.yield
      }) : () -> ()
      %mul3A_346 = arith.constant 3 : i32
      %mul3A_347 = arith.muli %mul3A_333, %mul3A_346 : i32
      %add3A_348 = arith.constant 2 : i32
      %add3A_349 = arith.addi %mul3A_347, %add3A_348 : i32
      %run_scoped3A_350 = arith.constant 0 : i32
      %run_scoped3A_351 = arith.constant 2 : i32
      "tpu.region"() ({
        %run_scoped3A_465 = tpu.sem_alloc : memref<!tpu.dma_semaphore, #tpu.memory_space<semaphore_mem>>
        %dma_start3A_466 = arith.constant 0 : i32
        %dma_start3A_467 = arith.constant 0 : i32
        %dma_start3A_468 = tpu.memref_slice %arg8[%run_scoped3A_350, %run_scoped3A_351, %dma_start3A_466, %dma_start3A_467] : memref<2x3x128x48xf32, #tpu.memory_space<vmem>> -> memref<1x1x128x48xf32, #tpu.memory_space<vmem>>
        %dma_start3A_469 = tpu.memref_squeeze %dma_start3A_468 : memref<1x1x128x48xf32, #tpu.memory_space<vmem>> -> memref<128x48xf32, #tpu.memory_space<vmem>>
        %dma_start3A_470 = arith.constant 0 : i32
        %dma_start3A_471 = tpu.memref_slice %arg7[%add3A_349, %dma_start3A_470] : memref<157x128xi32, #tpu.memory_space<vmem>> -> memref<1x128xi32, #tpu.memory_space<vmem>>
        %dma_start3A_472 = tpu.memref_squeeze %dma_start3A_471 : memref<1x128xi32, #tpu.memory_space<vmem>> -> memref<128xi32, #tpu.memory_space<vmem>>
        %dma_start3A_473 = arith.constant 0 : i32
        %dma_start3A_474 = arith.constant 0 : i32
        %dma_start3A_475 = tpu.memref_slice %arg10[%dma_start3A_473, %dma_start3A_474] : memref<10016x48xf32, #tpu.memory_space<vmem_shared>> -> memref<10016x48xf32, #tpu.memory_space<vmem_shared>>
        tpu.enqueue_indirect_dma source(%dma_start3A_469 : memref<128x48xf32, #tpu.memory_space<vmem>>) target(%dma_start3A_475 : memref<10016x48xf32, #tpu.memory_space<vmem_shared>>) offsets(%dma_start3A_472 : memref<128xi32, #tpu.memory_space<vmem>>) semaphore(%run_scoped3A_465 : memref<!tpu.dma_semaphore, #tpu.memory_space<semaphore_mem>>) {add = true}
        %dma_wait3A_476 = arith.constant 0 : i32
        %dma_wait3A_477 = arith.constant 0 : i32
        %dma_wait3A_478 = tpu.memref_slice %arg8[%run_scoped3A_350, %run_scoped3A_351, %dma_wait3A_476, %dma_wait3A_477] : memref<2x3x128x48xf32, #tpu.memory_space<vmem>> -> memref<1x1x128x48xf32, #tpu.memory_space<vmem>>
        %dma_wait3A_479 = tpu.memref_squeeze %dma_wait3A_478 : memref<1x1x128x48xf32, #tpu.memory_space<vmem>> -> memref<128x48xf32, #tpu.memory_space<vmem>>
        %dma_wait3A_480 = arith.constant 0 : i32
        %dma_wait3A_481 = tpu.memref_slice %arg7[%add3A_349, %dma_wait3A_480] : memref<157x128xi32, #tpu.memory_space<vmem>> -> memref<1x128xi32, #tpu.memory_space<vmem>>
        %dma_wait3A_482 = tpu.memref_squeeze %dma_wait3A_481 : memref<1x128xi32, #tpu.memory_space<vmem>> -> memref<128xi32, #tpu.memory_space<vmem>>
        %dma_wait3A_483 = arith.constant 0 : i32
        %dma_wait3A_484 = arith.constant 0 : i32
        %dma_wait3A_485 = tpu.memref_slice %arg10[%dma_wait3A_483, %dma_wait3A_484] : memref<10016x48xf32, #tpu.memory_space<vmem_shared>> -> memref<10016x48xf32, #tpu.memory_space<vmem_shared>>
        tpu.wait_indirect_dma semaphore(%run_scoped3A_465 : memref<!tpu.dma_semaphore, #tpu.memory_space<semaphore_mem>>) src(%dma_wait3A_479 : memref<128x48xf32, #tpu.memory_space<vmem>>) dst(%dma_wait3A_485 : memref<10016x48xf32, #tpu.memory_space<vmem_shared>>)
        tpu.yield
      }) : () -> ()
      %dma_wait3A_352 = arith.constant 0 : i32
      %dma_wait3A_353 = arith.constant 1 : i32
      %dma_wait3A_354 = arith.constant 0 : i32
      %dma_wait3A_355 = arith.constant 0 : i32
      %dma_wait3A_356 = arith.constant 0 : i32
      %dma_wait3A_357 = tpu.memref_slice %arg8[%dma_wait3A_353, %dma_wait3A_354, %dma_wait3A_355, %dma_wait3A_356] : memref<2x3x128x48xf32, #tpu.memory_space<vmem>> -> memref<1x1x128x48xf32, #tpu.memory_space<vmem>>
      %dma_wait3A_358 = tpu.memref_squeeze %dma_wait3A_357 : memref<1x1x128x48xf32, #tpu.memory_space<vmem>> -> memref<128x48xf32, #tpu.memory_space<vmem>>
      %dma_wait3A_359 = arith.constant 0 : i32
      %dma_wait3A_360 = tpu.memref_slice %arg6[%dma_wait3A_352, %dma_wait3A_359] : memref<157x128xi32, #tpu.memory_space<vmem>> -> memref<1x128xi32, #tpu.memory_space<vmem>>
      %dma_wait3A_361 = tpu.memref_squeeze %dma_wait3A_360 : memref<1x128xi32, #tpu.memory_space<vmem>> -> memref<128xi32, #tpu.memory_space<vmem>>
      %dma_wait3A_362 = arith.constant 0 : i32
      %dma_wait3A_363 = arith.constant 0 : i32
      %dma_wait3A_364 = tpu.memref_slice %arg4[%dma_wait3A_362, %dma_wait3A_363] : memref<10000x48xf32, #tpu.memory_space<hbm>> -> memref<10000x48xf32, #tpu.memory_space<hbm>>
      tpu.wait_indirect_dma semaphore(%arg12 : memref<!tpu.dma_semaphore, #tpu.memory_space<semaphore_mem>>) src(%dma_wait3A_364 : memref<10000x48xf32, #tpu.memory_space<hbm>>) dst(%dma_wait3A_358 : memref<128x48xf32, #tpu.memory_space<vmem>>)
      %dma_wait3A_365 = arith.constant 0 : i32
      %dma_wait3A_366 = arith.constant 1 : i32
      %dma_wait3A_367 = arith.constant 1 : i32
      %dma_wait3A_368 = arith.constant 0 : i32
      %dma_wait3A_369 = arith.constant 0 : i32
      %dma_wait3A_370 = tpu.memref_slice %arg8[%dma_wait3A_366, %dma_wait3A_367, %dma_wait3A_368, %dma_wait3A_369] : memref<2x3x128x48xf32, #tpu.memory_space<vmem>> -> memref<1x1x128x48xf32, #tpu.memory_space<vmem>>
      %dma_wait3A_371 = tpu.memref_squeeze %dma_wait3A_370 : memref<1x1x128x48xf32, #tpu.memory_space<vmem>> -> memref<128x48xf32, #tpu.memory_space<vmem>>
      %dma_wait3A_372 = arith.constant 0 : i32
      %dma_wait3A_373 = tpu.memref_slice %arg6[%dma_wait3A_365, %dma_wait3A_372] : memref<157x128xi32, #tpu.memory_space<vmem>> -> memref<1x128xi32, #tpu.memory_space<vmem>>
      %dma_wait3A_374 = tpu.memref_squeeze %dma_wait3A_373 : memref<1x128xi32, #tpu.memory_space<vmem>> -> memref<128xi32, #tpu.memory_space<vmem>>
      %dma_wait3A_375 = arith.constant 0 : i32
      %dma_wait3A_376 = arith.constant 0 : i32
      %dma_wait3A_377 = tpu.memref_slice %arg4[%dma_wait3A_375, %dma_wait3A_376] : memref<10000x48xf32, #tpu.memory_space<hbm>> -> memref<10000x48xf32, #tpu.memory_space<hbm>>
      tpu.wait_indirect_dma semaphore(%arg12 : memref<!tpu.dma_semaphore, #tpu.memory_space<semaphore_mem>>) src(%dma_wait3A_377 : memref<10000x48xf32, #tpu.memory_space<hbm>>) dst(%dma_wait3A_371 : memref<128x48xf32, #tpu.memory_space<vmem>>)
      %dma_wait3A_378 = arith.constant 0 : i32
      %dma_wait3A_379 = arith.constant 1 : i32
      %dma_wait3A_380 = arith.constant 2 : i32
      %dma_wait3A_381 = arith.constant 0 : i32
      %dma_wait3A_382 = arith.constant 0 : i32
      %dma_wait3A_383 = tpu.memref_slice %arg8[%dma_wait3A_379, %dma_wait3A_380, %dma_wait3A_381, %dma_wait3A_382] : memref<2x3x128x48xf32, #tpu.memory_space<vmem>> -> memref<1x1x128x48xf32, #tpu.memory_space<vmem>>
      %dma_wait3A_384 = tpu.memref_squeeze %dma_wait3A_383 : memref<1x1x128x48xf32, #tpu.memory_space<vmem>> -> memref<128x48xf32, #tpu.memory_space<vmem>>
      %dma_wait3A_385 = arith.constant 0 : i32
      %dma_wait3A_386 = tpu.memref_slice %arg6[%dma_wait3A_378, %dma_wait3A_385] : memref<157x128xi32, #tpu.memory_space<vmem>> -> memref<1x128xi32, #tpu.memory_space<vmem>>
      %dma_wait3A_387 = tpu.memref_squeeze %dma_wait3A_386 : memref<1x128xi32, #tpu.memory_space<vmem>> -> memref<128xi32, #tpu.memory_space<vmem>>
      %dma_wait3A_388 = arith.constant 0 : i32
      %dma_wait3A_389 = arith.constant 0 : i32
      %dma_wait3A_390 = tpu.memref_slice %arg4[%dma_wait3A_388, %dma_wait3A_389] : memref<10000x48xf32, #tpu.memory_space<hbm>> -> memref<10000x48xf32, #tpu.memory_space<hbm>>
      tpu.wait_indirect_dma semaphore(%arg12 : memref<!tpu.dma_semaphore, #tpu.memory_space<semaphore_mem>>) src(%dma_wait3A_390 : memref<10000x48xf32, #tpu.memory_space<hbm>>) dst(%dma_wait3A_384 : memref<128x48xf32, #tpu.memory_space<vmem>>)
      %mul3A_391 = arith.constant 2 : i32
      %mul3A_392 = arith.muli %mul3A_391, %scan3A_240 : i32
      %add3A_393 = arith.constant 2 : i32
      %add3A_394 = arith.addi %mul3A_392, %add3A_393 : i32
      %mul3A_395 = arith.constant 3 : i32
      %mul3A_396 = arith.muli %add3A_394, %mul3A_395 : i32
      %add3A_397 = arith.constant 0 : i32
      %add3A_398 = arith.addi %mul3A_396, %add3A_397 : i32
      %dma_start3A_399 = arith.constant 0 : i32
      %dma_start3A_400 = arith.constant 0 : i32
      %dma_start3A_401 = arith.constant 0 : i32
      %dma_start3A_402 = arith.constant 0 : i32
      %dma_start3A_403 = tpu.memref_slice %arg8[%dma_start3A_399, %dma_start3A_400, %dma_start3A_401, %dma_start3A_402] : memref<2x3x128x48xf32, #tpu.memory_space<vmem>> -> memref<1x1x128x48xf32, #tpu.memory_space<vmem>>
      %dma_start3A_404 = tpu.memref_squeeze %dma_start3A_403 : memref<1x1x128x48xf32, #tpu.memory_space<vmem>> -> memref<128x48xf32, #tpu.memory_space<vmem>>
      %dma_start3A_405 = arith.constant 0 : i32
      %dma_start3A_406 = tpu.memref_slice %arg6[%add3A_398, %dma_start3A_405] : memref<157x128xi32, #tpu.memory_space<vmem>> -> memref<1x128xi32, #tpu.memory_space<vmem>>
      %dma_start3A_407 = tpu.memref_squeeze %dma_start3A_406 : memref<1x128xi32, #tpu.memory_space<vmem>> -> memref<128xi32, #tpu.memory_space<vmem>>
      %dma_start3A_408 = arith.constant 0 : i32
      %dma_start3A_409 = arith.constant 0 : i32
      %dma_start3A_410 = tpu.memref_slice %arg4[%dma_start3A_408, %dma_start3A_409] : memref<10000x48xf32, #tpu.memory_space<hbm>> -> memref<10000x48xf32, #tpu.memory_space<hbm>>
      tpu.enqueue_indirect_dma source(%dma_start3A_410 : memref<10000x48xf32, #tpu.memory_space<hbm>>) target(%dma_start3A_404 : memref<128x48xf32, #tpu.memory_space<vmem>>) offsets(%dma_start3A_407 : memref<128xi32, #tpu.memory_space<vmem>>) semaphore(%arg11 : memref<!tpu.dma_semaphore, #tpu.memory_space<semaphore_mem>>)
      %mul3A_411 = arith.constant 3 : i32
      %mul3A_412 = arith.muli %add3A_394, %mul3A_411 : i32
      %add3A_413 = arith.constant 1 : i32
      %add3A_414 = arith.addi %mul3A_412, %add3A_413 : i32
      %dma_start3A_415 = arith.constant 0 : i32
      %dma_start3A_416 = arith.constant 1 : i32
      %dma_start3A_417 = arith.constant 0 : i32
      %dma_start3A_418 = arith.constant 0 : i32
      %dma_start3A_419 = tpu.memref_slice %arg8[%dma_start3A_415, %dma_start3A_416, %dma_start3A_417, %dma_start3A_418] : memref<2x3x128x48xf32, #tpu.memory_space<vmem>> -> memref<1x1x128x48xf32, #tpu.memory_space<vmem>>
      %dma_start3A_420 = tpu.memref_squeeze %dma_start3A_419 : memref<1x1x128x48xf32, #tpu.memory_space<vmem>> -> memref<128x48xf32, #tpu.memory_space<vmem>>
      %dma_start3A_421 = arith.constant 0 : i32
      %dma_start3A_422 = tpu.memref_slice %arg6[%add3A_414, %dma_start3A_421] : memref<157x128xi32, #tpu.memory_space<vmem>> -> memref<1x128xi32, #tpu.memory_space<vmem>>
      %dma_start3A_423 = tpu.memref_squeeze %dma_start3A_422 : memref<1x128xi32, #tpu.memory_space<vmem>> -> memref<128xi32, #tpu.memory_space<vmem>>
      %dma_start3A_424 = arith.constant 0 : i32
      %dma_start3A_425 = arith.constant 0 : i32
      %dma_start3A_426 = tpu.memref_slice %arg4[%dma_start3A_424, %dma_start3A_425] : memref<10000x48xf32, #tpu.memory_space<hbm>> -> memref<10000x48xf32, #tpu.memory_space<hbm>>
      tpu.enqueue_indirect_dma source(%dma_start3A_426 : memref<10000x48xf32, #tpu.memory_space<hbm>>) target(%dma_start3A_420 : memref<128x48xf32, #tpu.memory_space<vmem>>) offsets(%dma_start3A_423 : memref<128xi32, #tpu.memory_space<vmem>>) semaphore(%arg11 : memref<!tpu.dma_semaphore, #tpu.memory_space<semaphore_mem>>)
      %mul3A_427 = arith.constant 3 : i32
      %mul3A_428 = arith.muli %add3A_394, %mul3A_427 : i32
      %add3A_429 = arith.constant 2 : i32
      %add3A_430 = arith.addi %mul3A_428, %add3A_429 : i32
      %dma_start3A_431 = arith.constant 0 : i32
      %dma_start3A_432 = arith.constant 2 : i32
      %dma_start3A_433 = arith.constant 0 : i32
      %dma_start3A_434 = arith.constant 0 : i32
      %dma_start3A_435 = tpu.memref_slice %arg8[%dma_start3A_431, %dma_start3A_432, %dma_start3A_433, %dma_start3A_434] : memref<2x3x128x48xf32, #tpu.memory_space<vmem>> -> memref<1x1x128x48xf32, #tpu.memory_space<vmem>>
      %dma_start3A_436 = tpu.memref_squeeze %dma_start3A_435 : memref<1x1x128x48xf32, #tpu.memory_space<vmem>> -> memref<128x48xf32, #tpu.memory_space<vmem>>
      %dma_start3A_437 = arith.constant 0 : i32
      %dma_start3A_438 = tpu.memref_slice %arg6[%add3A_430, %dma_start3A_437] : memref<157x128xi32, #tpu.memory_space<vmem>> -> memref<1x128xi32, #tpu.memory_space<vmem>>
      %dma_start3A_439 = tpu.memref_squeeze %dma_start3A_438 : memref<1x128xi32, #tpu.memory_space<vmem>> -> memref<128xi32, #tpu.memory_space<vmem>>
      %dma_start3A_440 = arith.constant 0 : i32
      %dma_start3A_441 = arith.constant 0 : i32
      %dma_start3A_442 = tpu.memref_slice %arg4[%dma_start3A_440, %dma_start3A_441] : memref<10000x48xf32, #tpu.memory_space<hbm>> -> memref<10000x48xf32, #tpu.memory_space<hbm>>
      tpu.enqueue_indirect_dma source(%dma_start3A_442 : memref<10000x48xf32, #tpu.memory_space<hbm>>) target(%dma_start3A_436 : memref<128x48xf32, #tpu.memory_space<vmem>>) offsets(%dma_start3A_439 : memref<128xi32, #tpu.memory_space<vmem>>) semaphore(%arg11 : memref<!tpu.dma_semaphore, #tpu.memory_space<semaphore_mem>>)
      %mul3A_443 = arith.constant 2 : i32
      %mul3A_444 = arith.muli %mul3A_443, %scan3A_240 : i32
      %add3A_445 = arith.constant 1 : i32
      %add3A_446 = arith.addi %mul3A_444, %add3A_445 : i32
      %mul3A_447 = arith.constant 3 : i32
      %mul3A_448 = arith.muli %add3A_446, %mul3A_447 : i32
      %add3A_449 = arith.constant 0 : i32
      %add3A_450 = arith.addi %mul3A_448, %add3A_449 : i32
      %run_scoped3A_451 = arith.constant 1 : i32
      %run_scoped3A_452 = arith.constant 0 : i32
      "tpu.region"() ({
        %run_scoped3A_465 = tpu.sem_alloc : memref<!tpu.dma_semaphore, #tpu.memory_space<semaphore_mem>>
        %dma_start3A_466 = arith.constant 0 : i32
        %dma_start3A_467 = arith.constant 0 : i32
        %dma_start3A_468 = tpu.memref_slice %arg8[%run_scoped3A_451, %run_scoped3A_452, %dma_start3A_466, %dma_start3A_467] : memref<2x3x128x48xf32, #tpu.memory_space<vmem>> -> memref<1x1x128x48xf32, #tpu.memory_space<vmem>>
        %dma_start3A_469 = tpu.memref_squeeze %dma_start3A_468 : memref<1x1x128x48xf32, #tpu.memory_space<vmem>> -> memref<128x48xf32, #tpu.memory_space<vmem>>
        %dma_start3A_470 = arith.constant 0 : i32
        %dma_start3A_471 = tpu.memref_slice %arg7[%add3A_450, %dma_start3A_470] : memref<157x128xi32, #tpu.memory_space<vmem>> -> memref<1x128xi32, #tpu.memory_space<vmem>>
        %dma_start3A_472 = tpu.memref_squeeze %dma_start3A_471 : memref<1x128xi32, #tpu.memory_space<vmem>> -> memref<128xi32, #tpu.memory_space<vmem>>
        %dma_start3A_473 = arith.constant 0 : i32
        %dma_start3A_474 = arith.constant 0 : i32
        %dma_start3A_475 = tpu.memref_slice %arg10[%dma_start3A_473, %dma_start3A_474] : memref<10016x48xf32, #tpu.memory_space<vmem_shared>> -> memref<10016x48xf32, #tpu.memory_space<vmem_shared>>
        tpu.enqueue_indirect_dma source(%dma_start3A_469 : memref<128x48xf32, #tpu.memory_space<vmem>>) target(%dma_start3A_475 : memref<10016x48xf32, #tpu.memory_space<vmem_shared>>) offsets(%dma_start3A_472 : memref<128xi32, #tpu.memory_space<vmem>>) semaphore(%run_scoped3A_465 : memref<!tpu.dma_semaphore, #tpu.memory_space<semaphore_mem>>) {add = true}
        %dma_wait3A_476 = arith.constant 0 : i32
        %dma_wait3A_477 = arith.constant 0 : i32
        %dma_wait3A_478 = tpu.memref_slice %arg8[%run_scoped3A_451, %run_scoped3A_452, %dma_wait3A_476, %dma_wait3A_477] : memref<2x3x128x48xf32, #tpu.memory_space<vmem>> -> memref<1x1x128x48xf32, #tpu.memory_space<vmem>>
        %dma_wait3A_479 = tpu.memref_squeeze %dma_wait3A_478 : memref<1x1x128x48xf32, #tpu.memory_space<vmem>> -> memref<128x48xf32, #tpu.memory_space<vmem>>
        %dma_wait3A_480 = arith.constant 0 : i32
        %dma_wait3A_481 = tpu.memref_slice %arg7[%add3A_450, %dma_wait3A_480] : memref<157x128xi32, #tpu.memory_space<vmem>> -> memref<1x128xi32, #tpu.memory_space<vmem>>
        %dma_wait3A_482 = tpu.memref_squeeze %dma_wait3A_481 : memref<1x128xi32, #tpu.memory_space<vmem>> -> memref<128xi32, #tpu.memory_space<vmem>>
        %dma_wait3A_483 = arith.constant 0 : i32
        %dma_wait3A_484 = arith.constant 0 : i32
        %dma_wait3A_485 = tpu.memref_slice %arg10[%dma_wait3A_483, %dma_wait3A_484] : memref<10016x48xf32, #tpu.memory_space<vmem_shared>> -> memref<10016x48xf32, #tpu.memory_space<vmem_shared>>
        tpu.wait_indirect_dma semaphore(%run_scoped3A_465 : memref<!tpu.dma_semaphore, #tpu.memory_space<semaphore_mem>>) src(%dma_wait3A_479 : memref<128x48xf32, #tpu.memory_space<vmem>>) dst(%dma_wait3A_485 : memref<10016x48xf32, #tpu.memory_space<vmem_shared>>)
        tpu.yield
      }) : () -> ()
      %mul3A_453 = arith.constant 3 : i32
      %mul3A_454 = arith.muli %add3A_446, %mul3A_453 : i32
      %add3A_455 = arith.constant 1 : i32
      %add3A_456 = arith.addi %mul3A_454, %add3A_455 : i32
      %run_scoped3A_457 = arith.constant 1 : i32
      %run_scoped3A_458 = arith.constant 1 : i32
      "tpu.region"() ({
        %run_scoped3A_465 = tpu.sem_alloc : memref<!tpu.dma_semaphore, #tpu.memory_space<semaphore_mem>>
        %dma_start3A_466 = arith.constant 0 : i32
        %dma_start3A_467 = arith.constant 0 : i32
        %dma_start3A_468 = tpu.memref_slice %arg8[%run_scoped3A_457, %run_scoped3A_458, %dma_start3A_466, %dma_start3A_467] : memref<2x3x128x48xf32, #tpu.memory_space<vmem>> -> memref<1x1x128x48xf32, #tpu.memory_space<vmem>>
        %dma_start3A_469 = tpu.memref_squeeze %dma_start3A_468 : memref<1x1x128x48xf32, #tpu.memory_space<vmem>> -> memref<128x48xf32, #tpu.memory_space<vmem>>
        %dma_start3A_470 = arith.constant 0 : i32
        %dma_start3A_471 = tpu.memref_slice %arg7[%add3A_456, %dma_start3A_470] : memref<157x128xi32, #tpu.memory_space<vmem>> -> memref<1x128xi32, #tpu.memory_space<vmem>>
        %dma_start3A_472 = tpu.memref_squeeze %dma_start3A_471 : memref<1x128xi32, #tpu.memory_space<vmem>> -> memref<128xi32, #tpu.memory_space<vmem>>
        %dma_start3A_473 = arith.constant 0 : i32
        %dma_start3A_474 = arith.constant 0 : i32
        %dma_start3A_475 = tpu.memref_slice %arg10[%dma_start3A_473, %dma_start3A_474] : memref<10016x48xf32, #tpu.memory_space<vmem_shared>> -> memref<10016x48xf32, #tpu.memory_space<vmem_shared>>
        tpu.enqueue_indirect_dma source(%dma_start3A_469 : memref<128x48xf32, #tpu.memory_space<vmem>>) target(%dma_start3A_475 : memref<10016x48xf32, #tpu.memory_space<vmem_shared>>) offsets(%dma_start3A_472 : memref<128xi32, #tpu.memory_space<vmem>>) semaphore(%run_scoped3A_465 : memref<!tpu.dma_semaphore, #tpu.memory_space<semaphore_mem>>) {add = true}
        %dma_wait3A_476 = arith.constant 0 : i32
        %dma_wait3A_477 = arith.constant 0 : i32
        %dma_wait3A_478 = tpu.memref_slice %arg8[%run_scoped3A_457, %run_scoped3A_458, %dma_wait3A_476, %dma_wait3A_477] : memref<2x3x128x48xf32, #tpu.memory_space<vmem>> -> memref<1x1x128x48xf32, #tpu.memory_space<vmem>>
        %dma_wait3A_479 = tpu.memref_squeeze %dma_wait3A_478 : memref<1x1x128x48xf32, #tpu.memory_space<vmem>> -> memref<128x48xf32, #tpu.memory_space<vmem>>
        %dma_wait3A_480 = arith.constant 0 : i32
        %dma_wait3A_481 = tpu.memref_slice %arg7[%add3A_456, %dma_wait3A_480] : memref<157x128xi32, #tpu.memory_space<vmem>> -> memref<1x128xi32, #tpu.memory_space<vmem>>
        %dma_wait3A_482 = tpu.memref_squeeze %dma_wait3A_481 : memref<1x128xi32, #tpu.memory_space<vmem>> -> memref<128xi32, #tpu.memory_space<vmem>>
        %dma_wait3A_483 = arith.constant 0 : i32
        %dma_wait3A_484 = arith.constant 0 : i32
        %dma_wait3A_485 = tpu.memref_slice %arg10[%dma_wait3A_483, %dma_wait3A_484] : memref<10016x48xf32, #tpu.memory_space<vmem_shared>> -> memref<10016x48xf32, #tpu.memory_space<vmem_shared>>
        tpu.wait_indirect_dma semaphore(%run_scoped3A_465 : memref<!tpu.dma_semaphore, #tpu.memory_space<semaphore_mem>>) src(%dma_wait3A_479 : memref<128x48xf32, #tpu.memory_space<vmem>>) dst(%dma_wait3A_485 : memref<10016x48xf32, #tpu.memory_space<vmem_shared>>)
        tpu.yield
      }) : () -> ()
      %mul3A_459 = arith.constant 3 : i32
      %mul3A_460 = arith.muli %add3A_446, %mul3A_459 : i32
      %add3A_461 = arith.constant 2 : i32
      %add3A_462 = arith.addi %mul3A_460, %add3A_461 : i32
      %run_scoped3A_463 = arith.constant 1 : i32
      %run_scoped3A_464 = arith.constant 2 : i32
      "tpu.region"() ({
        %run_scoped3A_465 = tpu.sem_alloc : memref<!tpu.dma_semaphore, #tpu.memory_space<semaphore_mem>>
        %dma_start3A_466 = arith.constant 0 : i32
        %dma_start3A_467 = arith.constant 0 : i32
        %dma_start3A_468 = tpu.memref_slice %arg8[%run_scoped3A_463, %run_scoped3A_464, %dma_start3A_466, %dma_start3A_467] : memref<2x3x128x48xf32, #tpu.memory_space<vmem>> -> memref<1x1x128x48xf32, #tpu.memory_space<vmem>>
        %dma_start3A_469 = tpu.memref_squeeze %dma_start3A_468 : memref<1x1x128x48xf32, #tpu.memory_space<vmem>> -> memref<128x48xf32, #tpu.memory_space<vmem>>
        %dma_start3A_470 = arith.constant 0 : i32
        %dma_start3A_471 = tpu.memref_slice %arg7[%add3A_462, %dma_start3A_470] : memref<157x128xi32, #tpu.memory_space<vmem>> -> memref<1x128xi32, #tpu.memory_space<vmem>>
        %dma_start3A_472 = tpu.memref_squeeze %dma_start3A_471 : memref<1x128xi32, #tpu.memory_space<vmem>> -> memref<128xi32, #tpu.memory_space<vmem>>
        %dma_start3A_473 = arith.constant 0 : i32
        %dma_start3A_474 = arith.constant 0 : i32
        %dma_start3A_475 = tpu.memref_slice %arg10[%dma_start3A_473, %dma_start3A_474] : memref<10016x48xf32, #tpu.memory_space<vmem_shared>> -> memref<10016x48xf32, #tpu.memory_space<vmem_shared>>
        tpu.enqueue_indirect_dma source(%dma_start3A_469 : memref<128x48xf32, #tpu.memory_space<vmem>>) target(%dma_start3A_475 : memref<10016x48xf32, #tpu.memory_space<vmem_shared>>) offsets(%dma_start3A_472 : memref<128xi32, #tpu.memory_space<vmem>>) semaphore(%run_scoped3A_465 : memref<!tpu.dma_semaphore, #tpu.memory_space<semaphore_mem>>) {add = true}
        %dma_wait3A_476 = arith.constant 0 : i32
        %dma_wait3A_477 = arith.constant 0 : i32
        %dma_wait3A_478 = tpu.memref_slice %arg8[%run_scoped3A_463, %run_scoped3A_464, %dma_wait3A_476, %dma_wait3A_477] : memref<2x3x128x48xf32, #tpu.memory_space<vmem>> -> memref<1x1x128x48xf32, #tpu.memory_space<vmem>>
        %dma_wait3A_479 = tpu.memref_squeeze %dma_wait3A_478 : memref<1x1x128x48xf32, #tpu.memory_space<vmem>> -> memref<128x48xf32, #tpu.memory_space<vmem>>
        %dma_wait3A_480 = arith.constant 0 : i32
        %dma_wait3A_481 = tpu.memref_slice %arg7[%add3A_462, %dma_wait3A_480] : memref<157x128xi32, #tpu.memory_space<vmem>> -> memref<1x128xi32, #tpu.memory_space<vmem>>
        %dma_wait3A_482 = tpu.memref_squeeze %dma_wait3A_481 : memref<1x128xi32, #tpu.memory_space<vmem>> -> memref<128xi32, #tpu.memory_space<vmem>>
        %dma_wait3A_483 = arith.constant 0 : i32
        %dma_wait3A_484 = arith.constant 0 : i32
        %dma_wait3A_485 = tpu.memref_slice %arg10[%dma_wait3A_483, %dma_wait3A_484] : memref<10016x48xf32, #tpu.memory_space<vmem_shared>> -> memref<10016x48xf32, #tpu.memory_space<vmem_shared>>
        tpu.wait_indirect_dma semaphore(%run_scoped3A_465 : memref<!tpu.dma_semaphore, #tpu.memory_space<semaphore_mem>>) src(%dma_wait3A_479 : memref<128x48xf32, #tpu.memory_space<vmem>>) dst(%dma_wait3A_485 : memref<10016x48xf32, #tpu.memory_space<vmem_shared>>)
        tpu.yield
      }) : () -> ()
    }
    %scan3A_76 = arith.constant 25 : i32
    %dma_wait3A = arith.constant 0 : i32
    %dma_wait3A_77 = arith.constant 0 : i32
    %dma_wait3A_78 = arith.constant 0 : i32
    %dma_wait3A_79 = arith.constant 0 : i32
    %dma_wait3A_80 = arith.constant 0 : i32
    %dma_wait3A_81 = tpu.memref_slice %arg8[%dma_wait3A_77, %dma_wait3A_78, %dma_wait3A_79, %dma_wait3A_80] : memref<2x3x128x48xf32, #tpu.memory_space<vmem>> -> memref<1x1x128x48xf32, #tpu.memory_space<vmem>>
    %dma_wait3A_82 = tpu.memref_squeeze %dma_wait3A_81 : memref<1x1x128x48xf32, #tpu.memory_space<vmem>> -> memref<128x48xf32, #tpu.memory_space<vmem>>
    %dma_wait3A_83 = arith.constant 0 : i32
    %dma_wait3A_84 = tpu.memref_slice %arg6[%dma_wait3A, %dma_wait3A_83] : memref<157x128xi32, #tpu.memory_space<vmem>> -> memref<1x128xi32, #tpu.memory_space<vmem>>
    %dma_wait3A_85 = tpu.memref_squeeze %dma_wait3A_84 : memref<1x128xi32, #tpu.memory_space<vmem>> -> memref<128xi32, #tpu.memory_space<vmem>>
    %dma_wait3A_86 = arith.constant 0 : i32
    %dma_wait3A_87 = arith.constant 0 : i32
    %dma_wait3A_88 = tpu.memref_slice %arg4[%dma_wait3A_86, %dma_wait3A_87] : memref<10000x48xf32, #tpu.memory_space<hbm>> -> memref<10000x48xf32, #tpu.memory_space<hbm>>
    tpu.wait_indirect_dma semaphore(%arg11 : memref<!tpu.dma_semaphore, #tpu.memory_space<semaphore_mem>>) src(%dma_wait3A_88 : memref<10000x48xf32, #tpu.memory_space<hbm>>) dst(%dma_wait3A_82 : memref<128x48xf32, #tpu.memory_space<vmem>>)
    %dma_wait3A_89 = arith.constant 0 : i32
    %dma_wait3A_90 = arith.constant 0 : i32
    %dma_wait3A_91 = arith.constant 1 : i32
    %dma_wait3A_92 = arith.constant 0 : i32
    %dma_wait3A_93 = arith.constant 0 : i32
    %dma_wait3A_94 = tpu.memref_slice %arg8[%dma_wait3A_90, %dma_wait3A_91, %dma_wait3A_92, %dma_wait3A_93] : memref<2x3x128x48xf32, #tpu.memory_space<vmem>> -> memref<1x1x128x48xf32, #tpu.memory_space<vmem>>
    %dma_wait3A_95 = tpu.memref_squeeze %dma_wait3A_94 : memref<1x1x128x48xf32, #tpu.memory_space<vmem>> -> memref<128x48xf32, #tpu.memory_space<vmem>>
    %dma_wait3A_96 = arith.constant 0 : i32
    %dma_wait3A_97 = tpu.memref_slice %arg6[%dma_wait3A_89, %dma_wait3A_96] : memref<157x128xi32, #tpu.memory_space<vmem>> -> memref<1x128xi32, #tpu.memory_space<vmem>>
    %dma_wait3A_98 = tpu.memref_squeeze %dma_wait3A_97 : memref<1x128xi32, #tpu.memory_space<vmem>> -> memref<128xi32, #tpu.memory_space<vmem>>
    %dma_wait3A_99 = arith.constant 0 : i32
    %dma_wait3A_100 = arith.constant 0 : i32
    %dma_wait3A_101 = tpu.memref_slice %arg4[%dma_wait3A_99, %dma_wait3A_100] : memref<10000x48xf32, #tpu.memory_space<hbm>> -> memref<10000x48xf32, #tpu.memory_space<hbm>>
    tpu.wait_indirect_dma semaphore(%arg11 : memref<!tpu.dma_semaphore, #tpu.memory_space<semaphore_mem>>) src(%dma_wait3A_101 : memref<10000x48xf32, #tpu.memory_space<hbm>>) dst(%dma_wait3A_95 : memref<128x48xf32, #tpu.memory_space<vmem>>)
    %dma_wait3A_102 = arith.constant 0 : i32
    %dma_wait3A_103 = arith.constant 0 : i32
    %dma_wait3A_104 = arith.constant 2 : i32
    %dma_wait3A_105 = arith.constant 0 : i32
    %dma_wait3A_106 = arith.constant 0 : i32
    %dma_wait3A_107 = tpu.memref_slice %arg8[%dma_wait3A_103, %dma_wait3A_104, %dma_wait3A_105, %dma_wait3A_106] : memref<2x3x128x48xf32, #tpu.memory_space<vmem>> -> memref<1x1x128x48xf32, #tpu.memory_space<vmem>>
    %dma_wait3A_108 = tpu.memref_squeeze %dma_wait3A_107 : memref<1x1x128x48xf32, #tpu.memory_space<vmem>> -> memref<128x48xf32, #tpu.memory_space<vmem>>
    %dma_wait3A_109 = arith.constant 0 : i32
    %dma_wait3A_110 = tpu.memref_slice %arg6[%dma_wait3A_102, %dma_wait3A_109] : memref<157x128xi32, #tpu.memory_space<vmem>> -> memref<1x128xi32, #tpu.memory_space<vmem>>
    %dma_wait3A_111 = tpu.memref_squeeze %dma_wait3A_110 : memref<1x128xi32, #tpu.memory_space<vmem>> -> memref<128xi32, #tpu.memory_space<vmem>>
    %dma_wait3A_112 = arith.constant 0 : i32
    %dma_wait3A_113 = arith.constant 0 : i32
    %dma_wait3A_114 = tpu.memref_slice %arg4[%dma_wait3A_112, %dma_wait3A_113] : memref<10000x48xf32, #tpu.memory_space<hbm>> -> memref<10000x48xf32, #tpu.memory_space<hbm>>
    tpu.wait_indirect_dma semaphore(%arg11 : memref<!tpu.dma_semaphore, #tpu.memory_space<semaphore_mem>>) src(%dma_wait3A_114 : memref<10000x48xf32, #tpu.memory_space<hbm>>) dst(%dma_wait3A_108 : memref<128x48xf32, #tpu.memory_space<vmem>>)
    %dma_start3A_115 = arith.constant 153 : i32
    %dma_start3A_116 = arith.constant 1 : i32
    %dma_start3A_117 = arith.constant 0 : i32
    %dma_start3A_118 = arith.constant 0 : i32
    %dma_start3A_119 = arith.constant 0 : i32
    %dma_start3A_120 = tpu.memref_slice %arg8[%dma_start3A_116, %dma_start3A_117, %dma_start3A_118, %dma_start3A_119] : memref<2x3x128x48xf32, #tpu.memory_space<vmem>> -> memref<1x1x128x48xf32, #tpu.memory_space<vmem>>
    %dma_start3A_121 = tpu.memref_squeeze %dma_start3A_120 : memref<1x1x128x48xf32, #tpu.memory_space<vmem>> -> memref<128x48xf32, #tpu.memory_space<vmem>>
    %dma_start3A_122 = arith.constant 0 : i32
    %dma_start3A_123 = tpu.memref_slice %arg6[%dma_start3A_115, %dma_start3A_122] : memref<157x128xi32, #tpu.memory_space<vmem>> -> memref<1x128xi32, #tpu.memory_space<vmem>>
    %dma_start3A_124 = tpu.memref_squeeze %dma_start3A_123 : memref<1x128xi32, #tpu.memory_space<vmem>> -> memref<128xi32, #tpu.memory_space<vmem>>
    %dma_start3A_125 = arith.constant 0 : i32
    %dma_start3A_126 = arith.constant 0 : i32
    %dma_start3A_127 = tpu.memref_slice %arg4[%dma_start3A_125, %dma_start3A_126] : memref<10000x48xf32, #tpu.memory_space<hbm>> -> memref<10000x48xf32, #tpu.memory_space<hbm>>
    tpu.enqueue_indirect_dma source(%dma_start3A_127 : memref<10000x48xf32, #tpu.memory_space<hbm>>) target(%dma_start3A_121 : memref<128x48xf32, #tpu.memory_space<vmem>>) offsets(%dma_start3A_124 : memref<128xi32, #tpu.memory_space<vmem>>) semaphore(%arg12 : memref<!tpu.dma_semaphore, #tpu.memory_space<semaphore_mem>>)
    %dma_start3A_128 = arith.constant 154 : i32
    %dma_start3A_129 = arith.constant 1 : i32
    %dma_start3A_130 = arith.constant 1 : i32
    %dma_start3A_131 = arith.constant 0 : i32
    %dma_start3A_132 = arith.constant 0 : i32
    %dma_start3A_133 = tpu.memref_slice %arg8[%dma_start3A_129, %dma_start3A_130, %dma_start3A_131, %dma_start3A_132] : memref<2x3x128x48xf32, #tpu.memory_space<vmem>> -> memref<1x1x128x48xf32, #tpu.memory_space<vmem>>
    %dma_start3A_134 = tpu.memref_squeeze %dma_start3A_133 : memref<1x1x128x48xf32, #tpu.memory_space<vmem>> -> memref<128x48xf32, #tpu.memory_space<vmem>>
    %dma_start3A_135 = arith.constant 0 : i32
    %dma_start3A_136 = tpu.memref_slice %arg6[%dma_start3A_128, %dma_start3A_135] : memref<157x128xi32, #tpu.memory_space<vmem>> -> memref<1x128xi32, #tpu.memory_space<vmem>>
    %dma_start3A_137 = tpu.memref_squeeze %dma_start3A_136 : memref<1x128xi32, #tpu.memory_space<vmem>> -> memref<128xi32, #tpu.memory_space<vmem>>
    %dma_start3A_138 = arith.constant 0 : i32
    %dma_start3A_139 = arith.constant 0 : i32
    %dma_start3A_140 = tpu.memref_slice %arg4[%dma_start3A_138, %dma_start3A_139] : memref<10000x48xf32, #tpu.memory_space<hbm>> -> memref<10000x48xf32, #tpu.memory_space<hbm>>
    tpu.enqueue_indirect_dma source(%dma_start3A_140 : memref<10000x48xf32, #tpu.memory_space<hbm>>) target(%dma_start3A_134 : memref<128x48xf32, #tpu.memory_space<vmem>>) offsets(%dma_start3A_137 : memref<128xi32, #tpu.memory_space<vmem>>) semaphore(%arg12 : memref<!tpu.dma_semaphore, #tpu.memory_space<semaphore_mem>>)
    %dma_start3A_141 = arith.constant 155 : i32
    %dma_start3A_142 = arith.constant 1 : i32
    %dma_start3A_143 = arith.constant 2 : i32
    %dma_start3A_144 = arith.constant 0 : i32
    %dma_start3A_145 = arith.constant 0 : i32
    %dma_start3A_146 = tpu.memref_slice %arg8[%dma_start3A_142, %dma_start3A_143, %dma_start3A_144, %dma_start3A_145] : memref<2x3x128x48xf32, #tpu.memory_space<vmem>> -> memref<1x1x128x48xf32, #tpu.memory_space<vmem>>
    %dma_start3A_147 = tpu.memref_squeeze %dma_start3A_146 : memref<1x1x128x48xf32, #tpu.memory_space<vmem>> -> memref<128x48xf32, #tpu.memory_space<vmem>>
    %dma_start3A_148 = arith.constant 0 : i32
    %dma_start3A_149 = tpu.memref_slice %arg6[%dma_start3A_141, %dma_start3A_148] : memref<157x128xi32, #tpu.memory_space<vmem>> -> memref<1x128xi32, #tpu.memory_space<vmem>>
    %dma_start3A_150 = tpu.memref_squeeze %dma_start3A_149 : memref<1x128xi32, #tpu.memory_space<vmem>> -> memref<128xi32, #tpu.memory_space<vmem>>
    %dma_start3A_151 = arith.constant 0 : i32
    %dma_start3A_152 = arith.constant 0 : i32
    %dma_start3A_153 = tpu.memref_slice %arg4[%dma_start3A_151, %dma_start3A_152] : memref<10000x48xf32, #tpu.memory_space<hbm>> -> memref<10000x48xf32, #tpu.memory_space<hbm>>
    tpu.enqueue_indirect_dma source(%dma_start3A_153 : memref<10000x48xf32, #tpu.memory_space<hbm>>) target(%dma_start3A_147 : memref<128x48xf32, #tpu.memory_space<vmem>>) offsets(%dma_start3A_150 : memref<128xi32, #tpu.memory_space<vmem>>) semaphore(%arg12 : memref<!tpu.dma_semaphore, #tpu.memory_space<semaphore_mem>>)
    %run_scoped3A = arith.constant 0 : i32
    %run_scoped3A_154 = arith.constant 0 : i32
    %run_scoped3A_155 = arith.constant 150 : i32
    "tpu.region"() ({
      %run_scoped3A_240 = tpu.sem_alloc : memref<!tpu.dma_semaphore, #tpu.memory_space<semaphore_mem>>
      %dma_start3A_241 = arith.constant 0 : i32
      %dma_start3A_242 = arith.constant 0 : i32
      %dma_start3A_243 = tpu.memref_slice %arg8[%run_scoped3A, %run_scoped3A_154, %dma_start3A_241, %dma_start3A_242] : memref<2x3x128x48xf32, #tpu.memory_space<vmem>> -> memref<1x1x128x48xf32, #tpu.memory_space<vmem>>
      %dma_start3A_244 = tpu.memref_squeeze %dma_start3A_243 : memref<1x1x128x48xf32, #tpu.memory_space<vmem>> -> memref<128x48xf32, #tpu.memory_space<vmem>>
      %dma_start3A_245 = arith.constant 0 : i32
      %dma_start3A_246 = tpu.memref_slice %arg7[%run_scoped3A_155, %dma_start3A_245] : memref<157x128xi32, #tpu.memory_space<vmem>> -> memref<1x128xi32, #tpu.memory_space<vmem>>
      %dma_start3A_247 = tpu.memref_squeeze %dma_start3A_246 : memref<1x128xi32, #tpu.memory_space<vmem>> -> memref<128xi32, #tpu.memory_space<vmem>>
      %dma_start3A_248 = arith.constant 0 : i32
      %dma_start3A_249 = arith.constant 0 : i32
      %dma_start3A_250 = tpu.memref_slice %arg10[%dma_start3A_248, %dma_start3A_249] : memref<10016x48xf32, #tpu.memory_space<vmem_shared>> -> memref<10016x48xf32, #tpu.memory_space<vmem_shared>>
      tpu.enqueue_indirect_dma source(%dma_start3A_244 : memref<128x48xf32, #tpu.memory_space<vmem>>) target(%dma_start3A_250 : memref<10016x48xf32, #tpu.memory_space<vmem_shared>>) offsets(%dma_start3A_247 : memref<128xi32, #tpu.memory_space<vmem>>) semaphore(%run_scoped3A_240 : memref<!tpu.dma_semaphore, #tpu.memory_space<semaphore_mem>>) {add = true}
      %dma_wait3A_251 = arith.constant 0 : i32
      %dma_wait3A_252 = arith.constant 0 : i32
      %dma_wait3A_253 = tpu.memref_slice %arg8[%run_scoped3A, %run_scoped3A_154, %dma_wait3A_251, %dma_wait3A_252] : memref<2x3x128x48xf32, #tpu.memory_space<vmem>> -> memref<1x1x128x48xf32, #tpu.memory_space<vmem>>
      %dma_wait3A_254 = tpu.memref_squeeze %dma_wait3A_253 : memref<1x1x128x48xf32, #tpu.memory_space<vmem>> -> memref<128x48xf32, #tpu.memory_space<vmem>>
      %dma_wait3A_255 = arith.constant 0 : i32
      %dma_wait3A_256 = tpu.memref_slice %arg7[%run_scoped3A_155, %dma_wait3A_255] : memref<157x128xi32, #tpu.memory_space<vmem>> -> memref<1x128xi32, #tpu.memory_space<vmem>>
      %dma_wait3A_257 = tpu.memref_squeeze %dma_wait3A_256 : memref<1x128xi32, #tpu.memory_space<vmem>> -> memref<128xi32, #tpu.memory_space<vmem>>
      %dma_wait3A_258 = arith.constant 0 : i32
      %dma_wait3A_259 = arith.constant 0 : i32
      %dma_wait3A_260 = tpu.memref_slice %arg10[%dma_wait3A_258, %dma_wait3A_259] : memref<10016x48xf32, #tpu.memory_space<vmem_shared>> -> memref<10016x48xf32, #tpu.memory_space<vmem_shared>>
      tpu.wait_indirect_dma semaphore(%run_scoped3A_240 : memref<!tpu.dma_semaphore, #tpu.memory_space<semaphore_mem>>) src(%dma_wait3A_254 : memref<128x48xf32, #tpu.memory_space<vmem>>) dst(%dma_wait3A_260 : memref<10016x48xf32, #tpu.memory_space<vmem_shared>>)
      tpu.yield
    }) : () -> ()
    %run_scoped3A_156 = arith.constant 0 : i32
    %run_scoped3A_157 = arith.constant 1 : i32
    %run_scoped3A_158 = arith.constant 151 : i32
    "tpu.region"() ({
      %run_scoped3A_240 = tpu.sem_alloc : memref<!tpu.dma_semaphore, #tpu.memory_space<semaphore_mem>>
      %dma_start3A_241 = arith.constant 0 : i32
      %dma_start3A_242 = arith.constant 0 : i32
      %dma_start3A_243 = tpu.memref_slice %arg8[%run_scoped3A_156, %run_scoped3A_157, %dma_start3A_241, %dma_start3A_242] : memref<2x3x128x48xf32, #tpu.memory_space<vmem>> -> memref<1x1x128x48xf32, #tpu.memory_space<vmem>>
      %dma_start3A_244 = tpu.memref_squeeze %dma_start3A_243 : memref<1x1x128x48xf32, #tpu.memory_space<vmem>> -> memref<128x48xf32, #tpu.memory_space<vmem>>
      %dma_start3A_245 = arith.constant 0 : i32
      %dma_start3A_246 = tpu.memref_slice %arg7[%run_scoped3A_158, %dma_start3A_245] : memref<157x128xi32, #tpu.memory_space<vmem>> -> memref<1x128xi32, #tpu.memory_space<vmem>>
      %dma_start3A_247 = tpu.memref_squeeze %dma_start3A_246 : memref<1x128xi32, #tpu.memory_space<vmem>> -> memref<128xi32, #tpu.memory_space<vmem>>
      %dma_start3A_248 = arith.constant 0 : i32
      %dma_start3A_249 = arith.constant 0 : i32
      %dma_start3A_250 = tpu.memref_slice %arg10[%dma_start3A_248, %dma_start3A_249] : memref<10016x48xf32, #tpu.memory_space<vmem_shared>> -> memref<10016x48xf32, #tpu.memory_space<vmem_shared>>
      tpu.enqueue_indirect_dma source(%dma_start3A_244 : memref<128x48xf32, #tpu.memory_space<vmem>>) target(%dma_start3A_250 : memref<10016x48xf32, #tpu.memory_space<vmem_shared>>) offsets(%dma_start3A_247 : memref<128xi32, #tpu.memory_space<vmem>>) semaphore(%run_scoped3A_240 : memref<!tpu.dma_semaphore, #tpu.memory_space<semaphore_mem>>) {add = true}
      %dma_wait3A_251 = arith.constant 0 : i32
      %dma_wait3A_252 = arith.constant 0 : i32
      %dma_wait3A_253 = tpu.memref_slice %arg8[%run_scoped3A_156, %run_scoped3A_157, %dma_wait3A_251, %dma_wait3A_252] : memref<2x3x128x48xf32, #tpu.memory_space<vmem>> -> memref<1x1x128x48xf32, #tpu.memory_space<vmem>>
      %dma_wait3A_254 = tpu.memref_squeeze %dma_wait3A_253 : memref<1x1x128x48xf32, #tpu.memory_space<vmem>> -> memref<128x48xf32, #tpu.memory_space<vmem>>
      %dma_wait3A_255 = arith.constant 0 : i32
      %dma_wait3A_256 = tpu.memref_slice %arg7[%run_scoped3A_158, %dma_wait3A_255] : memref<157x128xi32, #tpu.memory_space<vmem>> -> memref<1x128xi32, #tpu.memory_space<vmem>>
      %dma_wait3A_257 = tpu.memref_squeeze %dma_wait3A_256 : memref<1x128xi32, #tpu.memory_space<vmem>> -> memref<128xi32, #tpu.memory_space<vmem>>
      %dma_wait3A_258 = arith.constant 0 : i32
      %dma_wait3A_259 = arith.constant 0 : i32
      %dma_wait3A_260 = tpu.memref_slice %arg10[%dma_wait3A_258, %dma_wait3A_259] : memref<10016x48xf32, #tpu.memory_space<vmem_shared>> -> memref<10016x48xf32, #tpu.memory_space<vmem_shared>>
      tpu.wait_indirect_dma semaphore(%run_scoped3A_240 : memref<!tpu.dma_semaphore, #tpu.memory_space<semaphore_mem>>) src(%dma_wait3A_254 : memref<128x48xf32, #tpu.memory_space<vmem>>) dst(%dma_wait3A_260 : memref<10016x48xf32, #tpu.memory_space<vmem_shared>>)
      tpu.yield
    }) : () -> ()
    %run_scoped3A_159 = arith.constant 0 : i32
    %run_scoped3A_160 = arith.constant 2 : i32
    %run_scoped3A_161 = arith.constant 152 : i32
    "tpu.region"() ({
      %run_scoped3A_240 = tpu.sem_alloc : memref<!tpu.dma_semaphore, #tpu.memory_space<semaphore_mem>>
      %dma_start3A_241 = arith.constant 0 : i32
      %dma_start3A_242 = arith.constant 0 : i32
      %dma_start3A_243 = tpu.memref_slice %arg8[%run_scoped3A_159, %run_scoped3A_160, %dma_start3A_241, %dma_start3A_242] : memref<2x3x128x48xf32, #tpu.memory_space<vmem>> -> memref<1x1x128x48xf32, #tpu.memory_space<vmem>>
      %dma_start3A_244 = tpu.memref_squeeze %dma_start3A_243 : memref<1x1x128x48xf32, #tpu.memory_space<vmem>> -> memref<128x48xf32, #tpu.memory_space<vmem>>
      %dma_start3A_245 = arith.constant 0 : i32
      %dma_start3A_246 = tpu.memref_slice %arg7[%run_scoped3A_161, %dma_start3A_245] : memref<157x128xi32, #tpu.memory_space<vmem>> -> memref<1x128xi32, #tpu.memory_space<vmem>>
      %dma_start3A_247 = tpu.memref_squeeze %dma_start3A_246 : memref<1x128xi32, #tpu.memory_space<vmem>> -> memref<128xi32, #tpu.memory_space<vmem>>
      %dma_start3A_248 = arith.constant 0 : i32
      %dma_start3A_249 = arith.constant 0 : i32
      %dma_start3A_250 = tpu.memref_slice %arg10[%dma_start3A_248, %dma_start3A_249] : memref<10016x48xf32, #tpu.memory_space<vmem_shared>> -> memref<10016x48xf32, #tpu.memory_space<vmem_shared>>
      tpu.enqueue_indirect_dma source(%dma_start3A_244 : memref<128x48xf32, #tpu.memory_space<vmem>>) target(%dma_start3A_250 : memref<10016x48xf32, #tpu.memory_space<vmem_shared>>) offsets(%dma_start3A_247 : memref<128xi32, #tpu.memory_space<vmem>>) semaphore(%run_scoped3A_240 : memref<!tpu.dma_semaphore, #tpu.memory_space<semaphore_mem>>) {add = true}
      %dma_wait3A_251 = arith.constant 0 : i32
      %dma_wait3A_252 = arith.constant 0 : i32
      %dma_wait3A_253 = tpu.memref_slice %arg8[%run_scoped3A_159, %run_scoped3A_160, %dma_wait3A_251, %dma_wait3A_252] : memref<2x3x128x48xf32, #tpu.memory_space<vmem>> -> memref<1x1x128x48xf32, #tpu.memory_space<vmem>>
      %dma_wait3A_254 = tpu.memref_squeeze %dma_wait3A_253 : memref<1x1x128x48xf32, #tpu.memory_space<vmem>> -> memref<128x48xf32, #tpu.memory_space<vmem>>
      %dma_wait3A_255 = arith.constant 0 : i32
      %dma_wait3A_256 = tpu.memref_slice %arg7[%run_scoped3A_161, %dma_wait3A_255] : memref<157x128xi32, #tpu.memory_space<vmem>> -> memref<1x128xi32, #tpu.memory_space<vmem>>
      %dma_wait3A_257 = tpu.memref_squeeze %dma_wait3A_256 : memref<1x128xi32, #tpu.memory_space<vmem>> -> memref<128xi32, #tpu.memory_space<vmem>>
      %dma_wait3A_258 = arith.constant 0 : i32
      %dma_wait3A_259 = arith.constant 0 : i32
      %dma_wait3A_260 = tpu.memref_slice %arg10[%dma_wait3A_258, %dma_wait3A_259] : memref<10016x48xf32, #tpu.memory_space<vmem_shared>> -> memref<10016x48xf32, #tpu.memory_space<vmem_shared>>
      tpu.wait_indirect_dma semaphore(%run_scoped3A_240 : memref<!tpu.dma_semaphore, #tpu.memory_space<semaphore_mem>>) src(%dma_wait3A_254 : memref<128x48xf32, #tpu.memory_space<vmem>>) dst(%dma_wait3A_260 : memref<10016x48xf32, #tpu.memory_space<vmem_shared>>)
      tpu.yield
    }) : () -> ()
    %dma_start3A_162 = arith.constant 156 : i32
    %dma_start3A_163 = arith.constant 0 : i32
    %dma_start3A_164 = arith.constant 0 : i32
    %dma_start3A_165 = arith.constant 0 : i32
    %dma_start3A_166 = arith.constant 0 : i32
    %dma_start3A_167 = tpu.memref_slice %arg8[%dma_start3A_163, %dma_start3A_164, %dma_start3A_165, %dma_start3A_166] : memref<2x3x128x48xf32, #tpu.memory_space<vmem>> -> memref<1x1x128x48xf32, #tpu.memory_space<vmem>>
    %dma_start3A_168 = tpu.memref_squeeze %dma_start3A_167 : memref<1x1x128x48xf32, #tpu.memory_space<vmem>> -> memref<128x48xf32, #tpu.memory_space<vmem>>
    %dma_start3A_169 = arith.constant 0 : i32
    %dma_start3A_170 = tpu.memref_slice %arg6[%dma_start3A_162, %dma_start3A_169] : memref<157x128xi32, #tpu.memory_space<vmem>> -> memref<1x128xi32, #tpu.memory_space<vmem>>
    %dma_start3A_171 = tpu.memref_squeeze %dma_start3A_170 : memref<1x128xi32, #tpu.memory_space<vmem>> -> memref<128xi32, #tpu.memory_space<vmem>>
    %dma_start3A_172 = arith.constant 0 : i32
    %dma_start3A_173 = arith.constant 0 : i32
    %dma_start3A_174 = tpu.memref_slice %arg4[%dma_start3A_172, %dma_start3A_173] : memref<10000x48xf32, #tpu.memory_space<hbm>> -> memref<10000x48xf32, #tpu.memory_space<hbm>>
    tpu.enqueue_indirect_dma source(%dma_start3A_174 : memref<10000x48xf32, #tpu.memory_space<hbm>>) target(%dma_start3A_168 : memref<128x48xf32, #tpu.memory_space<vmem>>) offsets(%dma_start3A_171 : memref<128xi32, #tpu.memory_space<vmem>>) semaphore(%arg11 : memref<!tpu.dma_semaphore, #tpu.memory_space<semaphore_mem>>)
    %dma_wait3A_175 = arith.constant 0 : i32
    %dma_wait3A_176 = arith.constant 1 : i32
    %dma_wait3A_177 = arith.constant 0 : i32
    %dma_wait3A_178 = arith.constant 0 : i32
    %dma_wait3A_179 = arith.constant 0 : i32
    %dma_wait3A_180 = tpu.memref_slice %arg8[%dma_wait3A_176, %dma_wait3A_177, %dma_wait3A_178, %dma_wait3A_179] : memref<2x3x128x48xf32, #tpu.memory_space<vmem>> -> memref<1x1x128x48xf32, #tpu.memory_space<vmem>>
    %dma_wait3A_181 = tpu.memref_squeeze %dma_wait3A_180 : memref<1x1x128x48xf32, #tpu.memory_space<vmem>> -> memref<128x48xf32, #tpu.memory_space<vmem>>
    %dma_wait3A_182 = arith.constant 0 : i32
    %dma_wait3A_183 = tpu.memref_slice %arg6[%dma_wait3A_175, %dma_wait3A_182] : memref<157x128xi32, #tpu.memory_space<vmem>> -> memref<1x128xi32, #tpu.memory_space<vmem>>
    %dma_wait3A_184 = tpu.memref_squeeze %dma_wait3A_183 : memref<1x128xi32, #tpu.memory_space<vmem>> -> memref<128xi32, #tpu.memory_space<vmem>>
    %dma_wait3A_185 = arith.constant 0 : i32
    %dma_wait3A_186 = arith.constant 0 : i32
    %dma_wait3A_187 = tpu.memref_slice %arg4[%dma_wait3A_185, %dma_wait3A_186] : memref<10000x48xf32, #tpu.memory_space<hbm>> -> memref<10000x48xf32, #tpu.memory_space<hbm>>
    tpu.wait_indirect_dma semaphore(%arg12 : memref<!tpu.dma_semaphore, #tpu.memory_space<semaphore_mem>>) src(%dma_wait3A_187 : memref<10000x48xf32, #tpu.memory_space<hbm>>) dst(%dma_wait3A_181 : memref<128x48xf32, #tpu.memory_space<vmem>>)
    %dma_wait3A_188 = arith.constant 0 : i32
    %dma_wait3A_189 = arith.constant 1 : i32
    %dma_wait3A_190 = arith.constant 1 : i32
    %dma_wait3A_191 = arith.constant 0 : i32
    %dma_wait3A_192 = arith.constant 0 : i32
    %dma_wait3A_193 = tpu.memref_slice %arg8[%dma_wait3A_189, %dma_wait3A_190, %dma_wait3A_191, %dma_wait3A_192] : memref<2x3x128x48xf32, #tpu.memory_space<vmem>> -> memref<1x1x128x48xf32, #tpu.memory_space<vmem>>
    %dma_wait3A_194 = tpu.memref_squeeze %dma_wait3A_193 : memref<1x1x128x48xf32, #tpu.memory_space<vmem>> -> memref<128x48xf32, #tpu.memory_space<vmem>>
    %dma_wait3A_195 = arith.constant 0 : i32
    %dma_wait3A_196 = tpu.memref_slice %arg6[%dma_wait3A_188, %dma_wait3A_195] : memref<157x128xi32, #tpu.memory_space<vmem>> -> memref<1x128xi32, #tpu.memory_space<vmem>>
    %dma_wait3A_197 = tpu.memref_squeeze %dma_wait3A_196 : memref<1x128xi32, #tpu.memory_space<vmem>> -> memref<128xi32, #tpu.memory_space<vmem>>
    %dma_wait3A_198 = arith.constant 0 : i32
    %dma_wait3A_199 = arith.constant 0 : i32
    %dma_wait3A_200 = tpu.memref_slice %arg4[%dma_wait3A_198, %dma_wait3A_199] : memref<10000x48xf32, #tpu.memory_space<hbm>> -> memref<10000x48xf32, #tpu.memory_space<hbm>>
    tpu.wait_indirect_dma semaphore(%arg12 : memref<!tpu.dma_semaphore, #tpu.memory_space<semaphore_mem>>) src(%dma_wait3A_200 : memref<10000x48xf32, #tpu.memory_space<hbm>>) dst(%dma_wait3A_194 : memref<128x48xf32, #tpu.memory_space<vmem>>)
    %dma_wait3A_201 = arith.constant 0 : i32
    %dma_wait3A_202 = arith.constant 1 : i32
    %dma_wait3A_203 = arith.constant 2 : i32
    %dma_wait3A_204 = arith.constant 0 : i32
    %dma_wait3A_205 = arith.constant 0 : i32
    %dma_wait3A_206 = tpu.memref_slice %arg8[%dma_wait3A_202, %dma_wait3A_203, %dma_wait3A_204, %dma_wait3A_205] : memref<2x3x128x48xf32, #tpu.memory_space<vmem>> -> memref<1x1x128x48xf32, #tpu.memory_space<vmem>>
    %dma_wait3A_207 = tpu.memref_squeeze %dma_wait3A_206 : memref<1x1x128x48xf32, #tpu.memory_space<vmem>> -> memref<128x48xf32, #tpu.memory_space<vmem>>
    %dma_wait3A_208 = arith.constant 0 : i32
    %dma_wait3A_209 = tpu.memref_slice %arg6[%dma_wait3A_201, %dma_wait3A_208] : memref<157x128xi32, #tpu.memory_space<vmem>> -> memref<1x128xi32, #tpu.memory_space<vmem>>
    %dma_wait3A_210 = tpu.memref_squeeze %dma_wait3A_209 : memref<1x128xi32, #tpu.memory_space<vmem>> -> memref<128xi32, #tpu.memory_space<vmem>>
    %dma_wait3A_211 = arith.constant 0 : i32
    %dma_wait3A_212 = arith.constant 0 : i32
    %dma_wait3A_213 = tpu.memref_slice %arg4[%dma_wait3A_211, %dma_wait3A_212] : memref<10000x48xf32, #tpu.memory_space<hbm>> -> memref<10000x48xf32, #tpu.memory_space<hbm>>
    tpu.wait_indirect_dma semaphore(%arg12 : memref<!tpu.dma_semaphore, #tpu.memory_space<semaphore_mem>>) src(%dma_wait3A_213 : memref<10000x48xf32, #tpu.memory_space<hbm>>) dst(%dma_wait3A_207 : memref<128x48xf32, #tpu.memory_space<vmem>>)
    %run_scoped3A_214 = arith.constant 1 : i32
    %run_scoped3A_215 = arith.constant 0 : i32
    %run_scoped3A_216 = arith.constant 153 : i32
    "tpu.region"() ({
      %run_scoped3A_240 = tpu.sem_alloc : memref<!tpu.dma_semaphore, #tpu.memory_space<semaphore_mem>>
      %dma_start3A_241 = arith.constant 0 : i32
      %dma_start3A_242 = arith.constant 0 : i32
      %dma_start3A_243 = tpu.memref_slice %arg8[%run_scoped3A_214, %run_scoped3A_215, %dma_start3A_241, %dma_start3A_242] : memref<2x3x128x48xf32, #tpu.memory_space<vmem>> -> memref<1x1x128x48xf32, #tpu.memory_space<vmem>>
      %dma_start3A_244 = tpu.memref_squeeze %dma_start3A_243 : memref<1x1x128x48xf32, #tpu.memory_space<vmem>> -> memref<128x48xf32, #tpu.memory_space<vmem>>
      %dma_start3A_245 = arith.constant 0 : i32
      %dma_start3A_246 = tpu.memref_slice %arg7[%run_scoped3A_216, %dma_start3A_245] : memref<157x128xi32, #tpu.memory_space<vmem>> -> memref<1x128xi32, #tpu.memory_space<vmem>>
      %dma_start3A_247 = tpu.memref_squeeze %dma_start3A_246 : memref<1x128xi32, #tpu.memory_space<vmem>> -> memref<128xi32, #tpu.memory_space<vmem>>
      %dma_start3A_248 = arith.constant 0 : i32
      %dma_start3A_249 = arith.constant 0 : i32
      %dma_start3A_250 = tpu.memref_slice %arg10[%dma_start3A_248, %dma_start3A_249] : memref<10016x48xf32, #tpu.memory_space<vmem_shared>> -> memref<10016x48xf32, #tpu.memory_space<vmem_shared>>
      tpu.enqueue_indirect_dma source(%dma_start3A_244 : memref<128x48xf32, #tpu.memory_space<vmem>>) target(%dma_start3A_250 : memref<10016x48xf32, #tpu.memory_space<vmem_shared>>) offsets(%dma_start3A_247 : memref<128xi32, #tpu.memory_space<vmem>>) semaphore(%run_scoped3A_240 : memref<!tpu.dma_semaphore, #tpu.memory_space<semaphore_mem>>) {add = true}
      %dma_wait3A_251 = arith.constant 0 : i32
      %dma_wait3A_252 = arith.constant 0 : i32
      %dma_wait3A_253 = tpu.memref_slice %arg8[%run_scoped3A_214, %run_scoped3A_215, %dma_wait3A_251, %dma_wait3A_252] : memref<2x3x128x48xf32, #tpu.memory_space<vmem>> -> memref<1x1x128x48xf32, #tpu.memory_space<vmem>>
      %dma_wait3A_254 = tpu.memref_squeeze %dma_wait3A_253 : memref<1x1x128x48xf32, #tpu.memory_space<vmem>> -> memref<128x48xf32, #tpu.memory_space<vmem>>
      %dma_wait3A_255 = arith.constant 0 : i32
      %dma_wait3A_256 = tpu.memref_slice %arg7[%run_scoped3A_216, %dma_wait3A_255] : memref<157x128xi32, #tpu.memory_space<vmem>> -> memref<1x128xi32, #tpu.memory_space<vmem>>
      %dma_wait3A_257 = tpu.memref_squeeze %dma_wait3A_256 : memref<1x128xi32, #tpu.memory_space<vmem>> -> memref<128xi32, #tpu.memory_space<vmem>>
      %dma_wait3A_258 = arith.constant 0 : i32
      %dma_wait3A_259 = arith.constant 0 : i32
      %dma_wait3A_260 = tpu.memref_slice %arg10[%dma_wait3A_258, %dma_wait3A_259] : memref<10016x48xf32, #tpu.memory_space<vmem_shared>> -> memref<10016x48xf32, #tpu.memory_space<vmem_shared>>
      tpu.wait_indirect_dma semaphore(%run_scoped3A_240 : memref<!tpu.dma_semaphore, #tpu.memory_space<semaphore_mem>>) src(%dma_wait3A_254 : memref<128x48xf32, #tpu.memory_space<vmem>>) dst(%dma_wait3A_260 : memref<10016x48xf32, #tpu.memory_space<vmem_shared>>)
      tpu.yield
    }) : () -> ()
    %run_scoped3A_217 = arith.constant 1 : i32
    %run_scoped3A_218 = arith.constant 1 : i32
    %run_scoped3A_219 = arith.constant 154 : i32
    "tpu.region"() ({
      %run_scoped3A_240 = tpu.sem_alloc : memref<!tpu.dma_semaphore, #tpu.memory_space<semaphore_mem>>
      %dma_start3A_241 = arith.constant 0 : i32
      %dma_start3A_242 = arith.constant 0 : i32
      %dma_start3A_243 = tpu.memref_slice %arg8[%run_scoped3A_217, %run_scoped3A_218, %dma_start3A_241, %dma_start3A_242] : memref<2x3x128x48xf32, #tpu.memory_space<vmem>> -> memref<1x1x128x48xf32, #tpu.memory_space<vmem>>
      %dma_start3A_244 = tpu.memref_squeeze %dma_start3A_243 : memref<1x1x128x48xf32, #tpu.memory_space<vmem>> -> memref<128x48xf32, #tpu.memory_space<vmem>>
      %dma_start3A_245 = arith.constant 0 : i32
      %dma_start3A_246 = tpu.memref_slice %arg7[%run_scoped3A_219, %dma_start3A_245] : memref<157x128xi32, #tpu.memory_space<vmem>> -> memref<1x128xi32, #tpu.memory_space<vmem>>
      %dma_start3A_247 = tpu.memref_squeeze %dma_start3A_246 : memref<1x128xi32, #tpu.memory_space<vmem>> -> memref<128xi32, #tpu.memory_space<vmem>>
      %dma_start3A_248 = arith.constant 0 : i32
      %dma_start3A_249 = arith.constant 0 : i32
      %dma_start3A_250 = tpu.memref_slice %arg10[%dma_start3A_248, %dma_start3A_249] : memref<10016x48xf32, #tpu.memory_space<vmem_shared>> -> memref<10016x48xf32, #tpu.memory_space<vmem_shared>>
      tpu.enqueue_indirect_dma source(%dma_start3A_244 : memref<128x48xf32, #tpu.memory_space<vmem>>) target(%dma_start3A_250 : memref<10016x48xf32, #tpu.memory_space<vmem_shared>>) offsets(%dma_start3A_247 : memref<128xi32, #tpu.memory_space<vmem>>) semaphore(%run_scoped3A_240 : memref<!tpu.dma_semaphore, #tpu.memory_space<semaphore_mem>>) {add = true}
      %dma_wait3A_251 = arith.constant 0 : i32
      %dma_wait3A_252 = arith.constant 0 : i32
      %dma_wait3A_253 = tpu.memref_slice %arg8[%run_scoped3A_217, %run_scoped3A_218, %dma_wait3A_251, %dma_wait3A_252] : memref<2x3x128x48xf32, #tpu.memory_space<vmem>> -> memref<1x1x128x48xf32, #tpu.memory_space<vmem>>
      %dma_wait3A_254 = tpu.memref_squeeze %dma_wait3A_253 : memref<1x1x128x48xf32, #tpu.memory_space<vmem>> -> memref<128x48xf32, #tpu.memory_space<vmem>>
      %dma_wait3A_255 = arith.constant 0 : i32
      %dma_wait3A_256 = tpu.memref_slice %arg7[%run_scoped3A_219, %dma_wait3A_255] : memref<157x128xi32, #tpu.memory_space<vmem>> -> memref<1x128xi32, #tpu.memory_space<vmem>>
      %dma_wait3A_257 = tpu.memref_squeeze %dma_wait3A_256 : memref<1x128xi32, #tpu.memory_space<vmem>> -> memref<128xi32, #tpu.memory_space<vmem>>
      %dma_wait3A_258 = arith.constant 0 : i32
      %dma_wait3A_259 = arith.constant 0 : i32
      %dma_wait3A_260 = tpu.memref_slice %arg10[%dma_wait3A_258, %dma_wait3A_259] : memref<10016x48xf32, #tpu.memory_space<vmem_shared>> -> memref<10016x48xf32, #tpu.memory_space<vmem_shared>>
      tpu.wait_indirect_dma semaphore(%run_scoped3A_240 : memref<!tpu.dma_semaphore, #tpu.memory_space<semaphore_mem>>) src(%dma_wait3A_254 : memref<128x48xf32, #tpu.memory_space<vmem>>) dst(%dma_wait3A_260 : memref<10016x48xf32, #tpu.memory_space<vmem_shared>>)
      tpu.yield
    }) : () -> ()
    %run_scoped3A_220 = arith.constant 1 : i32
    %run_scoped3A_221 = arith.constant 2 : i32
    %run_scoped3A_222 = arith.constant 155 : i32
    "tpu.region"() ({
      %run_scoped3A_240 = tpu.sem_alloc : memref<!tpu.dma_semaphore, #tpu.memory_space<semaphore_mem>>
      %dma_start3A_241 = arith.constant 0 : i32
      %dma_start3A_242 = arith.constant 0 : i32
      %dma_start3A_243 = tpu.memref_slice %arg8[%run_scoped3A_220, %run_scoped3A_221, %dma_start3A_241, %dma_start3A_242] : memref<2x3x128x48xf32, #tpu.memory_space<vmem>> -> memref<1x1x128x48xf32, #tpu.memory_space<vmem>>
      %dma_start3A_244 = tpu.memref_squeeze %dma_start3A_243 : memref<1x1x128x48xf32, #tpu.memory_space<vmem>> -> memref<128x48xf32, #tpu.memory_space<vmem>>
      %dma_start3A_245 = arith.constant 0 : i32
      %dma_start3A_246 = tpu.memref_slice %arg7[%run_scoped3A_222, %dma_start3A_245] : memref<157x128xi32, #tpu.memory_space<vmem>> -> memref<1x128xi32, #tpu.memory_space<vmem>>
      %dma_start3A_247 = tpu.memref_squeeze %dma_start3A_246 : memref<1x128xi32, #tpu.memory_space<vmem>> -> memref<128xi32, #tpu.memory_space<vmem>>
      %dma_start3A_248 = arith.constant 0 : i32
      %dma_start3A_249 = arith.constant 0 : i32
      %dma_start3A_250 = tpu.memref_slice %arg10[%dma_start3A_248, %dma_start3A_249] : memref<10016x48xf32, #tpu.memory_space<vmem_shared>> -> memref<10016x48xf32, #tpu.memory_space<vmem_shared>>
      tpu.enqueue_indirect_dma source(%dma_start3A_244 : memref<128x48xf32, #tpu.memory_space<vmem>>) target(%dma_start3A_250 : memref<10016x48xf32, #tpu.memory_space<vmem_shared>>) offsets(%dma_start3A_247 : memref<128xi32, #tpu.memory_space<vmem>>) semaphore(%run_scoped3A_240 : memref<!tpu.dma_semaphore, #tpu.memory_space<semaphore_mem>>) {add = true}
      %dma_wait3A_251 = arith.constant 0 : i32
      %dma_wait3A_252 = arith.constant 0 : i32
      %dma_wait3A_253 = tpu.memref_slice %arg8[%run_scoped3A_220, %run_scoped3A_221, %dma_wait3A_251, %dma_wait3A_252] : memref<2x3x128x48xf32, #tpu.memory_space<vmem>> -> memref<1x1x128x48xf32, #tpu.memory_space<vmem>>
      %dma_wait3A_254 = tpu.memref_squeeze %dma_wait3A_253 : memref<1x1x128x48xf32, #tpu.memory_space<vmem>> -> memref<128x48xf32, #tpu.memory_space<vmem>>
      %dma_wait3A_255 = arith.constant 0 : i32
      %dma_wait3A_256 = tpu.memref_slice %arg7[%run_scoped3A_222, %dma_wait3A_255] : memref<157x128xi32, #tpu.memory_space<vmem>> -> memref<1x128xi32, #tpu.memory_space<vmem>>
      %dma_wait3A_257 = tpu.memref_squeeze %dma_wait3A_256 : memref<1x128xi32, #tpu.memory_space<vmem>> -> memref<128xi32, #tpu.memory_space<vmem>>
      %dma_wait3A_258 = arith.constant 0 : i32
      %dma_wait3A_259 = arith.constant 0 : i32
      %dma_wait3A_260 = tpu.memref_slice %arg10[%dma_wait3A_258, %dma_wait3A_259] : memref<10016x48xf32, #tpu.memory_space<vmem_shared>> -> memref<10016x48xf32, #tpu.memory_space<vmem_shared>>
      tpu.wait_indirect_dma semaphore(%run_scoped3A_240 : memref<!tpu.dma_semaphore, #tpu.memory_space<semaphore_mem>>) src(%dma_wait3A_254 : memref<128x48xf32, #tpu.memory_space<vmem>>) dst(%dma_wait3A_260 : memref<10016x48xf32, #tpu.memory_space<vmem_shared>>)
      tpu.yield
    }) : () -> ()
    %dma_wait3A_223 = arith.constant 0 : i32
    %dma_wait3A_224 = arith.constant 0 : i32
    %dma_wait3A_225 = arith.constant 0 : i32
    %dma_wait3A_226 = arith.constant 0 : i32
    %dma_wait3A_227 = arith.constant 0 : i32
    %dma_wait3A_228 = tpu.memref_slice %arg8[%dma_wait3A_224, %dma_wait3A_225, %dma_wait3A_226, %dma_wait3A_227] : memref<2x3x128x48xf32, #tpu.memory_space<vmem>> -> memref<1x1x128x48xf32, #tpu.memory_space<vmem>>
    %dma_wait3A_229 = tpu.memref_squeeze %dma_wait3A_228 : memref<1x1x128x48xf32, #tpu.memory_space<vmem>> -> memref<128x48xf32, #tpu.memory_space<vmem>>
    %dma_wait3A_230 = arith.constant 0 : i32
    %dma_wait3A_231 = tpu.memref_slice %arg6[%dma_wait3A_223, %dma_wait3A_230] : memref<157x128xi32, #tpu.memory_space<vmem>> -> memref<1x128xi32, #tpu.memory_space<vmem>>
    %dma_wait3A_232 = tpu.memref_squeeze %dma_wait3A_231 : memref<1x128xi32, #tpu.memory_space<vmem>> -> memref<128xi32, #tpu.memory_space<vmem>>
    %dma_wait3A_233 = arith.constant 0 : i32
    %dma_wait3A_234 = arith.constant 0 : i32
    %dma_wait3A_235 = tpu.memref_slice %arg4[%dma_wait3A_233, %dma_wait3A_234] : memref<10000x48xf32, #tpu.memory_space<hbm>> -> memref<10000x48xf32, #tpu.memory_space<hbm>>
    tpu.wait_indirect_dma semaphore(%arg11 : memref<!tpu.dma_semaphore, #tpu.memory_space<semaphore_mem>>) src(%dma_wait3A_235 : memref<10000x48xf32, #tpu.memory_space<hbm>>) dst(%dma_wait3A_229 : memref<128x48xf32, #tpu.memory_space<vmem>>)
    %run_scoped3A_236 = arith.constant 0 : i32
    %run_scoped3A_237 = arith.constant 0 : i32
    %run_scoped3A_238 = arith.constant 156 : i32
    "tpu.region"() ({
      %run_scoped3A_240 = tpu.sem_alloc : memref<!tpu.dma_semaphore, #tpu.memory_space<semaphore_mem>>
      %dma_start3A_241 = arith.constant 0 : i32
      %dma_start3A_242 = arith.constant 0 : i32
      %dma_start3A_243 = tpu.memref_slice %arg8[%run_scoped3A_236, %run_scoped3A_237, %dma_start3A_241, %dma_start3A_242] : memref<2x3x128x48xf32, #tpu.memory_space<vmem>> -> memref<1x1x128x48xf32, #tpu.memory_space<vmem>>
      %dma_start3A_244 = tpu.memref_squeeze %dma_start3A_243 : memref<1x1x128x48xf32, #tpu.memory_space<vmem>> -> memref<128x48xf32, #tpu.memory_space<vmem>>
      %dma_start3A_245 = arith.constant 0 : i32
      %dma_start3A_246 = tpu.memref_slice %arg7[%run_scoped3A_238, %dma_start3A_245] : memref<157x128xi32, #tpu.memory_space<vmem>> -> memref<1x128xi32, #tpu.memory_space<vmem>>
      %dma_start3A_247 = tpu.memref_squeeze %dma_start3A_246 : memref<1x128xi32, #tpu.memory_space<vmem>> -> memref<128xi32, #tpu.memory_space<vmem>>
      %dma_start3A_248 = arith.constant 0 : i32
      %dma_start3A_249 = arith.constant 0 : i32
      %dma_start3A_250 = tpu.memref_slice %arg10[%dma_start3A_248, %dma_start3A_249] : memref<10016x48xf32, #tpu.memory_space<vmem_shared>> -> memref<10016x48xf32, #tpu.memory_space<vmem_shared>>
      tpu.enqueue_indirect_dma source(%dma_start3A_244 : memref<128x48xf32, #tpu.memory_space<vmem>>) target(%dma_start3A_250 : memref<10016x48xf32, #tpu.memory_space<vmem_shared>>) offsets(%dma_start3A_247 : memref<128xi32, #tpu.memory_space<vmem>>) semaphore(%run_scoped3A_240 : memref<!tpu.dma_semaphore, #tpu.memory_space<semaphore_mem>>) {add = true}
      %dma_wait3A_251 = arith.constant 0 : i32
      %dma_wait3A_252 = arith.constant 0 : i32
      %dma_wait3A_253 = tpu.memref_slice %arg8[%run_scoped3A_236, %run_scoped3A_237, %dma_wait3A_251, %dma_wait3A_252] : memref<2x3x128x48xf32, #tpu.memory_space<vmem>> -> memref<1x1x128x48xf32, #tpu.memory_space<vmem>>
      %dma_wait3A_254 = tpu.memref_squeeze %dma_wait3A_253 : memref<1x1x128x48xf32, #tpu.memory_space<vmem>> -> memref<128x48xf32, #tpu.memory_space<vmem>>
      %dma_wait3A_255 = arith.constant 0 : i32
      %dma_wait3A_256 = tpu.memref_slice %arg7[%run_scoped3A_238, %dma_wait3A_255] : memref<157x128xi32, #tpu.memory_space<vmem>> -> memref<1x128xi32, #tpu.memory_space<vmem>>
      %dma_wait3A_257 = tpu.memref_squeeze %dma_wait3A_256 : memref<1x128xi32, #tpu.memory_space<vmem>> -> memref<128xi32, #tpu.memory_space<vmem>>
      %dma_wait3A_258 = arith.constant 0 : i32
      %dma_wait3A_259 = arith.constant 0 : i32
      %dma_wait3A_260 = tpu.memref_slice %arg10[%dma_wait3A_258, %dma_wait3A_259] : memref<10016x48xf32, #tpu.memory_space<vmem_shared>> -> memref<10016x48xf32, #tpu.memory_space<vmem_shared>>
      tpu.wait_indirect_dma semaphore(%run_scoped3A_240 : memref<!tpu.dma_semaphore, #tpu.memory_space<semaphore_mem>>) src(%dma_wait3A_254 : memref<128x48xf32, #tpu.memory_space<vmem>>) dst(%dma_wait3A_260 : memref<10016x48xf32, #tpu.memory_space<vmem_shared>>)
      tpu.yield
    }) : () -> ()
    %barrier3A_239 = arith.constant 0 : index
    tpu.barrier barrier_id(%barrier3A_239)
    "tpu.region"() ({
      %run_scoped3A_240 = tpu.sem_alloc : memref<!tpu.dma_semaphore, #tpu.memory_space<semaphore_mem>>
      %dma_start3A_241 = arith.constant 0 : i32
      %dma_start3A_242 = tpu.memref_slice %arg5[%arg0, %mul3A_2, %dma_start3A_241] : memref<2x10016x48xf32, #tpu.memory_space<hbm>> -> memref<1x626x48xf32, #tpu.memory_space<hbm>>
      %dma_start3A_243 = tpu.memref_squeeze %dma_start3A_242 : memref<1x626x48xf32, #tpu.memory_space<hbm>> -> memref<626x48xf32, #tpu.memory_space<hbm>>
      %dma_start3A_244 = arith.constant 0 : i32
      %dma_start3A_245 = tpu.memref_slice %arg10[%mul3A_2, %dma_start3A_244] : memref<10016x48xf32, #tpu.memory_space<vmem_shared>> -> memref<626x48xf32, #tpu.memory_space<vmem_shared>>
      tpu.enqueue_dma source(%dma_start3A_245 : memref<626x48xf32, #tpu.memory_space<vmem_shared>>) target(%dma_start3A_243 : memref<626x48xf32, #tpu.memory_space<hbm>>) target_semaphore(%run_scoped3A_240 : memref<!tpu.dma_semaphore, #tpu.memory_space<semaphore_mem>>)
      %dma_wait3A_246 = arith.constant 0 : i32
      %dma_wait3A_247 = tpu.memref_slice %arg5[%arg0, %mul3A_2, %dma_wait3A_246] : memref<2x10016x48xf32, #tpu.memory_space<hbm>> -> memref<1x626x48xf32, #tpu.memory_space<hbm>>
      %dma_wait3A_248 = tpu.memref_squeeze %dma_wait3A_247 : memref<1x626x48xf32, #tpu.memory_space<hbm>> -> memref<626x48xf32, #tpu.memory_space<hbm>>
      %dma_wait3A_249 = arith.constant 0 : i32
      %dma_wait3A_250 = tpu.memref_slice %arg10[%mul3A_2, %dma_wait3A_249] : memref<10016x48xf32, #tpu.memory_space<vmem_shared>> -> memref<626x48xf32, #tpu.memory_space<vmem_shared>>
      tpu.wait_dma2 semaphore(%run_scoped3A_240 : memref<!tpu.dma_semaphore, #tpu.memory_space<semaphore_mem>>) src(%dma_wait3A_250 : memref<626x48xf32, #tpu.memory_space<vmem_shared>>) dst(%dma_wait3A_248 : memref<626x48xf32, #tpu.memory_space<hbm>>)
      tpu.yield
    }) : () -> ()
    return
  }
}

#map = affine_map<(d0, d1) -> (0, 0)>
#map1 = affine_map<(d0, d1) -> (0, 0, 0)>
module attributes {stable_mosaic.version = 14 : i64} {
  func.func @kern(%arg0: i32, %arg1: i32, %arg2: memref<5024x128xi32, #tpu.memory_space<hbm>>, %arg3: memref<5024x128xi32, #tpu.memory_space<hbm>>, %arg4: memref<10000x48xf32, #tpu.memory_space<hbm>>, %arg5: memref<2x10016x48xf32, #tpu.memory_space<hbm>>, %arg6: memref<157x128xi32, #tpu.memory_space<vmem>>, %arg7: memref<157x128xi32, #tpu.memory_space<vmem>>, %arg8: memref<2x3x128x48xf32, #tpu.memory_space<vmem>>, %arg9: memref<64x48xf32, #tpu.memory_space<vmem>>, %arg10: memref<10016x48xf32, #tpu.memory_space<vmem_shared>>, %arg11: memref<!tpu.dma_semaphore, #tpu.memory_space<semaphore_mem>>, %arg12: memref<!tpu.dma_semaphore, #tpu.memory_space<semaphore_mem>>) attributes {dimension_semantics = [#tpu.dimension_semantics<core_parallel>, #tpu.dimension_semantics<subcore_parallel>], iteration_bounds = array<i64: 2, 16>, scalar_prefetch = 0 : i64, scratch_operands = 7 : i64, tpu.core_type = #tpu.core_type<sc_vector_subcore>, window_params = [{transform_indices = #map}, {transform_indices = #map}, {transform_indices = #map}, {transform_indices = #map1}]} {
    %mul3A = arith.constant 2 : i32
    %mul3A_0 = arith.muli %arg1, %mul3A : i32
    %add3A = arith.addi %mul3A_0, %arg0 : i32
    %mul3A_1 = arith.constant 626 : i32
    %mul3A_2 = arith.muli %arg1, %mul3A_1 : i32
    %broadcast_in_dim3A = arith.constant 0.000000e+00 : f32
    %broadcast_in_dim3A_3 = vector.broadcast %broadcast_in_dim3A : f32 to vector<16xf32>
    %scan3A = arith.constant 0 : i32
    %scan3A_4 = arith.constant 0 : i32
    %scan3A_5 = arith.constant 64 : i32
    %scan3A_6 = arith.addi %scan3A_4, %scan3A_5 : i32
    %scan3A_7 = arith.constant 1 : i32
    scf.for %scan3A_240 = %scan3A_4 to %scan3A_6 step %scan3A_7  : i32 {
      %swap3A = arith.index_cast %scan3A_240 : i32 to index
      %swap3A_241 = arith.constant 0 : index
      %swap3A_242 = tpu.vector_load %arg9[%swap3A, %swap3A_241] {strides = array<i32>} : memref<64x48xf32, #tpu.memory_space<vmem>>, vector<1x16xf32>,
      %swap3A_243 = vector.shape_cast %swap3A_242 : vector<1x16xf32> to vector<16xf32>
      %swap3A_244 = vector.shape_cast %broadcast_in_dim3A_3 : vector<16xf32> to vector<1x16xf32>
      tpu.vector_store %arg9[%swap3A, %swap3A_241], %swap3A_244 {strides = array<i32>} : memref<64x48xf32, #tpu.memory_space<vmem>>, vector<1x16xf32>,
      %swap3A_245 = arith.index_cast %scan3A_240 : i32 to index
      %swap3A_246 = arith.constant 16 : index
      %swap3A_247 = tpu.vector_load %arg9[%swap3A_245, %swap3A_246] {strides = array<i32>} : memref<64x48xf32, #tpu.memory_space<vmem>>, vector<1x16xf32>,
      %swap3A_248 = vector.shape_cast %swap3A_247 : vector<1x16xf32> to vector<16xf32>
      %swap3A_249 = vector.shape_cast %broadcast_in_dim3A_3 : vector<16xf32> to vector<1x16xf32>
      tpu.vector_store %arg9[%swap3A_245, %swap3A_246], %swap3A_249 {strides = array<i32>} : memref<64x48xf32, #tpu.memory_space<vmem>>, vector<1x16xf32>,
      %swap3A_250 = arith.index_cast %scan3A_240 : i32 to index
      %swap3A_251 = arith.constant 32 : index
      %swap3A_252 = tpu.vector_load %arg9[%swap3A_250, %swap3A_251] {strides = array<i32>} : memref<64x48xf32, #tpu.memory_space<vmem>>, vector<1x16xf32>,
      %swap3A_253 = vector.shape_cast %swap3A_252 : vector<1x16xf32> to vector<16xf32>
      %swap3A_254 = vector.shape_cast %broadcast_in_dim3A_3 : vector<16xf32> to vector<1x16xf32>
      tpu.vector_store %arg9[%swap3A_250, %swap3A_251], %swap3A_254 {strides = array<i32>} : memref<64x48xf32, #tpu.memory_space<vmem>>, vector<1x16xf32>,
    }
    %scan3A_8 = arith.constant 64 : i32
    %add3A_9 = arith.constant 0 : i32
    %add3A_10 = arith.addi %mul3A_2, %add3A_9 : i32
    "tpu.region"() ({
      %run_scoped3A_240 = tpu.sem_alloc : memref<!tpu.dma_semaphore, #tpu.memory_space<semaphore_mem>>
      %dma_start3A_241 = arith.constant 0 : i32
      %dma_start3A_242 = tpu.memref_slice %arg10[%add3A_10, %dma_start3A_241] : memref<10016x48xf32, #tpu.memory_space<vmem_shared>> -> memref<64x48xf32, #tpu.memory_space<vmem_shared>>
      %dma_start3A_243 = arith.constant 0 : i32
      %dma_start3A_244 = tpu.memref_slice %arg10[%add3A_10, %dma_start3A_243] : memref<10016x48xf32, #tpu.memory_space<vmem_shared>> -> memref<64x48xf32, #tpu.memory_space<vmem_shared>>
      tpu.enqueue_dma source(%arg9 : memref<64x48xf32, #tpu.memory_space<vmem>>) target(%dma_start3A_244 : memref<64x48xf32, #tpu.memory_space<vmem_shared>>) target_semaphore(%run_scoped3A_240 : memref<!tpu.dma_semaphore, #tpu.memory_space<semaphore_mem>>)
      %dma_wait3A_245 = arith.constant 0 : i32
      %dma_wait3A_246 = tpu.memref_slice %arg10[%add3A_10, %dma_wait3A_245] : memref<10016x48xf32, #tpu.memory_space<vmem_shared>> -> memref<64x48xf32, #tpu.memory_space<vmem_shared>>
      %dma_wait3A_247 = arith.constant 0 : i32
      %dma_wait3A_248 = tpu.memref_slice %arg10[%add3A_10, %dma_wait3A_247] : memref<10016x48xf32, #tpu.memory_space<vmem_shared>> -> memref<64x48xf32, #tpu.memory_space<vmem_shared>>
      tpu.wait_dma2 semaphore(%run_scoped3A_240 : memref<!tpu.dma_semaphore, #tpu.memory_space<semaphore_mem>>) src(%arg9 : memref<64x48xf32, #tpu.memory_space<vmem>>) dst(%dma_wait3A_248 : memref<64x48xf32, #tpu.memory_space<vmem_shared>>)
      tpu.yield
    }) : () -> ()
    %add3A_11 = arith.constant 64 : i32
    %add3A_12 = arith.addi %mul3A_2, %add3A_11 : i32
    "tpu.region"() ({
      %run_scoped3A_240 = tpu.sem_alloc : memref<!tpu.dma_semaphore, #tpu.memory_space<semaphore_mem>>
      %dma_start3A_241 = arith.constant 0 : i32
      %dma_start3A_242 = tpu.memref_slice %arg10[%add3A_12, %dma_start3A_241] : memref<10016x48xf32, #tpu.memory_space<vmem_shared>> -> memref<64x48xf32, #tpu.memory_space<vmem_shared>>
      %dma_start3A_243 = arith.constant 0 : i32
      %dma_start3A_244 = tpu.memref_slice %arg10[%add3A_12, %dma_start3A_243] : memref<10016x48xf32, #tpu.memory_space<vmem_shared>> -> memref<64x48xf32, #tpu.memory_space<vmem_shared>>
      tpu.enqueue_dma source(%arg9 : memref<64x48xf32, #tpu.memory_space<vmem>>) target(%dma_start3A_244 : memref<64x48xf32, #tpu.memory_space<vmem_shared>>) target_semaphore(%run_scoped3A_240 : memref<!tpu.dma_semaphore, #tpu.memory_space<semaphore_mem>>)
      %dma_wait3A_245 = arith.constant 0 : i32
      %dma_wait3A_246 = tpu.memref_slice %arg10[%add3A_12, %dma_wait3A_245] : memref<10016x48xf32, #tpu.memory_space<vmem_shared>> -> memref<64x48xf32, #tpu.memory_space<vmem_shared>>
      %dma_wait3A_247 = arith.constant 0 : i32
      %dma_wait3A_248 = tpu.memref_slice %arg10[%add3A_12, %dma_wait3A_247] : memref<10016x48xf32, #tpu.memory_space<vmem_shared>> -> memref<64x48xf32, #tpu.memory_space<vmem_shared>>
      tpu.wait_dma2 semaphore(%run_scoped3A_240 : memref<!tpu.dma_semaphore, #tpu.memory_space<semaphore_mem>>) src(%arg9 : memref<64x48xf32, #tpu.memory_space<vmem>>) dst(%dma_wait3A_248 : memref<64x48xf32, #tpu.memory_space<vmem_shared>>)
      tpu.yield
    }) : () -> ()
    %add3A_13 = arith.constant 128 : i32
    %add3A_14 = arith.addi %mul3A_2, %add3A_13 : i32
    "tpu.region"() ({
      %run_scoped3A_240 = tpu.sem_alloc : memref<!tpu.dma_semaphore, #tpu.memory_space<semaphore_mem>>
      %dma_start3A_241 = arith.constant 0 : i32
      %dma_start3A_242 = tpu.memref_slice %arg10[%add3A_14, %dma_start3A_241] : memref<10016x48xf32, #tpu.memory_space<vmem_shared>> -> memref<64x48xf32, #tpu.memory_space<vmem_shared>>
      %dma_start3A_243 = arith.constant 0 : i32
      %dma_start3A_244 = tpu.memref_slice %arg10[%add3A_14, %dma_start3A_243] : memref<10016x48xf32, #tpu.memory_space<vmem_shared>> -> memref<64x48xf32, #tpu.memory_space<vmem_shared>>
      tpu.enqueue_dma source(%arg9 : memref<64x48xf32, #tpu.memory_space<vmem>>) target(%dma_start3A_244 : memref<64x48xf32, #tpu.memory_space<vmem_shared>>) target_semaphore(%run_scoped3A_240 : memref<!tpu.dma_semaphore, #tpu.memory_space<semaphore_mem>>)
      %dma_wait3A_245 = arith.constant 0 : i32
      %dma_wait3A_246 = tpu.memref_slice %arg10[%add3A_14, %dma_wait3A_245] : memref<10016x48xf32, #tpu.memory_space<vmem_shared>> -> memref<64x48xf32, #tpu.memory_space<vmem_shared>>
      %dma_wait3A_247 = arith.constant 0 : i32
      %dma_wait3A_248 = tpu.memref_slice %arg10[%add3A_14, %dma_wait3A_247] : memref<10016x48xf32, #tpu.memory_space<vmem_shared>> -> memref<64x48xf32, #tpu.memory_space<vmem_shared>>
      tpu.wait_dma2 semaphore(%run_scoped3A_240 : memref<!tpu.dma_semaphore, #tpu.memory_space<semaphore_mem>>) src(%arg9 : memref<64x48xf32, #tpu.memory_space<vmem>>) dst(%dma_wait3A_248 : memref<64x48xf32, #tpu.memory_space<vmem_shared>>)
      tpu.yield
    }) : () -> ()
    %add3A_15 = arith.constant 192 : i32
    %add3A_16 = arith.addi %mul3A_2, %add3A_15 : i32
    "tpu.region"() ({
      %run_scoped3A_240 = tpu.sem_alloc : memref<!tpu.dma_semaphore, #tpu.memory_space<semaphore_mem>>
      %dma_start3A_241 = arith.constant 0 : i32
      %dma_start3A_242 = tpu.memref_slice %arg10[%add3A_16, %dma_start3A_241] : memref<10016x48xf32, #tpu.memory_space<vmem_shared>> -> memref<64x48xf32, #tpu.memory_space<vmem_shared>>
      %dma_start3A_243 = arith.constant 0 : i32
      %dma_start3A_244 = tpu.memref_slice %arg10[%add3A_16, %dma_start3A_243] : memref<10016x48xf32, #tpu.memory_space<vmem_shared>> -> memref<64x48xf32, #tpu.memory_space<vmem_shared>>
      tpu.enqueue_dma source(%arg9 : memref<64x48xf32, #tpu.memory_space<vmem>>) target(%dma_start3A_244 : memref<64x48xf32, #tpu.memory_space<vmem_shared>>) target_semaphore(%run_scoped3A_240 : memref<!tpu.dma_semaphore, #tpu.memory_space<semaphore_mem>>)
      %dma_wait3A_245 = arith.constant 0 : i32
      %dma_wait3A_246 = tpu.memref_slice %arg10[%add3A_16, %dma_wait3A_245] : memref<10016x48xf32, #tpu.memory_space<vmem_shared>> -> memref<64x48xf32, #tpu.memory_space<vmem_shared>>
      %dma_wait3A_247 = arith.constant 0 : i32
      %dma_wait3A_248 = tpu.memref_slice %arg10[%add3A_16, %dma_wait3A_247] : memref<10016x48xf32, #tpu.memory_space<vmem_shared>> -> memref<64x48xf32, #tpu.memory_space<vmem_shared>>
      tpu.wait_dma2 semaphore(%run_scoped3A_240 : memref<!tpu.dma_semaphore, #tpu.memory_space<semaphore_mem>>) src(%arg9 : memref<64x48xf32, #tpu.memory_space<vmem>>) dst(%dma_wait3A_248 : memref<64x48xf32, #tpu.memory_space<vmem_shared>>)
      tpu.yield
    }) : () -> ()
    %add3A_17 = arith.constant 256 : i32
    %add3A_18 = arith.addi %mul3A_2, %add3A_17 : i32
    "tpu.region"() ({
      %run_scoped3A_240 = tpu.sem_alloc : memref<!tpu.dma_semaphore, #tpu.memory_space<semaphore_mem>>
      %dma_start3A_241 = arith.constant 0 : i32
      %dma_start3A_242 = tpu.memref_slice %arg10[%add3A_18, %dma_start3A_241] : memref<10016x48xf32, #tpu.memory_space<vmem_shared>> -> memref<64x48xf32, #tpu.memory_space<vmem_shared>>
      %dma_start3A_243 = arith.constant 0 : i32
      %dma_start3A_244 = tpu.memref_slice %arg10[%add3A_18, %dma_start3A_243] : memref<10016x48xf32, #tpu.memory_space<vmem_shared>> -> memref<64x48xf32, #tpu.memory_space<vmem_shared>>
      tpu.enqueue_dma source(%arg9 : memref<64x48xf32, #tpu.memory_space<vmem>>) target(%dma_start3A_244 : memref<64x48xf32, #tpu.memory_space<vmem_shared>>) target_semaphore(%run_scoped3A_240 : memref<!tpu.dma_semaphore, #tpu.memory_space<semaphore_mem>>)
      %dma_wait3A_245 = arith.constant 0 : i32
      %dma_wait3A_246 = tpu.memref_slice %arg10[%add3A_18, %dma_wait3A_245] : memref<10016x48xf32, #tpu.memory_space<vmem_shared>> -> memref<64x48xf32, #tpu.memory_space<vmem_shared>>
      %dma_wait3A_247 = arith.constant 0 : i32
      %dma_wait3A_248 = tpu.memref_slice %arg10[%add3A_18, %dma_wait3A_247] : memref<10016x48xf32, #tpu.memory_space<vmem_shared>> -> memref<64x48xf32, #tpu.memory_space<vmem_shared>>
      tpu.wait_dma2 semaphore(%run_scoped3A_240 : memref<!tpu.dma_semaphore, #tpu.memory_space<semaphore_mem>>) src(%arg9 : memref<64x48xf32, #tpu.memory_space<vmem>>) dst(%dma_wait3A_248 : memref<64x48xf32, #tpu.memory_space<vmem_shared>>)
      tpu.yield
    }) : () -> ()
    %add3A_19 = arith.constant 320 : i32
    %add3A_20 = arith.addi %mul3A_2, %add3A_19 : i32
    "tpu.region"() ({
      %run_scoped3A_240 = tpu.sem_alloc : memref<!tpu.dma_semaphore, #tpu.memory_space<semaphore_mem>>
      %dma_start3A_241 = arith.constant 0 : i32
      %dma_start3A_242 = tpu.memref_slice %arg10[%add3A_20, %dma_start3A_241] : memref<10016x48xf32, #tpu.memory_space<vmem_shared>> -> memref<64x48xf32, #tpu.memory_space<vmem_shared>>
      %dma_start3A_243 = arith.constant 0 : i32
      %dma_start3A_244 = tpu.memref_slice %arg10[%add3A_20, %dma_start3A_243] : memref<10016x48xf32, #tpu.memory_space<vmem_shared>> -> memref<64x48xf32, #tpu.memory_space<vmem_shared>>
      tpu.enqueue_dma source(%arg9 : memref<64x48xf32, #tpu.memory_space<vmem>>) target(%dma_start3A_244 : memref<64x48xf32, #tpu.memory_space<vmem_shared>>) target_semaphore(%run_scoped3A_240 : memref<!tpu.dma_semaphore, #tpu.memory_space<semaphore_mem>>)
      %dma_wait3A_245 = arith.constant 0 : i32
      %dma_wait3A_246 = tpu.memref_slice %arg10[%add3A_20, %dma_wait3A_245] : memref<10016x48xf32, #tpu.memory_space<vmem_shared>> -> memref<64x48xf32, #tpu.memory_space<vmem_shared>>
      %dma_wait3A_247 = arith.constant 0 : i32
      %dma_wait3A_248 = tpu.memref_slice %arg10[%add3A_20, %dma_wait3A_247] : memref<10016x48xf32, #tpu.memory_space<vmem_shared>> -> memref<64x48xf32, #tpu.memory_space<vmem_shared>>
      tpu.wait_dma2 semaphore(%run_scoped3A_240 : memref<!tpu.dma_semaphore, #tpu.memory_space<semaphore_mem>>) src(%arg9 : memref<64x48xf32, #tpu.memory_space<vmem>>) dst(%dma_wait3A_248 : memref<64x48xf32, #tpu.memory_space<vmem_shared>>)
      tpu.yield
    }) : () -> ()
    %add3A_21 = arith.constant 384 : i32
    %add3A_22 = arith.addi %mul3A_2, %add3A_21 : i32
    "tpu.region"() ({
      %run_scoped3A_240 = tpu.sem_alloc : memref<!tpu.dma_semaphore, #tpu.memory_space<semaphore_mem>>
      %dma_start3A_241 = arith.constant 0 : i32
      %dma_start3A_242 = tpu.memref_slice %arg10[%add3A_22, %dma_start3A_241] : memref<10016x48xf32, #tpu.memory_space<vmem_shared>> -> memref<64x48xf32, #tpu.memory_space<vmem_shared>>
      %dma_start3A_243 = arith.constant 0 : i32
      %dma_start3A_244 = tpu.memref_slice %arg10[%add3A_22, %dma_start3A_243] : memref<10016x48xf32, #tpu.memory_space<vmem_shared>> -> memref<64x48xf32, #tpu.memory_space<vmem_shared>>
      tpu.enqueue_dma source(%arg9 : memref<64x48xf32, #tpu.memory_space<vmem>>) target(%dma_start3A_244 : memref<64x48xf32, #tpu.memory_space<vmem_shared>>) target_semaphore(%run_scoped3A_240 : memref<!tpu.dma_semaphore, #tpu.memory_space<semaphore_mem>>)
      %dma_wait3A_245 = arith.constant 0 : i32
      %dma_wait3A_246 = tpu.memref_slice %arg10[%add3A_22, %dma_wait3A_245] : memref<10016x48xf32, #tpu.memory_space<vmem_shared>> -> memref<64x48xf32, #tpu.memory_space<vmem_shared>>
      %dma_wait3A_247 = arith.constant 0 : i32
      %dma_wait3A_248 = tpu.memref_slice %arg10[%add3A_22, %dma_wait3A_247] : memref<10016x48xf32, #tpu.memory_space<vmem_shared>> -> memref<64x48xf32, #tpu.memory_space<vmem_shared>>
      tpu.wait_dma2 semaphore(%run_scoped3A_240 : memref<!tpu.dma_semaphore, #tpu.memory_space<semaphore_mem>>) src(%arg9 : memref<64x48xf32, #tpu.memory_space<vmem>>) dst(%dma_wait3A_248 : memref<64x48xf32, #tpu.memory_space<vmem_shared>>)
      tpu.yield
    }) : () -> ()
    %add3A_23 = arith.constant 448 : i32
    %add3A_24 = arith.addi %mul3A_2, %add3A_23 : i32
    "tpu.region"() ({
      %run_scoped3A_240 = tpu.sem_alloc : memref<!tpu.dma_semaphore, #tpu.memory_space<semaphore_mem>>
      %dma_start3A_241 = arith.constant 0 : i32
      %dma_start3A_242 = tpu.memref_slice %arg10[%add3A_24, %dma_start3A_241] : memref<10016x48xf32, #tpu.memory_space<vmem_shared>> -> memref<64x48xf32, #tpu.memory_space<vmem_shared>>
      %dma_start3A_243 = arith.constant 0 : i32
      %dma_start3A_244 = tpu.memref_slice %arg10[%add3A_24, %dma_start3A_243] : memref<10016x48xf32, #tpu.memory_space<vmem_shared>> -> memref<64x48xf32, #tpu.memory_space<vmem_shared>>
      tpu.enqueue_dma source(%arg9 : memref<64x48xf32, #tpu.memory_space<vmem>>) target(%dma_start3A_244 : memref<64x48xf32, #tpu.memory_space<vmem_shared>>) target_semaphore(%run_scoped3A_240 : memref<!tpu.dma_semaphore, #tpu.memory_space<semaphore_mem>>)
      %dma_wait3A_245 = arith.constant 0 : i32
      %dma_wait3A_246 = tpu.memref_slice %arg10[%add3A_24, %dma_wait3A_245] : memref<10016x48xf32, #tpu.memory_space<vmem_shared>> -> memref<64x48xf32, #tpu.memory_space<vmem_shared>>
      %dma_wait3A_247 = arith.constant 0 : i32
      %dma_wait3A_248 = tpu.memref_slice %arg10[%add3A_24, %dma_wait3A_247] : memref<10016x48xf32, #tpu.memory_space<vmem_shared>> -> memref<64x48xf32, #tpu.memory_space<vmem_shared>>
      tpu.wait_dma2 semaphore(%run_scoped3A_240 : memref<!tpu.dma_semaphore, #tpu.memory_space<semaphore_mem>>) src(%arg9 : memref<64x48xf32, #tpu.memory_space<vmem>>) dst(%dma_wait3A_248 : memref<64x48xf32, #tpu.memory_space<vmem_shared>>)
      tpu.yield
    }) : () -> ()
    %add3A_25 = arith.constant 512 : i32
    %add3A_26 = arith.addi %mul3A_2, %add3A_25 : i32
    "tpu.region"() ({
      %run_scoped3A_240 = tpu.sem_alloc : memref<!tpu.dma_semaphore, #tpu.memory_space<semaphore_mem>>
      %dma_start3A_241 = arith.constant 0 : i32
      %dma_start3A_242 = tpu.memref_slice %arg10[%add3A_26, %dma_start3A_241] : memref<10016x48xf32, #tpu.memory_space<vmem_shared>> -> memref<64x48xf32, #tpu.memory_space<vmem_shared>>
      %dma_start3A_243 = arith.constant 0 : i32
      %dma_start3A_244 = tpu.memref_slice %arg10[%add3A_26, %dma_start3A_243] : memref<10016x48xf32, #tpu.memory_space<vmem_shared>> -> memref<64x48xf32, #tpu.memory_space<vmem_shared>>
      tpu.enqueue_dma source(%arg9 : memref<64x48xf32, #tpu.memory_space<vmem>>) target(%dma_start3A_244 : memref<64x48xf32, #tpu.memory_space<vmem_shared>>) target_semaphore(%run_scoped3A_240 : memref<!tpu.dma_semaphore, #tpu.memory_space<semaphore_mem>>)
      %dma_wait3A_245 = arith.constant 0 : i32
      %dma_wait3A_246 = tpu.memref_slice %arg10[%add3A_26, %dma_wait3A_245] : memref<10016x48xf32, #tpu.memory_space<vmem_shared>> -> memref<64x48xf32, #tpu.memory_space<vmem_shared>>
      %dma_wait3A_247 = arith.constant 0 : i32
      %dma_wait3A_248 = tpu.memref_slice %arg10[%add3A_26, %dma_wait3A_247] : memref<10016x48xf32, #tpu.memory_space<vmem_shared>> -> memref<64x48xf32, #tpu.memory_space<vmem_shared>>
      tpu.wait_dma2 semaphore(%run_scoped3A_240 : memref<!tpu.dma_semaphore, #tpu.memory_space<semaphore_mem>>) src(%arg9 : memref<64x48xf32, #tpu.memory_space<vmem>>) dst(%dma_wait3A_248 : memref<64x48xf32, #tpu.memory_space<vmem_shared>>)
      tpu.yield
    }) : () -> ()
    %add3A_27 = arith.constant 576 : i32
    %add3A_28 = arith.addi %mul3A_2, %add3A_27 : i32
    "tpu.region"() ({
      %run_scoped3A_240 = tpu.sem_alloc : memref<!tpu.dma_semaphore, #tpu.memory_space<semaphore_mem>>
      %dma_start3A_241 = arith.constant 0 : i32
      %dma_start3A_242 = arith.constant 0 : i32
      %dma_start3A_243 = tpu.memref_slice %arg9[%dma_start3A_241, %dma_start3A_242] : memref<64x48xf32, #tpu.memory_space<vmem>> -> memref<50x48xf32, #tpu.memory_space<vmem>>
      %dma_start3A_244 = arith.constant 0 : i32
      %dma_start3A_245 = tpu.memref_slice %arg10[%add3A_28, %dma_start3A_244] : memref<10016x48xf32, #tpu.memory_space<vmem_shared>> -> memref<50x48xf32, #tpu.memory_space<vmem_shared>>
      %dma_start3A_246 = arith.constant 0 : i32
      %dma_start3A_247 = tpu.memref_slice %arg10[%add3A_28, %dma_start3A_246] : memref<10016x48xf32, #tpu.memory_space<vmem_shared>> -> memref<50x48xf32, #tpu.memory_space<vmem_shared>>
      %dma_start3A_248 = arith.constant 0 : i32
      %dma_start3A_249 = arith.constant 0 : i32
      %dma_start3A_250 = tpu.memref_slice %arg9[%dma_start3A_248, %dma_start3A_249] : memref<64x48xf32, #tpu.memory_space<vmem>> -> memref<50x48xf32, #tpu.memory_space<vmem>>
      tpu.enqueue_dma source(%dma_start3A_250 : memref<50x48xf32, #tpu.memory_space<vmem>>) target(%dma_start3A_247 : memref<50x48xf32, #tpu.memory_space<vmem_shared>>) target_semaphore(%run_scoped3A_240 : memref<!tpu.dma_semaphore, #tpu.memory_space<semaphore_mem>>)
      %dma_wait3A_251 = arith.constant 0 : i32
      %dma_wait3A_252 = arith.constant 0 : i32
      %dma_wait3A_253 = tpu.memref_slice %arg9[%dma_wait3A_251, %dma_wait3A_252] : memref<64x48xf32, #tpu.memory_space<vmem>> -> memref<50x48xf32, #tpu.memory_space<vmem>>
      %dma_wait3A_254 = arith.constant 0 : i32
      %dma_wait3A_255 = tpu.memref_slice %arg10[%add3A_28, %dma_wait3A_254] : memref<10016x48xf32, #tpu.memory_space<vmem_shared>> -> memref<50x48xf32, #tpu.memory_space<vmem_shared>>
      %dma_wait3A_256 = arith.constant 0 : i32
      %dma_wait3A_257 = tpu.memref_slice %arg10[%add3A_28, %dma_wait3A_256] : memref<10016x48xf32, #tpu.memory_space<vmem_shared>> -> memref<50x48xf32, #tpu.memory_space<vmem_shared>>
      %dma_wait3A_258 = arith.constant 0 : i32
      %dma_wait3A_259 = arith.constant 0 : i32
      %dma_wait3A_260 = tpu.memref_slice %arg9[%dma_wait3A_258, %dma_wait3A_259] : memref<64x48xf32, #tpu.memory_space<vmem>> -> memref<50x48xf32, #tpu.memory_space<vmem>>
      tpu.wait_dma2 semaphore(%run_scoped3A_240 : memref<!tpu.dma_semaphore, #tpu.memory_space<semaphore_mem>>) src(%dma_wait3A_260 : memref<50x48xf32, #tpu.memory_space<vmem>>) dst(%dma_wait3A_257 : memref<50x48xf32, #tpu.memory_space<vmem_shared>>)
      tpu.yield
    }) : () -> ()
    %mul3A_29 = arith.constant 157 : i32
    %mul3A_30 = arith.muli %add3A, %mul3A_29 : i32
    "tpu.region"() ({
      %run_scoped3A_240 = tpu.sem_alloc : memref<!tpu.dma_semaphore, #tpu.memory_space<semaphore_mem>>
      %dma_start3A_241 = arith.constant 0 : i32
      %dma_start3A_242 = tpu.memref_slice %arg2[%mul3A_30, %dma_start3A_241] : memref<5024x128xi32, #tpu.memory_space<hbm>> -> memref<157x128xi32, #tpu.memory_space<hbm>>
      %dma_start3A_243 = arith.constant 0 : i32
      %dma_start3A_244 = tpu.memref_slice %arg2[%mul3A_30, %dma_start3A_243] : memref<5024x128xi32, #tpu.memory_space<hbm>> -> memref<157x128xi32, #tpu.memory_space<hbm>>
      tpu.enqueue_dma source(%dma_start3A_244 : memref<157x128xi32, #tpu.memory_space<hbm>>) target(%arg6 : memref<157x128xi32, #tpu.memory_space<vmem>>) target_semaphore(%run_scoped3A_240 : memref<!tpu.dma_semaphore, #tpu.memory_space<semaphore_mem>>)
      %dma_wait3A_245 = arith.constant 0 : i32
      %dma_wait3A_246 = tpu.memref_slice %arg2[%mul3A_30, %dma_wait3A_245] : memref<5024x128xi32, #tpu.memory_space<hbm>> -> memref<157x128xi32, #tpu.memory_space<hbm>>
      %dma_wait3A_247 = arith.constant 0 : i32
      %dma_wait3A_248 = tpu.memref_slice %arg2[%mul3A_30, %dma_wait3A_247] : memref<5024x128xi32, #tpu.memory_space<hbm>> -> memref<157x128xi32, #tpu.memory_space<hbm>>
      tpu.wait_dma2 semaphore(%run_scoped3A_240 : memref<!tpu.dma_semaphore, #tpu.memory_space<semaphore_mem>>) src(%dma_wait3A_248 : memref<157x128xi32, #tpu.memory_space<hbm>>) dst(%arg6 : memref<157x128xi32, #tpu.memory_space<vmem>>)
      tpu.yield
    }) : () -> ()
    %mul3A_31 = arith.constant 157 : i32
    %mul3A_32 = arith.muli %add3A, %mul3A_31 : i32
    "tpu.region"() ({
      %run_scoped3A_240 = tpu.sem_alloc : memref<!tpu.dma_semaphore, #tpu.memory_space<semaphore_mem>>
      %dma_start3A_241 = arith.constant 0 : i32
      %dma_start3A_242 = tpu.memref_slice %arg3[%mul3A_32, %dma_start3A_241] : memref<5024x128xi32, #tpu.memory_space<hbm>> -> memref<157x128xi32, #tpu.memory_space<hbm>>
      %dma_start3A_243 = arith.constant 0 : i32
      %dma_start3A_244 = tpu.memref_slice %arg3[%mul3A_32, %dma_start3A_243] : memref<5024x128xi32, #tpu.memory_space<hbm>> -> memref<157x128xi32, #tpu.memory_space<hbm>>
      tpu.enqueue_dma source(%dma_start3A_244 : memref<157x128xi32, #tpu.memory_space<hbm>>) target(%arg7 : memref<157x128xi32, #tpu.memory_space<vmem>>) target_semaphore(%run_scoped3A_240 : memref<!tpu.dma_semaphore, #tpu.memory_space<semaphore_mem>>)
      %dma_wait3A_245 = arith.constant 0 : i32
      %dma_wait3A_246 = tpu.memref_slice %arg3[%mul3A_32, %dma_wait3A_245] : memref<5024x128xi32, #tpu.memory_space<hbm>> -> memref<157x128xi32, #tpu.memory_space<hbm>>
      %dma_wait3A_247 = arith.constant 0 : i32
      %dma_wait3A_248 = tpu.memref_slice %arg3[%mul3A_32, %dma_wait3A_247] : memref<5024x128xi32, #tpu.memory_space<hbm>> -> memref<157x128xi32, #tpu.memory_space<hbm>>
      tpu.wait_dma2 semaphore(%run_scoped3A_240 : memref<!tpu.dma_semaphore, #tpu.memory_space<semaphore_mem>>) src(%dma_wait3A_248 : memref<157x128xi32, #tpu.memory_space<hbm>>) dst(%arg7 : memref<157x128xi32, #tpu.memory_space<vmem>>)
      tpu.yield
    }) : () -> ()
    %barrier3A = arith.constant 0 : index
    tpu.barrier barrier_id(%barrier3A)
    %dma_start3A = arith.constant 0 : i32
    %dma_start3A_33 = arith.constant 0 : i32
    %dma_start3A_34 = arith.constant 0 : i32
    %dma_start3A_35 = arith.constant 0 : i32
    %dma_start3A_36 = arith.constant 0 : i32
    %dma_start3A_37 = tpu.memref_slice %arg8[%dma_start3A_33, %dma_start3A_34, %dma_start3A_35, %dma_start3A_36] : memref<2x3x128x48xf32, #tpu.memory_space<vmem>> -> memref<1x1x128x48xf32, #tpu.memory_space<vmem>>
    %dma_start3A_38 = tpu.memref_squeeze %dma_start3A_37 : memref<1x1x128x48xf32, #tpu.memory_space<vmem>> -> memref<128x48xf32, #tpu.memory_space<vmem>>
    %dma_start3A_39 = arith.constant 0 : i32
    %dma_start3A_40 = tpu.memref_slice %arg6[%dma_start3A, %dma_start3A_39] : memref<157x128xi32, #tpu.memory_space<vmem>> -> memref<1x128xi32, #tpu.memory_space<vmem>>
    %dma_start3A_41 = tpu.memref_squeeze %dma_start3A_40 : memref<1x128xi32, #tpu.memory_space<vmem>> -> memref<128xi32, #tpu.memory_space<vmem>>
    %dma_start3A_42 = arith.constant 0 : i32
    %dma_start3A_43 = arith.constant 0 : i32
    %dma_start3A_44 = tpu.memref_slice %arg4[%dma_start3A_42, %dma_start3A_43] : memref<10000x48xf32, #tpu.memory_space<hbm>> -> memref<10000x48xf32, #tpu.memory_space<hbm>>
    tpu.enqueue_indirect_dma source(%dma_start3A_44 : memref<10000x48xf32, #tpu.memory_space<hbm>>) target(%dma_start3A_38 : memref<128x48xf32, #tpu.memory_space<vmem>>) offsets(%dma_start3A_41 : memref<128xi32, #tpu.memory_space<vmem>>) semaphore(%arg11 : memref<!tpu.dma_semaphore, #tpu.memory_space<semaphore_mem>>)
    %dma_start3A_45 = arith.constant 1 : i32
    %dma_start3A_46 = arith.constant 0 : i32
    %dma_start3A_47 = arith.constant 1 : i32
    %dma_start3A_48 = arith.constant 0 : i32
    %dma_start3A_49 = arith.constant 0 : i32
    %dma_start3A_50 = tpu.memref_slice %arg8[%dma_start3A_46, %dma_start3A_47, %dma_start3A_48, %dma_start3A_49] : memref<2x3x128x48xf32, #tpu.memory_space<vmem>> -> memref<1x1x128x48xf32, #tpu.memory_space<vmem>>
    %dma_start3A_51 = tpu.memref_squeeze %dma_start3A_50 : memref<1x1x128x48xf32, #tpu.memory_space<vmem>> -> memref<128x48xf32, #tpu.memory_space<vmem>>
    %dma_start3A_52 = arith.constant 0 : i32
    %dma_start3A_53 = tpu.memref_slice %arg6[%dma_start3A_45, %dma_start3A_52] : memref<157x128xi32, #tpu.memory_space<vmem>> -> memref<1x128xi32, #tpu.memory_space<vmem>>
    %dma_start3A_54 = tpu.memref_squeeze %dma_start3A_53 : memref<1x128xi32, #tpu.memory_space<vmem>> -> memref<128xi32, #tpu.memory_space<vmem>>
    %dma_start3A_55 = arith.constant 0 : i32
    %dma_start3A_56 = arith.constant 0 : i32
    %dma_start3A_57 = tpu.memref_slice %arg4[%dma_start3A_55, %dma_start3A_56] : memref<10000x48xf32, #tpu.memory_space<hbm>> -> memref<10000x48xf32, #tpu.memory_space<hbm>>
    tpu.enqueue_indirect_dma source(%dma_start3A_57 : memref<10000x48xf32, #tpu.memory_space<hbm>>) target(%dma_start3A_51 : memref<128x48xf32, #tpu.memory_space<vmem>>) offsets(%dma_start3A_54 : memref<128xi32, #tpu.memory_space<vmem>>) semaphore(%arg11 : memref<!tpu.dma_semaphore, #tpu.memory_space<semaphore_mem>>)
    %dma_start3A_58 = arith.constant 2 : i32
    %dma_start3A_59 = arith.constant 0 : i32
    %dma_start3A_60 = arith.constant 2 : i32
    %dma_start3A_61 = arith.constant 0 : i32
    %dma_start3A_62 = arith.constant 0 : i32
    %dma_start3A_63 = tpu.memref_slice %arg8[%dma_start3A_59, %dma_start3A_60, %dma_start3A_61, %dma_start3A_62] : memref<2x3x128x48xf32, #tpu.memory_space<vmem>> -> memref<1x1x128x48xf32, #tpu.memory_space<vmem>>
    %dma_start3A_64 = tpu.memref_squeeze %dma_start3A_63 : memref<1x1x128x48xf32, #tpu.memory_space<vmem>> -> memref<128x48xf32, #tpu.memory_space<vmem>>
    %dma_start3A_65 = arith.constant 0 : i32
    %dma_start3A_66 = tpu.memref_slice %arg6[%dma_start3A_58, %dma_start3A_65] : memref<157x128xi32, #tpu.memory_space<vmem>> -> memref<1x128xi32, #tpu.memory_space<vmem>>
    %dma_start3A_67 = tpu.memref_squeeze %dma_start3A_66 : memref<1x128xi32, #tpu.memory_space<vmem>> -> memref<128xi32, #tpu.memory_space<vmem>>
    %dma_start3A_68 = arith.constant 0 : i32
    %dma_start3A_69 = arith.constant 0 : i32
    %dma_start3A_70 = tpu.memref_slice %arg4[%dma_start3A_68, %dma_start3A_69] : memref<10000x48xf32, #tpu.memory_space<hbm>> -> memref<10000x48xf32, #tpu.memory_space<hbm>>
    tpu.enqueue_indirect_dma source(%dma_start3A_70 : memref<10000x48xf32, #tpu.memory_space<hbm>>) target(%dma_start3A_64 : memref<128x48xf32, #tpu.memory_space<vmem>>) offsets(%dma_start3A_67 : memref<128xi32, #tpu.memory_space<vmem>>) semaphore(%arg11 : memref<!tpu.dma_semaphore, #tpu.memory_space<semaphore_mem>>)
    %scan3A_71 = arith.constant 0 : i32
    %scan3A_72 = arith.constant 0 : i32
    %scan3A_73 = arith.constant 25 : i32
    %scan3A_74 = arith.addi %scan3A_72, %scan3A_73 : i32
    %scan3A_75 = arith.constant 1 : i32
    scf.for %scan3A_240 = %scan3A_72 to %scan3A_74 step %scan3A_75  : i32 {
      %dma_wait3A_241 = arith.constant 0 : i32
      %dma_wait3A_242 = arith.constant 0 : i32
      %dma_wait3A_243 = arith.constant 0 : i32
      %dma_wait3A_244 = arith.constant 0 : i32
      %dma_wait3A_245 = arith.constant 0 : i32
      %dma_wait3A_246 = tpu.memref_slice %arg8[%dma_wait3A_242, %dma_wait3A_243, %dma_wait3A_244, %dma_wait3A_245] : memref<2x3x128x48xf32, #tpu.memory_space<vmem>> -> memref<1x1x128x48xf32, #tpu.memory_space<vmem>>
      %dma_wait3A_247 = tpu.memref_squeeze %dma_wait3A_246 : memref<1x1x128x48xf32, #tpu.memory_space<vmem>> -> memref<128x48xf32, #tpu.memory_space<vmem>>
      %dma_wait3A_248 = arith.constant 0 : i32
      %dma_wait3A_249 = tpu.memref_slice %arg6[%dma_wait3A_241, %dma_wait3A_248] : memref<157x128xi32, #tpu.memory_space<vmem>> -> memref<1x128xi32, #tpu.memory_space<vmem>>
      %dma_wait3A_250 = tpu.memref_squeeze %dma_wait3A_249 : memref<1x128xi32, #tpu.memory_space<vmem>> -> memref<128xi32, #tpu.memory_space<vmem>>
      %dma_wait3A_251 = arith.constant 0 : i32
      %dma_wait3A_252 = arith.constant 0 : i32
      %dma_wait3A_253 = tpu.memref_slice %arg4[%dma_wait3A_251, %dma_wait3A_252] : memref<10000x48xf32, #tpu.memory_space<hbm>> -> memref<10000x48xf32, #tpu.memory_space<hbm>>
      tpu.wait_indirect_dma semaphore(%arg11 : memref<!tpu.dma_semaphore, #tpu.memory_space<semaphore_mem>>) src(%dma_wait3A_253 : memref<10000x48xf32, #tpu.memory_space<hbm>>) dst(%dma_wait3A_247 : memref<128x48xf32, #tpu.memory_space<vmem>>)
      %dma_wait3A_254 = arith.constant 0 : i32
      %dma_wait3A_255 = arith.constant 0 : i32
      %dma_wait3A_256 = arith.constant 1 : i32
      %dma_wait3A_257 = arith.constant 0 : i32
      %dma_wait3A_258 = arith.constant 0 : i32
      %dma_wait3A_259 = tpu.memref_slice %arg8[%dma_wait3A_255, %dma_wait3A_256, %dma_wait3A_257, %dma_wait3A_258] : memref<2x3x128x48xf32, #tpu.memory_space<vmem>> -> memref<1x1x128x48xf32, #tpu.memory_space<vmem>>
      %dma_wait3A_260 = tpu.memref_squeeze %dma_wait3A_259 : memref<1x1x128x48xf32, #tpu.memory_space<vmem>> -> memref<128x48xf32, #tpu.memory_space<vmem>>
      %dma_wait3A_261 = arith.constant 0 : i32
      %dma_wait3A_262 = tpu.memref_slice %arg6[%dma_wait3A_254, %dma_wait3A_261] : memref<157x128xi32, #tpu.memory_space<vmem>> -> memref<1x128xi32, #tpu.memory_space<vmem>>
      %dma_wait3A_263 = tpu.memref_squeeze %dma_wait3A_262 : memref<1x128xi32, #tpu.memory_space<vmem>> -> memref<128xi32, #tpu.memory_space<vmem>>
      %dma_wait3A_264 = arith.constant 0 : i32
      %dma_wait3A_265 = arith.constant 0 : i32
      %dma_wait3A_266 = tpu.memref_slice %arg4[%dma_wait3A_264, %dma_wait3A_265] : memref<10000x48xf32, #tpu.memory_space<hbm>> -> memref<10000x48xf32, #tpu.memory_space<hbm>>
      tpu.wait_indirect_dma semaphore(%arg11 : memref<!tpu.dma_semaphore, #tpu.memory_space<semaphore_mem>>) src(%dma_wait3A_266 : memref<10000x48xf32, #tpu.memory_space<hbm>>) dst(%dma_wait3A_260 : memref<128x48xf32, #tpu.memory_space<vmem>>)
      %dma_wait3A_267 = arith.constant 0 : i32
      %dma_wait3A_268 = arith.constant 0 : i32
      %dma_wait3A_269 = arith.constant 2 : i32
      %dma_wait3A_270 = arith.constant 0 : i32
      %dma_wait3A_271 = arith.constant 0 : i32
      %dma_wait3A_272 = tpu.memref_slice %arg8[%dma_wait3A_268, %dma_wait3A_269, %dma_wait3A_270, %dma_wait3A_271] : memref<2x3x128x48xf32, #tpu.memory_space<vmem>> -> memref<1x1x128x48xf32, #tpu.memory_space<vmem>>
      %dma_wait3A_273 = tpu.memref_squeeze %dma_wait3A_272 : memref<1x1x128x48xf32, #tpu.memory_space<vmem>> -> memref<128x48xf32, #tpu.memory_space<vmem>>
      %dma_wait3A_274 = arith.constant 0 : i32
      %dma_wait3A_275 = tpu.memref_slice %arg6[%dma_wait3A_267, %dma_wait3A_274] : memref<157x128xi32, #tpu.memory_space<vmem>> -> memref<1x128xi32, #tpu.memory_space<vmem>>
      %dma_wait3A_276 = tpu.memref_squeeze %dma_wait3A_275 : memref<1x128xi32, #tpu.memory_space<vmem>> -> memref<128xi32, #tpu.memory_space<vmem>>
      %dma_wait3A_277 = arith.constant 0 : i32
      %dma_wait3A_278 = arith.constant 0 : i32
      %dma_wait3A_279 = tpu.memref_slice %arg4[%dma_wait3A_277, %dma_wait3A_278] : memref<10000x48xf32, #tpu.memory_space<hbm>> -> memref<10000x48xf32, #tpu.memory_space<hbm>>
      tpu.wait_indirect_dma semaphore(%arg11 : memref<!tpu.dma_semaphore, #tpu.memory_space<semaphore_mem>>) src(%dma_wait3A_279 : memref<10000x48xf32, #tpu.memory_space<hbm>>) dst(%dma_wait3A_273 : memref<128x48xf32, #tpu.memory_space<vmem>>)
      %mul3A_280 = arith.constant 2 : i32
      %mul3A_281 = arith.muli %mul3A_280, %scan3A_240 : i32
      %add3A_282 = arith.constant 1 : i32
      %add3A_283 = arith.addi %mul3A_281, %add3A_282 : i32
      %mul3A_284 = arith.constant 3 : i32
      %mul3A_285 = arith.muli %add3A_283, %mul3A_284 : i32
      %add3A_286 = arith.constant 0 : i32
      %add3A_287 = arith.addi %mul3A_285, %add3A_286 : i32
      %dma_start3A_288 = arith.constant 1 : i32
      %dma_start3A_289 = arith.constant 0 : i32
      %dma_start3A_290 = arith.constant 0 : i32
      %dma_start3A_291 = arith.constant 0 : i32
      %dma_start3A_292 = tpu.memref_slice %arg8[%dma_start3A_288, %dma_start3A_289, %dma_start3A_290, %dma_start3A_291] : memref<2x3x128x48xf32, #tpu.memory_space<vmem>> -> memref<1x1x128x48xf32, #tpu.memory_space<vmem>>
      %dma_start3A_293 = tpu.memref_squeeze %dma_start3A_292 : memref<1x1x128x48xf32, #tpu.memory_space<vmem>> -> memref<128x48xf32, #tpu.memory_space<vmem>>
      %dma_start3A_294 = arith.constant 0 : i32
      %dma_start3A_295 = tpu.memref_slice %arg6[%add3A_287, %dma_start3A_294] : memref<157x128xi32, #tpu.memory_space<vmem>> -> memref<1x128xi32, #tpu.memory_space<vmem>>
      %dma_start3A_296 = tpu.memref_squeeze %dma_start3A_295 : memref<1x128xi32, #tpu.memory_space<vmem>> -> memref<128xi32, #tpu.memory_space<vmem>>
      %dma_start3A_297 = arith.constant 0 : i32
      %dma_start3A_298 = arith.constant 0 : i32
      %dma_start3A_299 = tpu.memref_slice %arg4[%dma_start3A_297, %dma_start3A_298] : memref<10000x48xf32, #tpu.memory_space<hbm>> -> memref<10000x48xf32, #tpu.memory_space<hbm>>
      tpu.enqueue_indirect_dma source(%dma_start3A_299 : memref<10000x48xf32, #tpu.memory_space<hbm>>) target(%dma_start3A_293 : memref<128x48xf32, #tpu.memory_space<vmem>>) offsets(%dma_start3A_296 : memref<128xi32, #tpu.memory_space<vmem>>) semaphore(%arg12 : memref<!tpu.dma_semaphore, #tpu.memory_space<semaphore_mem>>)
      %mul3A_300 = arith.constant 3 : i32
      %mul3A_301 = arith.muli %add3A_283, %mul3A_300 : i32
      %add3A_302 = arith.constant 1 : i32
      %add3A_303 = arith.addi %mul3A_301, %add3A_302 : i32
      %dma_start3A_304 = arith.constant 1 : i32
      %dma_start3A_305 = arith.constant 1 : i32
      %dma_start3A_306 = arith.constant 0 : i32
      %dma_start3A_307 = arith.constant 0 : i32
      %dma_start3A_308 = tpu.memref_slice %arg8[%dma_start3A_304, %dma_start3A_305, %dma_start3A_306, %dma_start3A_307] : memref<2x3x128x48xf32, #tpu.memory_space<vmem>> -> memref<1x1x128x48xf32, #tpu.memory_space<vmem>>
      %dma_start3A_309 = tpu.memref_squeeze %dma_start3A_308 : memref<1x1x128x48xf32, #tpu.memory_space<vmem>> -> memref<128x48xf32, #tpu.memory_space<vmem>>
      %dma_start3A_310 = arith.constant 0 : i32
      %dma_start3A_311 = tpu.memref_slice %arg6[%add3A_303, %dma_start3A_310] : memref<157x128xi32, #tpu.memory_space<vmem>> -> memref<1x128xi32, #tpu.memory_space<vmem>>
      %dma_start3A_312 = tpu.memref_squeeze %dma_start3A_311 : memref<1x128xi32, #tpu.memory_space<vmem>> -> memref<128xi32, #tpu.memory_space<vmem>>
      %dma_start3A_313 = arith.constant 0 : i32
      %dma_start3A_314 = arith.constant 0 : i32
      %dma_start3A_315 = tpu.memref_slice %arg4[%dma_start3A_313, %dma_start3A_314] : memref<10000x48xf32, #tpu.memory_space<hbm>> -> memref<10000x48xf32, #tpu.memory_space<hbm>>
      tpu.enqueue_indirect_dma source(%dma_start3A_315 : memref<10000x48xf32, #tpu.memory_space<hbm>>) target(%dma_start3A_309 : memref<128x48xf32, #tpu.memory_space<vmem>>) offsets(%dma_start3A_312 : memref<128xi32, #tpu.memory_space<vmem>>) semaphore(%arg12 : memref<!tpu.dma_semaphore, #tpu.memory_space<semaphore_mem>>)
      %mul3A_316 = arith.constant 3 : i32
      %mul3A_317 = arith.muli %add3A_283, %mul3A_316 : i32
      %add3A_318 = arith.constant 2 : i32
      %add3A_319 = arith.addi %mul3A_317, %add3A_318 : i32
      %dma_start3A_320 = arith.constant 1 : i32
      %dma_start3A_321 = arith.constant 2 : i32
      %dma_start3A_322 = arith.constant 0 : i32
      %dma_start3A_323 = arith.constant 0 : i32
      %dma_start3A_324 = tpu.memref_slice %arg8[%dma_start3A_320, %dma_start3A_321, %dma_start3A_322, %dma_start3A_323] : memref<2x3x128x48xf32, #tpu.memory_space<vmem>> -> memref<1x1x128x48xf32, #tpu.memory_space<vmem>>
      %dma_start3A_325 = tpu.memref_squeeze %dma_start3A_324 : memref<1x1x128x48xf32, #tpu.memory_space<vmem>> -> memref<128x48xf32, #tpu.memory_space<vmem>>
      %dma_start3A_326 = arith.constant 0 : i32
      %dma_start3A_327 = tpu.memref_slice %arg6[%add3A_319, %dma_start3A_326] : memref<157x128xi32, #tpu.memory_space<vmem>> -> memref<1x128xi32, #tpu.memory_space<vmem>>
      %dma_start3A_328 = tpu.memref_squeeze %dma_start3A_327 : memref<1x128xi32, #tpu.memory_space<vmem>> -> memref<128xi32, #tpu.memory_space<vmem>>
      %dma_start3A_329 = arith.constant 0 : i32
      %dma_start3A_330 = arith.constant 0 : i32
      %dma_start3A_331 = tpu.memref_slice %arg4[%dma_start3A_329, %dma_start3A_330] : memref<10000x48xf32, #tpu.memory_space<hbm>> -> memref<10000x48xf32, #tpu.memory_space<hbm>>
      tpu.enqueue_indirect_dma source(%dma_start3A_331 : memref<10000x48xf32, #tpu.memory_space<hbm>>) target(%dma_start3A_325 : memref<128x48xf32, #tpu.memory_space<vmem>>) offsets(%dma_start3A_328 : memref<128xi32, #tpu.memory_space<vmem>>) semaphore(%arg12 : memref<!tpu.dma_semaphore, #tpu.memory_space<semaphore_mem>>)
      %mul3A_332 = arith.constant 2 : i32
      %mul3A_333 = arith.muli %mul3A_332, %scan3A_240 : i32
      %mul3A_334 = arith.constant 3 : i32
      %mul3A_335 = arith.muli %mul3A_333, %mul3A_334 : i32
      %add3A_336 = arith.constant 0 : i32
      %add3A_337 = arith.addi %mul3A_335, %add3A_336 : i32
      %run_scoped3A_338 = arith.constant 0 : i32
      %run_scoped3A_339 = arith.constant 0 : i32
      "tpu.region"() ({
        %run_scoped3A_465 = tpu.sem_alloc : memref<!tpu.dma_semaphore, #tpu.memory_space<semaphore_mem>>
        %dma_start3A_466 = arith.constant 0 : i32
        %dma_start3A_467 = arith.constant 0 : i32
        %dma_start3A_468 = tpu.memref_slice %arg8[%run_scoped3A_338, %run_scoped3A_339, %dma_start3A_466, %dma_start3A_467] : memref<2x3x128x48xf32, #tpu.memory_space<vmem>> -> memref<1x1x128x48xf32, #tpu.memory_space<vmem>>
        %dma_start3A_469 = tpu.memref_squeeze %dma_start3A_468 : memref<1x1x128x48xf32, #tpu.memory_space<vmem>> -> memref<128x48xf32, #tpu.memory_space<vmem>>
        %dma_start3A_470 = arith.constant 0 : i32
        %dma_start3A_471 = tpu.memref_slice %arg7[%add3A_337, %dma_start3A_470] : memref<157x128xi32, #tpu.memory_space<vmem>> -> memref<1x128xi32, #tpu.memory_space<vmem>>
        %dma_start3A_472 = tpu.memref_squeeze %dma_start3A_471 : memref<1x128xi32, #tpu.memory_space<vmem>> -> memref<128xi32, #tpu.memory_space<vmem>>
        %dma_start3A_473 = arith.constant 0 : i32
        %dma_start3A_474 = arith.constant 0 : i32
        %dma_start3A_475 = tpu.memref_slice %arg10[%dma_start3A_473, %dma_start3A_474] : memref<10016x48xf32, #tpu.memory_space<vmem_shared>> -> memref<10016x48xf32, #tpu.memory_space<vmem_shared>>
        tpu.enqueue_indirect_dma source(%dma_start3A_469 : memref<128x48xf32, #tpu.memory_space<vmem>>) target(%dma_start3A_475 : memref<10016x48xf32, #tpu.memory_space<vmem_shared>>) offsets(%dma_start3A_472 : memref<128xi32, #tpu.memory_space<vmem>>) semaphore(%run_scoped3A_465 : memref<!tpu.dma_semaphore, #tpu.memory_space<semaphore_mem>>) {add = true}
        %dma_wait3A_476 = arith.constant 0 : i32
        %dma_wait3A_477 = arith.constant 0 : i32
        %dma_wait3A_478 = tpu.memref_slice %arg8[%run_scoped3A_338, %run_scoped3A_339, %dma_wait3A_476, %dma_wait3A_477] : memref<2x3x128x48xf32, #tpu.memory_space<vmem>> -> memref<1x1x128x48xf32, #tpu.memory_space<vmem>>
        %dma_wait3A_479 = tpu.memref_squeeze %dma_wait3A_478 : memref<1x1x128x48xf32, #tpu.memory_space<vmem>> -> memref<128x48xf32, #tpu.memory_space<vmem>>
        %dma_wait3A_480 = arith.constant 0 : i32
        %dma_wait3A_481 = tpu.memref_slice %arg7[%add3A_337, %dma_wait3A_480] : memref<157x128xi32, #tpu.memory_space<vmem>> -> memref<1x128xi32, #tpu.memory_space<vmem>>
        %dma_wait3A_482 = tpu.memref_squeeze %dma_wait3A_481 : memref<1x128xi32, #tpu.memory_space<vmem>> -> memref<128xi32, #tpu.memory_space<vmem>>
        %dma_wait3A_483 = arith.constant 0 : i32
        %dma_wait3A_484 = arith.constant 0 : i32
        %dma_wait3A_485 = tpu.memref_slice %arg10[%dma_wait3A_483, %dma_wait3A_484] : memref<10016x48xf32, #tpu.memory_space<vmem_shared>> -> memref<10016x48xf32, #tpu.memory_space<vmem_shared>>
        tpu.wait_indirect_dma semaphore(%run_scoped3A_465 : memref<!tpu.dma_semaphore, #tpu.memory_space<semaphore_mem>>) src(%dma_wait3A_479 : memref<128x48xf32, #tpu.memory_space<vmem>>) dst(%dma_wait3A_485 : memref<10016x48xf32, #tpu.memory_space<vmem_shared>>)
        tpu.yield
      }) : () -> ()
      %mul3A_340 = arith.constant 3 : i32
      %mul3A_341 = arith.muli %mul3A_333, %mul3A_340 : i32
      %add3A_342 = arith.constant 1 : i32
      %add3A_343 = arith.addi %mul3A_341, %add3A_342 : i32
      %run_scoped3A_344 = arith.constant 0 : i32
      %run_scoped3A_345 = arith.constant 1 : i32
      "tpu.region"() ({
        %run_scoped3A_465 = tpu.sem_alloc : memref<!tpu.dma_semaphore, #tpu.memory_space<semaphore_mem>>
        %dma_start3A_466 = arith.constant 0 : i32
        %dma_start3A_467 = arith.constant 0 : i32
        %dma_start3A_468 = tpu.memref_slice %arg8[%run_scoped3A_344, %run_scoped3A_345, %dma_start3A_466, %dma_start3A_467] : memref<2x3x128x48xf32, #tpu.memory_space<vmem>> -> memref<1x1x128x48xf32, #tpu.memory_space<vmem>>
        %dma_start3A_469 = tpu.memref_squeeze %dma_start3A_468 : memref<1x1x128x48xf32, #tpu.memory_space<vmem>> -> memref<128x48xf32, #tpu.memory_space<vmem>>
        %dma_start3A_470 = arith.constant 0 : i32
        %dma_start3A_471 = tpu.memref_slice %arg7[%add3A_343, %dma_start3A_470] : memref<157x128xi32, #tpu.memory_space<vmem>> -> memref<1x128xi32, #tpu.memory_space<vmem>>
        %dma_start3A_472 = tpu.memref_squeeze %dma_start3A_471 : memref<1x128xi32, #tpu.memory_space<vmem>> -> memref<128xi32, #tpu.memory_space<vmem>>
        %dma_start3A_473 = arith.constant 0 : i32
        %dma_start3A_474 = arith.constant 0 : i32
        %dma_start3A_475 = tpu.memref_slice %arg10[%dma_start3A_473, %dma_start3A_474] : memref<10016x48xf32, #tpu.memory_space<vmem_shared>> -> memref<10016x48xf32, #tpu.memory_space<vmem_shared>>
        tpu.enqueue_indirect_dma source(%dma_start3A_469 : memref<128x48xf32, #tpu.memory_space<vmem>>) target(%dma_start3A_475 : memref<10016x48xf32, #tpu.memory_space<vmem_shared>>) offsets(%dma_start3A_472 : memref<128xi32, #tpu.memory_space<vmem>>) semaphore(%run_scoped3A_465 : memref<!tpu.dma_semaphore, #tpu.memory_space<semaphore_mem>>) {add = true}
        %dma_wait3A_476 = arith.constant 0 : i32
        %dma_wait3A_477 = arith.constant 0 : i32
        %dma_wait3A_478 = tpu.memref_slice %arg8[%run_scoped3A_344, %run_scoped3A_345, %dma_wait3A_476, %dma_wait3A_477] : memref<2x3x128x48xf32, #tpu.memory_space<vmem>> -> memref<1x1x128x48xf32, #tpu.memory_space<vmem>>
        %dma_wait3A_479 = tpu.memref_squeeze %dma_wait3A_478 : memref<1x1x128x48xf32, #tpu.memory_space<vmem>> -> memref<128x48xf32, #tpu.memory_space<vmem>>
        %dma_wait3A_480 = arith.constant 0 : i32
        %dma_wait3A_481 = tpu.memref_slice %arg7[%add3A_343, %dma_wait3A_480] : memref<157x128xi32, #tpu.memory_space<vmem>> -> memref<1x128xi32, #tpu.memory_space<vmem>>
        %dma_wait3A_482 = tpu.memref_squeeze %dma_wait3A_481 : memref<1x128xi32, #tpu.memory_space<vmem>> -> memref<128xi32, #tpu.memory_space<vmem>>
        %dma_wait3A_483 = arith.constant 0 : i32
        %dma_wait3A_484 = arith.constant 0 : i32
        %dma_wait3A_485 = tpu.memref_slice %arg10[%dma_wait3A_483, %dma_wait3A_484] : memref<10016x48xf32, #tpu.memory_space<vmem_shared>> -> memref<10016x48xf32, #tpu.memory_space<vmem_shared>>
        tpu.wait_indirect_dma semaphore(%run_scoped3A_465 : memref<!tpu.dma_semaphore, #tpu.memory_space<semaphore_mem>>) src(%dma_wait3A_479 : memref<128x48xf32, #tpu.memory_space<vmem>>) dst(%dma_wait3A_485 : memref<10016x48xf32, #tpu.memory_space<vmem_shared>>)
        tpu.yield
      }) : () -> ()
      %mul3A_346 = arith.constant 3 : i32
      %mul3A_347 = arith.muli %mul3A_333, %mul3A_346 : i32
      %add3A_348 = arith.constant 2 : i32
      %add3A_349 = arith.addi %mul3A_347, %add3A_348 : i32
      %run_scoped3A_350 = arith.constant 0 : i32
      %run_scoped3A_351 = arith.constant 2 : i32
      "tpu.region"() ({
        %run_scoped3A_465 = tpu.sem_alloc : memref<!tpu.dma_semaphore, #tpu.memory_space<semaphore_mem>>
        %dma_start3A_466 = arith.constant 0 : i32
        %dma_start3A_467 = arith.constant 0 : i32
        %dma_start3A_468 = tpu.memref_slice %arg8[%run_scoped3A_350, %run_scoped3A_351, %dma_start3A_466, %dma_start3A_467] : memref<2x3x128x48xf32, #tpu.memory_space<vmem>> -> memref<1x1x128x48xf32, #tpu.memory_space<vmem>>
        %dma_start3A_469 = tpu.memref_squeeze %dma_start3A_468 : memref<1x1x128x48xf32, #tpu.memory_space<vmem>> -> memref<128x48xf32, #tpu.memory_space<vmem>>
        %dma_start3A_470 = arith.constant 0 : i32
        %dma_start3A_471 = tpu.memref_slice %arg7[%add3A_349, %dma_start3A_470] : memref<157x128xi32, #tpu.memory_space<vmem>> -> memref<1x128xi32, #tpu.memory_space<vmem>>
        %dma_start3A_472 = tpu.memref_squeeze %dma_start3A_471 : memref<1x128xi32, #tpu.memory_space<vmem>> -> memref<128xi32, #tpu.memory_space<vmem>>
        %dma_start3A_473 = arith.constant 0 : i32
        %dma_start3A_474 = arith.constant 0 : i32
        %dma_start3A_475 = tpu.memref_slice %arg10[%dma_start3A_473, %dma_start3A_474] : memref<10016x48xf32, #tpu.memory_space<vmem_shared>> -> memref<10016x48xf32, #tpu.memory_space<vmem_shared>>
        tpu.enqueue_indirect_dma source(%dma_start3A_469 : memref<128x48xf32, #tpu.memory_space<vmem>>) target(%dma_start3A_475 : memref<10016x48xf32, #tpu.memory_space<vmem_shared>>) offsets(%dma_start3A_472 : memref<128xi32, #tpu.memory_space<vmem>>) semaphore(%run_scoped3A_465 : memref<!tpu.dma_semaphore, #tpu.memory_space<semaphore_mem>>) {add = true}
        %dma_wait3A_476 = arith.constant 0 : i32
        %dma_wait3A_477 = arith.constant 0 : i32
        %dma_wait3A_478 = tpu.memref_slice %arg8[%run_scoped3A_350, %run_scoped3A_351, %dma_wait3A_476, %dma_wait3A_477] : memref<2x3x128x48xf32, #tpu.memory_space<vmem>> -> memref<1x1x128x48xf32, #tpu.memory_space<vmem>>
        %dma_wait3A_479 = tpu.memref_squeeze %dma_wait3A_478 : memref<1x1x128x48xf32, #tpu.memory_space<vmem>> -> memref<128x48xf32, #tpu.memory_space<vmem>>
        %dma_wait3A_480 = arith.constant 0 : i32
        %dma_wait3A_481 = tpu.memref_slice %arg7[%add3A_349, %dma_wait3A_480] : memref<157x128xi32, #tpu.memory_space<vmem>> -> memref<1x128xi32, #tpu.memory_space<vmem>>
        %dma_wait3A_482 = tpu.memref_squeeze %dma_wait3A_481 : memref<1x128xi32, #tpu.memory_space<vmem>> -> memref<128xi32, #tpu.memory_space<vmem>>
        %dma_wait3A_483 = arith.constant 0 : i32
        %dma_wait3A_484 = arith.constant 0 : i32
        %dma_wait3A_485 = tpu.memref_slice %arg10[%dma_wait3A_483, %dma_wait3A_484] : memref<10016x48xf32, #tpu.memory_space<vmem_shared>> -> memref<10016x48xf32, #tpu.memory_space<vmem_shared>>
        tpu.wait_indirect_dma semaphore(%run_scoped3A_465 : memref<!tpu.dma_semaphore, #tpu.memory_space<semaphore_mem>>) src(%dma_wait3A_479 : memref<128x48xf32, #tpu.memory_space<vmem>>) dst(%dma_wait3A_485 : memref<10016x48xf32, #tpu.memory_space<vmem_shared>>)
        tpu.yield
      }) : () -> ()
      %dma_wait3A_352 = arith.constant 0 : i32
      %dma_wait3A_353 = arith.constant 1 : i32
      %dma_wait3A_354 = arith.constant 0 : i32
      %dma_wait3A_355 = arith.constant 0 : i32
      %dma_wait3A_356 = arith.constant 0 : i32
      %dma_wait3A_357 = tpu.memref_slice %arg8[%dma_wait3A_353, %dma_wait3A_354, %dma_wait3A_355, %dma_wait3A_356] : memref<2x3x128x48xf32, #tpu.memory_space<vmem>> -> memref<1x1x128x48xf32, #tpu.memory_space<vmem>>
      %dma_wait3A_358 = tpu.memref_squeeze %dma_wait3A_357 : memref<1x1x128x48xf32, #tpu.memory_space<vmem>> -> memref<128x48xf32, #tpu.memory_space<vmem>>
      %dma_wait3A_359 = arith.constant 0 : i32
      %dma_wait3A_360 = tpu.memref_slice %arg6[%dma_wait3A_352, %dma_wait3A_359] : memref<157x128xi32, #tpu.memory_space<vmem>> -> memref<1x128xi32, #tpu.memory_space<vmem>>
      %dma_wait3A_361 = tpu.memref_squeeze %dma_wait3A_360 : memref<1x128xi32, #tpu.memory_space<vmem>> -> memref<128xi32, #tpu.memory_space<vmem>>
      %dma_wait3A_362 = arith.constant 0 : i32
      %dma_wait3A_363 = arith.constant 0 : i32
      %dma_wait3A_364 = tpu.memref_slice %arg4[%dma_wait3A_362, %dma_wait3A_363] : memref<10000x48xf32, #tpu.memory_space<hbm>> -> memref<10000x48xf32, #tpu.memory_space<hbm>>
      tpu.wait_indirect_dma semaphore(%arg12 : memref<!tpu.dma_semaphore, #tpu.memory_space<semaphore_mem>>) src(%dma_wait3A_364 : memref<10000x48xf32, #tpu.memory_space<hbm>>) dst(%dma_wait3A_358 : memref<128x48xf32, #tpu.memory_space<vmem>>)
      %dma_wait3A_365 = arith.constant 0 : i32
      %dma_wait3A_366 = arith.constant 1 : i32
      %dma_wait3A_367 = arith.constant 1 : i32
      %dma_wait3A_368 = arith.constant 0 : i32
      %dma_wait3A_369 = arith.constant 0 : i32
      %dma_wait3A_370 = tpu.memref_slice %arg8[%dma_wait3A_366, %dma_wait3A_367, %dma_wait3A_368, %dma_wait3A_369] : memref<2x3x128x48xf32, #tpu.memory_space<vmem>> -> memref<1x1x128x48xf32, #tpu.memory_space<vmem>>
      %dma_wait3A_371 = tpu.memref_squeeze %dma_wait3A_370 : memref<1x1x128x48xf32, #tpu.memory_space<vmem>> -> memref<128x48xf32, #tpu.memory_space<vmem>>
      %dma_wait3A_372 = arith.constant 0 : i32
      %dma_wait3A_373 = tpu.memref_slice %arg6[%dma_wait3A_365, %dma_wait3A_372] : memref<157x128xi32, #tpu.memory_space<vmem>> -> memref<1x128xi32, #tpu.memory_space<vmem>>
      %dma_wait3A_374 = tpu.memref_squeeze %dma_wait3A_373 : memref<1x128xi32, #tpu.memory_space<vmem>> -> memref<128xi32, #tpu.memory_space<vmem>>
      %dma_wait3A_375 = arith.constant 0 : i32
      %dma_wait3A_376 = arith.constant 0 : i32
      %dma_wait3A_377 = tpu.memref_slice %arg4[%dma_wait3A_375, %dma_wait3A_376] : memref<10000x48xf32, #tpu.memory_space<hbm>> -> memref<10000x48xf32, #tpu.memory_space<hbm>>
      tpu.wait_indirect_dma semaphore(%arg12 : memref<!tpu.dma_semaphore, #tpu.memory_space<semaphore_mem>>) src(%dma_wait3A_377 : memref<10000x48xf32, #tpu.memory_space<hbm>>) dst(%dma_wait3A_371 : memref<128x48xf32, #tpu.memory_space<vmem>>)
      %dma_wait3A_378 = arith.constant 0 : i32
      %dma_wait3A_379 = arith.constant 1 : i32
      %dma_wait3A_380 = arith.constant 2 : i32
      %dma_wait3A_381 = arith.constant 0 : i32
      %dma_wait3A_382 = arith.constant 0 : i32
      %dma_wait3A_383 = tpu.memref_slice %arg8[%dma_wait3A_379, %dma_wait3A_380, %dma_wait3A_381, %dma_wait3A_382] : memref<2x3x128x48xf32, #tpu.memory_space<vmem>> -> memref<1x1x128x48xf32, #tpu.memory_space<vmem>>
      %dma_wait3A_384 = tpu.memref_squeeze %dma_wait3A_383 : memref<1x1x128x48xf32, #tpu.memory_space<vmem>> -> memref<128x48xf32, #tpu.memory_space<vmem>>
      %dma_wait3A_385 = arith.constant 0 : i32
      %dma_wait3A_386 = tpu.memref_slice %arg6[%dma_wait3A_378, %dma_wait3A_385] : memref<157x128xi32, #tpu.memory_space<vmem>> -> memref<1x128xi32, #tpu.memory_space<vmem>>
      %dma_wait3A_387 = tpu.memref_squeeze %dma_wait3A_386 : memref<1x128xi32, #tpu.memory_space<vmem>> -> memref<128xi32, #tpu.memory_space<vmem>>
      %dma_wait3A_388 = arith.constant 0 : i32
      %dma_wait3A_389 = arith.constant 0 : i32
      %dma_wait3A_390 = tpu.memref_slice %arg4[%dma_wait3A_388, %dma_wait3A_389] : memref<10000x48xf32, #tpu.memory_space<hbm>> -> memref<10000x48xf32, #tpu.memory_space<hbm>>
      tpu.wait_indirect_dma semaphore(%arg12 : memref<!tpu.dma_semaphore, #tpu.memory_space<semaphore_mem>>) src(%dma_wait3A_390 : memref<10000x48xf32, #tpu.memory_space<hbm>>) dst(%dma_wait3A_384 : memref<128x48xf32, #tpu.memory_space<vmem>>)
      %mul3A_391 = arith.constant 2 : i32
      %mul3A_392 = arith.muli %mul3A_391, %scan3A_240 : i32
      %add3A_393 = arith.constant 2 : i32
      %add3A_394 = arith.addi %mul3A_392, %add3A_393 : i32
      %mul3A_395 = arith.constant 3 : i32
      %mul3A_396 = arith.muli %add3A_394, %mul3A_395 : i32
      %add3A_397 = arith.constant 0 : i32
      %add3A_398 = arith.addi %mul3A_396, %add3A_397 : i32
      %dma_start3A_399 = arith.constant 0 : i32
      %dma_start3A_400 = arith.constant 0 : i32
      %dma_start3A_401 = arith.constant 0 : i32
      %dma_start3A_402 = arith.constant 0 : i32
      %dma_start3A_403 = tpu.memref_slice %arg8[%dma_start3A_399, %dma_start3A_400, %dma_start3A_401, %dma_start3A_402] : memref<2x3x128x48xf32, #tpu.memory_space<vmem>> -> memref<1x1x128x48xf32, #tpu.memory_space<vmem>>
      %dma_start3A_404 = tpu.memref_squeeze %dma_start3A_403 : memref<1x1x128x48xf32, #tpu.memory_space<vmem>> -> memref<128x48xf32, #tpu.memory_space<vmem>>
      %dma_start3A_405 = arith.constant 0 : i32
      %dma_start3A_406 = tpu.memref_slice %arg6[%add3A_398, %dma_start3A_405] : memref<157x128xi32, #tpu.memory_space<vmem>> -> memref<1x128xi32, #tpu.memory_space<vmem>>
      %dma_start3A_407 = tpu.memref_squeeze %dma_start3A_406 : memref<1x128xi32, #tpu.memory_space<vmem>> -> memref<128xi32, #tpu.memory_space<vmem>>
      %dma_start3A_408 = arith.constant 0 : i32
      %dma_start3A_409 = arith.constant 0 : i32
      %dma_start3A_410 = tpu.memref_slice %arg4[%dma_start3A_408, %dma_start3A_409] : memref<10000x48xf32, #tpu.memory_space<hbm>> -> memref<10000x48xf32, #tpu.memory_space<hbm>>
      tpu.enqueue_indirect_dma source(%dma_start3A_410 : memref<10000x48xf32, #tpu.memory_space<hbm>>) target(%dma_start3A_404 : memref<128x48xf32, #tpu.memory_space<vmem>>) offsets(%dma_start3A_407 : memref<128xi32, #tpu.memory_space<vmem>>) semaphore(%arg11 : memref<!tpu.dma_semaphore, #tpu.memory_space<semaphore_mem>>)
      %mul3A_411 = arith.constant 3 : i32
      %mul3A_412 = arith.muli %add3A_394, %mul3A_411 : i32
      %add3A_413 = arith.constant 1 : i32
      %add3A_414 = arith.addi %mul3A_412, %add3A_413 : i32
      %dma_start3A_415 = arith.constant 0 : i32
      %dma_start3A_416 = arith.constant 1 : i32
      %dma_start3A_417 = arith.constant 0 : i32
      %dma_start3A_418 = arith.constant 0 : i32
      %dma_start3A_419 = tpu.memref_slice %arg8[%dma_start3A_415, %dma_start3A_416, %dma_start3A_417, %dma_start3A_418] : memref<2x3x128x48xf32, #tpu.memory_space<vmem>> -> memref<1x1x128x48xf32, #tpu.memory_space<vmem>>
      %dma_start3A_420 = tpu.memref_squeeze %dma_start3A_419 : memref<1x1x128x48xf32, #tpu.memory_space<vmem>> -> memref<128x48xf32, #tpu.memory_space<vmem>>
      %dma_start3A_421 = arith.constant 0 : i32
      %dma_start3A_422 = tpu.memref_slice %arg6[%add3A_414, %dma_start3A_421] : memref<157x128xi32, #tpu.memory_space<vmem>> -> memref<1x128xi32, #tpu.memory_space<vmem>>
      %dma_start3A_423 = tpu.memref_squeeze %dma_start3A_422 : memref<1x128xi32, #tpu.memory_space<vmem>> -> memref<128xi32, #tpu.memory_space<vmem>>
      %dma_start3A_424 = arith.constant 0 : i32
      %dma_start3A_425 = arith.constant 0 : i32
      %dma_start3A_426 = tpu.memref_slice %arg4[%dma_start3A_424, %dma_start3A_425] : memref<10000x48xf32, #tpu.memory_space<hbm>> -> memref<10000x48xf32, #tpu.memory_space<hbm>>
      tpu.enqueue_indirect_dma source(%dma_start3A_426 : memref<10000x48xf32, #tpu.memory_space<hbm>>) target(%dma_start3A_420 : memref<128x48xf32, #tpu.memory_space<vmem>>) offsets(%dma_start3A_423 : memref<128xi32, #tpu.memory_space<vmem>>) semaphore(%arg11 : memref<!tpu.dma_semaphore, #tpu.memory_space<semaphore_mem>>)
      %mul3A_427 = arith.constant 3 : i32
      %mul3A_428 = arith.muli %add3A_394, %mul3A_427 : i32
      %add3A_429 = arith.constant 2 : i32
      %add3A_430 = arith.addi %mul3A_428, %add3A_429 : i32
      %dma_start3A_431 = arith.constant 0 : i32
      %dma_start3A_432 = arith.constant 2 : i32
      %dma_start3A_433 = arith.constant 0 : i32
      %dma_start3A_434 = arith.constant 0 : i32
      %dma_start3A_435 = tpu.memref_slice %arg8[%dma_start3A_431, %dma_start3A_432, %dma_start3A_433, %dma_start3A_434] : memref<2x3x128x48xf32, #tpu.memory_space<vmem>> -> memref<1x1x128x48xf32, #tpu.memory_space<vmem>>
      %dma_start3A_436 = tpu.memref_squeeze %dma_start3A_435 : memref<1x1x128x48xf32, #tpu.memory_space<vmem>> -> memref<128x48xf32, #tpu.memory_space<vmem>>
      %dma_start3A_437 = arith.constant 0 : i32
      %dma_start3A_438 = tpu.memref_slice %arg6[%add3A_430, %dma_start3A_437] : memref<157x128xi32, #tpu.memory_space<vmem>> -> memref<1x128xi32, #tpu.memory_space<vmem>>
      %dma_start3A_439 = tpu.memref_squeeze %dma_start3A_438 : memref<1x128xi32, #tpu.memory_space<vmem>> -> memref<128xi32, #tpu.memory_space<vmem>>
      %dma_start3A_440 = arith.constant 0 : i32
      %dma_start3A_441 = arith.constant 0 : i32
      %dma_start3A_442 = tpu.memref_slice %arg4[%dma_start3A_440, %dma_start3A_441] : memref<10000x48xf32, #tpu.memory_space<hbm>> -> memref<10000x48xf32, #tpu.memory_space<hbm>>
      tpu.enqueue_indirect_dma source(%dma_start3A_442 : memref<10000x48xf32, #tpu.memory_space<hbm>>) target(%dma_start3A_436 : memref<128x48xf32, #tpu.memory_space<vmem>>) offsets(%dma_start3A_439 : memref<128xi32, #tpu.memory_space<vmem>>) semaphore(%arg11 : memref<!tpu.dma_semaphore, #tpu.memory_space<semaphore_mem>>)
      %mul3A_443 = arith.constant 2 : i32
      %mul3A_444 = arith.muli %mul3A_443, %scan3A_240 : i32
      %add3A_445 = arith.constant 1 : i32
      %add3A_446 = arith.addi %mul3A_444, %add3A_445 : i32
      %mul3A_447 = arith.constant 3 : i32
      %mul3A_448 = arith.muli %add3A_446, %mul3A_447 : i32
      %add3A_449 = arith.constant 0 : i32
      %add3A_450 = arith.addi %mul3A_448, %add3A_449 : i32
      %run_scoped3A_451 = arith.constant 1 : i32
      %run_scoped3A_452 = arith.constant 0 : i32
      "tpu.region"() ({
        %run_scoped3A_465 = tpu.sem_alloc : memref<!tpu.dma_semaphore, #tpu.memory_space<semaphore_mem>>
        %dma_start3A_466 = arith.constant 0 : i32
        %dma_start3A_467 = arith.constant 0 : i32
        %dma_start3A_468 = tpu.memref_slice %arg8[%run_scoped3A_451, %run_scoped3A_452, %dma_start3A_466, %dma_start3A_467] : memref<2x3x128x48xf32, #tpu.memory_space<vmem>> -> memref<1x1x128x48xf32, #tpu.memory_space<vmem>>
        %dma_start3A_469 = tpu.memref_squeeze %dma_start3A_468 : memref<1x1x128x48xf32, #tpu.memory_space<vmem>> -> memref<128x48xf32, #tpu.memory_space<vmem>>
        %dma_start3A_470 = arith.constant 0 : i32
        %dma_start3A_471 = tpu.memref_slice %arg7[%add3A_450, %dma_start3A_470] : memref<157x128xi32, #tpu.memory_space<vmem>> -> memref<1x128xi32, #tpu.memory_space<vmem>>
        %dma_start3A_472 = tpu.memref_squeeze %dma_start3A_471 : memref<1x128xi32, #tpu.memory_space<vmem>> -> memref<128xi32, #tpu.memory_space<vmem>>
        %dma_start3A_473 = arith.constant 0 : i32
        %dma_start3A_474 = arith.constant 0 : i32
        %dma_start3A_475 = tpu.memref_slice %arg10[%dma_start3A_473, %dma_start3A_474] : memref<10016x48xf32, #tpu.memory_space<vmem_shared>> -> memref<10016x48xf32, #tpu.memory_space<vmem_shared>>
        tpu.enqueue_indirect_dma source(%dma_start3A_469 : memref<128x48xf32, #tpu.memory_space<vmem>>) target(%dma_start3A_475 : memref<10016x48xf32, #tpu.memory_space<vmem_shared>>) offsets(%dma_start3A_472 : memref<128xi32, #tpu.memory_space<vmem>>) semaphore(%run_scoped3A_465 : memref<!tpu.dma_semaphore, #tpu.memory_space<semaphore_mem>>) {add = true}
        %dma_wait3A_476 = arith.constant 0 : i32
        %dma_wait3A_477 = arith.constant 0 : i32
        %dma_wait3A_478 = tpu.memref_slice %arg8[%run_scoped3A_451, %run_scoped3A_452, %dma_wait3A_476, %dma_wait3A_477] : memref<2x3x128x48xf32, #tpu.memory_space<vmem>> -> memref<1x1x128x48xf32, #tpu.memory_space<vmem>>
        %dma_wait3A_479 = tpu.memref_squeeze %dma_wait3A_478 : memref<1x1x128x48xf32, #tpu.memory_space<vmem>> -> memref<128x48xf32, #tpu.memory_space<vmem>>
        %dma_wait3A_480 = arith.constant 0 : i32
        %dma_wait3A_481 = tpu.memref_slice %arg7[%add3A_450, %dma_wait3A_480] : memref<157x128xi32, #tpu.memory_space<vmem>> -> memref<1x128xi32, #tpu.memory_space<vmem>>
        %dma_wait3A_482 = tpu.memref_squeeze %dma_wait3A_481 : memref<1x128xi32, #tpu.memory_space<vmem>> -> memref<128xi32, #tpu.memory_space<vmem>>
        %dma_wait3A_483 = arith.constant 0 : i32
        %dma_wait3A_484 = arith.constant 0 : i32
        %dma_wait3A_485 = tpu.memref_slice %arg10[%dma_wait3A_483, %dma_wait3A_484] : memref<10016x48xf32, #tpu.memory_space<vmem_shared>> -> memref<10016x48xf32, #tpu.memory_space<vmem_shared>>
        tpu.wait_indirect_dma semaphore(%run_scoped3A_465 : memref<!tpu.dma_semaphore, #tpu.memory_space<semaphore_mem>>) src(%dma_wait3A_479 : memref<128x48xf32, #tpu.memory_space<vmem>>) dst(%dma_wait3A_485 : memref<10016x48xf32, #tpu.memory_space<vmem_shared>>)
        tpu.yield
      }) : () -> ()
      %mul3A_453 = arith.constant 3 : i32
      %mul3A_454 = arith.muli %add3A_446, %mul3A_453 : i32
      %add3A_455 = arith.constant 1 : i32
      %add3A_456 = arith.addi %mul3A_454, %add3A_455 : i32
      %run_scoped3A_457 = arith.constant 1 : i32
      %run_scoped3A_458 = arith.constant 1 : i32
      "tpu.region"() ({
        %run_scoped3A_465 = tpu.sem_alloc : memref<!tpu.dma_semaphore, #tpu.memory_space<semaphore_mem>>
        %dma_start3A_466 = arith.constant 0 : i32
        %dma_start3A_467 = arith.constant 0 : i32
        %dma_start3A_468 = tpu.memref_slice %arg8[%run_scoped3A_457, %run_scoped3A_458, %dma_start3A_466, %dma_start3A_467] : memref<2x3x128x48xf32, #tpu.memory_space<vmem>> -> memref<1x1x128x48xf32, #tpu.memory_space<vmem>>
        %dma_start3A_469 = tpu.memref_squeeze %dma_start3A_468 : memref<1x1x128x48xf32, #tpu.memory_space<vmem>> -> memref<128x48xf32, #tpu.memory_space<vmem>>
        %dma_start3A_470 = arith.constant 0 : i32
        %dma_start3A_471 = tpu.memref_slice %arg7[%add3A_456, %dma_start3A_470] : memref<157x128xi32, #tpu.memory_space<vmem>> -> memref<1x128xi32, #tpu.memory_space<vmem>>
        %dma_start3A_472 = tpu.memref_squeeze %dma_start3A_471 : memref<1x128xi32, #tpu.memory_space<vmem>> -> memref<128xi32, #tpu.memory_space<vmem>>
        %dma_start3A_473 = arith.constant 0 : i32
        %dma_start3A_474 = arith.constant 0 : i32
        %dma_start3A_475 = tpu.memref_slice %arg10[%dma_start3A_473, %dma_start3A_474] : memref<10016x48xf32, #tpu.memory_space<vmem_shared>> -> memref<10016x48xf32, #tpu.memory_space<vmem_shared>>
        tpu.enqueue_indirect_dma source(%dma_start3A_469 : memref<128x48xf32, #tpu.memory_space<vmem>>) target(%dma_start3A_475 : memref<10016x48xf32, #tpu.memory_space<vmem_shared>>) offsets(%dma_start3A_472 : memref<128xi32, #tpu.memory_space<vmem>>) semaphore(%run_scoped3A_465 : memref<!tpu.dma_semaphore, #tpu.memory_space<semaphore_mem>>) {add = true}
        %dma_wait3A_476 = arith.constant 0 : i32
        %dma_wait3A_477 = arith.constant 0 : i32
        %dma_wait3A_478 = tpu.memref_slice %arg8[%run_scoped3A_457, %run_scoped3A_458, %dma_wait3A_476, %dma_wait3A_477] : memref<2x3x128x48xf32, #tpu.memory_space<vmem>> -> memref<1x1x128x48xf32, #tpu.memory_space<vmem>>
        %dma_wait3A_479 = tpu.memref_squeeze %dma_wait3A_478 : memref<1x1x128x48xf32, #tpu.memory_space<vmem>> -> memref<128x48xf32, #tpu.memory_space<vmem>>
        %dma_wait3A_480 = arith.constant 0 : i32
        %dma_wait3A_481 = tpu.memref_slice %arg7[%add3A_456, %dma_wait3A_480] : memref<157x128xi32, #tpu.memory_space<vmem>> -> memref<1x128xi32, #tpu.memory_space<vmem>>
        %dma_wait3A_482 = tpu.memref_squeeze %dma_wait3A_481 : memref<1x128xi32, #tpu.memory_space<vmem>> -> memref<128xi32, #tpu.memory_space<vmem>>
        %dma_wait3A_483 = arith.constant 0 : i32
        %dma_wait3A_484 = arith.constant 0 : i32
        %dma_wait3A_485 = tpu.memref_slice %arg10[%dma_wait3A_483, %dma_wait3A_484] : memref<10016x48xf32, #tpu.memory_space<vmem_shared>> -> memref<10016x48xf32, #tpu.memory_space<vmem_shared>>
        tpu.wait_indirect_dma semaphore(%run_scoped3A_465 : memref<!tpu.dma_semaphore, #tpu.memory_space<semaphore_mem>>) src(%dma_wait3A_479 : memref<128x48xf32, #tpu.memory_space<vmem>>) dst(%dma_wait3A_485 : memref<10016x48xf32, #tpu.memory_space<vmem_shared>>)
        tpu.yield
      }) : () -> ()
      %mul3A_459 = arith.constant 3 : i32
      %mul3A_460 = arith.muli %add3A_446, %mul3A_459 : i32
      %add3A_461 = arith.constant 2 : i32
      %add3A_462 = arith.addi %mul3A_460, %add3A_461 : i32
      %run_scoped3A_463 = arith.constant 1 : i32
      %run_scoped3A_464 = arith.constant 2 : i32
      "tpu.region"() ({
        %run_scoped3A_465 = tpu.sem_alloc : memref<!tpu.dma_semaphore, #tpu.memory_space<semaphore_mem>>
        %dma_start3A_466 = arith.constant 0 : i32
        %dma_start3A_467 = arith.constant 0 : i32
        %dma_start3A_468 = tpu.memref_slice %arg8[%run_scoped3A_463, %run_scoped3A_464, %dma_start3A_466, %dma_start3A_467] : memref<2x3x128x48xf32, #tpu.memory_space<vmem>> -> memref<1x1x128x48xf32, #tpu.memory_space<vmem>>
        %dma_start3A_469 = tpu.memref_squeeze %dma_start3A_468 : memref<1x1x128x48xf32, #tpu.memory_space<vmem>> -> memref<128x48xf32, #tpu.memory_space<vmem>>
        %dma_start3A_470 = arith.constant 0 : i32
        %dma_start3A_471 = tpu.memref_slice %arg7[%add3A_462, %dma_start3A_470] : memref<157x128xi32, #tpu.memory_space<vmem>> -> memref<1x128xi32, #tpu.memory_space<vmem>>
        %dma_start3A_472 = tpu.memref_squeeze %dma_start3A_471 : memref<1x128xi32, #tpu.memory_space<vmem>> -> memref<128xi32, #tpu.memory_space<vmem>>
        %dma_start3A_473 = arith.constant 0 : i32
        %dma_start3A_474 = arith.constant 0 : i32
        %dma_start3A_475 = tpu.memref_slice %arg10[%dma_start3A_473, %dma_start3A_474] : memref<10016x48xf32, #tpu.memory_space<vmem_shared>> -> memref<10016x48xf32, #tpu.memory_space<vmem_shared>>
        tpu.enqueue_indirect_dma source(%dma_start3A_469 : memref<128x48xf32, #tpu.memory_space<vmem>>) target(%dma_start3A_475 : memref<10016x48xf32, #tpu.memory_space<vmem_shared>>) offsets(%dma_start3A_472 : memref<128xi32, #tpu.memory_space<vmem>>) semaphore(%run_scoped3A_465 : memref<!tpu.dma_semaphore, #tpu.memory_space<semaphore_mem>>) {add = true}
        %dma_wait3A_476 = arith.constant 0 : i32
        %dma_wait3A_477 = arith.constant 0 : i32
        %dma_wait3A_478 = tpu.memref_slice %arg8[%run_scoped3A_463, %run_scoped3A_464, %dma_wait3A_476, %dma_wait3A_477] : memref<2x3x128x48xf32, #tpu.memory_space<vmem>> -> memref<1x1x128x48xf32, #tpu.memory_space<vmem>>
        %dma_wait3A_479 = tpu.memref_squeeze %dma_wait3A_478 : memref<1x1x128x48xf32, #tpu.memory_space<vmem>> -> memref<128x48xf32, #tpu.memory_space<vmem>>
        %dma_wait3A_480 = arith.constant 0 : i32
        %dma_wait3A_481 = tpu.memref_slice %arg7[%add3A_462, %dma_wait3A_480] : memref<157x128xi32, #tpu.memory_space<vmem>> -> memref<1x128xi32, #tpu.memory_space<vmem>>
        %dma_wait3A_482 = tpu.memref_squeeze %dma_wait3A_481 : memref<1x128xi32, #tpu.memory_space<vmem>> -> memref<128xi32, #tpu.memory_space<vmem>>
        %dma_wait3A_483 = arith.constant 0 : i32
        %dma_wait3A_484 = arith.constant 0 : i32
        %dma_wait3A_485 = tpu.memref_slice %arg10[%dma_wait3A_483, %dma_wait3A_484] : memref<10016x48xf32, #tpu.memory_space<vmem_shared>> -> memref<10016x48xf32, #tpu.memory_space<vmem_shared>>
        tpu.wait_indirect_dma semaphore(%run_scoped3A_465 : memref<!tpu.dma_semaphore, #tpu.memory_space<semaphore_mem>>) src(%dma_wait3A_479 : memref<128x48xf32, #tpu.memory_space<vmem>>) dst(%dma_wait3A_485 : memref<10016x48xf32, #tpu.memory_space<vmem_shared>>)
        tpu.yield
      }) : () -> ()
    }
    %scan3A_76 = arith.constant 25 : i32
    %dma_wait3A = arith.constant 0 : i32
    %dma_wait3A_77 = arith.constant 0 : i32
    %dma_wait3A_78 = arith.constant 0 : i32
    %dma_wait3A_79 = arith.constant 0 : i32
    %dma_wait3A_80 = arith.constant 0 : i32
    %dma_wait3A_81 = tpu.memref_slice %arg8[%dma_wait3A_77, %dma_wait3A_78, %dma_wait3A_79, %dma_wait3A_80] : memref<2x3x128x48xf32, #tpu.memory_space<vmem>> -> memref<1x1x128x48xf32, #tpu.memory_space<vmem>>
    %dma_wait3A_82 = tpu.memref_squeeze %dma_wait3A_81 : memref<1x1x128x48xf32, #tpu.memory_space<vmem>> -> memref<128x48xf32, #tpu.memory_space<vmem>>
    %dma_wait3A_83 = arith.constant 0 : i32
    %dma_wait3A_84 = tpu.memref_slice %arg6[%dma_wait3A, %dma_wait3A_83] : memref<157x128xi32, #tpu.memory_space<vmem>> -> memref<1x128xi32, #tpu.memory_space<vmem>>
    %dma_wait3A_85 = tpu.memref_squeeze %dma_wait3A_84 : memref<1x128xi32, #tpu.memory_space<vmem>> -> memref<128xi32, #tpu.memory_space<vmem>>
    %dma_wait3A_86 = arith.constant 0 : i32
    %dma_wait3A_87 = arith.constant 0 : i32
    %dma_wait3A_88 = tpu.memref_slice %arg4[%dma_wait3A_86, %dma_wait3A_87] : memref<10000x48xf32, #tpu.memory_space<hbm>> -> memref<10000x48xf32, #tpu.memory_space<hbm>>
    tpu.wait_indirect_dma semaphore(%arg11 : memref<!tpu.dma_semaphore, #tpu.memory_space<semaphore_mem>>) src(%dma_wait3A_88 : memref<10000x48xf32, #tpu.memory_space<hbm>>) dst(%dma_wait3A_82 : memref<128x48xf32, #tpu.memory_space<vmem>>)
    %dma_wait3A_89 = arith.constant 0 : i32
    %dma_wait3A_90 = arith.constant 0 : i32
    %dma_wait3A_91 = arith.constant 1 : i32
    %dma_wait3A_92 = arith.constant 0 : i32
    %dma_wait3A_93 = arith.constant 0 : i32
    %dma_wait3A_94 = tpu.memref_slice %arg8[%dma_wait3A_90, %dma_wait3A_91, %dma_wait3A_92, %dma_wait3A_93] : memref<2x3x128x48xf32, #tpu.memory_space<vmem>> -> memref<1x1x128x48xf32, #tpu.memory_space<vmem>>
    %dma_wait3A_95 = tpu.memref_squeeze %dma_wait3A_94 : memref<1x1x128x48xf32, #tpu.memory_space<vmem>> -> memref<128x48xf32, #tpu.memory_space<vmem>>
    %dma_wait3A_96 = arith.constant 0 : i32
    %dma_wait3A_97 = tpu.memref_slice %arg6[%dma_wait3A_89, %dma_wait3A_96] : memref<157x128xi32, #tpu.memory_space<vmem>> -> memref<1x128xi32, #tpu.memory_space<vmem>>
    %dma_wait3A_98 = tpu.memref_squeeze %dma_wait3A_97 : memref<1x128xi32, #tpu.memory_space<vmem>> -> memref<128xi32, #tpu.memory_space<vmem>>
    %dma_wait3A_99 = arith.constant 0 : i32
    %dma_wait3A_100 = arith.constant 0 : i32
    %dma_wait3A_101 = tpu.memref_slice %arg4[%dma_wait3A_99, %dma_wait3A_100] : memref<10000x48xf32, #tpu.memory_space<hbm>> -> memref<10000x48xf32, #tpu.memory_space<hbm>>
    tpu.wait_indirect_dma semaphore(%arg11 : memref<!tpu.dma_semaphore, #tpu.memory_space<semaphore_mem>>) src(%dma_wait3A_101 : memref<10000x48xf32, #tpu.memory_space<hbm>>) dst(%dma_wait3A_95 : memref<128x48xf32, #tpu.memory_space<vmem>>)
    %dma_wait3A_102 = arith.constant 0 : i32
    %dma_wait3A_103 = arith.constant 0 : i32
    %dma_wait3A_104 = arith.constant 2 : i32
    %dma_wait3A_105 = arith.constant 0 : i32
    %dma_wait3A_106 = arith.constant 0 : i32
    %dma_wait3A_107 = tpu.memref_slice %arg8[%dma_wait3A_103, %dma_wait3A_104, %dma_wait3A_105, %dma_wait3A_106] : memref<2x3x128x48xf32, #tpu.memory_space<vmem>> -> memref<1x1x128x48xf32, #tpu.memory_space<vmem>>
    %dma_wait3A_108 = tpu.memref_squeeze %dma_wait3A_107 : memref<1x1x128x48xf32, #tpu.memory_space<vmem>> -> memref<128x48xf32, #tpu.memory_space<vmem>>
    %dma_wait3A_109 = arith.constant 0 : i32
    %dma_wait3A_110 = tpu.memref_slice %arg6[%dma_wait3A_102, %dma_wait3A_109] : memref<157x128xi32, #tpu.memory_space<vmem>> -> memref<1x128xi32, #tpu.memory_space<vmem>>
    %dma_wait3A_111 = tpu.memref_squeeze %dma_wait3A_110 : memref<1x128xi32, #tpu.memory_space<vmem>> -> memref<128xi32, #tpu.memory_space<vmem>>
    %dma_wait3A_112 = arith.constant 0 : i32
    %dma_wait3A_113 = arith.constant 0 : i32
    %dma_wait3A_114 = tpu.memref_slice %arg4[%dma_wait3A_112, %dma_wait3A_113] : memref<10000x48xf32, #tpu.memory_space<hbm>> -> memref<10000x48xf32, #tpu.memory_space<hbm>>
    tpu.wait_indirect_dma semaphore(%arg11 : memref<!tpu.dma_semaphore, #tpu.memory_space<semaphore_mem>>) src(%dma_wait3A_114 : memref<10000x48xf32, #tpu.memory_space<hbm>>) dst(%dma_wait3A_108 : memref<128x48xf32, #tpu.memory_space<vmem>>)
    %dma_start3A_115 = arith.constant 153 : i32
    %dma_start3A_116 = arith.constant 1 : i32
    %dma_start3A_117 = arith.constant 0 : i32
    %dma_start3A_118 = arith.constant 0 : i32
    %dma_start3A_119 = arith.constant 0 : i32
    %dma_start3A_120 = tpu.memref_slice %arg8[%dma_start3A_116, %dma_start3A_117, %dma_start3A_118, %dma_start3A_119] : memref<2x3x128x48xf32, #tpu.memory_space<vmem>> -> memref<1x1x128x48xf32, #tpu.memory_space<vmem>>
    %dma_start3A_121 = tpu.memref_squeeze %dma_start3A_120 : memref<1x1x128x48xf32, #tpu.memory_space<vmem>> -> memref<128x48xf32, #tpu.memory_space<vmem>>
    %dma_start3A_122 = arith.constant 0 : i32
    %dma_start3A_123 = tpu.memref_slice %arg6[%dma_start3A_115, %dma_start3A_122] : memref<157x128xi32, #tpu.memory_space<vmem>> -> memref<1x128xi32, #tpu.memory_space<vmem>>
    %dma_start3A_124 = tpu.memref_squeeze %dma_start3A_123 : memref<1x128xi32, #tpu.memory_space<vmem>> -> memref<128xi32, #tpu.memory_space<vmem>>
    %dma_start3A_125 = arith.constant 0 : i32
    %dma_start3A_126 = arith.constant 0 : i32
    %dma_start3A_127 = tpu.memref_slice %arg4[%dma_start3A_125, %dma_start3A_126] : memref<10000x48xf32, #tpu.memory_space<hbm>> -> memref<10000x48xf32, #tpu.memory_space<hbm>>
    tpu.enqueue_indirect_dma source(%dma_start3A_127 : memref<10000x48xf32, #tpu.memory_space<hbm>>) target(%dma_start3A_121 : memref<128x48xf32, #tpu.memory_space<vmem>>) offsets(%dma_start3A_124 : memref<128xi32, #tpu.memory_space<vmem>>) semaphore(%arg12 : memref<!tpu.dma_semaphore, #tpu.memory_space<semaphore_mem>>)
    %dma_start3A_128 = arith.constant 154 : i32
    %dma_start3A_129 = arith.constant 1 : i32
    %dma_start3A_130 = arith.constant 1 : i32
    %dma_start3A_131 = arith.constant 0 : i32
    %dma_start3A_132 = arith.constant 0 : i32
    %dma_start3A_133 = tpu.memref_slice %arg8[%dma_start3A_129, %dma_start3A_130, %dma_start3A_131, %dma_start3A_132] : memref<2x3x128x48xf32, #tpu.memory_space<vmem>> -> memref<1x1x128x48xf32, #tpu.memory_space<vmem>>
    %dma_start3A_134 = tpu.memref_squeeze %dma_start3A_133 : memref<1x1x128x48xf32, #tpu.memory_space<vmem>> -> memref<128x48xf32, #tpu.memory_space<vmem>>
    %dma_start3A_135 = arith.constant 0 : i32
    %dma_start3A_136 = tpu.memref_slice %arg6[%dma_start3A_128, %dma_start3A_135] : memref<157x128xi32, #tpu.memory_space<vmem>> -> memref<1x128xi32, #tpu.memory_space<vmem>>
    %dma_start3A_137 = tpu.memref_squeeze %dma_start3A_136 : memref<1x128xi32, #tpu.memory_space<vmem>> -> memref<128xi32, #tpu.memory_space<vmem>>
    %dma_start3A_138 = arith.constant 0 : i32
    %dma_start3A_139 = arith.constant 0 : i32
    %dma_start3A_140 = tpu.memref_slice %arg4[%dma_start3A_138, %dma_start3A_139] : memref<10000x48xf32, #tpu.memory_space<hbm>> -> memref<10000x48xf32, #tpu.memory_space<hbm>>
    tpu.enqueue_indirect_dma source(%dma_start3A_140 : memref<10000x48xf32, #tpu.memory_space<hbm>>) target(%dma_start3A_134 : memref<128x48xf32, #tpu.memory_space<vmem>>) offsets(%dma_start3A_137 : memref<128xi32, #tpu.memory_space<vmem>>) semaphore(%arg12 : memref<!tpu.dma_semaphore, #tpu.memory_space<semaphore_mem>>)
    %dma_start3A_141 = arith.constant 155 : i32
    %dma_start3A_142 = arith.constant 1 : i32
    %dma_start3A_143 = arith.constant 2 : i32
    %dma_start3A_144 = arith.constant 0 : i32
    %dma_start3A_145 = arith.constant 0 : i32
    %dma_start3A_146 = tpu.memref_slice %arg8[%dma_start3A_142, %dma_start3A_143, %dma_start3A_144, %dma_start3A_145] : memref<2x3x128x48xf32, #tpu.memory_space<vmem>> -> memref<1x1x128x48xf32, #tpu.memory_space<vmem>>
    %dma_start3A_147 = tpu.memref_squeeze %dma_start3A_146 : memref<1x1x128x48xf32, #tpu.memory_space<vmem>> -> memref<128x48xf32, #tpu.memory_space<vmem>>
    %dma_start3A_148 = arith.constant 0 : i32
    %dma_start3A_149 = tpu.memref_slice %arg6[%dma_start3A_141, %dma_start3A_148] : memref<157x128xi32, #tpu.memory_space<vmem>> -> memref<1x128xi32, #tpu.memory_space<vmem>>
    %dma_start3A_150 = tpu.memref_squeeze %dma_start3A_149 : memref<1x128xi32, #tpu.memory_space<vmem>> -> memref<128xi32, #tpu.memory_space<vmem>>
    %dma_start3A_151 = arith.constant 0 : i32
    %dma_start3A_152 = arith.constant 0 : i32
    %dma_start3A_153 = tpu.memref_slice %arg4[%dma_start3A_151, %dma_start3A_152] : memref<10000x48xf32, #tpu.memory_space<hbm>> -> memref<10000x48xf32, #tpu.memory_space<hbm>>
    tpu.enqueue_indirect_dma source(%dma_start3A_153 : memref<10000x48xf32, #tpu.memory_space<hbm>>) target(%dma_start3A_147 : memref<128x48xf32, #tpu.memory_space<vmem>>) offsets(%dma_start3A_150 : memref<128xi32, #tpu.memory_space<vmem>>) semaphore(%arg12 : memref<!tpu.dma_semaphore, #tpu.memory_space<semaphore_mem>>)
    %run_scoped3A = arith.constant 0 : i32
    %run_scoped3A_154 = arith.constant 0 : i32
    %run_scoped3A_155 = arith.constant 150 : i32
    "tpu.region"() ({
      %run_scoped3A_240 = tpu.sem_alloc : memref<!tpu.dma_semaphore, #tpu.memory_space<semaphore_mem>>
      %dma_start3A_241 = arith.constant 0 : i32
      %dma_start3A_242 = arith.constant 0 : i32
      %dma_start3A_243 = tpu.memref_slice %arg8[%run_scoped3A, %run_scoped3A_154, %dma_start3A_241, %dma_start3A_242] : memref<2x3x128x48xf32, #tpu.memory_space<vmem>> -> memref<1x1x128x48xf32, #tpu.memory_space<vmem>>
      %dma_start3A_244 = tpu.memref_squeeze %dma_start3A_243 : memref<1x1x128x48xf32, #tpu.memory_space<vmem>> -> memref<128x48xf32, #tpu.memory_space<vmem>>
      %dma_start3A_245 = arith.constant 0 : i32
      %dma_start3A_246 = tpu.memref_slice %arg7[%run_scoped3A_155, %dma_start3A_245] : memref<157x128xi32, #tpu.memory_space<vmem>> -> memref<1x128xi32, #tpu.memory_space<vmem>>
      %dma_start3A_247 = tpu.memref_squeeze %dma_start3A_246 : memref<1x128xi32, #tpu.memory_space<vmem>> -> memref<128xi32, #tpu.memory_space<vmem>>
      %dma_start3A_248 = arith.constant 0 : i32
      %dma_start3A_249 = arith.constant 0 : i32
      %dma_start3A_250 = tpu.memref_slice %arg10[%dma_start3A_248, %dma_start3A_249] : memref<10016x48xf32, #tpu.memory_space<vmem_shared>> -> memref<10016x48xf32, #tpu.memory_space<vmem_shared>>
      tpu.enqueue_indirect_dma source(%dma_start3A_244 : memref<128x48xf32, #tpu.memory_space<vmem>>) target(%dma_start3A_250 : memref<10016x48xf32, #tpu.memory_space<vmem_shared>>) offsets(%dma_start3A_247 : memref<128xi32, #tpu.memory_space<vmem>>) semaphore(%run_scoped3A_240 : memref<!tpu.dma_semaphore, #tpu.memory_space<semaphore_mem>>) {add = true}
      %dma_wait3A_251 = arith.constant 0 : i32
      %dma_wait3A_252 = arith.constant 0 : i32
      %dma_wait3A_253 = tpu.memref_slice %arg8[%run_scoped3A, %run_scoped3A_154, %dma_wait3A_251, %dma_wait3A_252] : memref<2x3x128x48xf32, #tpu.memory_space<vmem>> -> memref<1x1x128x48xf32, #tpu.memory_space<vmem>>
      %dma_wait3A_254 = tpu.memref_squeeze %dma_wait3A_253 : memref<1x1x128x48xf32, #tpu.memory_space<vmem>> -> memref<128x48xf32, #tpu.memory_space<vmem>>
      %dma_wait3A_255 = arith.constant 0 : i32
      %dma_wait3A_256 = tpu.memref_slice %arg7[%run_scoped3A_155, %dma_wait3A_255] : memref<157x128xi32, #tpu.memory_space<vmem>> -> memref<1x128xi32, #tpu.memory_space<vmem>>
      %dma_wait3A_257 = tpu.memref_squeeze %dma_wait3A_256 : memref<1x128xi32, #tpu.memory_space<vmem>> -> memref<128xi32, #tpu.memory_space<vmem>>
      %dma_wait3A_258 = arith.constant 0 : i32
      %dma_wait3A_259 = arith.constant 0 : i32
      %dma_wait3A_260 = tpu.memref_slice %arg10[%dma_wait3A_258, %dma_wait3A_259] : memref<10016x48xf32, #tpu.memory_space<vmem_shared>> -> memref<10016x48xf32, #tpu.memory_space<vmem_shared>>
      tpu.wait_indirect_dma semaphore(%run_scoped3A_240 : memref<!tpu.dma_semaphore, #tpu.memory_space<semaphore_mem>>) src(%dma_wait3A_254 : memref<128x48xf32, #tpu.memory_space<vmem>>) dst(%dma_wait3A_260 : memref<10016x48xf32, #tpu.memory_space<vmem_shared>>)
      tpu.yield
    }) : () -> ()
    %run_scoped3A_156 = arith.constant 0 : i32
    %run_scoped3A_157 = arith.constant 1 : i32
    %run_scoped3A_158 = arith.constant 151 : i32
    "tpu.region"() ({
      %run_scoped3A_240 = tpu.sem_alloc : memref<!tpu.dma_semaphore, #tpu.memory_space<semaphore_mem>>
      %dma_start3A_241 = arith.constant 0 : i32
      %dma_start3A_242 = arith.constant 0 : i32
      %dma_start3A_243 = tpu.memref_slice %arg8[%run_scoped3A_156, %run_scoped3A_157, %dma_start3A_241, %dma_start3A_242] : memref<2x3x128x48xf32, #tpu.memory_space<vmem>> -> memref<1x1x128x48xf32, #tpu.memory_space<vmem>>
      %dma_start3A_244 = tpu.memref_squeeze %dma_start3A_243 : memref<1x1x128x48xf32, #tpu.memory_space<vmem>> -> memref<128x48xf32, #tpu.memory_space<vmem>>
      %dma_start3A_245 = arith.constant 0 : i32
      %dma_start3A_246 = tpu.memref_slice %arg7[%run_scoped3A_158, %dma_start3A_245] : memref<157x128xi32, #tpu.memory_space<vmem>> -> memref<1x128xi32, #tpu.memory_space<vmem>>
      %dma_start3A_247 = tpu.memref_squeeze %dma_start3A_246 : memref<1x128xi32, #tpu.memory_space<vmem>> -> memref<128xi32, #tpu.memory_space<vmem>>
      %dma_start3A_248 = arith.constant 0 : i32
      %dma_start3A_249 = arith.constant 0 : i32
      %dma_start3A_250 = tpu.memref_slice %arg10[%dma_start3A_248, %dma_start3A_249] : memref<10016x48xf32, #tpu.memory_space<vmem_shared>> -> memref<10016x48xf32, #tpu.memory_space<vmem_shared>>
      tpu.enqueue_indirect_dma source(%dma_start3A_244 : memref<128x48xf32, #tpu.memory_space<vmem>>) target(%dma_start3A_250 : memref<10016x48xf32, #tpu.memory_space<vmem_shared>>) offsets(%dma_start3A_247 : memref<128xi32, #tpu.memory_space<vmem>>) semaphore(%run_scoped3A_240 : memref<!tpu.dma_semaphore, #tpu.memory_space<semaphore_mem>>) {add = true}
      %dma_wait3A_251 = arith.constant 0 : i32
      %dma_wait3A_252 = arith.constant 0 : i32
      %dma_wait3A_253 = tpu.memref_slice %arg8[%run_scoped3A_156, %run_scoped3A_157, %dma_wait3A_251, %dma_wait3A_252] : memref<2x3x128x48xf32, #tpu.memory_space<vmem>> -> memref<1x1x128x48xf32, #tpu.memory_space<vmem>>
      %dma_wait3A_254 = tpu.memref_squeeze %dma_wait3A_253 : memref<1x1x128x48xf32, #tpu.memory_space<vmem>> -> memref<128x48xf32, #tpu.memory_space<vmem>>
      %dma_wait3A_255 = arith.constant 0 : i32
      %dma_wait3A_256 = tpu.memref_slice %arg7[%run_scoped3A_158, %dma_wait3A_255] : memref<157x128xi32, #tpu.memory_space<vmem>> -> memref<1x128xi32, #tpu.memory_space<vmem>>
      %dma_wait3A_257 = tpu.memref_squeeze %dma_wait3A_256 : memref<1x128xi32, #tpu.memory_space<vmem>> -> memref<128xi32, #tpu.memory_space<vmem>>
      %dma_wait3A_258 = arith.constant 0 : i32
      %dma_wait3A_259 = arith.constant 0 : i32
      %dma_wait3A_260 = tpu.memref_slice %arg10[%dma_wait3A_258, %dma_wait3A_259] : memref<10016x48xf32, #tpu.memory_space<vmem_shared>> -> memref<10016x48xf32, #tpu.memory_space<vmem_shared>>
      tpu.wait_indirect_dma semaphore(%run_scoped3A_240 : memref<!tpu.dma_semaphore, #tpu.memory_space<semaphore_mem>>) src(%dma_wait3A_254 : memref<128x48xf32, #tpu.memory_space<vmem>>) dst(%dma_wait3A_260 : memref<10016x48xf32, #tpu.memory_space<vmem_shared>>)
      tpu.yield
    }) : () -> ()
    %run_scoped3A_159 = arith.constant 0 : i32
    %run_scoped3A_160 = arith.constant 2 : i32
    %run_scoped3A_161 = arith.constant 152 : i32
    "tpu.region"() ({
      %run_scoped3A_240 = tpu.sem_alloc : memref<!tpu.dma_semaphore, #tpu.memory_space<semaphore_mem>>
      %dma_start3A_241 = arith.constant 0 : i32
      %dma_start3A_242 = arith.constant 0 : i32
      %dma_start3A_243 = tpu.memref_slice %arg8[%run_scoped3A_159, %run_scoped3A_160, %dma_start3A_241, %dma_start3A_242] : memref<2x3x128x48xf32, #tpu.memory_space<vmem>> -> memref<1x1x128x48xf32, #tpu.memory_space<vmem>>
      %dma_start3A_244 = tpu.memref_squeeze %dma_start3A_243 : memref<1x1x128x48xf32, #tpu.memory_space<vmem>> -> memref<128x48xf32, #tpu.memory_space<vmem>>
      %dma_start3A_245 = arith.constant 0 : i32
      %dma_start3A_246 = tpu.memref_slice %arg7[%run_scoped3A_161, %dma_start3A_245] : memref<157x128xi32, #tpu.memory_space<vmem>> -> memref<1x128xi32, #tpu.memory_space<vmem>>
      %dma_start3A_247 = tpu.memref_squeeze %dma_start3A_246 : memref<1x128xi32, #tpu.memory_space<vmem>> -> memref<128xi32, #tpu.memory_space<vmem>>
      %dma_start3A_248 = arith.constant 0 : i32
      %dma_start3A_249 = arith.constant 0 : i32
      %dma_start3A_250 = tpu.memref_slice %arg10[%dma_start3A_248, %dma_start3A_249] : memref<10016x48xf32, #tpu.memory_space<vmem_shared>> -> memref<10016x48xf32, #tpu.memory_space<vmem_shared>>
      tpu.enqueue_indirect_dma source(%dma_start3A_244 : memref<128x48xf32, #tpu.memory_space<vmem>>) target(%dma_start3A_250 : memref<10016x48xf32, #tpu.memory_space<vmem_shared>>) offsets(%dma_start3A_247 : memref<128xi32, #tpu.memory_space<vmem>>) semaphore(%run_scoped3A_240 : memref<!tpu.dma_semaphore, #tpu.memory_space<semaphore_mem>>) {add = true}
      %dma_wait3A_251 = arith.constant 0 : i32
      %dma_wait3A_252 = arith.constant 0 : i32
      %dma_wait3A_253 = tpu.memref_slice %arg8[%run_scoped3A_159, %run_scoped3A_160, %dma_wait3A_251, %dma_wait3A_252] : memref<2x3x128x48xf32, #tpu.memory_space<vmem>> -> memref<1x1x128x48xf32, #tpu.memory_space<vmem>>
      %dma_wait3A_254 = tpu.memref_squeeze %dma_wait3A_253 : memref<1x1x128x48xf32, #tpu.memory_space<vmem>> -> memref<128x48xf32, #tpu.memory_space<vmem>>
      %dma_wait3A_255 = arith.constant 0 : i32
      %dma_wait3A_256 = tpu.memref_slice %arg7[%run_scoped3A_161, %dma_wait3A_255] : memref<157x128xi32, #tpu.memory_space<vmem>> -> memref<1x128xi32, #tpu.memory_space<vmem>>
      %dma_wait3A_257 = tpu.memref_squeeze %dma_wait3A_256 : memref<1x128xi32, #tpu.memory_space<vmem>> -> memref<128xi32, #tpu.memory_space<vmem>>
      %dma_wait3A_258 = arith.constant 0 : i32
      %dma_wait3A_259 = arith.constant 0 : i32
      %dma_wait3A_260 = tpu.memref_slice %arg10[%dma_wait3A_258, %dma_wait3A_259] : memref<10016x48xf32, #tpu.memory_space<vmem_shared>> -> memref<10016x48xf32, #tpu.memory_space<vmem_shared>>
      tpu.wait_indirect_dma semaphore(%run_scoped3A_240 : memref<!tpu.dma_semaphore, #tpu.memory_space<semaphore_mem>>) src(%dma_wait3A_254 : memref<128x48xf32, #tpu.memory_space<vmem>>) dst(%dma_wait3A_260 : memref<10016x48xf32, #tpu.memory_space<vmem_shared>>)
      tpu.yield
    }) : () -> ()
    %dma_start3A_162 = arith.constant 156 : i32
    %dma_start3A_163 = arith.constant 0 : i32
    %dma_start3A_164 = arith.constant 0 : i32
    %dma_start3A_165 = arith.constant 0 : i32
    %dma_start3A_166 = arith.constant 0 : i32
    %dma_start3A_167 = tpu.memref_slice %arg8[%dma_start3A_163, %dma_start3A_164, %dma_start3A_165, %dma_start3A_166] : memref<2x3x128x48xf32, #tpu.memory_space<vmem>> -> memref<1x1x128x48xf32, #tpu.memory_space<vmem>>
    %dma_start3A_168 = tpu.memref_squeeze %dma_start3A_167 : memref<1x1x128x48xf32, #tpu.memory_space<vmem>> -> memref<128x48xf32, #tpu.memory_space<vmem>>
    %dma_start3A_169 = arith.constant 0 : i32
    %dma_start3A_170 = tpu.memref_slice %arg6[%dma_start3A_162, %dma_start3A_169] : memref<157x128xi32, #tpu.memory_space<vmem>> -> memref<1x128xi32, #tpu.memory_space<vmem>>
    %dma_start3A_171 = tpu.memref_squeeze %dma_start3A_170 : memref<1x128xi32, #tpu.memory_space<vmem>> -> memref<128xi32, #tpu.memory_space<vmem>>
    %dma_start3A_172 = arith.constant 0 : i32
    %dma_start3A_173 = arith.constant 0 : i32
    %dma_start3A_174 = tpu.memref_slice %arg4[%dma_start3A_172, %dma_start3A_173] : memref<10000x48xf32, #tpu.memory_space<hbm>> -> memref<10000x48xf32, #tpu.memory_space<hbm>>
    tpu.enqueue_indirect_dma source(%dma_start3A_174 : memref<10000x48xf32, #tpu.memory_space<hbm>>) target(%dma_start3A_168 : memref<128x48xf32, #tpu.memory_space<vmem>>) offsets(%dma_start3A_171 : memref<128xi32, #tpu.memory_space<vmem>>) semaphore(%arg11 : memref<!tpu.dma_semaphore, #tpu.memory_space<semaphore_mem>>)
    %dma_wait3A_175 = arith.constant 0 : i32
    %dma_wait3A_176 = arith.constant 1 : i32
    %dma_wait3A_177 = arith.constant 0 : i32
    %dma_wait3A_178 = arith.constant 0 : i32
    %dma_wait3A_179 = arith.constant 0 : i32
    %dma_wait3A_180 = tpu.memref_slice %arg8[%dma_wait3A_176, %dma_wait3A_177, %dma_wait3A_178, %dma_wait3A_179] : memref<2x3x128x48xf32, #tpu.memory_space<vmem>> -> memref<1x1x128x48xf32, #tpu.memory_space<vmem>>
    %dma_wait3A_181 = tpu.memref_squeeze %dma_wait3A_180 : memref<1x1x128x48xf32, #tpu.memory_space<vmem>> -> memref<128x48xf32, #tpu.memory_space<vmem>>
    %dma_wait3A_182 = arith.constant 0 : i32
    %dma_wait3A_183 = tpu.memref_slice %arg6[%dma_wait3A_175, %dma_wait3A_182] : memref<157x128xi32, #tpu.memory_space<vmem>> -> memref<1x128xi32, #tpu.memory_space<vmem>>
    %dma_wait3A_184 = tpu.memref_squeeze %dma_wait3A_183 : memref<1x128xi32, #tpu.memory_space<vmem>> -> memref<128xi32, #tpu.memory_space<vmem>>
    %dma_wait3A_185 = arith.constant 0 : i32
    %dma_wait3A_186 = arith.constant 0 : i32
    %dma_wait3A_187 = tpu.memref_slice %arg4[%dma_wait3A_185, %dma_wait3A_186] : memref<10000x48xf32, #tpu.memory_space<hbm>> -> memref<10000x48xf32, #tpu.memory_space<hbm>>
    tpu.wait_indirect_dma semaphore(%arg12 : memref<!tpu.dma_semaphore, #tpu.memory_space<semaphore_mem>>) src(%dma_wait3A_187 : memref<10000x48xf32, #tpu.memory_space<hbm>>) dst(%dma_wait3A_181 : memref<128x48xf32, #tpu.memory_space<vmem>>)
    %dma_wait3A_188 = arith.constant 0 : i32
    %dma_wait3A_189 = arith.constant 1 : i32
    %dma_wait3A_190 = arith.constant 1 : i32
    %dma_wait3A_191 = arith.constant 0 : i32
    %dma_wait3A_192 = arith.constant 0 : i32
    %dma_wait3A_193 = tpu.memref_slice %arg8[%dma_wait3A_189, %dma_wait3A_190, %dma_wait3A_191, %dma_wait3A_192] : memref<2x3x128x48xf32, #tpu.memory_space<vmem>> -> memref<1x1x128x48xf32, #tpu.memory_space<vmem>>
    %dma_wait3A_194 = tpu.memref_squeeze %dma_wait3A_193 : memref<1x1x128x48xf32, #tpu.memory_space<vmem>> -> memref<128x48xf32, #tpu.memory_space<vmem>>
    %dma_wait3A_195 = arith.constant 0 : i32
    %dma_wait3A_196 = tpu.memref_slice %arg6[%dma_wait3A_188, %dma_wait3A_195] : memref<157x128xi32, #tpu.memory_space<vmem>> -> memref<1x128xi32, #tpu.memory_space<vmem>>
    %dma_wait3A_197 = tpu.memref_squeeze %dma_wait3A_196 : memref<1x128xi32, #tpu.memory_space<vmem>> -> memref<128xi32, #tpu.memory_space<vmem>>
    %dma_wait3A_198 = arith.constant 0 : i32
    %dma_wait3A_199 = arith.constant 0 : i32
    %dma_wait3A_200 = tpu.memref_slice %arg4[%dma_wait3A_198, %dma_wait3A_199] : memref<10000x48xf32, #tpu.memory_space<hbm>> -> memref<10000x48xf32, #tpu.memory_space<hbm>>
    tpu.wait_indirect_dma semaphore(%arg12 : memref<!tpu.dma_semaphore, #tpu.memory_space<semaphore_mem>>) src(%dma_wait3A_200 : memref<10000x48xf32, #tpu.memory_space<hbm>>) dst(%dma_wait3A_194 : memref<128x48xf32, #tpu.memory_space<vmem>>)
    %dma_wait3A_201 = arith.constant 0 : i32
    %dma_wait3A_202 = arith.constant 1 : i32
    %dma_wait3A_203 = arith.constant 2 : i32
    %dma_wait3A_204 = arith.constant 0 : i32
    %dma_wait3A_205 = arith.constant 0 : i32
    %dma_wait3A_206 = tpu.memref_slice %arg8[%dma_wait3A_202, %dma_wait3A_203, %dma_wait3A_204, %dma_wait3A_205] : memref<2x3x128x48xf32, #tpu.memory_space<vmem>> -> memref<1x1x128x48xf32, #tpu.memory_space<vmem>>
    %dma_wait3A_207 = tpu.memref_squeeze %dma_wait3A_206 : memref<1x1x128x48xf32, #tpu.memory_space<vmem>> -> memref<128x48xf32, #tpu.memory_space<vmem>>
    %dma_wait3A_208 = arith.constant 0 : i32
    %dma_wait3A_209 = tpu.memref_slice %arg6[%dma_wait3A_201, %dma_wait3A_208] : memref<157x128xi32, #tpu.memory_space<vmem>> -> memref<1x128xi32, #tpu.memory_space<vmem>>
    %dma_wait3A_210 = tpu.memref_squeeze %dma_wait3A_209 : memref<1x128xi32, #tpu.memory_space<vmem>> -> memref<128xi32, #tpu.memory_space<vmem>>
    %dma_wait3A_211 = arith.constant 0 : i32
    %dma_wait3A_212 = arith.constant 0 : i32
    %dma_wait3A_213 = tpu.memref_slice %arg4[%dma_wait3A_211, %dma_wait3A_212] : memref<10000x48xf32, #tpu.memory_space<hbm>> -> memref<10000x48xf32, #tpu.memory_space<hbm>>
    tpu.wait_indirect_dma semaphore(%arg12 : memref<!tpu.dma_semaphore, #tpu.memory_space<semaphore_mem>>) src(%dma_wait3A_213 : memref<10000x48xf32, #tpu.memory_space<hbm>>) dst(%dma_wait3A_207 : memref<128x48xf32, #tpu.memory_space<vmem>>)
    %run_scoped3A_214 = arith.constant 1 : i32
    %run_scoped3A_215 = arith.constant 0 : i32
    %run_scoped3A_216 = arith.constant 153 : i32
    "tpu.region"() ({
      %run_scoped3A_240 = tpu.sem_alloc : memref<!tpu.dma_semaphore, #tpu.memory_space<semaphore_mem>>
      %dma_start3A_241 = arith.constant 0 : i32
      %dma_start3A_242 = arith.constant 0 : i32
      %dma_start3A_243 = tpu.memref_slice %arg8[%run_scoped3A_214, %run_scoped3A_215, %dma_start3A_241, %dma_start3A_242] : memref<2x3x128x48xf32, #tpu.memory_space<vmem>> -> memref<1x1x128x48xf32, #tpu.memory_space<vmem>>
      %dma_start3A_244 = tpu.memref_squeeze %dma_start3A_243 : memref<1x1x128x48xf32, #tpu.memory_space<vmem>> -> memref<128x48xf32, #tpu.memory_space<vmem>>
      %dma_start3A_245 = arith.constant 0 : i32
      %dma_start3A_246 = tpu.memref_slice %arg7[%run_scoped3A_216, %dma_start3A_245] : memref<157x128xi32, #tpu.memory_space<vmem>> -> memref<1x128xi32, #tpu.memory_space<vmem>>
      %dma_start3A_247 = tpu.memref_squeeze %dma_start3A_246 : memref<1x128xi32, #tpu.memory_space<vmem>> -> memref<128xi32, #tpu.memory_space<vmem>>
      %dma_start3A_248 = arith.constant 0 : i32
      %dma_start3A_249 = arith.constant 0 : i32
      %dma_start3A_250 = tpu.memref_slice %arg10[%dma_start3A_248, %dma_start3A_249] : memref<10016x48xf32, #tpu.memory_space<vmem_shared>> -> memref<10016x48xf32, #tpu.memory_space<vmem_shared>>
      tpu.enqueue_indirect_dma source(%dma_start3A_244 : memref<128x48xf32, #tpu.memory_space<vmem>>) target(%dma_start3A_250 : memref<10016x48xf32, #tpu.memory_space<vmem_shared>>) offsets(%dma_start3A_247 : memref<128xi32, #tpu.memory_space<vmem>>) semaphore(%run_scoped3A_240 : memref<!tpu.dma_semaphore, #tpu.memory_space<semaphore_mem>>) {add = true}
      %dma_wait3A_251 = arith.constant 0 : i32
      %dma_wait3A_252 = arith.constant 0 : i32
      %dma_wait3A_253 = tpu.memref_slice %arg8[%run_scoped3A_214, %run_scoped3A_215, %dma_wait3A_251, %dma_wait3A_252] : memref<2x3x128x48xf32, #tpu.memory_space<vmem>> -> memref<1x1x128x48xf32, #tpu.memory_space<vmem>>
      %dma_wait3A_254 = tpu.memref_squeeze %dma_wait3A_253 : memref<1x1x128x48xf32, #tpu.memory_space<vmem>> -> memref<128x48xf32, #tpu.memory_space<vmem>>
      %dma_wait3A_255 = arith.constant 0 : i32
      %dma_wait3A_256 = tpu.memref_slice %arg7[%run_scoped3A_216, %dma_wait3A_255] : memref<157x128xi32, #tpu.memory_space<vmem>> -> memref<1x128xi32, #tpu.memory_space<vmem>>
      %dma_wait3A_257 = tpu.memref_squeeze %dma_wait3A_256 : memref<1x128xi32, #tpu.memory_space<vmem>> -> memref<128xi32, #tpu.memory_space<vmem>>
      %dma_wait3A_258 = arith.constant 0 : i32
      %dma_wait3A_259 = arith.constant 0 : i32
      %dma_wait3A_260 = tpu.memref_slice %arg10[%dma_wait3A_258, %dma_wait3A_259] : memref<10016x48xf32, #tpu.memory_space<vmem_shared>> -> memref<10016x48xf32, #tpu.memory_space<vmem_shared>>
      tpu.wait_indirect_dma semaphore(%run_scoped3A_240 : memref<!tpu.dma_semaphore, #tpu.memory_space<semaphore_mem>>) src(%dma_wait3A_254 : memref<128x48xf32, #tpu.memory_space<vmem>>) dst(%dma_wait3A_260 : memref<10016x48xf32, #tpu.memory_space<vmem_shared>>)
      tpu.yield
    }) : () -> ()
    %run_scoped3A_217 = arith.constant 1 : i32
    %run_scoped3A_218 = arith.constant 1 : i32
    %run_scoped3A_219 = arith.constant 154 : i32
    "tpu.region"() ({
      %run_scoped3A_240 = tpu.sem_alloc : memref<!tpu.dma_semaphore, #tpu.memory_space<semaphore_mem>>
      %dma_start3A_241 = arith.constant 0 : i32
      %dma_start3A_242 = arith.constant 0 : i32
      %dma_start3A_243 = tpu.memref_slice %arg8[%run_scoped3A_217, %run_scoped3A_218, %dma_start3A_241, %dma_start3A_242] : memref<2x3x128x48xf32, #tpu.memory_space<vmem>> -> memref<1x1x128x48xf32, #tpu.memory_space<vmem>>
      %dma_start3A_244 = tpu.memref_squeeze %dma_start3A_243 : memref<1x1x128x48xf32, #tpu.memory_space<vmem>> -> memref<128x48xf32, #tpu.memory_space<vmem>>
      %dma_start3A_245 = arith.constant 0 : i32
      %dma_start3A_246 = tpu.memref_slice %arg7[%run_scoped3A_219, %dma_start3A_245] : memref<157x128xi32, #tpu.memory_space<vmem>> -> memref<1x128xi32, #tpu.memory_space<vmem>>
      %dma_start3A_247 = tpu.memref_squeeze %dma_start3A_246 : memref<1x128xi32, #tpu.memory_space<vmem>> -> memref<128xi32, #tpu.memory_space<vmem>>
      %dma_start3A_248 = arith.constant 0 : i32
      %dma_start3A_249 = arith.constant 0 : i32
      %dma_start3A_250 = tpu.memref_slice %arg10[%dma_start3A_248, %dma_start3A_249] : memref<10016x48xf32, #tpu.memory_space<vmem_shared>> -> memref<10016x48xf32, #tpu.memory_space<vmem_shared>>
      tpu.enqueue_indirect_dma source(%dma_start3A_244 : memref<128x48xf32, #tpu.memory_space<vmem>>) target(%dma_start3A_250 : memref<10016x48xf32, #tpu.memory_space<vmem_shared>>) offsets(%dma_start3A_247 : memref<128xi32, #tpu.memory_space<vmem>>) semaphore(%run_scoped3A_240 : memref<!tpu.dma_semaphore, #tpu.memory_space<semaphore_mem>>) {add = true}
      %dma_wait3A_251 = arith.constant 0 : i32
      %dma_wait3A_252 = arith.constant 0 : i32
      %dma_wait3A_253 = tpu.memref_slice %arg8[%run_scoped3A_217, %run_scoped3A_218, %dma_wait3A_251, %dma_wait3A_252] : memref<2x3x128x48xf32, #tpu.memory_space<vmem>> -> memref<1x1x128x48xf32, #tpu.memory_space<vmem>>
      %dma_wait3A_254 = tpu.memref_squeeze %dma_wait3A_253 : memref<1x1x128x48xf32, #tpu.memory_space<vmem>> -> memref<128x48xf32, #tpu.memory_space<vmem>>
      %dma_wait3A_255 = arith.constant 0 : i32
      %dma_wait3A_256 = tpu.memref_slice %arg7[%run_scoped3A_219, %dma_wait3A_255] : memref<157x128xi32, #tpu.memory_space<vmem>> -> memref<1x128xi32, #tpu.memory_space<vmem>>
      %dma_wait3A_257 = tpu.memref_squeeze %dma_wait3A_256 : memref<1x128xi32, #tpu.memory_space<vmem>> -> memref<128xi32, #tpu.memory_space<vmem>>
      %dma_wait3A_258 = arith.constant 0 : i32
      %dma_wait3A_259 = arith.constant 0 : i32
      %dma_wait3A_260 = tpu.memref_slice %arg10[%dma_wait3A_258, %dma_wait3A_259] : memref<10016x48xf32, #tpu.memory_space<vmem_shared>> -> memref<10016x48xf32, #tpu.memory_space<vmem_shared>>
      tpu.wait_indirect_dma semaphore(%run_scoped3A_240 : memref<!tpu.dma_semaphore, #tpu.memory_space<semaphore_mem>>) src(%dma_wait3A_254 : memref<128x48xf32, #tpu.memory_space<vmem>>) dst(%dma_wait3A_260 : memref<10016x48xf32, #tpu.memory_space<vmem_shared>>)
      tpu.yield
    }) : () -> ()
    %run_scoped3A_220 = arith.constant 1 : i32
    %run_scoped3A_221 = arith.constant 2 : i32
    %run_scoped3A_222 = arith.constant 155 : i32
    "tpu.region"() ({
      %run_scoped3A_240 = tpu.sem_alloc : memref<!tpu.dma_semaphore, #tpu.memory_space<semaphore_mem>>
      %dma_start3A_241 = arith.constant 0 : i32
      %dma_start3A_242 = arith.constant 0 : i32
      %dma_start3A_243 = tpu.memref_slice %arg8[%run_scoped3A_220, %run_scoped3A_221, %dma_start3A_241, %dma_start3A_242] : memref<2x3x128x48xf32, #tpu.memory_space<vmem>> -> memref<1x1x128x48xf32, #tpu.memory_space<vmem>>
      %dma_start3A_244 = tpu.memref_squeeze %dma_start3A_243 : memref<1x1x128x48xf32, #tpu.memory_space<vmem>> -> memref<128x48xf32, #tpu.memory_space<vmem>>
      %dma_start3A_245 = arith.constant 0 : i32
      %dma_start3A_246 = tpu.memref_slice %arg7[%run_scoped3A_222, %dma_start3A_245] : memref<157x128xi32, #tpu.memory_space<vmem>> -> memref<1x128xi32, #tpu.memory_space<vmem>>
      %dma_start3A_247 = tpu.memref_squeeze %dma_start3A_246 : memref<1x128xi32, #tpu.memory_space<vmem>> -> memref<128xi32, #tpu.memory_space<vmem>>
      %dma_start3A_248 = arith.constant 0 : i32
      %dma_start3A_249 = arith.constant 0 : i32
      %dma_start3A_250 = tpu.memref_slice %arg10[%dma_start3A_248, %dma_start3A_249] : memref<10016x48xf32, #tpu.memory_space<vmem_shared>> -> memref<10016x48xf32, #tpu.memory_space<vmem_shared>>
      tpu.enqueue_indirect_dma source(%dma_start3A_244 : memref<128x48xf32, #tpu.memory_space<vmem>>) target(%dma_start3A_250 : memref<10016x48xf32, #tpu.memory_space<vmem_shared>>) offsets(%dma_start3A_247 : memref<128xi32, #tpu.memory_space<vmem>>) semaphore(%run_scoped3A_240 : memref<!tpu.dma_semaphore, #tpu.memory_space<semaphore_mem>>) {add = true}
      %dma_wait3A_251 = arith.constant 0 : i32
      %dma_wait3A_252 = arith.constant 0 : i32
      %dma_wait3A_253 = tpu.memref_slice %arg8[%run_scoped3A_220, %run_scoped3A_221, %dma_wait3A_251, %dma_wait3A_252] : memref<2x3x128x48xf32, #tpu.memory_space<vmem>> -> memref<1x1x128x48xf32, #tpu.memory_space<vmem>>
      %dma_wait3A_254 = tpu.memref_squeeze %dma_wait3A_253 : memref<1x1x128x48xf32, #tpu.memory_space<vmem>> -> memref<128x48xf32, #tpu.memory_space<vmem>>
      %dma_wait3A_255 = arith.constant 0 : i32
      %dma_wait3A_256 = tpu.memref_slice %arg7[%run_scoped3A_222, %dma_wait3A_255] : memref<157x128xi32, #tpu.memory_space<vmem>> -> memref<1x128xi32, #tpu.memory_space<vmem>>
      %dma_wait3A_257 = tpu.memref_squeeze %dma_wait3A_256 : memref<1x128xi32, #tpu.memory_space<vmem>> -> memref<128xi32, #tpu.memory_space<vmem>>
      %dma_wait3A_258 = arith.constant 0 : i32
      %dma_wait3A_259 = arith.constant 0 : i32
      %dma_wait3A_260 = tpu.memref_slice %arg10[%dma_wait3A_258, %dma_wait3A_259] : memref<10016x48xf32, #tpu.memory_space<vmem_shared>> -> memref<10016x48xf32, #tpu.memory_space<vmem_shared>>
      tpu.wait_indirect_dma semaphore(%run_scoped3A_240 : memref<!tpu.dma_semaphore, #tpu.memory_space<semaphore_mem>>) src(%dma_wait3A_254 : memref<128x48xf32, #tpu.memory_space<vmem>>) dst(%dma_wait3A_260 : memref<10016x48xf32, #tpu.memory_space<vmem_shared>>)
      tpu.yield
    }) : () -> ()
    %dma_wait3A_223 = arith.constant 0 : i32
    %dma_wait3A_224 = arith.constant 0 : i32
    %dma_wait3A_225 = arith.constant 0 : i32
    %dma_wait3A_226 = arith.constant 0 : i32
    %dma_wait3A_227 = arith.constant 0 : i32
    %dma_wait3A_228 = tpu.memref_slice %arg8[%dma_wait3A_224, %dma_wait3A_225, %dma_wait3A_226, %dma_wait3A_227] : memref<2x3x128x48xf32, #tpu.memory_space<vmem>> -> memref<1x1x128x48xf32, #tpu.memory_space<vmem>>
    %dma_wait3A_229 = tpu.memref_squeeze %dma_wait3A_228 : memref<1x1x128x48xf32, #tpu.memory_space<vmem>> -> memref<128x48xf32, #tpu.memory_space<vmem>>
    %dma_wait3A_230 = arith.constant 0 : i32
    %dma_wait3A_231 = tpu.memref_slice %arg6[%dma_wait3A_223, %dma_wait3A_230] : memref<157x128xi32, #tpu.memory_space<vmem>> -> memref<1x128xi32, #tpu.memory_space<vmem>>
    %dma_wait3A_232 = tpu.memref_squeeze %dma_wait3A_231 : memref<1x128xi32, #tpu.memory_space<vmem>> -> memref<128xi32, #tpu.memory_space<vmem>>
    %dma_wait3A_233 = arith.constant 0 : i32
    %dma_wait3A_234 = arith.constant 0 : i32
    %dma_wait3A_235 = tpu.memref_slice %arg4[%dma_wait3A_233, %dma_wait3A_234] : memref<10000x48xf32, #tpu.memory_space<hbm>> -> memref<10000x48xf32, #tpu.memory_space<hbm>>
    tpu.wait_indirect_dma semaphore(%arg11 : memref<!tpu.dma_semaphore, #tpu.memory_space<semaphore_mem>>) src(%dma_wait3A_235 : memref<10000x48xf32, #tpu.memory_space<hbm>>) dst(%dma_wait3A_229 : memref<128x48xf32, #tpu.memory_space<vmem>>)
    %run_scoped3A_236 = arith.constant 0 : i32
    %run_scoped3A_237 = arith.constant 0 : i32
    %run_scoped3A_238 = arith.constant 156 : i32
    "tpu.region"() ({
      %run_scoped3A_240 = tpu.sem_alloc : memref<!tpu.dma_semaphore, #tpu.memory_space<semaphore_mem>>
      %dma_start3A_241 = arith.constant 0 : i32
      %dma_start3A_242 = arith.constant 0 : i32
      %dma_start3A_243 = tpu.memref_slice %arg8[%run_scoped3A_236, %run_scoped3A_237, %dma_start3A_241, %dma_start3A_242] : memref<2x3x128x48xf32, #tpu.memory_space<vmem>> -> memref<1x1x128x48xf32, #tpu.memory_space<vmem>>
      %dma_start3A_244 = tpu.memref_squeeze %dma_start3A_243 : memref<1x1x128x48xf32, #tpu.memory_space<vmem>> -> memref<128x48xf32, #tpu.memory_space<vmem>>
      %dma_start3A_245 = arith.constant 0 : i32
      %dma_start3A_246 = tpu.memref_slice %arg7[%run_scoped3A_238, %dma_start3A_245] : memref<157x128xi32, #tpu.memory_space<vmem>> -> memref<1x128xi32, #tpu.memory_space<vmem>>
      %dma_start3A_247 = tpu.memref_squeeze %dma_start3A_246 : memref<1x128xi32, #tpu.memory_space<vmem>> -> memref<128xi32, #tpu.memory_space<vmem>>
      %dma_start3A_248 = arith.constant 0 : i32
      %dma_start3A_249 = arith.constant 0 : i32
      %dma_start3A_250 = tpu.memref_slice %arg10[%dma_start3A_248, %dma_start3A_249] : memref<10016x48xf32, #tpu.memory_space<vmem_shared>> -> memref<10016x48xf32, #tpu.memory_space<vmem_shared>>
      tpu.enqueue_indirect_dma source(%dma_start3A_244 : memref<128x48xf32, #tpu.memory_space<vmem>>) target(%dma_start3A_250 : memref<10016x48xf32, #tpu.memory_space<vmem_shared>>) offsets(%dma_start3A_247 : memref<128xi32, #tpu.memory_space<vmem>>) semaphore(%run_scoped3A_240 : memref<!tpu.dma_semaphore, #tpu.memory_space<semaphore_mem>>) {add = true}
      %dma_wait3A_251 = arith.constant 0 : i32
      %dma_wait3A_252 = arith.constant 0 : i32
      %dma_wait3A_253 = tpu.memref_slice %arg8[%run_scoped3A_236, %run_scoped3A_237, %dma_wait3A_251, %dma_wait3A_252] : memref<2x3x128x48xf32, #tpu.memory_space<vmem>> -> memref<1x1x128x48xf32, #tpu.memory_space<vmem>>
      %dma_wait3A_254 = tpu.memref_squeeze %dma_wait3A_253 : memref<1x1x128x48xf32, #tpu.memory_space<vmem>> -> memref<128x48xf32, #tpu.memory_space<vmem>>
      %dma_wait3A_255 = arith.constant 0 : i32
      %dma_wait3A_256 = tpu.memref_slice %arg7[%run_scoped3A_238, %dma_wait3A_255] : memref<157x128xi32, #tpu.memory_space<vmem>> -> memref<1x128xi32, #tpu.memory_space<vmem>>
      %dma_wait3A_257 = tpu.memref_squeeze %dma_wait3A_256 : memref<1x128xi32, #tpu.memory_space<vmem>> -> memref<128xi32, #tpu.memory_space<vmem>>
      %dma_wait3A_258 = arith.constant 0 : i32
      %dma_wait3A_259 = arith.constant 0 : i32
      %dma_wait3A_260 = tpu.memref_slice %arg10[%dma_wait3A_258, %dma_wait3A_259] : memref<10016x48xf32, #tpu.memory_space<vmem_shared>> -> memref<10016x48xf32, #tpu.memory_space<vmem_shared>>
      tpu.wait_indirect_dma semaphore(%run_scoped3A_240 : memref<!tpu.dma_semaphore, #tpu.memory_space<semaphore_mem>>) src(%dma_wait3A_254 : memref<128x48xf32, #tpu.memory_space<vmem>>) dst(%dma_wait3A_260 : memref<10016x48xf32, #tpu.memory_space<vmem_shared>>)
      tpu.yield
    }) : () -> ()
    %barrier3A_239 = arith.constant 0 : index
    tpu.barrier barrier_id(%barrier3A_239)
    "tpu.region"() ({
      %run_scoped3A_240 = tpu.sem_alloc : memref<!tpu.dma_semaphore, #tpu.memory_space<semaphore_mem>>
      %dma_start3A_241 = arith.constant 0 : i32
      %dma_start3A_242 = tpu.memref_slice %arg5[%arg0, %mul3A_2, %dma_start3A_241] : memref<2x10016x48xf32, #tpu.memory_space<hbm>> -> memref<1x626x48xf32, #tpu.memory_space<hbm>>
      %dma_start3A_243 = tpu.memref_squeeze %dma_start3A_242 : memref<1x626x48xf32, #tpu.memory_space<hbm>> -> memref<626x48xf32, #tpu.memory_space<hbm>>
      %dma_start3A_244 = arith.constant 0 : i32
      %dma_start3A_245 = tpu.memref_slice %arg10[%mul3A_2, %dma_start3A_244] : memref<10016x48xf32, #tpu.memory_space<vmem_shared>> -> memref<626x48xf32, #tpu.memory_space<vmem_shared>>
      tpu.enqueue_dma source(%dma_start3A_245 : memref<626x48xf32, #tpu.memory_space<vmem_shared>>) target(%dma_start3A_243 : memref<626x48xf32, #tpu.memory_space<hbm>>) target_semaphore(%run_scoped3A_240 : memref<!tpu.dma_semaphore, #tpu.memory_space<semaphore_mem>>)
      %dma_wait3A_246 = arith.constant 0 : i32
      %dma_wait3A_247 = tpu.memref_slice %arg5[%arg0, %mul3A_2, %dma_wait3A_246] : memref<2x10016x48xf32, #tpu.memory_space<hbm>> -> memref<1x626x48xf32, #tpu.memory_space<hbm>>
      %dma_wait3A_248 = tpu.memref_squeeze %dma_wait3A_247 : memref<1x626x48xf32, #tpu.memory_space<hbm>> -> memref<626x48xf32, #tpu.memory_space<hbm>>
      %dma_wait3A_249 = arith.constant 0 : i32
      %dma_wait3A_250 = tpu.memref_slice %arg10[%mul3A_2, %dma_wait3A_249] : memref<10016x48xf32, #tpu.memory_space<vmem_shared>> -> memref<626x48xf32, #tpu.memory_space<vmem_shared>>
      tpu.wait_dma2 semaphore(%run_scoped3A_240 : memref<!tpu.dma_semaphore, #tpu.memory_space<semaphore_mem>>) src(%dma_wait3A_250 : memref<626x48xf32, #tpu.memory_space<vmem_shared>>) dst(%dma_wait3A_248 : memref<626x48xf32, #tpu.memory_space<hbm>>)
      tpu.yield
    }) : () -> ()
    return
  }
}

#map = affine_map<(d0, d1) -> (0, 0)>
#map1 = affine_map<(d0, d1) -> (0, 0, 0)>
module attributes {stable_mosaic.version = 14 : i64} {
  func.func @kern(%arg0: i32, %arg1: i32, %arg2: memref<5024x128xi32, #tpu.memory_space<hbm>>, %arg3: memref<5024x128xi32, #tpu.memory_space<hbm>>, %arg4: memref<2x10016x16xf32, #tpu.memory_space<hbm>>, %arg5: memref<2x10016x16xf32, #tpu.memory_space<hbm>>, %arg6: memref<157x128xi32, #tpu.memory_space<vmem>>, %arg7: memref<128x16xf32, #tpu.memory_space<vmem>>, %arg8: memref<626x16xf32, #tpu.memory_space<vmem>>, %arg9: memref<10016x16xf32, #tpu.memory_space<vmem_shared>>, %arg10: memref<10016x16xf32, #tpu.memory_space<vmem_shared>>) attributes {dimension_semantics = [#tpu.dimension_semantics<core_parallel>, #tpu.dimension_semantics<subcore_parallel>], iteration_bounds = array<i64: 2, 16>, scalar_prefetch = 0 : i64, scratch_operands = 5 : i64, tpu.core_type = #tpu.core_type<sc_vector_subcore>, window_params = [{transform_indices = #map}, {transform_indices = #map}, {transform_indices = #map1}, {transform_indices = #map1}]} {
    %mul3A = arith.constant 2 : i32
    %mul3A_0 = arith.muli %arg1, %mul3A : i32
    %add3A = arith.addi %mul3A_0, %arg0 : i32
    %mul3A_1 = arith.constant 626 : i32
    %mul3A_2 = arith.muli %arg1, %mul3A_1 : i32
    %broadcast_in_dim3A = arith.constant 0.000000e+00 : f32
    %broadcast_in_dim3A_3 = vector.broadcast %broadcast_in_dim3A : f32 to vector<16xf32>
    %scan3A = arith.constant 0 : i32
    %scan3A_4 = arith.constant 0 : i32
    %scan3A_5 = arith.constant 626 : i32
    %scan3A_6 = arith.addi %scan3A_4, %scan3A_5 : i32
    %scan3A_7 = arith.constant 1 : i32
    scf.for %scan3A_37 = %scan3A_4 to %scan3A_6 step %scan3A_7  : i32 {
      %swap3A = arith.index_cast %scan3A_37 : i32 to index
      %swap3A_38 = arith.constant 0 : index
      %swap3A_39 = tpu.vector_load %arg8[%swap3A, %swap3A_38] {strides = array<i32>} : memref<626x16xf32, #tpu.memory_space<vmem>>, vector<1x16xf32>,
      %swap3A_40 = vector.shape_cast %swap3A_39 : vector<1x16xf32> to vector<16xf32>
      %swap3A_41 = vector.shape_cast %broadcast_in_dim3A_3 : vector<16xf32> to vector<1x16xf32>
      tpu.vector_store %arg8[%swap3A, %swap3A_38], %swap3A_41 {strides = array<i32>} : memref<626x16xf32, #tpu.memory_space<vmem>>, vector<1x16xf32>,
    }
    %scan3A_8 = arith.constant 626 : i32
    %broadcast_in_dim3A_9 = arith.constant 1.000000e+00 : f32
    %broadcast_in_dim3A_10 = vector.broadcast %broadcast_in_dim3A_9 : f32 to vector<16xf32>
    %scan3A_11 = arith.constant 0 : i32
    %scan3A_12 = arith.constant 0 : i32
    %scan3A_13 = arith.constant 128 : i32
    %scan3A_14 = arith.addi %scan3A_12, %scan3A_13 : i32
    %scan3A_15 = arith.constant 1 : i32
    scf.for %scan3A_37 = %scan3A_12 to %scan3A_14 step %scan3A_15  : i32 {
      %swap3A = arith.index_cast %scan3A_37 : i32 to index
      %swap3A_38 = arith.constant 0 : index
      %swap3A_39 = tpu.vector_load %arg7[%swap3A, %swap3A_38] {strides = array<i32>} : memref<128x16xf32, #tpu.memory_space<vmem>>, vector<1x16xf32>,
      %swap3A_40 = vector.shape_cast %swap3A_39 : vector<1x16xf32> to vector<16xf32>
      %swap3A_41 = vector.shape_cast %broadcast_in_dim3A_10 : vector<16xf32> to vector<1x16xf32>
      tpu.vector_store %arg7[%swap3A, %swap3A_38], %swap3A_41 {strides = array<i32>} : memref<128x16xf32, #tpu.memory_space<vmem>>, vector<1x16xf32>,
    }
    %scan3A_16 = arith.constant 128 : i32
    "tpu.region"() ({
      %run_scoped3A_37 = tpu.sem_alloc : memref<!tpu.dma_semaphore, #tpu.memory_space<semaphore_mem>>
      %dma_start3A = arith.constant 0 : i32
      %dma_start3A_38 = tpu.memref_slice %arg9[%mul3A_2, %dma_start3A] : memref<10016x16xf32, #tpu.memory_space<vmem_shared>> -> memref<626x16xf32, #tpu.memory_space<vmem_shared>>
      %dma_start3A_39 = arith.constant 0 : i32
      %dma_start3A_40 = tpu.memref_slice %arg9[%mul3A_2, %dma_start3A_39] : memref<10016x16xf32, #tpu.memory_space<vmem_shared>> -> memref<626x16xf32, #tpu.memory_space<vmem_shared>>
      tpu.enqueue_dma source(%arg8 : memref<626x16xf32, #tpu.memory_space<vmem>>) target(%dma_start3A_40 : memref<626x16xf32, #tpu.memory_space<vmem_shared>>) target_semaphore(%run_scoped3A_37 : memref<!tpu.dma_semaphore, #tpu.memory_space<semaphore_mem>>)
      %dma_wait3A = arith.constant 0 : i32
      %dma_wait3A_41 = tpu.memref_slice %arg9[%mul3A_2, %dma_wait3A] : memref<10016x16xf32, #tpu.memory_space<vmem_shared>> -> memref<626x16xf32, #tpu.memory_space<vmem_shared>>
      %dma_wait3A_42 = arith.constant 0 : i32
      %dma_wait3A_43 = tpu.memref_slice %arg9[%mul3A_2, %dma_wait3A_42] : memref<10016x16xf32, #tpu.memory_space<vmem_shared>> -> memref<626x16xf32, #tpu.memory_space<vmem_shared>>
      tpu.wait_dma2 semaphore(%run_scoped3A_37 : memref<!tpu.dma_semaphore, #tpu.memory_space<semaphore_mem>>) src(%arg8 : memref<626x16xf32, #tpu.memory_space<vmem>>) dst(%dma_wait3A_43 : memref<626x16xf32, #tpu.memory_space<vmem_shared>>)
      tpu.yield
    }) : () -> ()
    "tpu.region"() ({
      %run_scoped3A_37 = tpu.sem_alloc : memref<!tpu.dma_semaphore, #tpu.memory_space<semaphore_mem>>
      %dma_start3A = arith.constant 0 : i32
      %dma_start3A_38 = tpu.memref_slice %arg10[%mul3A_2, %dma_start3A] : memref<10016x16xf32, #tpu.memory_space<vmem_shared>> -> memref<626x16xf32, #tpu.memory_space<vmem_shared>>
      %dma_start3A_39 = arith.constant 0 : i32
      %dma_start3A_40 = tpu.memref_slice %arg10[%mul3A_2, %dma_start3A_39] : memref<10016x16xf32, #tpu.memory_space<vmem_shared>> -> memref<626x16xf32, #tpu.memory_space<vmem_shared>>
      tpu.enqueue_dma source(%arg8 : memref<626x16xf32, #tpu.memory_space<vmem>>) target(%dma_start3A_40 : memref<626x16xf32, #tpu.memory_space<vmem_shared>>) target_semaphore(%run_scoped3A_37 : memref<!tpu.dma_semaphore, #tpu.memory_space<semaphore_mem>>)
      %dma_wait3A = arith.constant 0 : i32
      %dma_wait3A_41 = tpu.memref_slice %arg10[%mul3A_2, %dma_wait3A] : memref<10016x16xf32, #tpu.memory_space<vmem_shared>> -> memref<626x16xf32, #tpu.memory_space<vmem_shared>>
      %dma_wait3A_42 = arith.constant 0 : i32
      %dma_wait3A_43 = tpu.memref_slice %arg10[%mul3A_2, %dma_wait3A_42] : memref<10016x16xf32, #tpu.memory_space<vmem_shared>> -> memref<626x16xf32, #tpu.memory_space<vmem_shared>>
      tpu.wait_dma2 semaphore(%run_scoped3A_37 : memref<!tpu.dma_semaphore, #tpu.memory_space<semaphore_mem>>) src(%arg8 : memref<626x16xf32, #tpu.memory_space<vmem>>) dst(%dma_wait3A_43 : memref<626x16xf32, #tpu.memory_space<vmem_shared>>)
      tpu.yield
    }) : () -> ()
    %barrier3A = arith.constant 0 : index
    tpu.barrier barrier_id(%barrier3A)
    %mul3A_17 = arith.constant 157 : i32
    %mul3A_18 = arith.muli %add3A, %mul3A_17 : i32
    "tpu.region"() ({
      %run_scoped3A_37 = tpu.sem_alloc : memref<!tpu.dma_semaphore, #tpu.memory_space<semaphore_mem>>
      %dma_start3A = arith.constant 0 : i32
      %dma_start3A_38 = tpu.memref_slice %arg2[%mul3A_18, %dma_start3A] : memref<5024x128xi32, #tpu.memory_space<hbm>> -> memref<157x128xi32, #tpu.memory_space<hbm>>
      %dma_start3A_39 = arith.constant 0 : i32
      %dma_start3A_40 = tpu.memref_slice %arg2[%mul3A_18, %dma_start3A_39] : memref<5024x128xi32, #tpu.memory_space<hbm>> -> memref<157x128xi32, #tpu.memory_space<hbm>>
      tpu.enqueue_dma source(%dma_start3A_40 : memref<157x128xi32, #tpu.memory_space<hbm>>) target(%arg6 : memref<157x128xi32, #tpu.memory_space<vmem>>) target_semaphore(%run_scoped3A_37 : memref<!tpu.dma_semaphore, #tpu.memory_space<semaphore_mem>>)
      %dma_wait3A = arith.constant 0 : i32
      %dma_wait3A_41 = tpu.memref_slice %arg2[%mul3A_18, %dma_wait3A] : memref<5024x128xi32, #tpu.memory_space<hbm>> -> memref<157x128xi32, #tpu.memory_space<hbm>>
      %dma_wait3A_42 = arith.constant 0 : i32
      %dma_wait3A_43 = tpu.memref_slice %arg2[%mul3A_18, %dma_wait3A_42] : memref<5024x128xi32, #tpu.memory_space<hbm>> -> memref<157x128xi32, #tpu.memory_space<hbm>>
      tpu.wait_dma2 semaphore(%run_scoped3A_37 : memref<!tpu.dma_semaphore, #tpu.memory_space<semaphore_mem>>) src(%dma_wait3A_43 : memref<157x128xi32, #tpu.memory_space<hbm>>) dst(%arg6 : memref<157x128xi32, #tpu.memory_space<vmem>>)
      tpu.yield
    }) : () -> ()
    %scan3A_19 = arith.constant 0 : i32
    %scan3A_20 = arith.constant 0 : i32
    %scan3A_21 = arith.constant 31 : i32
    %scan3A_22 = arith.addi %scan3A_20, %scan3A_21 : i32
    %scan3A_23 = arith.constant 1 : i32
    scf.for %scan3A_37 = %scan3A_20 to %scan3A_22 step %scan3A_23  : i32 {
      %mul3A_38 = arith.constant 5 : i32
      %mul3A_39 = arith.muli %scan3A_37, %mul3A_38 : i32
      %add3A_40 = arith.constant 0 : i32
      %add3A_41 = arith.addi %mul3A_39, %add3A_40 : i32
      "tpu.region"() ({
        %run_scoped3A_58 = tpu.sem_alloc : memref<!tpu.dma_semaphore, #tpu.memory_space<semaphore_mem>>
        %dma_start3A = arith.constant 0 : i32
        %dma_start3A_59 = tpu.memref_slice %arg6[%add3A_41, %dma_start3A] : memref<157x128xi32, #tpu.memory_space<vmem>> -> memref<1x128xi32, #tpu.memory_space<vmem>>
        %dma_start3A_60 = tpu.memref_squeeze %dma_start3A_59 : memref<1x128xi32, #tpu.memory_space<vmem>> -> memref<128xi32, #tpu.memory_space<vmem>>
        %dma_start3A_61 = arith.constant 0 : i32
        %dma_start3A_62 = arith.constant 0 : i32
        %dma_start3A_63 = tpu.memref_slice %arg9[%dma_start3A_61, %dma_start3A_62] : memref<10016x16xf32, #tpu.memory_space<vmem_shared>> -> memref<10016x16xf32, #tpu.memory_space<vmem_shared>>
        tpu.enqueue_indirect_dma source(%arg7 : memref<128x16xf32, #tpu.memory_space<vmem>>) target(%dma_start3A_63 : memref<10016x16xf32, #tpu.memory_space<vmem_shared>>) offsets(%dma_start3A_60 : memref<128xi32, #tpu.memory_space<vmem>>) semaphore(%run_scoped3A_58 : memref<!tpu.dma_semaphore, #tpu.memory_space<semaphore_mem>>) {add = true}
        %dma_wait3A = arith.constant 0 : i32
        %dma_wait3A_64 = tpu.memref_slice %arg6[%add3A_41, %dma_wait3A] : memref<157x128xi32, #tpu.memory_space<vmem>> -> memref<1x128xi32, #tpu.memory_space<vmem>>
        %dma_wait3A_65 = tpu.memref_squeeze %dma_wait3A_64 : memref<1x128xi32, #tpu.memory_space<vmem>> -> memref<128xi32, #tpu.memory_space<vmem>>
        %dma_wait3A_66 = arith.constant 0 : i32
        %dma_wait3A_67 = arith.constant 0 : i32
        %dma_wait3A_68 = tpu.memref_slice %arg9[%dma_wait3A_66, %dma_wait3A_67] : memref<10016x16xf32, #tpu.memory_space<vmem_shared>> -> memref<10016x16xf32, #tpu.memory_space<vmem_shared>>
        tpu.wait_indirect_dma semaphore(%run_scoped3A_58 : memref<!tpu.dma_semaphore, #tpu.memory_space<semaphore_mem>>) src(%arg7 : memref<128x16xf32, #tpu.memory_space<vmem>>) dst(%dma_wait3A_68 : memref<10016x16xf32, #tpu.memory_space<vmem_shared>>)
        tpu.yield
      }) : () -> ()
      %mul3A_42 = arith.constant 5 : i32
      %mul3A_43 = arith.muli %scan3A_37, %mul3A_42 : i32
      %add3A_44 = arith.constant 1 : i32
      %add3A_45 = arith.addi %mul3A_43, %add3A_44 : i32
      "tpu.region"() ({
        %run_scoped3A_58 = tpu.sem_alloc : memref<!tpu.dma_semaphore, #tpu.memory_space<semaphore_mem>>
        %dma_start3A = arith.constant 0 : i32
        %dma_start3A_59 = tpu.memref_slice %arg6[%add3A_45, %dma_start3A] : memref<157x128xi32, #tpu.memory_space<vmem>> -> memref<1x128xi32, #tpu.memory_space<vmem>>
        %dma_start3A_60 = tpu.memref_squeeze %dma_start3A_59 : memref<1x128xi32, #tpu.memory_space<vmem>> -> memref<128xi32, #tpu.memory_space<vmem>>
        %dma_start3A_61 = arith.constant 0 : i32
        %dma_start3A_62 = arith.constant 0 : i32
        %dma_start3A_63 = tpu.memref_slice %arg9[%dma_start3A_61, %dma_start3A_62] : memref<10016x16xf32, #tpu.memory_space<vmem_shared>> -> memref<10016x16xf32, #tpu.memory_space<vmem_shared>>
        tpu.enqueue_indirect_dma source(%arg7 : memref<128x16xf32, #tpu.memory_space<vmem>>) target(%dma_start3A_63 : memref<10016x16xf32, #tpu.memory_space<vmem_shared>>) offsets(%dma_start3A_60 : memref<128xi32, #tpu.memory_space<vmem>>) semaphore(%run_scoped3A_58 : memref<!tpu.dma_semaphore, #tpu.memory_space<semaphore_mem>>) {add = true}
        %dma_wait3A = arith.constant 0 : i32
        %dma_wait3A_64 = tpu.memref_slice %arg6[%add3A_45, %dma_wait3A] : memref<157x128xi32, #tpu.memory_space<vmem>> -> memref<1x128xi32, #tpu.memory_space<vmem>>
        %dma_wait3A_65 = tpu.memref_squeeze %dma_wait3A_64 : memref<1x128xi32, #tpu.memory_space<vmem>> -> memref<128xi32, #tpu.memory_space<vmem>>
        %dma_wait3A_66 = arith.constant 0 : i32
        %dma_wait3A_67 = arith.constant 0 : i32
        %dma_wait3A_68 = tpu.memref_slice %arg9[%dma_wait3A_66, %dma_wait3A_67] : memref<10016x16xf32, #tpu.memory_space<vmem_shared>> -> memref<10016x16xf32, #tpu.memory_space<vmem_shared>>
        tpu.wait_indirect_dma semaphore(%run_scoped3A_58 : memref<!tpu.dma_semaphore, #tpu.memory_space<semaphore_mem>>) src(%arg7 : memref<128x16xf32, #tpu.memory_space<vmem>>) dst(%dma_wait3A_68 : memref<10016x16xf32, #tpu.memory_space<vmem_shared>>)
        tpu.yield
      }) : () -> ()
      %mul3A_46 = arith.constant 5 : i32
      %mul3A_47 = arith.muli %scan3A_37, %mul3A_46 : i32
      %add3A_48 = arith.constant 2 : i32
      %add3A_49 = arith.addi %mul3A_47, %add3A_48 : i32
      "tpu.region"() ({
        %run_scoped3A_58 = tpu.sem_alloc : memref<!tpu.dma_semaphore, #tpu.memory_space<semaphore_mem>>
        %dma_start3A = arith.constant 0 : i32
        %dma_start3A_59 = tpu.memref_slice %arg6[%add3A_49, %dma_start3A] : memref<157x128xi32, #tpu.memory_space<vmem>> -> memref<1x128xi32, #tpu.memory_space<vmem>>
        %dma_start3A_60 = tpu.memref_squeeze %dma_start3A_59 : memref<1x128xi32, #tpu.memory_space<vmem>> -> memref<128xi32, #tpu.memory_space<vmem>>
        %dma_start3A_61 = arith.constant 0 : i32
        %dma_start3A_62 = arith.constant 0 : i32
        %dma_start3A_63 = tpu.memref_slice %arg9[%dma_start3A_61, %dma_start3A_62] : memref<10016x16xf32, #tpu.memory_space<vmem_shared>> -> memref<10016x16xf32, #tpu.memory_space<vmem_shared>>
        tpu.enqueue_indirect_dma source(%arg7 : memref<128x16xf32, #tpu.memory_space<vmem>>) target(%dma_start3A_63 : memref<10016x16xf32, #tpu.memory_space<vmem_shared>>) offsets(%dma_start3A_60 : memref<128xi32, #tpu.memory_space<vmem>>) semaphore(%run_scoped3A_58 : memref<!tpu.dma_semaphore, #tpu.memory_space<semaphore_mem>>) {add = true}
        %dma_wait3A = arith.constant 0 : i32
        %dma_wait3A_64 = tpu.memref_slice %arg6[%add3A_49, %dma_wait3A] : memref<157x128xi32, #tpu.memory_space<vmem>> -> memref<1x128xi32, #tpu.memory_space<vmem>>
        %dma_wait3A_65 = tpu.memref_squeeze %dma_wait3A_64 : memref<1x128xi32, #tpu.memory_space<vmem>> -> memref<128xi32, #tpu.memory_space<vmem>>
        %dma_wait3A_66 = arith.constant 0 : i32
        %dma_wait3A_67 = arith.constant 0 : i32
        %dma_wait3A_68 = tpu.memref_slice %arg9[%dma_wait3A_66, %dma_wait3A_67] : memref<10016x16xf32, #tpu.memory_space<vmem_shared>> -> memref<10016x16xf32, #tpu.memory_space<vmem_shared>>
        tpu.wait_indirect_dma semaphore(%run_scoped3A_58 : memref<!tpu.dma_semaphore, #tpu.memory_space<semaphore_mem>>) src(%arg7 : memref<128x16xf32, #tpu.memory_space<vmem>>) dst(%dma_wait3A_68 : memref<10016x16xf32, #tpu.memory_space<vmem_shared>>)
        tpu.yield
      }) : () -> ()
      %mul3A_50 = arith.constant 5 : i32
      %mul3A_51 = arith.muli %scan3A_37, %mul3A_50 : i32
      %add3A_52 = arith.constant 3 : i32
      %add3A_53 = arith.addi %mul3A_51, %add3A_52 : i32
      "tpu.region"() ({
        %run_scoped3A_58 = tpu.sem_alloc : memref<!tpu.dma_semaphore, #tpu.memory_space<semaphore_mem>>
        %dma_start3A = arith.constant 0 : i32
        %dma_start3A_59 = tpu.memref_slice %arg6[%add3A_53, %dma_start3A] : memref<157x128xi32, #tpu.memory_space<vmem>> -> memref<1x128xi32, #tpu.memory_space<vmem>>
        %dma_start3A_60 = tpu.memref_squeeze %dma_start3A_59 : memref<1x128xi32, #tpu.memory_space<vmem>> -> memref<128xi32, #tpu.memory_space<vmem>>
        %dma_start3A_61 = arith.constant 0 : i32
        %dma_start3A_62 = arith.constant 0 : i32
        %dma_start3A_63 = tpu.memref_slice %arg9[%dma_start3A_61, %dma_start3A_62] : memref<10016x16xf32, #tpu.memory_space<vmem_shared>> -> memref<10016x16xf32, #tpu.memory_space<vmem_shared>>
        tpu.enqueue_indirect_dma source(%arg7 : memref<128x16xf32, #tpu.memory_space<vmem>>) target(%dma_start3A_63 : memref<10016x16xf32, #tpu.memory_space<vmem_shared>>) offsets(%dma_start3A_60 : memref<128xi32, #tpu.memory_space<vmem>>) semaphore(%run_scoped3A_58 : memref<!tpu.dma_semaphore, #tpu.memory_space<semaphore_mem>>) {add = true}
        %dma_wait3A = arith.constant 0 : i32
        %dma_wait3A_64 = tpu.memref_slice %arg6[%add3A_53, %dma_wait3A] : memref<157x128xi32, #tpu.memory_space<vmem>> -> memref<1x128xi32, #tpu.memory_space<vmem>>
        %dma_wait3A_65 = tpu.memref_squeeze %dma_wait3A_64 : memref<1x128xi32, #tpu.memory_space<vmem>> -> memref<128xi32, #tpu.memory_space<vmem>>
        %dma_wait3A_66 = arith.constant 0 : i32
        %dma_wait3A_67 = arith.constant 0 : i32
        %dma_wait3A_68 = tpu.memref_slice %arg9[%dma_wait3A_66, %dma_wait3A_67] : memref<10016x16xf32, #tpu.memory_space<vmem_shared>> -> memref<10016x16xf32, #tpu.memory_space<vmem_shared>>
        tpu.wait_indirect_dma semaphore(%run_scoped3A_58 : memref<!tpu.dma_semaphore, #tpu.memory_space<semaphore_mem>>) src(%arg7 : memref<128x16xf32, #tpu.memory_space<vmem>>) dst(%dma_wait3A_68 : memref<10016x16xf32, #tpu.memory_space<vmem_shared>>)
        tpu.yield
      }) : () -> ()
      %mul3A_54 = arith.constant 5 : i32
      %mul3A_55 = arith.muli %scan3A_37, %mul3A_54 : i32
      %add3A_56 = arith.constant 4 : i32
      %add3A_57 = arith.addi %mul3A_55, %add3A_56 : i32
      "tpu.region"() ({
        %run_scoped3A_58 = tpu.sem_alloc : memref<!tpu.dma_semaphore, #tpu.memory_space<semaphore_mem>>
        %dma_start3A = arith.constant 0 : i32
        %dma_start3A_59 = tpu.memref_slice %arg6[%add3A_57, %dma_start3A] : memref<157x128xi32, #tpu.memory_space<vmem>> -> memref<1x128xi32, #tpu.memory_space<vmem>>
        %dma_start3A_60 = tpu.memref_squeeze %dma_start3A_59 : memref<1x128xi32, #tpu.memory_space<vmem>> -> memref<128xi32, #tpu.memory_space<vmem>>
        %dma_start3A_61 = arith.constant 0 : i32
        %dma_start3A_62 = arith.constant 0 : i32
        %dma_start3A_63 = tpu.memref_slice %arg9[%dma_start3A_61, %dma_start3A_62] : memref<10016x16xf32, #tpu.memory_space<vmem_shared>> -> memref<10016x16xf32, #tpu.memory_space<vmem_shared>>
        tpu.enqueue_indirect_dma source(%arg7 : memref<128x16xf32, #tpu.memory_space<vmem>>) target(%dma_start3A_63 : memref<10016x16xf32, #tpu.memory_space<vmem_shared>>) offsets(%dma_start3A_60 : memref<128xi32, #tpu.memory_space<vmem>>) semaphore(%run_scoped3A_58 : memref<!tpu.dma_semaphore, #tpu.memory_space<semaphore_mem>>) {add = true}
        %dma_wait3A = arith.constant 0 : i32
        %dma_wait3A_64 = tpu.memref_slice %arg6[%add3A_57, %dma_wait3A] : memref<157x128xi32, #tpu.memory_space<vmem>> -> memref<1x128xi32, #tpu.memory_space<vmem>>
        %dma_wait3A_65 = tpu.memref_squeeze %dma_wait3A_64 : memref<1x128xi32, #tpu.memory_space<vmem>> -> memref<128xi32, #tpu.memory_space<vmem>>
        %dma_wait3A_66 = arith.constant 0 : i32
        %dma_wait3A_67 = arith.constant 0 : i32
        %dma_wait3A_68 = tpu.memref_slice %arg9[%dma_wait3A_66, %dma_wait3A_67] : memref<10016x16xf32, #tpu.memory_space<vmem_shared>> -> memref<10016x16xf32, #tpu.memory_space<vmem_shared>>
        tpu.wait_indirect_dma semaphore(%run_scoped3A_58 : memref<!tpu.dma_semaphore, #tpu.memory_space<semaphore_mem>>) src(%arg7 : memref<128x16xf32, #tpu.memory_space<vmem>>) dst(%dma_wait3A_68 : memref<10016x16xf32, #tpu.memory_space<vmem_shared>>)
        tpu.yield
      }) : () -> ()
    }
    %scan3A_24 = arith.constant 31 : i32
    %run_scoped3A = arith.constant 155 : i32
    "tpu.region"() ({
      %run_scoped3A_37 = tpu.sem_alloc : memref<!tpu.dma_semaphore, #tpu.memory_space<semaphore_mem>>
      %dma_start3A = arith.constant 0 : i32
      %dma_start3A_38 = tpu.memref_slice %arg6[%run_scoped3A, %dma_start3A] : memref<157x128xi32, #tpu.memory_space<vmem>> -> memref<1x128xi32, #tpu.memory_space<vmem>>
      %dma_start3A_39 = tpu.memref_squeeze %dma_start3A_38 : memref<1x128xi32, #tpu.memory_space<vmem>> -> memref<128xi32, #tpu.memory_space<vmem>>
      %dma_start3A_40 = arith.constant 0 : i32
      %dma_start3A_41 = arith.constant 0 : i32
      %dma_start3A_42 = tpu.memref_slice %arg9[%dma_start3A_40, %dma_start3A_41] : memref<10016x16xf32, #tpu.memory_space<vmem_shared>> -> memref<10016x16xf32, #tpu.memory_space<vmem_shared>>
      tpu.enqueue_indirect_dma source(%arg7 : memref<128x16xf32, #tpu.memory_space<vmem>>) target(%dma_start3A_42 : memref<10016x16xf32, #tpu.memory_space<vmem_shared>>) offsets(%dma_start3A_39 : memref<128xi32, #tpu.memory_space<vmem>>) semaphore(%run_scoped3A_37 : memref<!tpu.dma_semaphore, #tpu.memory_space<semaphore_mem>>) {add = true}
      %dma_wait3A = arith.constant 0 : i32
      %dma_wait3A_43 = tpu.memref_slice %arg6[%run_scoped3A, %dma_wait3A] : memref<157x128xi32, #tpu.memory_space<vmem>> -> memref<1x128xi32, #tpu.memory_space<vmem>>
      %dma_wait3A_44 = tpu.memref_squeeze %dma_wait3A_43 : memref<1x128xi32, #tpu.memory_space<vmem>> -> memref<128xi32, #tpu.memory_space<vmem>>
      %dma_wait3A_45 = arith.constant 0 : i32
      %dma_wait3A_46 = arith.constant 0 : i32
      %dma_wait3A_47 = tpu.memref_slice %arg9[%dma_wait3A_45, %dma_wait3A_46] : memref<10016x16xf32, #tpu.memory_space<vmem_shared>> -> memref<10016x16xf32, #tpu.memory_space<vmem_shared>>
      tpu.wait_indirect_dma semaphore(%run_scoped3A_37 : memref<!tpu.dma_semaphore, #tpu.memory_space<semaphore_mem>>) src(%arg7 : memref<128x16xf32, #tpu.memory_space<vmem>>) dst(%dma_wait3A_47 : memref<10016x16xf32, #tpu.memory_space<vmem_shared>>)
      tpu.yield
    }) : () -> ()
    %run_scoped3A_25 = arith.constant 156 : i32
    "tpu.region"() ({
      %run_scoped3A_37 = tpu.sem_alloc : memref<!tpu.dma_semaphore, #tpu.memory_space<semaphore_mem>>
      %dma_start3A = arith.constant 0 : i32
      %dma_start3A_38 = tpu.memref_slice %arg6[%run_scoped3A_25, %dma_start3A] : memref<157x128xi32, #tpu.memory_space<vmem>> -> memref<1x128xi32, #tpu.memory_space<vmem>>
      %dma_start3A_39 = tpu.memref_squeeze %dma_start3A_38 : memref<1x128xi32, #tpu.memory_space<vmem>> -> memref<128xi32, #tpu.memory_space<vmem>>
      %dma_start3A_40 = arith.constant 0 : i32
      %dma_start3A_41 = arith.constant 0 : i32
      %dma_start3A_42 = tpu.memref_slice %arg9[%dma_start3A_40, %dma_start3A_41] : memref<10016x16xf32, #tpu.memory_space<vmem_shared>> -> memref<10016x16xf32, #tpu.memory_space<vmem_shared>>
      tpu.enqueue_indirect_dma source(%arg7 : memref<128x16xf32, #tpu.memory_space<vmem>>) target(%dma_start3A_42 : memref<10016x16xf32, #tpu.memory_space<vmem_shared>>) offsets(%dma_start3A_39 : memref<128xi32, #tpu.memory_space<vmem>>) semaphore(%run_scoped3A_37 : memref<!tpu.dma_semaphore, #tpu.memory_space<semaphore_mem>>) {add = true}
      %dma_wait3A = arith.constant 0 : i32
      %dma_wait3A_43 = tpu.memref_slice %arg6[%run_scoped3A_25, %dma_wait3A] : memref<157x128xi32, #tpu.memory_space<vmem>> -> memref<1x128xi32, #tpu.memory_space<vmem>>
      %dma_wait3A_44 = tpu.memref_squeeze %dma_wait3A_43 : memref<1x128xi32, #tpu.memory_space<vmem>> -> memref<128xi32, #tpu.memory_space<vmem>>
      %dma_wait3A_45 = arith.constant 0 : i32
      %dma_wait3A_46 = arith.constant 0 : i32
      %dma_wait3A_47 = tpu.memref_slice %arg9[%dma_wait3A_45, %dma_wait3A_46] : memref<10016x16xf32, #tpu.memory_space<vmem_shared>> -> memref<10016x16xf32, #tpu.memory_space<vmem_shared>>
      tpu.wait_indirect_dma semaphore(%run_scoped3A_37 : memref<!tpu.dma_semaphore, #tpu.memory_space<semaphore_mem>>) src(%arg7 : memref<128x16xf32, #tpu.memory_space<vmem>>) dst(%dma_wait3A_47 : memref<10016x16xf32, #tpu.memory_space<vmem_shared>>)
      tpu.yield
    }) : () -> ()
    %mul3A_26 = arith.constant 157 : i32
    %mul3A_27 = arith.muli %add3A, %mul3A_26 : i32
    "tpu.region"() ({
      %run_scoped3A_37 = tpu.sem_alloc : memref<!tpu.dma_semaphore, #tpu.memory_space<semaphore_mem>>
      %dma_start3A = arith.constant 0 : i32
      %dma_start3A_38 = tpu.memref_slice %arg3[%mul3A_27, %dma_start3A] : memref<5024x128xi32, #tpu.memory_space<hbm>> -> memref<157x128xi32, #tpu.memory_space<hbm>>
      %dma_start3A_39 = arith.constant 0 : i32
      %dma_start3A_40 = tpu.memref_slice %arg3[%mul3A_27, %dma_start3A_39] : memref<5024x128xi32, #tpu.memory_space<hbm>> -> memref<157x128xi32, #tpu.memory_space<hbm>>
      tpu.enqueue_dma source(%dma_start3A_40 : memref<157x128xi32, #tpu.memory_space<hbm>>) target(%arg6 : memref<157x128xi32, #tpu.memory_space<vmem>>) target_semaphore(%run_scoped3A_37 : memref<!tpu.dma_semaphore, #tpu.memory_space<semaphore_mem>>)
      %dma_wait3A = arith.constant 0 : i32
      %dma_wait3A_41 = tpu.memref_slice %arg3[%mul3A_27, %dma_wait3A] : memref<5024x128xi32, #tpu.memory_space<hbm>> -> memref<157x128xi32, #tpu.memory_space<hbm>>
      %dma_wait3A_42 = arith.constant 0 : i32
      %dma_wait3A_43 = tpu.memref_slice %arg3[%mul3A_27, %dma_wait3A_42] : memref<5024x128xi32, #tpu.memory_space<hbm>> -> memref<157x128xi32, #tpu.memory_space<hbm>>
      tpu.wait_dma2 semaphore(%run_scoped3A_37 : memref<!tpu.dma_semaphore, #tpu.memory_space<semaphore_mem>>) src(%dma_wait3A_43 : memref<157x128xi32, #tpu.memory_space<hbm>>) dst(%arg6 : memref<157x128xi32, #tpu.memory_space<vmem>>)
      tpu.yield
    }) : () -> ()
    %scan3A_28 = arith.constant 0 : i32
    %scan3A_29 = arith.constant 0 : i32
    %scan3A_30 = arith.constant 31 : i32
    %scan3A_31 = arith.addi %scan3A_29, %scan3A_30 : i32
    %scan3A_32 = arith.constant 1 : i32
    scf.for %scan3A_37 = %scan3A_29 to %scan3A_31 step %scan3A_32  : i32 {
      %mul3A_38 = arith.constant 5 : i32
      %mul3A_39 = arith.muli %scan3A_37, %mul3A_38 : i32
      %add3A_40 = arith.constant 0 : i32
      %add3A_41 = arith.addi %mul3A_39, %add3A_40 : i32
      "tpu.region"() ({
        %run_scoped3A_58 = tpu.sem_alloc : memref<!tpu.dma_semaphore, #tpu.memory_space<semaphore_mem>>
        %dma_start3A = arith.constant 0 : i32
        %dma_start3A_59 = tpu.memref_slice %arg6[%add3A_41, %dma_start3A] : memref<157x128xi32, #tpu.memory_space<vmem>> -> memref<1x128xi32, #tpu.memory_space<vmem>>
        %dma_start3A_60 = tpu.memref_squeeze %dma_start3A_59 : memref<1x128xi32, #tpu.memory_space<vmem>> -> memref<128xi32, #tpu.memory_space<vmem>>
        %dma_start3A_61 = arith.constant 0 : i32
        %dma_start3A_62 = arith.constant 0 : i32
        %dma_start3A_63 = tpu.memref_slice %arg10[%dma_start3A_61, %dma_start3A_62] : memref<10016x16xf32, #tpu.memory_space<vmem_shared>> -> memref<10016x16xf32, #tpu.memory_space<vmem_shared>>
        tpu.enqueue_indirect_dma source(%arg7 : memref<128x16xf32, #tpu.memory_space<vmem>>) target(%dma_start3A_63 : memref<10016x16xf32, #tpu.memory_space<vmem_shared>>) offsets(%dma_start3A_60 : memref<128xi32, #tpu.memory_space<vmem>>) semaphore(%run_scoped3A_58 : memref<!tpu.dma_semaphore, #tpu.memory_space<semaphore_mem>>) {add = true}
        %dma_wait3A = arith.constant 0 : i32
        %dma_wait3A_64 = tpu.memref_slice %arg6[%add3A_41, %dma_wait3A] : memref<157x128xi32, #tpu.memory_space<vmem>> -> memref<1x128xi32, #tpu.memory_space<vmem>>
        %dma_wait3A_65 = tpu.memref_squeeze %dma_wait3A_64 : memref<1x128xi32, #tpu.memory_space<vmem>> -> memref<128xi32, #tpu.memory_space<vmem>>
        %dma_wait3A_66 = arith.constant 0 : i32
        %dma_wait3A_67 = arith.constant 0 : i32
        %dma_wait3A_68 = tpu.memref_slice %arg10[%dma_wait3A_66, %dma_wait3A_67] : memref<10016x16xf32, #tpu.memory_space<vmem_shared>> -> memref<10016x16xf32, #tpu.memory_space<vmem_shared>>
        tpu.wait_indirect_dma semaphore(%run_scoped3A_58 : memref<!tpu.dma_semaphore, #tpu.memory_space<semaphore_mem>>) src(%arg7 : memref<128x16xf32, #tpu.memory_space<vmem>>) dst(%dma_wait3A_68 : memref<10016x16xf32, #tpu.memory_space<vmem_shared>>)
        tpu.yield
      }) : () -> ()
      %mul3A_42 = arith.constant 5 : i32
      %mul3A_43 = arith.muli %scan3A_37, %mul3A_42 : i32
      %add3A_44 = arith.constant 1 : i32
      %add3A_45 = arith.addi %mul3A_43, %add3A_44 : i32
      "tpu.region"() ({
        %run_scoped3A_58 = tpu.sem_alloc : memref<!tpu.dma_semaphore, #tpu.memory_space<semaphore_mem>>
        %dma_start3A = arith.constant 0 : i32
        %dma_start3A_59 = tpu.memref_slice %arg6[%add3A_45, %dma_start3A] : memref<157x128xi32, #tpu.memory_space<vmem>> -> memref<1x128xi32, #tpu.memory_space<vmem>>
        %dma_start3A_60 = tpu.memref_squeeze %dma_start3A_59 : memref<1x128xi32, #tpu.memory_space<vmem>> -> memref<128xi32, #tpu.memory_space<vmem>>
        %dma_start3A_61 = arith.constant 0 : i32
        %dma_start3A_62 = arith.constant 0 : i32
        %dma_start3A_63 = tpu.memref_slice %arg10[%dma_start3A_61, %dma_start3A_62] : memref<10016x16xf32, #tpu.memory_space<vmem_shared>> -> memref<10016x16xf32, #tpu.memory_space<vmem_shared>>
        tpu.enqueue_indirect_dma source(%arg7 : memref<128x16xf32, #tpu.memory_space<vmem>>) target(%dma_start3A_63 : memref<10016x16xf32, #tpu.memory_space<vmem_shared>>) offsets(%dma_start3A_60 : memref<128xi32, #tpu.memory_space<vmem>>) semaphore(%run_scoped3A_58 : memref<!tpu.dma_semaphore, #tpu.memory_space<semaphore_mem>>) {add = true}
        %dma_wait3A = arith.constant 0 : i32
        %dma_wait3A_64 = tpu.memref_slice %arg6[%add3A_45, %dma_wait3A] : memref<157x128xi32, #tpu.memory_space<vmem>> -> memref<1x128xi32, #tpu.memory_space<vmem>>
        %dma_wait3A_65 = tpu.memref_squeeze %dma_wait3A_64 : memref<1x128xi32, #tpu.memory_space<vmem>> -> memref<128xi32, #tpu.memory_space<vmem>>
        %dma_wait3A_66 = arith.constant 0 : i32
        %dma_wait3A_67 = arith.constant 0 : i32
        %dma_wait3A_68 = tpu.memref_slice %arg10[%dma_wait3A_66, %dma_wait3A_67] : memref<10016x16xf32, #tpu.memory_space<vmem_shared>> -> memref<10016x16xf32, #tpu.memory_space<vmem_shared>>
        tpu.wait_indirect_dma semaphore(%run_scoped3A_58 : memref<!tpu.dma_semaphore, #tpu.memory_space<semaphore_mem>>) src(%arg7 : memref<128x16xf32, #tpu.memory_space<vmem>>) dst(%dma_wait3A_68 : memref<10016x16xf32, #tpu.memory_space<vmem_shared>>)
        tpu.yield
      }) : () -> ()
      %mul3A_46 = arith.constant 5 : i32
      %mul3A_47 = arith.muli %scan3A_37, %mul3A_46 : i32
      %add3A_48 = arith.constant 2 : i32
      %add3A_49 = arith.addi %mul3A_47, %add3A_48 : i32
      "tpu.region"() ({
        %run_scoped3A_58 = tpu.sem_alloc : memref<!tpu.dma_semaphore, #tpu.memory_space<semaphore_mem>>
        %dma_start3A = arith.constant 0 : i32
        %dma_start3A_59 = tpu.memref_slice %arg6[%add3A_49, %dma_start3A] : memref<157x128xi32, #tpu.memory_space<vmem>> -> memref<1x128xi32, #tpu.memory_space<vmem>>
        %dma_start3A_60 = tpu.memref_squeeze %dma_start3A_59 : memref<1x128xi32, #tpu.memory_space<vmem>> -> memref<128xi32, #tpu.memory_space<vmem>>
        %dma_start3A_61 = arith.constant 0 : i32
        %dma_start3A_62 = arith.constant 0 : i32
        %dma_start3A_63 = tpu.memref_slice %arg10[%dma_start3A_61, %dma_start3A_62] : memref<10016x16xf32, #tpu.memory_space<vmem_shared>> -> memref<10016x16xf32, #tpu.memory_space<vmem_shared>>
        tpu.enqueue_indirect_dma source(%arg7 : memref<128x16xf32, #tpu.memory_space<vmem>>) target(%dma_start3A_63 : memref<10016x16xf32, #tpu.memory_space<vmem_shared>>) offsets(%dma_start3A_60 : memref<128xi32, #tpu.memory_space<vmem>>) semaphore(%run_scoped3A_58 : memref<!tpu.dma_semaphore, #tpu.memory_space<semaphore_mem>>) {add = true}
        %dma_wait3A = arith.constant 0 : i32
        %dma_wait3A_64 = tpu.memref_slice %arg6[%add3A_49, %dma_wait3A] : memref<157x128xi32, #tpu.memory_space<vmem>> -> memref<1x128xi32, #tpu.memory_space<vmem>>
        %dma_wait3A_65 = tpu.memref_squeeze %dma_wait3A_64 : memref<1x128xi32, #tpu.memory_space<vmem>> -> memref<128xi32, #tpu.memory_space<vmem>>
        %dma_wait3A_66 = arith.constant 0 : i32
        %dma_wait3A_67 = arith.constant 0 : i32
        %dma_wait3A_68 = tpu.memref_slice %arg10[%dma_wait3A_66, %dma_wait3A_67] : memref<10016x16xf32, #tpu.memory_space<vmem_shared>> -> memref<10016x16xf32, #tpu.memory_space<vmem_shared>>
        tpu.wait_indirect_dma semaphore(%run_scoped3A_58 : memref<!tpu.dma_semaphore, #tpu.memory_space<semaphore_mem>>) src(%arg7 : memref<128x16xf32, #tpu.memory_space<vmem>>) dst(%dma_wait3A_68 : memref<10016x16xf32, #tpu.memory_space<vmem_shared>>)
        tpu.yield
      }) : () -> ()
      %mul3A_50 = arith.constant 5 : i32
      %mul3A_51 = arith.muli %scan3A_37, %mul3A_50 : i32
      %add3A_52 = arith.constant 3 : i32
      %add3A_53 = arith.addi %mul3A_51, %add3A_52 : i32
      "tpu.region"() ({
        %run_scoped3A_58 = tpu.sem_alloc : memref<!tpu.dma_semaphore, #tpu.memory_space<semaphore_mem>>
        %dma_start3A = arith.constant 0 : i32
        %dma_start3A_59 = tpu.memref_slice %arg6[%add3A_53, %dma_start3A] : memref<157x128xi32, #tpu.memory_space<vmem>> -> memref<1x128xi32, #tpu.memory_space<vmem>>
        %dma_start3A_60 = tpu.memref_squeeze %dma_start3A_59 : memref<1x128xi32, #tpu.memory_space<vmem>> -> memref<128xi32, #tpu.memory_space<vmem>>
        %dma_start3A_61 = arith.constant 0 : i32
        %dma_start3A_62 = arith.constant 0 : i32
        %dma_start3A_63 = tpu.memref_slice %arg10[%dma_start3A_61, %dma_start3A_62] : memref<10016x16xf32, #tpu.memory_space<vmem_shared>> -> memref<10016x16xf32, #tpu.memory_space<vmem_shared>>
        tpu.enqueue_indirect_dma source(%arg7 : memref<128x16xf32, #tpu.memory_space<vmem>>) target(%dma_start3A_63 : memref<10016x16xf32, #tpu.memory_space<vmem_shared>>) offsets(%dma_start3A_60 : memref<128xi32, #tpu.memory_space<vmem>>) semaphore(%run_scoped3A_58 : memref<!tpu.dma_semaphore, #tpu.memory_space<semaphore_mem>>) {add = true}
        %dma_wait3A = arith.constant 0 : i32
        %dma_wait3A_64 = tpu.memref_slice %arg6[%add3A_53, %dma_wait3A] : memref<157x128xi32, #tpu.memory_space<vmem>> -> memref<1x128xi32, #tpu.memory_space<vmem>>
        %dma_wait3A_65 = tpu.memref_squeeze %dma_wait3A_64 : memref<1x128xi32, #tpu.memory_space<vmem>> -> memref<128xi32, #tpu.memory_space<vmem>>
        %dma_wait3A_66 = arith.constant 0 : i32
        %dma_wait3A_67 = arith.constant 0 : i32
        %dma_wait3A_68 = tpu.memref_slice %arg10[%dma_wait3A_66, %dma_wait3A_67] : memref<10016x16xf32, #tpu.memory_space<vmem_shared>> -> memref<10016x16xf32, #tpu.memory_space<vmem_shared>>
        tpu.wait_indirect_dma semaphore(%run_scoped3A_58 : memref<!tpu.dma_semaphore, #tpu.memory_space<semaphore_mem>>) src(%arg7 : memref<128x16xf32, #tpu.memory_space<vmem>>) dst(%dma_wait3A_68 : memref<10016x16xf32, #tpu.memory_space<vmem_shared>>)
        tpu.yield
      }) : () -> ()
      %mul3A_54 = arith.constant 5 : i32
      %mul3A_55 = arith.muli %scan3A_37, %mul3A_54 : i32
      %add3A_56 = arith.constant 4 : i32
      %add3A_57 = arith.addi %mul3A_55, %add3A_56 : i32
      "tpu.region"() ({
        %run_scoped3A_58 = tpu.sem_alloc : memref<!tpu.dma_semaphore, #tpu.memory_space<semaphore_mem>>
        %dma_start3A = arith.constant 0 : i32
        %dma_start3A_59 = tpu.memref_slice %arg6[%add3A_57, %dma_start3A] : memref<157x128xi32, #tpu.memory_space<vmem>> -> memref<1x128xi32, #tpu.memory_space<vmem>>
        %dma_start3A_60 = tpu.memref_squeeze %dma_start3A_59 : memref<1x128xi32, #tpu.memory_space<vmem>> -> memref<128xi32, #tpu.memory_space<vmem>>
        %dma_start3A_61 = arith.constant 0 : i32
        %dma_start3A_62 = arith.constant 0 : i32
        %dma_start3A_63 = tpu.memref_slice %arg10[%dma_start3A_61, %dma_start3A_62] : memref<10016x16xf32, #tpu.memory_space<vmem_shared>> -> memref<10016x16xf32, #tpu.memory_space<vmem_shared>>
        tpu.enqueue_indirect_dma source(%arg7 : memref<128x16xf32, #tpu.memory_space<vmem>>) target(%dma_start3A_63 : memref<10016x16xf32, #tpu.memory_space<vmem_shared>>) offsets(%dma_start3A_60 : memref<128xi32, #tpu.memory_space<vmem>>) semaphore(%run_scoped3A_58 : memref<!tpu.dma_semaphore, #tpu.memory_space<semaphore_mem>>) {add = true}
        %dma_wait3A = arith.constant 0 : i32
        %dma_wait3A_64 = tpu.memref_slice %arg6[%add3A_57, %dma_wait3A] : memref<157x128xi32, #tpu.memory_space<vmem>> -> memref<1x128xi32, #tpu.memory_space<vmem>>
        %dma_wait3A_65 = tpu.memref_squeeze %dma_wait3A_64 : memref<1x128xi32, #tpu.memory_space<vmem>> -> memref<128xi32, #tpu.memory_space<vmem>>
        %dma_wait3A_66 = arith.constant 0 : i32
        %dma_wait3A_67 = arith.constant 0 : i32
        %dma_wait3A_68 = tpu.memref_slice %arg10[%dma_wait3A_66, %dma_wait3A_67] : memref<10016x16xf32, #tpu.memory_space<vmem_shared>> -> memref<10016x16xf32, #tpu.memory_space<vmem_shared>>
        tpu.wait_indirect_dma semaphore(%run_scoped3A_58 : memref<!tpu.dma_semaphore, #tpu.memory_space<semaphore_mem>>) src(%arg7 : memref<128x16xf32, #tpu.memory_space<vmem>>) dst(%dma_wait3A_68 : memref<10016x16xf32, #tpu.memory_space<vmem_shared>>)
        tpu.yield
      }) : () -> ()
    }
    %scan3A_33 = arith.constant 31 : i32
    %run_scoped3A_34 = arith.constant 155 : i32
    "tpu.region"() ({
      %run_scoped3A_37 = tpu.sem_alloc : memref<!tpu.dma_semaphore, #tpu.memory_space<semaphore_mem>>
      %dma_start3A = arith.constant 0 : i32
      %dma_start3A_38 = tpu.memref_slice %arg6[%run_scoped3A_34, %dma_start3A] : memref<157x128xi32, #tpu.memory_space<vmem>> -> memref<1x128xi32, #tpu.memory_space<vmem>>
      %dma_start3A_39 = tpu.memref_squeeze %dma_start3A_38 : memref<1x128xi32, #tpu.memory_space<vmem>> -> memref<128xi32, #tpu.memory_space<vmem>>
      %dma_start3A_40 = arith.constant 0 : i32
      %dma_start3A_41 = arith.constant 0 : i32
      %dma_start3A_42 = tpu.memref_slice %arg10[%dma_start3A_40, %dma_start3A_41] : memref<10016x16xf32, #tpu.memory_space<vmem_shared>> -> memref<10016x16xf32, #tpu.memory_space<vmem_shared>>
      tpu.enqueue_indirect_dma source(%arg7 : memref<128x16xf32, #tpu.memory_space<vmem>>) target(%dma_start3A_42 : memref<10016x16xf32, #tpu.memory_space<vmem_shared>>) offsets(%dma_start3A_39 : memref<128xi32, #tpu.memory_space<vmem>>) semaphore(%run_scoped3A_37 : memref<!tpu.dma_semaphore, #tpu.memory_space<semaphore_mem>>) {add = true}
      %dma_wait3A = arith.constant 0 : i32
      %dma_wait3A_43 = tpu.memref_slice %arg6[%run_scoped3A_34, %dma_wait3A] : memref<157x128xi32, #tpu.memory_space<vmem>> -> memref<1x128xi32, #tpu.memory_space<vmem>>
      %dma_wait3A_44 = tpu.memref_squeeze %dma_wait3A_43 : memref<1x128xi32, #tpu.memory_space<vmem>> -> memref<128xi32, #tpu.memory_space<vmem>>
      %dma_wait3A_45 = arith.constant 0 : i32
      %dma_wait3A_46 = arith.constant 0 : i32
      %dma_wait3A_47 = tpu.memref_slice %arg10[%dma_wait3A_45, %dma_wait3A_46] : memref<10016x16xf32, #tpu.memory_space<vmem_shared>> -> memref<10016x16xf32, #tpu.memory_space<vmem_shared>>
      tpu.wait_indirect_dma semaphore(%run_scoped3A_37 : memref<!tpu.dma_semaphore, #tpu.memory_space<semaphore_mem>>) src(%arg7 : memref<128x16xf32, #tpu.memory_space<vmem>>) dst(%dma_wait3A_47 : memref<10016x16xf32, #tpu.memory_space<vmem_shared>>)
      tpu.yield
    }) : () -> ()
    %run_scoped3A_35 = arith.constant 156 : i32
    "tpu.region"() ({
      %run_scoped3A_37 = tpu.sem_alloc : memref<!tpu.dma_semaphore, #tpu.memory_space<semaphore_mem>>
      %dma_start3A = arith.constant 0 : i32
      %dma_start3A_38 = tpu.memref_slice %arg6[%run_scoped3A_35, %dma_start3A] : memref<157x128xi32, #tpu.memory_space<vmem>> -> memref<1x128xi32, #tpu.memory_space<vmem>>
      %dma_start3A_39 = tpu.memref_squeeze %dma_start3A_38 : memref<1x128xi32, #tpu.memory_space<vmem>> -> memref<128xi32, #tpu.memory_space<vmem>>
      %dma_start3A_40 = arith.constant 0 : i32
      %dma_start3A_41 = arith.constant 0 : i32
      %dma_start3A_42 = tpu.memref_slice %arg10[%dma_start3A_40, %dma_start3A_41] : memref<10016x16xf32, #tpu.memory_space<vmem_shared>> -> memref<10016x16xf32, #tpu.memory_space<vmem_shared>>
      tpu.enqueue_indirect_dma source(%arg7 : memref<128x16xf32, #tpu.memory_space<vmem>>) target(%dma_start3A_42 : memref<10016x16xf32, #tpu.memory_space<vmem_shared>>) offsets(%dma_start3A_39 : memref<128xi32, #tpu.memory_space<vmem>>) semaphore(%run_scoped3A_37 : memref<!tpu.dma_semaphore, #tpu.memory_space<semaphore_mem>>) {add = true}
      %dma_wait3A = arith.constant 0 : i32
      %dma_wait3A_43 = tpu.memref_slice %arg6[%run_scoped3A_35, %dma_wait3A] : memref<157x128xi32, #tpu.memory_space<vmem>> -> memref<1x128xi32, #tpu.memory_space<vmem>>
      %dma_wait3A_44 = tpu.memref_squeeze %dma_wait3A_43 : memref<1x128xi32, #tpu.memory_space<vmem>> -> memref<128xi32, #tpu.memory_space<vmem>>
      %dma_wait3A_45 = arith.constant 0 : i32
      %dma_wait3A_46 = arith.constant 0 : i32
      %dma_wait3A_47 = tpu.memref_slice %arg10[%dma_wait3A_45, %dma_wait3A_46] : memref<10016x16xf32, #tpu.memory_space<vmem_shared>> -> memref<10016x16xf32, #tpu.memory_space<vmem_shared>>
      tpu.wait_indirect_dma semaphore(%run_scoped3A_37 : memref<!tpu.dma_semaphore, #tpu.memory_space<semaphore_mem>>) src(%arg7 : memref<128x16xf32, #tpu.memory_space<vmem>>) dst(%dma_wait3A_47 : memref<10016x16xf32, #tpu.memory_space<vmem_shared>>)
      tpu.yield
    }) : () -> ()
    %barrier3A_36 = arith.constant 0 : index
    tpu.barrier barrier_id(%barrier3A_36)
    "tpu.region"() ({
      %run_scoped3A_37 = tpu.sem_alloc : memref<!tpu.dma_semaphore, #tpu.memory_space<semaphore_mem>>
      %dma_start3A = arith.constant 0 : i32
      %dma_start3A_38 = tpu.memref_slice %arg4[%arg0, %mul3A_2, %dma_start3A] : memref<2x10016x16xf32, #tpu.memory_space<hbm>> -> memref<1x626x16xf32, #tpu.memory_space<hbm>>
      %dma_start3A_39 = tpu.memref_squeeze %dma_start3A_38 : memref<1x626x16xf32, #tpu.memory_space<hbm>> -> memref<626x16xf32, #tpu.memory_space<hbm>>
      %dma_start3A_40 = arith.constant 0 : i32
      %dma_start3A_41 = tpu.memref_slice %arg9[%mul3A_2, %dma_start3A_40] : memref<10016x16xf32, #tpu.memory_space<vmem_shared>> -> memref<626x16xf32, #tpu.memory_space<vmem_shared>>
      tpu.enqueue_dma source(%dma_start3A_41 : memref<626x16xf32, #tpu.memory_space<vmem_shared>>) target(%dma_start3A_39 : memref<626x16xf32, #tpu.memory_space<hbm>>) target_semaphore(%run_scoped3A_37 : memref<!tpu.dma_semaphore, #tpu.memory_space<semaphore_mem>>)
      %dma_wait3A = arith.constant 0 : i32
      %dma_wait3A_42 = tpu.memref_slice %arg4[%arg0, %mul3A_2, %dma_wait3A] : memref<2x10016x16xf32, #tpu.memory_space<hbm>> -> memref<1x626x16xf32, #tpu.memory_space<hbm>>
      %dma_wait3A_43 = tpu.memref_squeeze %dma_wait3A_42 : memref<1x626x16xf32, #tpu.memory_space<hbm>> -> memref<626x16xf32, #tpu.memory_space<hbm>>
      %dma_wait3A_44 = arith.constant 0 : i32
      %dma_wait3A_45 = tpu.memref_slice %arg9[%mul3A_2, %dma_wait3A_44] : memref<10016x16xf32, #tpu.memory_space<vmem_shared>> -> memref<626x16xf32, #tpu.memory_space<vmem_shared>>
      tpu.wait_dma2 semaphore(%run_scoped3A_37 : memref<!tpu.dma_semaphore, #tpu.memory_space<semaphore_mem>>) src(%dma_wait3A_45 : memref<626x16xf32, #tpu.memory_space<vmem_shared>>) dst(%dma_wait3A_43 : memref<626x16xf32, #tpu.memory_space<hbm>>)
      tpu.yield
    }) : () -> ()
    "tpu.region"() ({
      %run_scoped3A_37 = tpu.sem_alloc : memref<!tpu.dma_semaphore, #tpu.memory_space<semaphore_mem>>
      %dma_start3A = arith.constant 0 : i32
      %dma_start3A_38 = tpu.memref_slice %arg5[%arg0, %mul3A_2, %dma_start3A] : memref<2x10016x16xf32, #tpu.memory_space<hbm>> -> memref<1x626x16xf32, #tpu.memory_space<hbm>>
      %dma_start3A_39 = tpu.memref_squeeze %dma_start3A_38 : memref<1x626x16xf32, #tpu.memory_space<hbm>> -> memref<626x16xf32, #tpu.memory_space<hbm>>
      %dma_start3A_40 = arith.constant 0 : i32
      %dma_start3A_41 = tpu.memref_slice %arg10[%mul3A_2, %dma_start3A_40] : memref<10016x16xf32, #tpu.memory_space<vmem_shared>> -> memref<626x16xf32, #tpu.memory_space<vmem_shared>>
      tpu.enqueue_dma source(%dma_start3A_41 : memref<626x16xf32, #tpu.memory_space<vmem_shared>>) target(%dma_start3A_39 : memref<626x16xf32, #tpu.memory_space<hbm>>) target_semaphore(%run_scoped3A_37 : memref<!tpu.dma_semaphore, #tpu.memory_space<semaphore_mem>>)
      %dma_wait3A = arith.constant 0 : i32
      %dma_wait3A_42 = tpu.memref_slice %arg5[%arg0, %mul3A_2, %dma_wait3A] : memref<2x10016x16xf32, #tpu.memory_space<hbm>> -> memref<1x626x16xf32, #tpu.memory_space<hbm>>
      %dma_wait3A_43 = tpu.memref_squeeze %dma_wait3A_42 : memref<1x626x16xf32, #tpu.memory_space<hbm>> -> memref<626x16xf32, #tpu.memory_space<hbm>>
      %dma_wait3A_44 = arith.constant 0 : i32
      %dma_wait3A_45 = tpu.memref_slice %arg10[%mul3A_2, %dma_wait3A_44] : memref<10016x16xf32, #tpu.memory_space<vmem_shared>> -> memref<626x16xf32, #tpu.memory_space<vmem_shared>>
      tpu.wait_dma2 semaphore(%run_scoped3A_37 : memref<!tpu.dma_semaphore, #tpu.memory_space<semaphore_mem>>) src(%dma_wait3A_45 : memref<626x16xf32, #tpu.memory_space<vmem_shared>>) dst(%dma_wait3A_43 : memref<626x16xf32, #tpu.memory_space<hbm>>)
      tpu.yield
    }) : () -> ()
    return
  }
}

module attributes {stable_mosaic.version = 14 : i64} {
  func.func @_enc_body(%arg0: i32, %arg1: memref<400x5x395xf32, #tpu.memory_space<vmem>>, %arg2: memref<2x400x16xf32, #tpu.memory_space<vmem>>, %arg3: memref<2x400x16xf32, #tpu.memory_space<vmem>>, %arg4: memref<392x784xf32, #tpu.memory_space<vmem>>, %arg5: memref<1x784xf32, #tpu.memory_space<vmem>>, %arg6: memref<784x80xf32, #tpu.memory_space<vmem>>, %arg7: memref<1x80xf32, #tpu.memory_space<vmem>>, %arg8: memref<80x40xf32, #tpu.memory_space<vmem>>, %arg9: memref<1x40xf32, #tpu.memory_space<vmem>>, %arg10: memref<41x192xf32, #tpu.memory_space<vmem>>, %arg11: memref<64x192xf32, #tpu.memory_space<vmem>>, %arg12: memref<1x192xf32, #tpu.memory_space<vmem>>, %arg13: memref<1x192xf32, #tpu.memory_space<vmem>>, %arg14: memref<104x40xf32, #tpu.memory_space<vmem>>, %arg15: memref<104x40xf32, #tpu.memory_space<vmem>>, %arg16: memref<400x48xf32, #tpu.memory_space<vmem>>, %arg17: memref<400x48xf32, #tpu.memory_space<vmem>>, %arg18: memref<400x1xf32, #tpu.memory_space<vmem>>, %arg19: memref<400x1xf32, #tpu.memory_space<vmem>>) attributes {dimension_semantics = [#tpu.dimension_semantics<arbitrary>], iteration_bounds = array<i64: 25>, scalar_prefetch = 0 : i64, scratch_operands = 0 : i64, tpu.core_type = #tpu.core_type<tc>, window_params = [{transform_indices = @transform_0, window_bounds = array<i64: 400, 5, 395>}, {transform_indices = @transform_1, window_bounds = array<i64: 2, 400, 16>}, {transform_indices = @transform_2, window_bounds = array<i64: 2, 400, 16>}, {pipeline_mode = #tpu.pipeline_mode<synchronous>, transform_indices = @transform_3, window_bounds = array<i64: 392, 784>}, {pipeline_mode = #tpu.pipeline_mode<synchronous>, transform_indices = @transform_4, window_bounds = array<i64: 1, 784>}, {pipeline_mode = #tpu.pipeline_mode<synchronous>, transform_indices = @transform_5, window_bounds = array<i64: 784, 80>}, {pipeline_mode = #tpu.pipeline_mode<synchronous>, transform_indices = @transform_6, window_bounds = array<i64: 1, 80>}, {pipeline_mode = #tpu.pipeline_mode<synchronous>, transform_indices = @transform_7, window_bounds = array<i64: 80, 40>}, {pipeline_mode = #tpu.pipeline_mode<synchronous>, transform_indices = @transform_8, window_bounds = array<i64: 1, 40>}, {pipeline_mode = #tpu.pipeline_mode<synchronous>, transform_indices = @transform_9, window_bounds = array<i64: 41, 192>}, {pipeline_mode = #tpu.pipeline_mode<synchronous>, transform_indices = @transform_10, window_bounds = array<i64: 64, 192>}, {pipeline_mode = #tpu.pipeline_mode<synchronous>, transform_indices = @transform_11, window_bounds = array<i64: 1, 192>}, {pipeline_mode = #tpu.pipeline_mode<synchronous>, transform_indices = @transform_12, window_bounds = array<i64: 1, 192>}, {pipeline_mode = #tpu.pipeline_mode<synchronous>, transform_indices = @transform_13, window_bounds = array<i64: 104, 40>}, {pipeline_mode = #tpu.pipeline_mode<synchronous>, transform_indices = @transform_14, window_bounds = array<i64: 104, 40>}, {transform_indices = @transform_15, window_bounds = array<i64: 400, 48>}, {transform_indices = @transform_16, window_bounds = array<i64: 400, 48>}, {transform_indices = @transform_17, window_bounds = array<i64: 400, 1>}, {transform_indices = @transform_18, window_bounds = array<i64: 400, 1>}]} {
    %get3A = arith.constant 0 : index
    %get3A_0 = arith.constant 0 : index
    %get3A_1 = arith.constant 0 : index
    %get3A_2 = vector.load %arg1[%get3A, %get3A_0, %get3A_1] : memref<400x5x395xf32, #tpu.memory_space<vmem>>, vector<400x5x395xf32>
    %slice3A = vector.extract_strided_slice %get3A_2 {offsets = [0, 0, 2], sizes = [400, 5, 1], strides = [1, 1, 1]} : vector<400x5x395xf32> to vector<400x5x1xf32>
    %slice3A_3 = vector.extract_strided_slice %get3A_2 {offsets = [0, 0, 3], sizes = [400, 5, 392], strides = [1, 1, 1]} : vector<400x5x395xf32> to vector<400x5x392xf32>
    %reshape3A = vector.shape_cast %slice3A_3 : vector<400x5x392xf32> to vector<2000x392xf32>
    %get3A_4 = arith.constant 0 : index
    %get3A_5 = arith.constant 0 : index
    %get3A_6 = vector.load %arg4[%get3A_4, %get3A_5] : memref<392x784xf32, #tpu.memory_space<vmem>>, vector<392x784xf32>
    %dot_general3A = arith.constant dense<0.000000e+00> : vector<2000x784xf32>
    %dot_general3A_7 = tpu.matmul %reshape3A, %get3A_6, %dot_general3A {dimension_numbers = #tpu.dot_dimension_numbers<[1], [0], [0], [1], [0, 0, 1, 1], [], []>, transpose_lhs_hint = false} : vector<2000x392xf32>, vector<392x784xf32>, vector<2000x784xf32> -> vector<2000x784xf32>
    %get3A_8 = arith.constant 0 : index
    %get3A_9 = arith.constant 0 : index
    %get3A_10 = vector.load %arg5[%get3A_8, %get3A_9] : memref<1x784xf32, #tpu.memory_space<vmem>>, vector<1x784xf32>
    %add3A = vector.broadcast %get3A_10 : vector<1x784xf32> to vector<2000x784xf32>
    %add3A_11 = arith.addf %dot_general3A_7, %add3A : vector<2000x784xf32>
    %max3A = arith.constant 0.000000e+00 : f32
    %max3A_12 = vector.broadcast %max3A : f32 to vector<2000x784xf32>
    %max3A_13 = arith.maximumf %add3A_11, %max3A_12 : vector<2000x784xf32>
    %get3A_14 = arith.constant 0 : index
    %get3A_15 = arith.constant 0 : index
    %get3A_16 = vector.load %arg6[%get3A_14, %get3A_15] : memref<784x80xf32, #tpu.memory_space<vmem>>, vector<784x80xf32>
    %dot_general3A_17 = arith.constant dense<0.000000e+00> : vector<2000x80xf32>
    %dot_general3A_18 = tpu.matmul %max3A_13, %get3A_16, %dot_general3A_17 {dimension_numbers = #tpu.dot_dimension_numbers<[1], [0], [0], [1], [0, 0, 1, 1], [], []>, transpose_lhs_hint = false} : vector<2000x784xf32>, vector<784x80xf32>, vector<2000x80xf32> -> vector<2000x80xf32>
    %get3A_19 = arith.constant 0 : index
    %get3A_20 = arith.constant 0 : index
    %get3A_21 = vector.load %arg7[%get3A_19, %get3A_20] : memref<1x80xf32, #tpu.memory_space<vmem>>, vector<1x80xf32>
    %add3A_22 = vector.broadcast %get3A_21 : vector<1x80xf32> to vector<2000x80xf32>
    %add3A_23 = arith.addf %dot_general3A_18, %add3A_22 : vector<2000x80xf32>
    %get3A_24 = arith.constant 0 : index
    %get3A_25 = arith.constant 0 : index
    %get3A_26 = vector.load %arg8[%get3A_24, %get3A_25] : memref<80x40xf32, #tpu.memory_space<vmem>>, vector<80x40xf32>
    %dot_general3A_27 = arith.constant dense<0.000000e+00> : vector<2000x40xf32>
    %dot_general3A_28 = tpu.matmul %add3A_23, %get3A_26, %dot_general3A_27 {dimension_numbers = #tpu.dot_dimension_numbers<[1], [0], [0], [1], [0, 0, 1, 1], [], []>, transpose_lhs_hint = false} : vector<2000x80xf32>, vector<80x40xf32>, vector<2000x40xf32> -> vector<2000x40xf32>
    %get3A_29 = arith.constant 0 : index
    %get3A_30 = arith.constant 0 : index
    %get3A_31 = vector.load %arg9[%get3A_29, %get3A_30] : memref<1x40xf32, #tpu.memory_space<vmem>>, vector<1x40xf32>
    %add3A_32 = vector.broadcast %get3A_31 : vector<1x40xf32> to vector<2000x40xf32>
    %add3A_33 = arith.addf %dot_general3A_28, %add3A_32 : vector<2000x40xf32>
    %max3A_34 = arith.constant 0.000000e+00 : f32
    %max3A_35 = vector.broadcast %max3A_34 : f32 to vector<2000x40xf32>
    %max3A_36 = arith.maximumf %add3A_33, %max3A_35 : vector<2000x40xf32>
    %reshape3A_37 = vector.shape_cast %max3A_36 : vector<2000x40xf32> to vector<400x5x40xf32>
    %concatenate3A = tpu.concatenate %reshape3A_37, %slice3A in 2 : vector<400x5x40xf32>, vector<400x5x1xf32> -> vector<400x5x41xf32>
    %get3A_38 = arith.constant 0 : index
    %get3A_39 = arith.constant 0 : index
    %get3A_40 = vector.load %arg10[%get3A_38, %get3A_39] : memref<41x192xf32, #tpu.memory_space<vmem>>, vector<41x192xf32>
    %get3A_41 = arith.constant 0 : index
    %get3A_42 = arith.constant 0 : index
    %get3A_43 = vector.load %arg11[%get3A_41, %get3A_42] : memref<64x192xf32, #tpu.memory_space<vmem>>, vector<64x192xf32>
    %get3A_44 = arith.constant 0 : index
    %get3A_45 = arith.constant 0 : index
    %get3A_46 = vector.load %arg12[%get3A_44, %get3A_45] : memref<1x192xf32, #tpu.memory_space<vmem>>, vector<1x192xf32>
    %get3A_47 = arith.constant 0 : index
    %get3A_48 = arith.constant 0 : index
    %get3A_49 = vector.load %arg13[%get3A_47, %get3A_48] : memref<1x192xf32, #tpu.memory_space<vmem>>, vector<1x192xf32>
    %broadcast_in_dim3A = arith.constant 0.000000e+00 : f32
    %broadcast_in_dim3A_50 = vector.broadcast %broadcast_in_dim3A : f32 to vector<400x64xf32>
    %slice3A_51 = vector.extract_strided_slice %concatenate3A {offsets = [0, 0, 0], sizes = [400, 1, 41], strides = [1, 1, 1]} : vector<400x5x41xf32> to vector<400x1x41xf32>
    %squeeze3A = vector.shape_cast %slice3A_51 : vector<400x1x41xf32> to vector<400x41xf32>
    %dot_general3A_52 = arith.constant dense<0.000000e+00> : vector<400x192xf32>
    %dot_general3A_53 = tpu.matmul %squeeze3A, %get3A_40, %dot_general3A_52 {dimension_numbers = #tpu.dot_dimension_numbers<[1], [0], [0], [1], [0, 0, 1, 1], [], []>, transpose_lhs_hint = false} : vector<400x41xf32>, vector<41x192xf32>, vector<400x192xf32> -> vector<400x192xf32>
    %add3A_54 = vector.broadcast %get3A_46 : vector<1x192xf32> to vector<400x192xf32>
    %add3A_55 = arith.addf %dot_general3A_53, %add3A_54 : vector<400x192xf32>
    %dot_general3A_56 = arith.constant dense<0.000000e+00> : vector<400x192xf32>
    %dot_general3A_57 = tpu.matmul %broadcast_in_dim3A_50, %get3A_43, %dot_general3A_56 {dimension_numbers = #tpu.dot_dimension_numbers<[1], [0], [0], [1], [0, 0, 1, 1], [], []>, transpose_lhs_hint = false} : vector<400x64xf32>, vector<64x192xf32>, vector<400x192xf32> -> vector<400x192xf32>
    %add3A_58 = vector.broadcast %get3A_49 : vector<1x192xf32> to vector<400x192xf32>
    %add3A_59 = arith.addf %dot_general3A_57, %add3A_58 : vector<400x192xf32>
    %slice3A_60 = vector.extract_strided_slice %add3A_55 {offsets = [0, 0], sizes = [400, 64], strides = [1, 1]} : vector<400x192xf32> to vector<400x64xf32>
    %slice3A_61 = vector.extract_strided_slice %add3A_59 {offsets = [0, 0], sizes = [400, 64], strides = [1, 1]} : vector<400x192xf32> to vector<400x64xf32>
    %add3A_62 = arith.addf %slice3A_60, %slice3A_61 : vector<400x64xf32>
    %logistic3A = arith.negf %add3A_62 : vector<400x64xf32>
    %logistic3A_63 = math.exp %logistic3A : vector<400x64xf32>
    %logistic3A_64 = arith.constant 1.000000e+00 : f32
    %logistic3A_65 = vector.broadcast %logistic3A_64 : f32 to vector<400x64xf32>
    %logistic3A_66 = arith.addf %logistic3A_65, %logistic3A_63 : vector<400x64xf32>
    %logistic3A_67 = arith.divf %logistic3A_65, %logistic3A_66 : vector<400x64xf32>
    %slice3A_68 = vector.extract_strided_slice %add3A_55 {offsets = [0, 64], sizes = [400, 64], strides = [1, 1]} : vector<400x192xf32> to vector<400x64xf32>
    %slice3A_69 = vector.extract_strided_slice %add3A_59 {offsets = [0, 64], sizes = [400, 64], strides = [1, 1]} : vector<400x192xf32> to vector<400x64xf32>
    %add3A_70 = arith.addf %slice3A_68, %slice3A_69 : vector<400x64xf32>
    %logistic3A_71 = arith.negf %add3A_70 : vector<400x64xf32>
    %logistic3A_72 = math.exp %logistic3A_71 : vector<400x64xf32>
    %logistic3A_73 = arith.constant 1.000000e+00 : f32
    %logistic3A_74 = vector.broadcast %logistic3A_73 : f32 to vector<400x64xf32>
    %logistic3A_75 = arith.addf %logistic3A_74, %logistic3A_72 : vector<400x64xf32>
    %logistic3A_76 = arith.divf %logistic3A_74, %logistic3A_75 : vector<400x64xf32>
    %slice3A_77 = vector.extract_strided_slice %add3A_55 {offsets = [0, 128], sizes = [400, 64], strides = [1, 1]} : vector<400x192xf32> to vector<400x64xf32>
    %slice3A_78 = vector.extract_strided_slice %add3A_59 {offsets = [0, 128], sizes = [400, 64], strides = [1, 1]} : vector<400x192xf32> to vector<400x64xf32>
    %mul3A = arith.mulf %logistic3A_67, %slice3A_78 : vector<400x64xf32>
    %add3A_79 = arith.addf %slice3A_77, %mul3A : vector<400x64xf32>
    %tanh3A = math.tanh %add3A_79 : vector<400x64xf32>
    %sub3A = arith.constant 1.000000e+00 : f32
    %sub3A_80 = vector.broadcast %sub3A : f32 to vector<400x64xf32>
    %sub3A_81 = arith.subf %sub3A_80, %logistic3A_76 : vector<400x64xf32>
    %mul3A_82 = arith.mulf %sub3A_81, %tanh3A : vector<400x64xf32>
    %mul3A_83 = arith.mulf %logistic3A_76, %broadcast_in_dim3A_50 : vector<400x64xf32>
    %add3A_84 = arith.addf %mul3A_82, %mul3A_83 : vector<400x64xf32>
    %slice3A_85 = vector.extract_strided_slice %concatenate3A {offsets = [0, 1, 0], sizes = [400, 1, 41], strides = [1, 1, 1]} : vector<400x5x41xf32> to vector<400x1x41xf32>
    %squeeze3A_86 = vector.shape_cast %slice3A_85 : vector<400x1x41xf32> to vector<400x41xf32>
    %dot_general3A_87 = arith.constant dense<0.000000e+00> : vector<400x192xf32>
    %dot_general3A_88 = tpu.matmul %squeeze3A_86, %get3A_40, %dot_general3A_87 {dimension_numbers = #tpu.dot_dimension_numbers<[1], [0], [0], [1], [0, 0, 1, 1], [], []>, transpose_lhs_hint = false} : vector<400x41xf32>, vector<41x192xf32>, vector<400x192xf32> -> vector<400x192xf32>
    %add3A_89 = vector.broadcast %get3A_46 : vector<1x192xf32> to vector<400x192xf32>
    %add3A_90 = arith.addf %dot_general3A_88, %add3A_89 : vector<400x192xf32>
    %dot_general3A_91 = arith.constant dense<0.000000e+00> : vector<400x192xf32>
    %dot_general3A_92 = tpu.matmul %add3A_84, %get3A_43, %dot_general3A_91 {dimension_numbers = #tpu.dot_dimension_numbers<[1], [0], [0], [1], [0, 0, 1, 1], [], []>, transpose_lhs_hint = false} : vector<400x64xf32>, vector<64x192xf32>, vector<400x192xf32> -> vector<400x192xf32>
    %add3A_93 = vector.broadcast %get3A_49 : vector<1x192xf32> to vector<400x192xf32>
    %add3A_94 = arith.addf %dot_general3A_92, %add3A_93 : vector<400x192xf32>
    %slice3A_95 = vector.extract_strided_slice %add3A_90 {offsets = [0, 0], sizes = [400, 64], strides = [1, 1]} : vector<400x192xf32> to vector<400x64xf32>
    %slice3A_96 = vector.extract_strided_slice %add3A_94 {offsets = [0, 0], sizes = [400, 64], strides = [1, 1]} : vector<400x192xf32> to vector<400x64xf32>
    %add3A_97 = arith.addf %slice3A_95, %slice3A_96 : vector<400x64xf32>
    %logistic3A_98 = arith.negf %add3A_97 : vector<400x64xf32>
    %logistic3A_99 = math.exp %logistic3A_98 : vector<400x64xf32>
    %logistic3A_100 = arith.constant 1.000000e+00 : f32
    %logistic3A_101 = vector.broadcast %logistic3A_100 : f32 to vector<400x64xf32>
    %logistic3A_102 = arith.addf %logistic3A_101, %logistic3A_99 : vector<400x64xf32>
    %logistic3A_103 = arith.divf %logistic3A_101, %logistic3A_102 : vector<400x64xf32>
    %slice3A_104 = vector.extract_strided_slice %add3A_90 {offsets = [0, 64], sizes = [400, 64], strides = [1, 1]} : vector<400x192xf32> to vector<400x64xf32>
    %slice3A_105 = vector.extract_strided_slice %add3A_94 {offsets = [0, 64], sizes = [400, 64], strides = [1, 1]} : vector<400x192xf32> to vector<400x64xf32>
    %add3A_106 = arith.addf %slice3A_104, %slice3A_105 : vector<400x64xf32>
    %logistic3A_107 = arith.negf %add3A_106 : vector<400x64xf32>
    %logistic3A_108 = math.exp %logistic3A_107 : vector<400x64xf32>
    %logistic3A_109 = arith.constant 1.000000e+00 : f32
    %logistic3A_110 = vector.broadcast %logistic3A_109 : f32 to vector<400x64xf32>
    %logistic3A_111 = arith.addf %logistic3A_110, %logistic3A_108 : vector<400x64xf32>
    %logistic3A_112 = arith.divf %logistic3A_110, %logistic3A_111 : vector<400x64xf32>
    %slice3A_113 = vector.extract_strided_slice %add3A_90 {offsets = [0, 128], sizes = [400, 64], strides = [1, 1]} : vector<400x192xf32> to vector<400x64xf32>
    %slice3A_114 = vector.extract_strided_slice %add3A_94 {offsets = [0, 128], sizes = [400, 64], strides = [1, 1]} : vector<400x192xf32> to vector<400x64xf32>
    %mul3A_115 = arith.mulf %logistic3A_103, %slice3A_114 : vector<400x64xf32>
    %add3A_116 = arith.addf %slice3A_113, %mul3A_115 : vector<400x64xf32>
    %tanh3A_117 = math.tanh %add3A_116 : vector<400x64xf32>
    %sub3A_118 = arith.constant 1.000000e+00 : f32
    %sub3A_119 = vector.broadcast %sub3A_118 : f32 to vector<400x64xf32>
    %sub3A_120 = arith.subf %sub3A_119, %logistic3A_112 : vector<400x64xf32>
    %mul3A_121 = arith.mulf %sub3A_120, %tanh3A_117 : vector<400x64xf32>
    %mul3A_122 = arith.mulf %logistic3A_112, %add3A_84 : vector<400x64xf32>
    %add3A_123 = arith.addf %mul3A_121, %mul3A_122 : vector<400x64xf32>
    %slice3A_124 = vector.extract_strided_slice %concatenate3A {offsets = [0, 2, 0], sizes = [400, 1, 41], strides = [1, 1, 1]} : vector<400x5x41xf32> to vector<400x1x41xf32>
    %squeeze3A_125 = vector.shape_cast %slice3A_124 : vector<400x1x41xf32> to vector<400x41xf32>
    %dot_general3A_126 = arith.constant dense<0.000000e+00> : vector<400x192xf32>
    %dot_general3A_127 = tpu.matmul %squeeze3A_125, %get3A_40, %dot_general3A_126 {dimension_numbers = #tpu.dot_dimension_numbers<[1], [0], [0], [1], [0, 0, 1, 1], [], []>, transpose_lhs_hint = false} : vector<400x41xf32>, vector<41x192xf32>, vector<400x192xf32> -> vector<400x192xf32>
    %add3A_128 = vector.broadcast %get3A_46 : vector<1x192xf32> to vector<400x192xf32>
    %add3A_129 = arith.addf %dot_general3A_127, %add3A_128 : vector<400x192xf32>
    %dot_general3A_130 = arith.constant dense<0.000000e+00> : vector<400x192xf32>
    %dot_general3A_131 = tpu.matmul %add3A_123, %get3A_43, %dot_general3A_130 {dimension_numbers = #tpu.dot_dimension_numbers<[1], [0], [0], [1], [0, 0, 1, 1], [], []>, transpose_lhs_hint = false} : vector<400x64xf32>, vector<64x192xf32>, vector<400x192xf32> -> vector<400x192xf32>
    %add3A_132 = vector.broadcast %get3A_49 : vector<1x192xf32> to vector<400x192xf32>
    %add3A_133 = arith.addf %dot_general3A_131, %add3A_132 : vector<400x192xf32>
    %slice3A_134 = vector.extract_strided_slice %add3A_129 {offsets = [0, 0], sizes = [400, 64], strides = [1, 1]} : vector<400x192xf32> to vector<400x64xf32>
    %slice3A_135 = vector.extract_strided_slice %add3A_133 {offsets = [0, 0], sizes = [400, 64], strides = [1, 1]} : vector<400x192xf32> to vector<400x64xf32>
    %add3A_136 = arith.addf %slice3A_134, %slice3A_135 : vector<400x64xf32>
    %logistic3A_137 = arith.negf %add3A_136 : vector<400x64xf32>
    %logistic3A_138 = math.exp %logistic3A_137 : vector<400x64xf32>
    %logistic3A_139 = arith.constant 1.000000e+00 : f32
    %logistic3A_140 = vector.broadcast %logistic3A_139 : f32 to vector<400x64xf32>
    %logistic3A_141 = arith.addf %logistic3A_140, %logistic3A_138 : vector<400x64xf32>
    %logistic3A_142 = arith.divf %logistic3A_140, %logistic3A_141 : vector<400x64xf32>
    %slice3A_143 = vector.extract_strided_slice %add3A_129 {offsets = [0, 64], sizes = [400, 64], strides = [1, 1]} : vector<400x192xf32> to vector<400x64xf32>
    %slice3A_144 = vector.extract_strided_slice %add3A_133 {offsets = [0, 64], sizes = [400, 64], strides = [1, 1]} : vector<400x192xf32> to vector<400x64xf32>
    %add3A_145 = arith.addf %slice3A_143, %slice3A_144 : vector<400x64xf32>
    %logistic3A_146 = arith.negf %add3A_145 : vector<400x64xf32>
    %logistic3A_147 = math.exp %logistic3A_146 : vector<400x64xf32>
    %logistic3A_148 = arith.constant 1.000000e+00 : f32
    %logistic3A_149 = vector.broadcast %logistic3A_148 : f32 to vector<400x64xf32>
    %logistic3A_150 = arith.addf %logistic3A_149, %logistic3A_147 : vector<400x64xf32>
    %logistic3A_151 = arith.divf %logistic3A_149, %logistic3A_150 : vector<400x64xf32>
    %slice3A_152 = vector.extract_strided_slice %add3A_129 {offsets = [0, 128], sizes = [400, 64], strides = [1, 1]} : vector<400x192xf32> to vector<400x64xf32>
    %slice3A_153 = vector.extract_strided_slice %add3A_133 {offsets = [0, 128], sizes = [400, 64], strides = [1, 1]} : vector<400x192xf32> to vector<400x64xf32>
    %mul3A_154 = arith.mulf %logistic3A_142, %slice3A_153 : vector<400x64xf32>
    %add3A_155 = arith.addf %slice3A_152, %mul3A_154 : vector<400x64xf32>
    %tanh3A_156 = math.tanh %add3A_155 : vector<400x64xf32>
    %sub3A_157 = arith.constant 1.000000e+00 : f32
    %sub3A_158 = vector.broadcast %sub3A_157 : f32 to vector<400x64xf32>
    %sub3A_159 = arith.subf %sub3A_158, %logistic3A_151 : vector<400x64xf32>
    %mul3A_160 = arith.mulf %sub3A_159, %tanh3A_156 : vector<400x64xf32>
    %mul3A_161 = arith.mulf %logistic3A_151, %add3A_123 : vector<400x64xf32>
    %add3A_162 = arith.addf %mul3A_160, %mul3A_161 : vector<400x64xf32>
    %slice3A_163 = vector.extract_strided_slice %concatenate3A {offsets = [0, 3, 0], sizes = [400, 1, 41], strides = [1, 1, 1]} : vector<400x5x41xf32> to vector<400x1x41xf32>
    %squeeze3A_164 = vector.shape_cast %slice3A_163 : vector<400x1x41xf32> to vector<400x41xf32>
    %dot_general3A_165 = arith.constant dense<0.000000e+00> : vector<400x192xf32>
    %dot_general3A_166 = tpu.matmul %squeeze3A_164, %get3A_40, %dot_general3A_165 {dimension_numbers = #tpu.dot_dimension_numbers<[1], [0], [0], [1], [0, 0, 1, 1], [], []>, transpose_lhs_hint = false} : vector<400x41xf32>, vector<41x192xf32>, vector<400x192xf32> -> vector<400x192xf32>
    %add3A_167 = vector.broadcast %get3A_46 : vector<1x192xf32> to vector<400x192xf32>
    %add3A_168 = arith.addf %dot_general3A_166, %add3A_167 : vector<400x192xf32>
    %dot_general3A_169 = arith.constant dense<0.000000e+00> : vector<400x192xf32>
    %dot_general3A_170 = tpu.matmul %add3A_162, %get3A_43, %dot_general3A_169 {dimension_numbers = #tpu.dot_dimension_numbers<[1], [0], [0], [1], [0, 0, 1, 1], [], []>, transpose_lhs_hint = false} : vector<400x64xf32>, vector<64x192xf32>, vector<400x192xf32> -> vector<400x192xf32>
    %add3A_171 = vector.broadcast %get3A_49 : vector<1x192xf32> to vector<400x192xf32>
    %add3A_172 = arith.addf %dot_general3A_170, %add3A_171 : vector<400x192xf32>
    %slice3A_173 = vector.extract_strided_slice %add3A_168 {offsets = [0, 0], sizes = [400, 64], strides = [1, 1]} : vector<400x192xf32> to vector<400x64xf32>
    %slice3A_174 = vector.extract_strided_slice %add3A_172 {offsets = [0, 0], sizes = [400, 64], strides = [1, 1]} : vector<400x192xf32> to vector<400x64xf32>
    %add3A_175 = arith.addf %slice3A_173, %slice3A_174 : vector<400x64xf32>
    %logistic3A_176 = arith.negf %add3A_175 : vector<400x64xf32>
    %logistic3A_177 = math.exp %logistic3A_176 : vector<400x64xf32>
    %logistic3A_178 = arith.constant 1.000000e+00 : f32
    %logistic3A_179 = vector.broadcast %logistic3A_178 : f32 to vector<400x64xf32>
    %logistic3A_180 = arith.addf %logistic3A_179, %logistic3A_177 : vector<400x64xf32>
    %logistic3A_181 = arith.divf %logistic3A_179, %logistic3A_180 : vector<400x64xf32>
    %slice3A_182 = vector.extract_strided_slice %add3A_168 {offsets = [0, 64], sizes = [400, 64], strides = [1, 1]} : vector<400x192xf32> to vector<400x64xf32>
    %slice3A_183 = vector.extract_strided_slice %add3A_172 {offsets = [0, 64], sizes = [400, 64], strides = [1, 1]} : vector<400x192xf32> to vector<400x64xf32>
    %add3A_184 = arith.addf %slice3A_182, %slice3A_183 : vector<400x64xf32>
    %logistic3A_185 = arith.negf %add3A_184 : vector<400x64xf32>
    %logistic3A_186 = math.exp %logistic3A_185 : vector<400x64xf32>
    %logistic3A_187 = arith.constant 1.000000e+00 : f32
    %logistic3A_188 = vector.broadcast %logistic3A_187 : f32 to vector<400x64xf32>
    %logistic3A_189 = arith.addf %logistic3A_188, %logistic3A_186 : vector<400x64xf32>
    %logistic3A_190 = arith.divf %logistic3A_188, %logistic3A_189 : vector<400x64xf32>
    %slice3A_191 = vector.extract_strided_slice %add3A_168 {offsets = [0, 128], sizes = [400, 64], strides = [1, 1]} : vector<400x192xf32> to vector<400x64xf32>
    %slice3A_192 = vector.extract_strided_slice %add3A_172 {offsets = [0, 128], sizes = [400, 64], strides = [1, 1]} : vector<400x192xf32> to vector<400x64xf32>
    %mul3A_193 = arith.mulf %logistic3A_181, %slice3A_192 : vector<400x64xf32>
    %add3A_194 = arith.addf %slice3A_191, %mul3A_193 : vector<400x64xf32>
    %tanh3A_195 = math.tanh %add3A_194 : vector<400x64xf32>
    %sub3A_196 = arith.constant 1.000000e+00 : f32
    %sub3A_197 = vector.broadcast %sub3A_196 : f32 to vector<400x64xf32>
    %sub3A_198 = arith.subf %sub3A_197, %logistic3A_190 : vector<400x64xf32>
    %mul3A_199 = arith.mulf %sub3A_198, %tanh3A_195 : vector<400x64xf32>
    %mul3A_200 = arith.mulf %logistic3A_190, %add3A_162 : vector<400x64xf32>
    %add3A_201 = arith.addf %mul3A_199, %mul3A_200 : vector<400x64xf32>
    %slice3A_202 = vector.extract_strided_slice %concatenate3A {offsets = [0, 4, 0], sizes = [400, 1, 40], strides = [1, 1, 1]} : vector<400x5x41xf32> to vector<400x1x40xf32>
    %squeeze3A_203 = vector.shape_cast %slice3A_202 : vector<400x1x40xf32> to vector<400x40xf32>
    %concatenate3A_204 = tpu.concatenate %squeeze3A_203, %add3A_201 in 1 : vector<400x40xf32>, vector<400x64xf32> -> vector<400x104xf32>
    %broadcast_in_dim3A_205 = arith.constant 0.000000e+00 : f32
    %broadcast_in_dim3A_206 = vector.broadcast %broadcast_in_dim3A_205 : f32 to vector<400x8xf32>
    %get3A_207 = arith.constant 0 : index
    %get3A_208 = arith.constant 0 : index
    %get3A_209 = arith.constant 0 : index
    %get3A_210 = vector.load %arg2[%get3A_207, %get3A_208, %get3A_209] : memref<2x400x16xf32, #tpu.memory_space<vmem>>, vector<1x400x1xf32>
    %get3A_211 = vector.shape_cast %get3A_210 : vector<1x400x1xf32> to vector<400x1xf32>
    %get3A_212 = arith.constant 1 : index
    %get3A_213 = arith.constant 0 : index
    %get3A_214 = arith.constant 0 : index
    %get3A_215 = vector.load %arg2[%get3A_212, %get3A_213, %get3A_214] : memref<2x400x16xf32, #tpu.memory_space<vmem>>, vector<1x400x1xf32>
    %get3A_216 = vector.shape_cast %get3A_215 : vector<1x400x1xf32> to vector<400x1xf32>
    %add3A_217 = arith.addf %get3A_211, %get3A_216 : vector<400x1xf32>
    %add3A_218 = arith.constant 1.000000e+00 : f32
    %add3A_219 = vector.broadcast %add3A_218 : f32 to vector<400x1xf32>
    %add3A_220 = arith.addf %add3A_217, %add3A_219 : vector<400x1xf32>
    %rsqrt3A = math.rsqrt %add3A_220 : vector<400x1xf32>
    %get3A_221 = arith.constant 0 : index
    %get3A_222 = arith.constant 0 : index
    %get3A_223 = vector.load %arg14[%get3A_221, %get3A_222] : memref<104x40xf32, #tpu.memory_space<vmem>>, vector<104x40xf32>
    %dot_general3A_224 = arith.constant dense<0.000000e+00> : vector<400x40xf32>
    %dot_general3A_225 = tpu.matmul %concatenate3A_204, %get3A_223, %dot_general3A_224 {dimension_numbers = #tpu.dot_dimension_numbers<[1], [0], [0], [1], [0, 0, 1, 1], [], []>, transpose_lhs_hint = false} : vector<400x104xf32>, vector<104x40xf32>, vector<400x40xf32> -> vector<400x40xf32>
    %mul3A_226 = vector.broadcast %rsqrt3A : vector<400x1xf32> to vector<400x40xf32>
    %mul3A_227 = arith.mulf %dot_general3A_225, %mul3A_226 : vector<400x40xf32>
    %concatenate3A_228 = tpu.concatenate %mul3A_227, %broadcast_in_dim3A_206 in 1 : vector<400x40xf32>, vector<400x8xf32> -> vector<400x48xf32>
    %swap3A = arith.constant 0 : index
    %swap3A_229 = arith.constant 0 : index
    %swap3A_230 = vector.load %arg16[%swap3A, %swap3A_229] : memref<400x48xf32, #tpu.memory_space<vmem>>, vector<400x48xf32>
    tpu.vector_store %arg16[%swap3A, %swap3A_229], %concatenate3A_228 {strides = array<i32>} : memref<400x48xf32, #tpu.memory_space<vmem>>, vector<400x48xf32>,
    %swap3A_231 = arith.constant 0 : index
    %swap3A_232 = arith.constant 0 : index
    %swap3A_233 = vector.load %arg18[%swap3A_231, %swap3A_232] : memref<400x1xf32, #tpu.memory_space<vmem>>, vector<400x1xf32>
    tpu.vector_store %arg18[%swap3A_231, %swap3A_232], %rsqrt3A {strides = array<i32>} : memref<400x1xf32, #tpu.memory_space<vmem>>, vector<400x1xf32>,
    %get3A_234 = arith.constant 0 : index
    %get3A_235 = arith.constant 0 : index
    %get3A_236 = arith.constant 0 : index
    %get3A_237 = vector.load %arg3[%get3A_234, %get3A_235, %get3A_236] : memref<2x400x16xf32, #tpu.memory_space<vmem>>, vector<1x400x1xf32>
    %get3A_238 = vector.shape_cast %get3A_237 : vector<1x400x1xf32> to vector<400x1xf32>
    %get3A_239 = arith.constant 1 : index
    %get3A_240 = arith.constant 0 : index
    %get3A_241 = arith.constant 0 : index
    %get3A_242 = vector.load %arg3[%get3A_239, %get3A_240, %get3A_241] : memref<2x400x16xf32, #tpu.memory_space<vmem>>, vector<1x400x1xf32>
    %get3A_243 = vector.shape_cast %get3A_242 : vector<1x400x1xf32> to vector<400x1xf32>
    %add3A_244 = arith.addf %get3A_238, %get3A_243 : vector<400x1xf32>
    %add3A_245 = arith.constant 1.000000e+00 : f32
    %add3A_246 = vector.broadcast %add3A_245 : f32 to vector<400x1xf32>
    %add3A_247 = arith.addf %add3A_244, %add3A_246 : vector<400x1xf32>
    %rsqrt3A_248 = math.rsqrt %add3A_247 : vector<400x1xf32>
    %get3A_249 = arith.constant 0 : index
    %get3A_250 = arith.constant 0 : index
    %get3A_251 = vector.load %arg15[%get3A_249, %get3A_250] : memref<104x40xf32, #tpu.memory_space<vmem>>, vector<104x40xf32>
    %dot_general3A_252 = arith.constant dense<0.000000e+00> : vector<400x40xf32>
    %dot_general3A_253 = tpu.matmul %concatenate3A_204, %get3A_251, %dot_general3A_252 {dimension_numbers = #tpu.dot_dimension_numbers<[1], [0], [0], [1], [0, 0, 1, 1], [], []>, transpose_lhs_hint = false} : vector<400x104xf32>, vector<104x40xf32>, vector<400x40xf32> -> vector<400x40xf32>
    %mul3A_254 = vector.broadcast %rsqrt3A_248 : vector<400x1xf32> to vector<400x40xf32>
    %mul3A_255 = arith.mulf %dot_general3A_253, %mul3A_254 : vector<400x40xf32>
    %concatenate3A_256 = tpu.concatenate %mul3A_255, %broadcast_in_dim3A_206 in 1 : vector<400x40xf32>, vector<400x8xf32> -> vector<400x48xf32>
    %swap3A_257 = arith.constant 0 : index
    %swap3A_258 = arith.constant 0 : index
    %swap3A_259 = vector.load %arg17[%swap3A_257, %swap3A_258] : memref<400x48xf32, #tpu.memory_space<vmem>>, vector<400x48xf32>
    tpu.vector_store %arg17[%swap3A_257, %swap3A_258], %concatenate3A_256 {strides = array<i32>} : memref<400x48xf32, #tpu.memory_space<vmem>>, vector<400x48xf32>,
    %swap3A_260 = arith.constant 0 : index
    %swap3A_261 = arith.constant 0 : index
    %swap3A_262 = vector.load %arg19[%swap3A_260, %swap3A_261] : memref<400x1xf32, #tpu.memory_space<vmem>>, vector<400x1xf32>
    tpu.vector_store %arg19[%swap3A_260, %swap3A_261], %rsqrt3A_248 {strides = array<i32>} : memref<400x1xf32, #tpu.memory_space<vmem>>, vector<400x1xf32>,
    return
  }
  func.func @transform_0(%arg0: i32) -> (i32, i32, i32) {
    %c0_i32 = arith.constant 0 : i32
    %c0_i32_0 = arith.constant 0 : i32
    %c0_i32_1 = arith.constant 0 : i32
    return %arg0, %c0_i32, %c0_i32_0 : i32, i32, i32
  }
  func.func @transform_1(%arg0: i32) -> (i32, i32, i32) {
    %c0_i32 = arith.constant 0 : i32
    %c0_i32_0 = arith.constant 0 : i32
    %c0_i32_1 = arith.constant 0 : i32
    return %c0_i32, %arg0, %c0_i32_0 : i32, i32, i32
  }
  func.func @transform_2(%arg0: i32) -> (i32, i32, i32) {
    %c0_i32 = arith.constant 0 : i32
    %c0_i32_0 = arith.constant 0 : i32
    %c0_i32_1 = arith.constant 0 : i32
    return %c0_i32, %arg0, %c0_i32_0 : i32, i32, i32
  }
  func.func @transform_3(%arg0: i32) -> (i32, i32) {
    %c0_i32 = arith.constant 0 : i32
    %c0_i32_0 = arith.constant 0 : i32
    %c0_i32_1 = arith.constant 0 : i32
    return %c0_i32, %c0_i32_0 : i32, i32
  }
  func.func @transform_4(%arg0: i32) -> (i32, i32) {
    %c0_i32 = arith.constant 0 : i32
    %c0_i32_0 = arith.constant 0 : i32
    %c0_i32_1 = arith.constant 0 : i32
    return %c0_i32, %c0_i32_0 : i32, i32
  }
  func.func @transform_5(%arg0: i32) -> (i32, i32) {
    %c0_i32 = arith.constant 0 : i32
    %c0_i32_0 = arith.constant 0 : i32
    %c0_i32_1 = arith.constant 0 : i32
    return %c0_i32, %c0_i32_0 : i32, i32
  }
  func.func @transform_6(%arg0: i32) -> (i32, i32) {
    %c0_i32 = arith.constant 0 : i32
    %c0_i32_0 = arith.constant 0 : i32
    %c0_i32_1 = arith.constant 0 : i32
    return %c0_i32, %c0_i32_0 : i32, i32
  }
  func.func @transform_7(%arg0: i32) -> (i32, i32) {
    %c0_i32 = arith.constant 0 : i32
    %c0_i32_0 = arith.constant 0 : i32
    %c0_i32_1 = arith.constant 0 : i32
    return %c0_i32, %c0_i32_0 : i32, i32
  }
  func.func @transform_8(%arg0: i32) -> (i32, i32) {
    %c0_i32 = arith.constant 0 : i32
    %c0_i32_0 = arith.constant 0 : i32
    %c0_i32_1 = arith.constant 0 : i32
    return %c0_i32, %c0_i32_0 : i32, i32
  }
  func.func @transform_9(%arg0: i32) -> (i32, i32) {
    %c0_i32 = arith.constant 0 : i32
    %c0_i32_0 = arith.constant 0 : i32
    %c0_i32_1 = arith.constant 0 : i32
    return %c0_i32, %c0_i32_0 : i32, i32
  }
  func.func @transform_10(%arg0: i32) -> (i32, i32) {
    %c0_i32 = arith.constant 0 : i32
    %c0_i32_0 = arith.constant 0 : i32
    %c0_i32_1 = arith.constant 0 : i32
    return %c0_i32, %c0_i32_0 : i32, i32
  }
  func.func @transform_11(%arg0: i32) -> (i32, i32) {
    %c0_i32 = arith.constant 0 : i32
    %c0_i32_0 = arith.constant 0 : i32
    %c0_i32_1 = arith.constant 0 : i32
    return %c0_i32, %c0_i32_0 : i32, i32
  }
  func.func @transform_12(%arg0: i32) -> (i32, i32) {
    %c0_i32 = arith.constant 0 : i32
    %c0_i32_0 = arith.constant 0 : i32
    %c0_i32_1 = arith.constant 0 : i32
    return %c0_i32, %c0_i32_0 : i32, i32
  }
  func.func @transform_13(%arg0: i32) -> (i32, i32) {
    %c0_i32 = arith.constant 0 : i32
    %c0_i32_0 = arith.constant 0 : i32
    %c0_i32_1 = arith.constant 0 : i32
    return %c0_i32, %c0_i32_0 : i32, i32
  }
  func.func @transform_14(%arg0: i32) -> (i32, i32) {
    %c0_i32 = arith.constant 0 : i32
    %c0_i32_0 = arith.constant 0 : i32
    %c0_i32_1 = arith.constant 0 : i32
    return %c0_i32, %c0_i32_0 : i32, i32
  }
  func.func @transform_15(%arg0: i32) -> (i32, i32) {
    %c0_i32 = arith.constant 0 : i32
    %c0_i32_0 = arith.constant 0 : i32
    return %arg0, %c0_i32 : i32, i32
  }
  func.func @transform_16(%arg0: i32) -> (i32, i32) {
    %c0_i32 = arith.constant 0 : i32
    %c0_i32_0 = arith.constant 0 : i32
    return %arg0, %c0_i32 : i32, i32
  }
  func.func @transform_17(%arg0: i32) -> (i32, i32) {
    %c0_i32 = arith.constant 0 : i32
    %c0_i32_0 = arith.constant 0 : i32
    return %arg0, %c0_i32 : i32, i32
  }
  func.func @transform_18(%arg0: i32) -> (i32, i32) {
    %c0_i32 = arith.constant 0 : i32
    %c0_i32_0 = arith.constant 0 : i32
    return %arg0, %c0_i32 : i32, i32
  }
}

module attributes {stable_mosaic.version = 14 : i64} {
  func.func @_comb_body(%arg0: memref<2x10000x48xf32, #tpu.memory_space<vmem>>, %arg1: memref<2x10000x48xf32, #tpu.memory_space<vmem>>, %arg2: memref<10000x48xf32, #tpu.memory_space<vmem>>, %arg3: memref<10000x48xf32, #tpu.memory_space<vmem>>, %arg4: memref<10000x1xf32, #tpu.memory_space<vmem>>, %arg5: memref<10000x1xf32, #tpu.memory_space<vmem>>, %arg6: memref<1x40xf32, #tpu.memory_space<vmem>>, %arg7: memref<1x40xf32, #tpu.memory_space<vmem>>, %arg8: memref<40x1xf32, #tpu.memory_space<vmem>>, %arg9: memref<40x1xf32, #tpu.memory_space<vmem>>, %arg10: memref<1x1xf32, #tpu.memory_space<vmem>>, %arg11: memref<10000x1xf32, #tpu.memory_space<vmem>>) attributes {dimension_semantics = [], scalar_prefetch = 0 : i64, scratch_operands = 0 : i64, tpu.core_type = #tpu.core_type<tc>} {
    %get3A = arith.constant 0 : index
    %get3A_0 = arith.constant 0 : index
    %get3A_1 = arith.constant 0 : index
    %get3A_2 = vector.load %arg0[%get3A, %get3A_0, %get3A_1] : memref<2x10000x48xf32, #tpu.memory_space<vmem>>, vector<1x10000x48xf32>
    %get3A_3 = vector.shape_cast %get3A_2 : vector<1x10000x48xf32> to vector<10000x48xf32>
    %get3A_4 = arith.constant 1 : index
    %get3A_5 = arith.constant 0 : index
    %get3A_6 = arith.constant 0 : index
    %get3A_7 = vector.load %arg0[%get3A_4, %get3A_5, %get3A_6] : memref<2x10000x48xf32, #tpu.memory_space<vmem>>, vector<1x10000x48xf32>
    %get3A_8 = vector.shape_cast %get3A_7 : vector<1x10000x48xf32> to vector<10000x48xf32>
    %add3A = arith.addf %get3A_3, %get3A_8 : vector<10000x48xf32>
    %get3A_9 = arith.constant 0 : index
    %get3A_10 = arith.constant 0 : index
    %get3A_11 = vector.load %arg2[%get3A_9, %get3A_10] : memref<10000x48xf32, #tpu.memory_space<vmem>>, vector<10000x48xf32>
    %add3A_12 = arith.addf %add3A, %get3A_11 : vector<10000x48xf32>
    %slice3A = vector.extract_strided_slice %add3A_12 {offsets = [0, 0], sizes = [10000, 40], strides = [1, 1]} : vector<10000x48xf32> to vector<10000x40xf32>
    %get3A_13 = arith.constant 0 : index
    %get3A_14 = arith.constant 0 : index
    %get3A_15 = vector.load %arg4[%get3A_13, %get3A_14] : memref<10000x1xf32, #tpu.memory_space<vmem>>, vector<10000x1xf32>
    %mul3A = vector.broadcast %get3A_15 : vector<10000x1xf32> to vector<10000x40xf32>
    %mul3A_16 = arith.mulf %slice3A, %mul3A : vector<10000x40xf32>
    %get3A_17 = arith.constant 0 : index
    %get3A_18 = arith.constant 0 : index
    %get3A_19 = vector.load %arg6[%get3A_17, %get3A_18] : memref<1x40xf32, #tpu.memory_space<vmem>>, vector<1x40xf32>
    %add3A_20 = vector.broadcast %get3A_19 : vector<1x40xf32> to vector<10000x40xf32>
    %add3A_21 = arith.addf %mul3A_16, %add3A_20 : vector<10000x40xf32>
    %max3A = arith.constant 0.000000e+00 : f32
    %max3A_22 = vector.broadcast %max3A : f32 to vector<10000x40xf32>
    %max3A_23 = arith.maximumf %add3A_21, %max3A_22 : vector<10000x40xf32>
    %get3A_24 = arith.constant 0 : index
    %get3A_25 = arith.constant 0 : index
    %get3A_26 = arith.constant 0 : index
    %get3A_27 = vector.load %arg1[%get3A_24, %get3A_25, %get3A_26] : memref<2x10000x48xf32, #tpu.memory_space<vmem>>, vector<1x10000x48xf32>
    %get3A_28 = vector.shape_cast %get3A_27 : vector<1x10000x48xf32> to vector<10000x48xf32>
    %get3A_29 = arith.constant 1 : index
    %get3A_30 = arith.constant 0 : index
    %get3A_31 = arith.constant 0 : index
    %get3A_32 = vector.load %arg1[%get3A_29, %get3A_30, %get3A_31] : memref<2x10000x48xf32, #tpu.memory_space<vmem>>, vector<1x10000x48xf32>
    %get3A_33 = vector.shape_cast %get3A_32 : vector<1x10000x48xf32> to vector<10000x48xf32>
    %add3A_34 = arith.addf %get3A_28, %get3A_33 : vector<10000x48xf32>
    %get3A_35 = arith.constant 0 : index
    %get3A_36 = arith.constant 0 : index
    %get3A_37 = vector.load %arg3[%get3A_35, %get3A_36] : memref<10000x48xf32, #tpu.memory_space<vmem>>, vector<10000x48xf32>
    %add3A_38 = arith.addf %add3A_34, %get3A_37 : vector<10000x48xf32>
    %slice3A_39 = vector.extract_strided_slice %add3A_38 {offsets = [0, 0], sizes = [10000, 40], strides = [1, 1]} : vector<10000x48xf32> to vector<10000x40xf32>
    %get3A_40 = arith.constant 0 : index
    %get3A_41 = arith.constant 0 : index
    %get3A_42 = vector.load %arg5[%get3A_40, %get3A_41] : memref<10000x1xf32, #tpu.memory_space<vmem>>, vector<10000x1xf32>
    %mul3A_43 = vector.broadcast %get3A_42 : vector<10000x1xf32> to vector<10000x40xf32>
    %mul3A_44 = arith.mulf %slice3A_39, %mul3A_43 : vector<10000x40xf32>
    %get3A_45 = arith.constant 0 : index
    %get3A_46 = arith.constant 0 : index
    %get3A_47 = vector.load %arg7[%get3A_45, %get3A_46] : memref<1x40xf32, #tpu.memory_space<vmem>>, vector<1x40xf32>
    %add3A_48 = vector.broadcast %get3A_47 : vector<1x40xf32> to vector<10000x40xf32>
    %add3A_49 = arith.addf %mul3A_44, %add3A_48 : vector<10000x40xf32>
    %max3A_50 = arith.constant 0.000000e+00 : f32
    %max3A_51 = vector.broadcast %max3A_50 : f32 to vector<10000x40xf32>
    %max3A_52 = arith.maximumf %add3A_49, %max3A_51 : vector<10000x40xf32>
    %get3A_53 = arith.constant 0 : index
    %get3A_54 = arith.constant 0 : index
    %get3A_55 = vector.load %arg8[%get3A_53, %get3A_54] : memref<40x1xf32, #tpu.memory_space<vmem>>, vector<40x1xf32>
    %dot_general3A = arith.constant dense<0.000000e+00> : vector<10000x1xf32>
    %dot_general3A_56 = tpu.matmul %max3A_23, %get3A_55, %dot_general3A {dimension_numbers = #tpu.dot_dimension_numbers<[1], [0], [0], [1], [0, 0, 1, 1], [], []>, transpose_lhs_hint = false} : vector<10000x40xf32>, vector<40x1xf32>, vector<10000x1xf32> -> vector<10000x1xf32>
    %get3A_57 = arith.constant 0 : index
    %get3A_58 = arith.constant 0 : index
    %get3A_59 = vector.load %arg9[%get3A_57, %get3A_58] : memref<40x1xf32, #tpu.memory_space<vmem>>, vector<40x1xf32>
    %dot_general3A_60 = arith.constant dense<0.000000e+00> : vector<10000x1xf32>
    %dot_general3A_61 = tpu.matmul %max3A_52, %get3A_59, %dot_general3A_60 {dimension_numbers = #tpu.dot_dimension_numbers<[1], [0], [0], [1], [0, 0, 1, 1], [], []>, transpose_lhs_hint = false} : vector<10000x40xf32>, vector<40x1xf32>, vector<10000x1xf32> -> vector<10000x1xf32>
    %add3A_62 = arith.addf %dot_general3A_56, %dot_general3A_61 : vector<10000x1xf32>
    %get3A_63 = arith.constant 0 : index
    %get3A_64 = arith.constant 0 : index
    %get3A_65 = vector.load %arg10[%get3A_63, %get3A_64] : memref<1x1xf32, #tpu.memory_space<vmem>>, vector<1x1xf32>
    %add3A_66 = vector.broadcast %get3A_65 : vector<1x1xf32> to vector<10000x1xf32>
    %add3A_67 = arith.addf %add3A_62, %add3A_66 : vector<10000x1xf32>
    %swap3A = arith.constant 0 : index
    %swap3A_68 = arith.constant 0 : index
    %swap3A_69 = vector.load %arg11[%swap3A, %swap3A_68] : memref<10000x1xf32, #tpu.memory_space<vmem>>, vector<10000x1xf32>
    tpu.vector_store %arg11[%swap3A, %swap3A_68], %add3A_67 {strides = array<i32>} : memref<10000x1xf32, #tpu.memory_space<vmem>>, vector<10000x1xf32>,
    return
  }
}

</mosaic_0001>

<sc_bundles>
// kernel: kernel.10.cloned.1.call-start
scs
__scs_entry_jumppad:
0x0: {  	(pc) =	sbr.rel $0x88, $3  }
0x1: {  	(tag) =	ssettag $0x0;
	lr =	simm.s32 $0x1  }
0x2: {  	[smem:$0x3F8E] =	sst lr;
	_ =	strace $0xD0000000  }
0x3: {  	_ = 	snop  }
0x4: {  	_ = 	snop  }
0x5: {  	_ = 	snop  }
0x6: {  	_ = 	snop  }
0x7: {  	_ = 	snop  }
__scs_overlays_trampoline_lowered:
0x8: {  	[smem:$0x3F9D] =	sst s0  }
0x9: {  	[smem:$0x3F9E] =	sst s1  }
0xa: {  	[smem:$0x3F9F] =	sst s2  }
0xb: {  	[smem:$0x3FA0] =	sst s3  }
0xc: {  	[smem:$0x3FA1] =	sst s4  }
0xd: {  	[smem:$0x3FA2] =	sst s5  }
0xe: {  	[smem:$0x3FA3] =	sst s6  }
0xf: {  	[smem:$0x3FA4] =	sst s7  }
0x10: {  	[smem:$0x3FA5] =	sst s8  }
0x11: {  	[smem:$0x3FA6] =	sst s9;
	s0 =	simm.s32 @!p0 $0x0  }
0x12: {  	s1 =	sld [smem:$0x3F8C];
	s0 =	simm.s32 @p0 $0x1  }
0x13: {  	[smem:$0x3FA7] =	sst s0;
	s0 =	simm.s32 @!p1 $0x0  }
0x14: {  	s2 =	sld [smem:$0x3F8B];
	s0 =	simm.s32 @p1 $0x1  }
0x15: {  	[smem:$0x3FA8] =	sst s0;
	s0 =	simm.s32 @!p2 $0x0  }
0x16: {  	s3 =	sld [smem:$0x3FDB];
	s0 =	simm.s32 @p2 $0x1  }
0x17: {  	s4 =	simm.s32 $0x1BF5;
	[smem:$0x3FAA] =	sst s0  }
0x18: {  	s0 =	sld [smem:$0x3F8D];
	_ =	swait.ge [sflag:s4], $0x0  }
0x19: {  	s7 =	sld [smem:$0x3F8E]  }
0x1a: {  	s8 =	sadd.s32 $0xFFFFE003, lr  }
0x1b: {  	s9 =	sadd.s32 $0xFFFFFEF7, lr;
	s5 =	simm.s32 $0xFFFFFFFF;
	p2 =	slt.u32 s8, $0xFFFFF086  }
0x1c: {  	p1 =	slt.u32 s9, $0xF7A;
	s5 =	simm.s32 @!p2 $0x0  }
0x1d: {  	s5 =	simm.s32 @p1 $0x1;
	p0 =	seq.s32 s7, s2  }
0x1e: {  	s7 =	smul.u32 @!p0 $0xF7A, s2;
	p2 =	seq.s32 @!p0 s5, $0x0  }
0x1f: {  	s9 =	smul.u32 $0xF7A, s1;
	s8 =	simm.s32 @!p0 $0x1BF5;
	p2 =	por !p2, p0  }
0x20: {  	[sflag:s8] =	ssyncset.s32 @!p0 $0xFFFFF086;
	s6 =	sadd.s32 @!p0 s3, s7;
	s7 =	simm.s32 @!p0 $0x108  }
0x21: {  	s3 =	sadd.s32 s3, s9;
	s6 =	sadd.s32 @!p0 $0x88, s6;
	s7 =	simm.s32 @p2 $0x1082  }
0x22: {  	[simem:s7], [sflag:s8] =	dma.local @!p0 [hbm:s6], $0xF7A  }
0x23: {  	s9 =	sor.u32 $0xD0000000, s2;
	s6 =	simm.s32 $0x108;
	_ =	swait.ge @!p0 [sflag:s8], $0x0  }
0x24: {  	s3 =	sadd.s32 $0x88, s3;
	s6 =	simm.s32 @!p1 $0x1082;
	[sflag:s4] =	ssyncset.s32 $0xFFFFF086  }
0x25: {  	[simem:s6], [sflag:s4] =	dma.local [hbm:s3], $0xF7A  }
0x26: {  	[smem:$0x3F8E] =	sst s1;
	(tag) =	ssettag s2;
	_ =	strace s9  }
0x27: {  	s1 =	sld [smem:$0x3F9E]  }
0x28: {  	s2 =	sld [smem:$0x3F9F]  }
0x29: {  	s4 =	sld [smem:$0x3FA1]  }
0x2a: {  	p0 =	seq.s32 s5, $0x0;
	s5 =	sld [smem:$0x3FA2]  }
0x2b: {  	s6 =	sld [smem:$0x3FA3]  }
0x2c: {  	s7 =	sld [smem:$0x3FA4]  }
0x2d: {  	s3 =	simm.s32 $0x108;
	s8 =	sld [smem:$0x3FA5]  }
0x2e: {  	s3 =	simm.s32 @!p0 $0x1082;
	s9 =	sld [smem:$0x3FA6]  }
0x2f: {  	lr =	sadd.s32 s0, s3;
	s0 =	sld [smem:$0x3F9D]  }
0x30: {  	s3 =	sld [smem:$0x3FA0]  }
0x31: {  	[smem:$0x3FA9] =	sst s10  }
0x32: {  	s10 =	sld [smem:$0x3FA7];
	_ =	sdelay $0x3  }
0x33: {  	p0 =	seq.s32 s10, $0x1;
	s10 =	sld [smem:$0x3FA9];
	_ =	sdelay $0x3  }
0x34: {  	[smem:$0x3FA9] =	sst s10  }
0x35: {  	s10 =	sld [smem:$0x3FA8];
	_ =	sdelay $0x3  }
0x36: {  	p1 =	seq.s32 s10, $0x1;
	s10 =	sld [smem:$0x3FA9];
	_ =	sdelay $0x3  }
0x37: {  	[smem:$0x3FA9] =	sst s10  }
0x38: {  	s10 =	sld [smem:$0x3FAA]  }
0x39: {  	_ = 	snop;
	(pc) =	sbr.ind lr, $3  }
0x3a: {  	_ = 	snop  }
0x3b: {  	_ = 	snop  }
0x3c: {  	p2 =	seq.s32 s10, $0x1;
	s10 =	sld [smem:$0x3FA9]  }
0x3d: {  	_ =	shalt  }
0x3e: {  	_ =	shalt  }
0x3f: {  	_ =	shalt  }
0x40: {  	_ =	shalt  }
0x41: {  	_ =	shalt  }
0x42: {  	_ =	shalt  }
0x43: {  	_ =	shalt  }
0x44: {  	_ =	shalt  }
0x45: {  	_ =	shalt  }
0x46: {  	_ =	shalt  }
0x47: {  	_ =	shalt  }
0x48: {  	_ =	shalt  }
0x49: {  	_ =	shalt  }
0x4a: {  	_ =	shalt  }
0x4b: {  	_ =	shalt  }
0x4c: {  	_ =	shalt  }
0x4d: {  	_ =	shalt  }
0x4e: {  	_ =	shalt  }
0x4f: {  	_ =	shalt  }
0x50: {  	_ =	shalt  }
0x51: {  	_ =	shalt  }
0x52: {  	_ =	shalt  }
0x53: {  	_ =	shalt  }
0x54: {  	_ =	shalt  }
0x55: {  	_ =	shalt  }
0x56: {  	_ =	shalt  }
0x57: {  	_ =	shalt  }
0x58: {  	_ =	shalt  }
0x59: {  	_ =	shalt  }
0x5a: {  	_ =	shalt  }
0x5b: {  	_ =	shalt  }
0x5c: {  	_ =	shalt  }
0x5d: {  	_ =	shalt  }
0x5e: {  	_ =	shalt  }
0x5f: {  	_ =	shalt  }
0x60: {  	_ =	shalt  }
0x61: {  	_ =	shalt  }
0x62: {  	_ =	shalt  }
0x63: {  	_ =	shalt  }
0x64: {  	_ =	shalt  }
0x65: {  	_ =	shalt  }
0x66: {  	_ =	shalt  }
0x67: {  	_ =	shalt  }
0x68: {  	_ =	shalt  }
0x69: {  	_ =	shalt  }
0x6a: {  	_ =	shalt  }
0x6b: {  	_ =	shalt  }
0x6c: {  	_ =	shalt  }
0x6d: {  	_ =	shalt  }
0x6e: {  	_ =	shalt  }
0x6f: {  	_ =	shalt  }
0x70: {  	_ =	shalt  }
0x71: {  	_ =	shalt  }
0x72: {  	_ =	shalt  }
0x73: {  	_ =	shalt  }
0x74: {  	_ =	shalt  }
0x75: {  	_ =	shalt  }
0x76: {  	_ =	shalt  }
0x77: {  	_ =	shalt  }
0x78: {  	_ =	shalt  }
0x79: {  	_ =	shalt  }
0x7a: {  	_ =	shalt  }
0x7b: {  	_ =	shalt  }
0x7c: {  	_ =	shalt  }
0x7d: {  	_ =	shalt  }
0x7e: {  	_ =	shalt  }
0x7f: {  	_ =	shalt  }
0x80: {  	_ =	shalt  }
0x81: {  	_ =	shalt  }
0x82: {  	_ =	shalt  }
0x83: {  	_ =	shalt  }
0x84: {  	_ =	shalt  }
0x85: {  	_ =	shalt  }
0x86: {  	_ =	shalt  }
0x87: {  	_ =	shalt  }
.Lfunc_end0:
.L_simem_size_0:
called_computation.1_lowered:
.L_overlay_start_0:
0x88: {  	s2 =	sld [smem:$0x3FD9]  }
0x89: {  	s3 =	sld [smem:$0x3FFE];
	_ =	sdelay $0x1  }
0x8a: {  	s1 =	srdreg.scid  }
0x8b: {  	s0 =	sand.u32 $0x1, s1  }
0x8c: {  	s17 =	sshll.u32 s0, $0xA;
	s2 =	sadd.s32 s3, s2  }
0x8d: {  	s2 =	sadd.s32 s2, s17  }
0x8e: {  	[smem:$0x3FB5] =	sst s2  }
0x8f: {  	_ = 	snop  }
0x90: {  	(tm) =	ssettm $0x1  }
0x91: {  	s18 =	sld [smem:$0x3FFB];
	_ =	sdelay $0x3  }
0x92: {  	_ =	strace s18  }
0x93: {  	s2 =	sld [smem:$0x3FFC];
	_ =	sdelay $0x3  }
0x94: {  	_ =	strace s2  }
0x95: {  	s2 =	sld [smem:$0x3FFD];
	_ =	sdelay $0x3  }
0x96: {  	_ =	strace s2  }
0x97: {  	_ =	strace $0x8FFFFFFF  }
0x98: {  	s19 =	sld [smem:$0x3FDB];
	_ =	sdelay $0x1  }
0x99: {  	s20 =	simm.s32 $_scs_section_size  }
0x9a: {  	s4 =	simm.s32 $_size__tile_overlayer_lowered;
	s5 =	simm.s32 $_tile_overlayer_lowered  }
0x9b: {  	s6 =	simm.s32 $0x1BFF;
	s21 =	sshll.u32 s5, $0x1;
	s3 =	sadd.s32 s20, s19  }
0x9c: {  	s22 =	simm.s32 $0x0;
	s4 =	sshll.u32 s4, $0x1;
	s5 =	sadd.s32 s21, s3  }
0x9d: {  	[timem:s22], [sflag:s6] =	dma.local [hbm:s5], s4  }
0x9e: {  	_ =	swait.ge [sflag:s6], s4  }
0x9f: {  	s4 =	ssub.s32 $0x0, s4;
	[sflag:s6] =	ssyncset.done $0x0  }
0xa0: {  	[sflag:s6] =	ssyncadd.s32 s4;
	_ =	sdelay $0x1  }
0xa1: {  	s23 =	simm.s32 $0x1B8B  }
0xa2: {  	_ =	swait.ge [sflag:s23], $0x1  }
0xa3: {  	[sflag:s23] =	ssyncset.done $0x0  }
0xa4: {  	[sflag:s23] =	ssyncadd.s32 $0xFFFFFFFF  }
0xa5: {  	s4 =	sld [smem:$0x0]  }
0xa6: {  	s5 =	sand.u32 $0xFFFFFFFE, s1  }
0xa7: {  	p0 =	sne.s32 s1, s5  }
0xa8: {  	s5 =	sshll.u32 @p0 s5, $0xE  }
0xa9: {  	s5 =	sadd.s32 @p0 $0x11B8D, s5;
	s6 =	sshll.u32 @p0 s4, $0x11  }
0xaa: {  	s5 =	sor.u32 @p0 s6, s5  }
0xab: {  	[sflag:s5] =	ssyncadd.remote.s32 @p0 $0x1;
	_ =	sdelay $0x1  }
0xac: {  	s5 =	simm.s32 @p0 $0x1B8D  }
0xad: {  	_ =	swait.eq @p0 [sflag:s5], $0x1  }
0xae: {  	[sflag:s5] =	ssyncadd.s32 @p0 $0xFFFFFFFF  }
0xaf: {  	s6 =	sshll.u32 @!p0 s1, $0xE  }
0xb0: {  	s6 =	sor.u32 @!p0 $0x4000, s6;
	s5 =	simm.s32 @!p0 $0x1B8D  }
0xb1: {  	s4 =	sshll.u32 @!p0 s4, $0x11;
	s6 =	sadd.s32 @!p0 $0x11B8D, s6;
	_ =	swait.eq @!p0 [sflag:s5], $0x1  }
0xb2: {  	s4 =	sor.u32 @!p0 s4, s6;
	[sflag:s5] =	ssyncadd.s32 @!p0 $0xFFFFFFFF  }
0xb3: {  	s25 =	simm.s32 $0x1B8E;
	s24 =	sld [smem:$0x3FFE];
	[sflag:s4] =	ssyncadd.remote.s32 @!p0 $0x1  }
0xb4: {  	s26 =	simm.s32 $execute0_lowered;
	[smem:$0x3FD2] =	sst s25  }
0xb5: {  	s5 =	sshll.u32 s26, $0x1;
	_ =	strace $0x8000004C;
	[dreg:$0x1] =	wrdreg $0xFFFFFFFF  }
0xb6: {  	s28 =	simm.s32 $_size_execute0_lowered;
	s3 =	sadd.s32 s3, s5;
	[dreg:$0x0] =	wrdreg $0x0  }
0xb7: {  	s5 =	sshll.u32 s28, $0x1;
	[dreg:$0x2] =	wrdreg s3  }
0xb8: {  	[dreg:$0x3] =	wrdreg s5  }
0xb9: {  	[dreg:$0x4] =	wrdreg $0xC0  }
0xba: {  	_ =	task [dreg:s22], $0x5FFFF  }
0xbb: {  	[dreg:$0x1] =	wrdreg $0xFFFFFFFF  }
0xbc: {  	[dreg:$0x0] =	wrdreg $0x60  }
0xbd: {  	[dreg:$0x2] =	wrdreg s24  }
0xbe: {  	[dreg:$0x3] =	wrdreg $0x139000  }
0xbf: {  	[dreg:$0x4] =	wrdreg $0x9  }
0xc0: {  	_ =	task.clear_ibuf [dreg:s22], $0x5FFFF;
	_ =	strace $0x9000004C  }
0xc1: {  	s29 =	simm.s32 $0x9;
	_ =	strace $0x8000004E  }
0xc2: {  	_ =	swait.ge [sflag:s29], $0x1  }
0xc3: {  	[sflag:s29] =	ssyncadd.s32 $0xFFFFFFFF  }
0xc4: {  	_ =	strace $0x9000004E  }
0xc5: {  	_ =	sfence  }
0xc6: {  	s30 =	sld [smem:$0x0];
	_ =	sdelay $0x2  }
0xc7: {  	s31 =	sshll.u32 s1, $0xD;
	s1 =	sshrl.u32 s1, $0x2  }
0xc8: {  	s4 =	sand.u32 $0x4000, s31;
	s1 =	sadd.s32 s1, s30  }
0xc9: {  	s0 =	sor.u32 s4, s0;
	s1 =	sshll.u32 s1, $0x11  }
0xca: {  	s0 =	sor.u32 s1, s0  }
0xcb: {  	s0 =	sadd.s32 $0x8F2B, s0  }
0xcc: {  	[sflag:s0] =	ssyncadd.remote.s32 $0x1  }
0xcd: {  	_ =	sfence.sel $0xFFFF  }
0xce: {  	[dreg:$0x0] =	wrdreg $0xFFFFFFFF;
	(pc) =	sbr.abs _section_cstart, $3  }
0xcf: {  	[dreg:$0x1] =	wrdreg $0xFFFFFFFF  }
0xd0: {  	_ =	task.clear_ibuf [dreg:s22], $0x2FFFF;
	_ =	strace $0x9FFFFFFF  }
0xd1: {  	(tm) =	ssettm $0x7FFFFFFF  }
tec
execute0_lowered:
.L_overlay_start_1:
0x0: {  	(tag) =	ssettag $0x1  }
0x1: {  	s0 =	srdreg.scid;
	s5 =	rddreg [dreg:$0x0]  }
0x2: {  	s4 =	stileid.u32;
	s2 =	rddreg [dreg:$0x1]  }
0x3: {  	s3 =	simm.s32 $0x0;
	s19 =	simm.s32 $0x12D00;
	s20 =	simm.s32 $0x3  }
0x4: {  	s22 =	simm.s32 $0x80;
	s23 =	simm.s32 $0x9D00;
	s24 =	simm.s32 $0xB500  }
0x5: {  	s28 =	simm.s32 $0x1;
	s29 =	simm.s32 $0xE500;
	s30 =	simm.s32 $0xFD00  }
0x6: {  	s31 =	simm.s32 $0x11500;
	s0 =	sand.u32 $0x1, s0;
	s6 =	smul.u32 $0x7560, s4  }
0x7: {  	s1 =	sshll.u32 s4, $0x1;
	[smem:$0x7FF] =	sst s3;
	s8 =	smul.u32 $0x1D580, s4  }
0x8: {  	s4 =	sadd.s32 $0x3E00, s5;
	s1 =	sor.u32 s0, s1;
	s7 =	smul.u32 $0x75600, s0  }
0x9: {  	_ =	strace $0x8000004D;
	s0 =	ssub.s32 $0x2, s0;
	s1 =	smul.u32 $0x9D0, s1  }
0xa: {  	s8 =	sshrl.u32 s8, $0x2;
	s26 =	sshrl.u32 s0, $0x1;
	s7 =	sadd.s32 s6, s7  }
0xb: {  	s14 =	sadd.s32 s8, s2;
	s0 =	ssub.s32 s0, s26;
	s26 =	simm.s32 $0xCD00  }
0xc: {  	s1 =	sadd.s32 s1, s5;
	s7 =	sshrl.u32 s7, $0x3;
	s8 =	sadd.s32 $0x2400, s14  }
0xd: {  	s9 =	sadd.s32 $0x3000, s14;
	s10 =	sadd.s32 $0x3C00, s14;
	s11 =	sadd.s32 $0x4800, s14  }
0xe: {  	s12 =	sadd.s32 $0x5400, s14;
	s13 =	sadd.s32 $0x6000, s14;
	s18 =	smax.u32 s0, $0x1  }
0xf: {  	s17 =	sadd.s32 s7, s5;
	s5 =	sadd.s32 s6, s2;
	s6 =	sadd.s32 $0xC00, s14  }
0x10: {  	s7 =	sadd.s32 $0x1800, s14;
	s14 =	sadd.s32 $0x6C00, s14;
	s15 =	sadd.s32 $0x92000, s1  }
0x11: {  	v0 =	vimm.f32 $0.0e+00;
	s16 =	sadd.s32 $0x17800, s1;
	s1 =	simm.s32 $0x2;
	s17 =	sadd.s32 $0xA5A00, s17  }
.LBB2_1:
0x12: {  	s21 =	simm.s32 $0xC0;
	s25 =	simm.s32 $0x0  }
.LBB2_2:
0x13: {  	p0 =	sne.s32 s21, $0x2F40;
	[tilespmem:s25+$0x12D20] =	vst v0;
	s0 =	smov.u32 s21;
	s21 =	sadd.s32 $0xC0, s21  }
.Ltmp0:
0x14: {  	[tilespmem:s25+$0x12D00] =	vst v0;
	(pc) =	sbr.rel @p0 .LBB2_2-.Ltmp0, $2  }
0x15: {  	[tilespmem:s25+$0x12D10] =	vst v0;
	_ =	sdelay $0x2  }
0x16: {  	s25 =	sshra.s32 s0, $0x2  }
0x17: {  	[tilespmem:s25+$0x12D20] =	vst v0  }
0x18: {  	[tilespmem:s25+$0x12D00] =	vst v0  }
0x19: {  	[tilespmem:s25+$0x12D10] =	vst v0  }
0x1a: {  	[spmem:s5] =	stream.linear.scatter [tilespmem:s19], [sflag:$0x3], $0xC00, $0x38;
	[tilespmem:$0x1AE60] =	vst v63  }
0x1b: {  	_ =	swait.ge [sflag:s20], $0xC00  }
0x1c: {  	[sflag:s20] =	ssyncset.done $0x0  }
0x1d: {  	[sflag:s20] =	ssyncadd.s32 $0xFFFFF400  }
0x1e: {  	[spmem:s6] =	stream.linear.scatter [tilespmem:s19], [sflag:$0x3], $0xC00, $0x38;
	[tilespmem:$0x1AE60] =	vst v63  }
0x1f: {  	_ =	swait.ge [sflag:s20], $0xC00  }
0x20: {  	[sflag:s20] =	ssyncset.done $0x0  }
0x21: {  	[sflag:s20] =	ssyncadd.s32 $0xFFFFF400  }
0x22: {  	[spmem:s7] =	stream.linear.scatter [tilespmem:s19], [sflag:$0x3], $0xC00, $0x38;
	[tilespmem:$0x1AE60] =	vst v63  }
0x23: {  	_ =	swait.ge [sflag:s20], $0xC00  }
0x24: {  	[sflag:s20] =	ssyncset.done $0x0  }
0x25: {  	[sflag:s20] =	ssyncadd.s32 $0xFFFFF400  }
0x26: {  	[spmem:s8] =	stream.linear.scatter [tilespmem:s19], [sflag:$0x3], $0xC00, $0x38;
	[tilespmem:$0x1AE60] =	vst v63  }
0x27: {  	_ =	swait.ge [sflag:s20], $0xC00  }
0x28: {  	[sflag:s20] =	ssyncset.done $0x0  }
0x29: {  	[sflag:s20] =	ssyncadd.s32 $0xFFFFF400  }
0x2a: {  	[spmem:s9] =	stream.linear.scatter [tilespmem:s19], [sflag:$0x3], $0xC00, $0x38;
	[tilespmem:$0x1AE60] =	vst v63  }
0x2b: {  	_ =	swait.ge [sflag:s20], $0xC00  }
0x2c: {  	[sflag:s20] =	ssyncset.done $0x0  }
0x2d: {  	[sflag:s20] =	ssyncadd.s32 $0xFFFFF400  }
0x2e: {  	[spmem:s10] =	stream.linear.scatter [tilespmem:s19], [sflag:$0x3], $0xC00, $0x38;
	[tilespmem:$0x1AE60] =	vst v63  }
0x2f: {  	_ =	swait.ge [sflag:s20], $0xC00  }
0x30: {  	[sflag:s20] =	ssyncset.done $0x0  }
0x31: {  	[sflag:s20] =	ssyncadd.s32 $0xFFFFF400  }
0x32: {  	[spmem:s11] =	stream.linear.scatter [tilespmem:s19], [sflag:$0x3], $0xC00, $0x38;
	[tilespmem:$0x1AE60] =	vst v63  }
0x33: {  	_ =	swait.ge [sflag:s20], $0xC00  }
0x34: {  	[sflag:s20] =	ssyncset.done $0x0  }
0x35: {  	[sflag:s20] =	ssyncadd.s32 $0xFFFFF400  }
0x36: {  	[spmem:s12] =	stream.linear.scatter [tilespmem:s19], [sflag:$0x3], $0xC00, $0x38;
	[tilespmem:$0x1AE60] =	vst v63  }
0x37: {  	_ =	swait.ge [sflag:s20], $0xC00  }
0x38: {  	[sflag:s20] =	ssyncset.done $0x0  }
0x39: {  	[sflag:s20] =	ssyncadd.s32 $0xFFFFF400  }
0x3a: {  	[spmem:s13] =	stream.linear.scatter [tilespmem:s19], [sflag:$0x3], $0xC00, $0x38;
	[tilespmem:$0x1AE60] =	vst v63  }
0x3b: {  	_ =	swait.ge [sflag:s20], $0xC00  }
0x3c: {  	[sflag:s20] =	ssyncset.done $0x0  }
0x3d: {  	[sflag:s20] =	ssyncadd.s32 $0xFFFFF400  }
0x3e: {  	[spmem:s14] =	stream.linear.scatter [tilespmem:s19], [sflag:$0x3], $0x960, $0x38;
	[tilespmem:$0x1AE60] =	vst v63  }
0x3f: {  	_ =	swait.ge [sflag:s20], $0x960  }
0x40: {  	[sflag:s20] =	ssyncset.done $0x0  }
0x41: {  	s0 =	simm.s32 $0x0;
	[sflag:s20] =	ssyncadd.s32 $0xFFFFF6A0  }
0x42: {  	[tilespmem:s0], [sflag:$0x3] =	stream.linear.gather [hbm4b:s15+s0], $0x4E80, $0x38;
	[tilespmem:$0x1AE60] =	vst v63  }
0x43: {  	_ =	swait.ge [sflag:s20], $0x4E80  }
0x44: {  	[sflag:s20] =	ssyncset.done $0x0  }
0x45: {  	s21 =	simm.s32 $0x4E80;
	[sflag:s20] =	ssyncadd.s32 $0xFFFFB180  }
0x46: {  	[tilespmem:s21], [sflag:$0x3] =	stream.linear.gather [hbm4b:s16+s0], $0x4E80, $0x38;
	[tilespmem:$0x1AE60] =	vst v63  }
0x47: {  	_ =	swait.ge [sflag:s20], $0x4E80  }
0x48: {  	[sflag:s20] =	ssyncset.done $0x0  }
0x49: {  	[sflag:s20] =	ssyncadd.s32 $0xFFFFB180  }
0x4a: {  	[bflag:$0x0] =	sbarrier.arrive $0xFFFF  }
0x4b: {  	[tilespmem:s23], [sflag:$0x1] =	stream.indirect.gather [hbm4b:s4+s22], $0x30, s0, s22, $0xb8;
	[tilespmem:$0x1AE60] =	vst v63  }
0x4c: {  	_ = 	snop  }
0x4d: {  	[tilespmem:s24], [sflag:$0x1] =	stream.indirect.gather [hbm4b:s4+s22], $0x30, s22, s22, $0xb8;
	[tilespmem:$0x1AE60] =	vst v63  }
0x4e: {  	s25 =	simm.s32 $0x100  }
0x4f: {  	[tilespmem:s26], [sflag:$0x1] =	stream.indirect.gather [hbm4b:s4+s22], $0x30, s25, s22, $0xb8;
	[tilespmem:$0x1AE60] =	vst v63  }
0x50: {  	_ =	swait.ge [sflag:s28], $0x1800  }
0x51: {  	[sflag:s28] =	ssyncset.done $0x0  }
0x52: {  	[sflag:s28] =	ssyncadd.s32 $0xFFFFE800  }
0x53: {  	_ =	swait.ge [sflag:s28], $0x1800  }
0x54: {  	[sflag:s28] =	ssyncset.done $0x0  }
0x55: {  	[sflag:s28] =	ssyncadd.s32 $0xFFFFE800  }
0x56: {  	_ =	swait.ge [sflag:s28], $0x1800  }
0x57: {  	[sflag:s28] =	ssyncset.done $0x0  }
0x58: {  	s21 =	simm.s32 $0x180;
	[sflag:s28] =	ssyncadd.s32 $0xFFFFE800  }
0x59: {  	[tilespmem:s29], [sflag:$0x2] =	stream.indirect.gather [hbm4b:s4+s22], $0x30, s21, s22, $0xb8;
	[tilespmem:$0x1AE60] =	vst v63  }
0x5a: {  	s25 =	simm.s32 $0x200  }
0x5b: {  	[tilespmem:s30], [sflag:$0x2] =	stream.indirect.gather [hbm4b:s4+s22], $0x30, s25, s22, $0xb8;
	[tilespmem:$0x1AE60] =	vst v63  }
0x5c: {  	s21 =	simm.s32 $0x280  }
0x5d: {  	[tilespmem:s31], [sflag:$0x2] =	stream.indirect.gather [hbm4b:s4+s22], $0x30, s21, s22, $0xb8;
	[tilespmem:$0x1AE60] =	vst v63  }
0x5e: {  	s25 =	simm.s32 $0x4E80  }
0x5f: {  	[spmem:s2] =	stream.indirect.scatter.add.f32 [tilespmem:s23], [sflag:$0x3], $0x30, s25, s22, $0xb8;
	[tilespmem:$0x1AE60] =	vst v63  }
0x60: {  	_ =	swait.ge [sflag:s20], $0x1800  }
0x61: {  	[sflag:s20] =	ssyncset.done $0x0  }
0x62: {  	s21 =	simm.s32 $0x4F00;
	[sflag:s20] =	ssyncadd.s32 $0xFFFFE800  }
0x63: {  	[spmem:s2] =	stream.indirect.scatter.add.f32 [tilespmem:s24], [sflag:$0x3], $0x30, s21, s22, $0xb8;
	[tilespmem:$0x1AE60] =	vst v63  }
0x64: {  	_ =	swait.ge [sflag:s20], $0x1800  }
0x65: {  	[sflag:s20] =	ssyncset.done $0x0  }
0x66: {  	s25 =	simm.s32 $0x4F80;
	[sflag:s20] =	ssyncadd.s32 $0xFFFFE800  }
0x67: {  	[spmem:s2] =	stream.indirect.scatter.add.f32 [tilespmem:s26], [sflag:$0x3], $0x30, s25, s22, $0xb8;
	[tilespmem:$0x1AE60] =	vst v63  }
0x68: {  	_ =	swait.ge [sflag:s20], $0x1800  }
0x69: {  	[sflag:s20] =	ssyncset.done $0x0  }
0x6a: {  	[sflag:s20] =	ssyncadd.s32 $0xFFFFE800  }
0x6b: {  	_ =	swait.ge [sflag:s1], $0x1800  }
0x6c: {  	[sflag:s1] =	ssyncset.done $0x0  }
0x6d: {  	[sflag:s1] =	ssyncadd.s32 $0xFFFFE800  }
0x6e: {  	_ =	swait.ge [sflag:s1], $0x1800  }
0x6f: {  	[sflag:s1] =	ssyncset.done $0x0  }
0x70: {  	[sflag:s1] =	ssyncadd.s32 $0xFFFFE800  }
0x71: {  	_ =	swait.ge [sflag:s1], $0x1800  }
0x72: {  	[sflag:s1] =	ssyncset.done $0x0  }
0x73: {  	s21 =	simm.s32 $0x300;
	[sflag:s1] =	ssyncadd.s32 $0xFFFFE800  }
0x74: {  	[tilespmem:s23], [sflag:$0x1] =	stream.indirect.gather [hbm4b:s4+s22], $0x30, s21, s22, $0xb8;
	[tilespmem:$0x1AE60] =	vst v63  }
0x75: {  	s25 =	simm.s32 $0x380  }
0x76: {  	[tilespmem:s24], [sflag:$0x1] =	stream.indirect.gather [hbm4b:s4+s22], $0x30, s25, s22, $0xb8;
	[tilespmem:$0x1AE60] =	vst v63  }
0x77: {  	s21 =	simm.s32 $0x400  }
0x78: {  	[tilespmem:s26], [sflag:$0x1] =	stream.indirect.gather [hbm4b:s4+s22], $0x30, s21, s22, $0xb8;
	[tilespmem:$0x1AE60] =	vst v63  }
0x79: {  	s25 =	simm.s32 $0x5000  }
0x7a: {  	[spmem:s2] =	stream.indirect.scatter.add.f32 [tilespmem:s29], [sflag:$0x3], $0x30, s25, s22, $0xb8;
	[tilespmem:$0x1AE60] =	vst v63  }
0x7b: {  	_ =	swait.ge [sflag:s20], $0x1800  }
0x7c: {  	[sflag:s20] =	ssyncset.done $0x0  }
0x7d: {  	s21 =	simm.s32 $0x5080;
	[sflag:s20] =	ssyncadd.s32 $0xFFFFE800  }
0x7e: {  	[spmem:s2] =	stream.indirect.scatter.add.f32 [tilespmem:s30], [sflag:$0x3], $0x30, s21, s22, $0xb8;
	[tilespmem:$0x1AE60] =	vst v63  }
0x7f: {  	_ =	swait.ge [sflag:s20], $0x1800  }
0x80: {  	[sflag:s20] =	ssyncset.done $0x0  }
0x81: {  	s25 =	simm.s32 $0x5100;
	[sflag:s20] =	ssyncadd.s32 $0xFFFFE800  }
0x82: {  	[spmem:s2] =	stream.indirect.scatter.add.f32 [tilespmem:s31], [sflag:$0x3], $0x30, s25, s22, $0xb8;
	[tilespmem:$0x1AE60] =	vst v63  }
0x83: {  	_ =	swait.ge [sflag:s20], $0x1800  }
0x84: {  	s25 =	simm.s32 $0xC00;
	[sflag:s20] =	ssyncset.done $0x0  }
.LBB2_4:
0x85: {  	p0 =	sne.s32 s25, $0x12000  }
0x86: {  	[sflag:s20] =	ssyncadd.s32 $0xFFFFE800;
	s0 =	smov.u32 s25;
	s25 =	sadd.s32 $0xC00, s25  }
0x87: {  	_ =	swait.ge [sflag:s28], $0x1800  }
0x88: {  	[sflag:s28] =	ssyncset.done $0x0  }
0x89: {  	[sflag:s28] =	ssyncadd.s32 $0xFFFFE800  }
0x8a: {  	_ =	swait.ge [sflag:s28], $0x1800  }
0x8b: {  	[sflag:s28] =	ssyncset.done $0x0  }
0x8c: {  	[sflag:s28] =	ssyncadd.s32 $0xFFFFE800  }
0x8d: {  	_ =	swait.ge [sflag:s28], $0x1800  }
0x8e: {  	s21 =	sshra.s32 s0, $0x2;
	[sflag:s28] =	ssyncset.done $0x0  }
0x8f: {  	s0 =	sadd.s32 $0x180, s21;
	[sflag:s28] =	ssyncadd.s32 $0xFFFFE800  }
0x90: {  	[tilespmem:s29], [sflag:$0x2] =	stream.indirect.gather [hbm4b:s4+s22], $0x30, s0, s22, $0xb8;
	[tilespmem:$0x1AE60] =	vst v63  }
0x91: {  	s0 =	sadd.s32 $0x200, s21  }
0x92: {  	[tilespmem:s30], [sflag:$0x2] =	stream.indirect.gather [hbm4b:s4+s22], $0x30, s0, s22, $0xb8;
	[tilespmem:$0x1AE60] =	vst v63  }
0x93: {  	s0 =	sadd.s32 $0x280, s21  }
0x94: {  	[tilespmem:s31], [sflag:$0x2] =	stream.indirect.gather [hbm4b:s4+s22], $0x30, s0, s22, $0xb8;
	[tilespmem:$0x1AE60] =	vst v63  }
0x95: {  	s0 =	sadd.s32 $0x4E80, s21  }
0x96: {  	[spmem:s2] =	stream.indirect.scatter.add.f32 [tilespmem:s23], [sflag:$0x3], $0x30, s0, s22, $0xb8;
	[tilespmem:$0x1AE60] =	vst v63  }
0x97: {  	_ =	swait.ge [sflag:s20], $0x1800  }
0x98: {  	[sflag:s20] =	ssyncset.done $0x0  }
0x99: {  	s0 =	sadd.s32 $0x4F00, s21;
	[sflag:s20] =	ssyncadd.s32 $0xFFFFE800  }
0x9a: {  	[spmem:s2] =	stream.indirect.scatter.add.f32 [tilespmem:s24], [sflag:$0x3], $0x30, s0, s22, $0xb8;
	[tilespmem:$0x1AE60] =	vst v63  }
0x9b: {  	_ =	swait.ge [sflag:s20], $0x1800  }
0x9c: {  	[sflag:s20] =	ssyncset.done $0x0  }
0x9d: {  	s0 =	sadd.s32 $0x4F80, s21;
	[sflag:s20] =	ssyncadd.s32 $0xFFFFE800  }
0x9e: {  	[spmem:s2] =	stream.indirect.scatter.add.f32 [tilespmem:s26], [sflag:$0x3], $0x30, s0, s22, $0xb8;
	[tilespmem:$0x1AE60] =	vst v63  }
0x9f: {  	_ =	swait.ge [sflag:s20], $0x1800  }
0xa0: {  	[sflag:s20] =	ssyncset.done $0x0  }
0xa1: {  	[sflag:s20] =	ssyncadd.s32 $0xFFFFE800  }
0xa2: {  	_ =	swait.ge [sflag:s1], $0x1800  }
0xa3: {  	[sflag:s1] =	ssyncset.done $0x0  }
0xa4: {  	[sflag:s1] =	ssyncadd.s32 $0xFFFFE800  }
0xa5: {  	_ =	swait.ge [sflag:s1], $0x1800  }
0xa6: {  	[sflag:s1] =	ssyncset.done $0x0  }
0xa7: {  	[sflag:s1] =	ssyncadd.s32 $0xFFFFE800  }
0xa8: {  	_ =	swait.ge [sflag:s1], $0x1800  }
0xa9: {  	[sflag:s1] =	ssyncset.done $0x0  }
0xaa: {  	s0 =	sadd.s32 $0x300, s21;
	[sflag:s1] =	ssyncadd.s32 $0xFFFFE800  }
0xab: {  	[tilespmem:s23], [sflag:$0x1] =	stream.indirect.gather [hbm4b:s4+s22], $0x30, s0, s22, $0xb8;
	[tilespmem:$0x1AE60] =	vst v63  }
0xac: {  	s0 =	sadd.s32 $0x380, s21  }
0xad: {  	[tilespmem:s24], [sflag:$0x1] =	stream.indirect.gather [hbm4b:s4+s22], $0x30, s0, s22, $0xb8;
	[tilespmem:$0x1AE60] =	vst v63  }
0xae: {  	s0 =	sadd.s32 $0x400, s21  }
0xaf: {  	[tilespmem:s26], [sflag:$0x1] =	stream.indirect.gather [hbm4b:s4+s22], $0x30, s0, s22, $0xb8;
	[tilespmem:$0x1AE60] =	vst v63  }
0xb0: {  	s0 =	sadd.s32 $0x5000, s21  }
0xb1: {  	[spmem:s2] =	stream.indirect.scatter.add.f32 [tilespmem:s29], [sflag:$0x3], $0x30, s0, s22, $0xb8;
	[tilespmem:$0x1AE60] =	vst v63  }
0xb2: {  	_ =	swait.ge [sflag:s20], $0x1800  }
0xb3: {  	[sflag:s20] =	ssyncset.done $0x0  }
0xb4: {  	s0 =	sadd.s32 $0x5080, s21;
	[sflag:s20] =	ssyncadd.s32 $0xFFFFE800  }
0xb5: {  	[spmem:s2] =	stream.indirect.scatter.add.f32 [tilespmem:s30], [sflag:$0x3], $0x30, s0, s22, $0xb8;
	[tilespmem:$0x1AE60] =	vst v63  }
0xb6: {  	_ =	swait.ge [sflag:s20], $0x1800  }
.Ltmp1:
0xb7: {  	[sflag:s20] =	ssyncset.done $0x0;
	(pc) =	sbr.rel @p0 .LBB2_4-.Ltmp1, $4  }
0xb8: {  	s0 =	sadd.s32 $0x5100, s21;
	[sflag:s20] =	ssyncadd.s32 $0xFFFFE800  }
0xb9: {  	[spmem:s2] =	stream.indirect.scatter.add.f32 [tilespmem:s31], [sflag:$0x3], $0x30, s0, s22, $0xb8;
	[tilespmem:$0x1AE60] =	vst v63  }
0xba: {  	_ =	swait.ge [sflag:s20], $0x1800  }
0xbb: {  	[sflag:s20] =	ssyncset.done $0x0  }
0xbc: {  	[sflag:s20] =	ssyncadd.s32 $0xFFFFE800  }
0xbd: {  	_ =	swait.ge [sflag:s28], $0x1800  }
0xbe: {  	[sflag:s28] =	ssyncset.done $0x0  }
0xbf: {  	[sflag:s28] =	ssyncadd.s32 $0xFFFFE800  }
0xc0: {  	_ =	swait.ge [sflag:s28], $0x1800  }
0xc1: {  	[sflag:s28] =	ssyncset.done $0x0  }
0xc2: {  	[sflag:s28] =	ssyncadd.s32 $0xFFFFE800  }
0xc3: {  	_ =	swait.ge [sflag:s28], $0x1800  }
0xc4: {  	[sflag:s28] =	ssyncset.done $0x0  }
0xc5: {  	s0 =	simm.s32 $0x4C80;
	[sflag:s28] =	ssyncadd.s32 $0xFFFFE800  }
0xc6: {  	[tilespmem:s29], [sflag:$0x2] =	stream.indirect.gather [hbm4b:s4+s22], $0x30, s0, s22, $0xb8;
	[tilespmem:$0x1AE60] =	vst v63  }
0xc7: {  	s25 =	simm.s32 $0x4D00  }
0xc8: {  	[tilespmem:s30], [sflag:$0x2] =	stream.indirect.gather [hbm4b:s4+s22], $0x30, s25, s22, $0xb8;
	[tilespmem:$0x1AE60] =	vst v63  }
0xc9: {  	s21 =	simm.s32 $0x4D80  }
0xca: {  	[tilespmem:s31], [sflag:$0x2] =	stream.indirect.gather [hbm4b:s4+s22], $0x30, s21, s22, $0xb8;
	[tilespmem:$0x1AE60] =	vst v63  }
0xcb: {  	s25 =	simm.s32 $0x9980  }
0xcc: {  	[spmem:s2] =	stream.indirect.scatter.add.f32 [tilespmem:s23], [sflag:$0x3], $0x30, s25, s22, $0xb8;
	[tilespmem:$0x1AE60] =	vst v63  }
0xcd: {  	_ =	swait.ge [sflag:s20], $0x1800  }
0xce: {  	[sflag:s20] =	ssyncset.done $0x0  }
0xcf: {  	s21 =	simm.s32 $0x9A00;
	[sflag:s20] =	ssyncadd.s32 $0xFFFFE800  }
0xd0: {  	[spmem:s2] =	stream.indirect.scatter.add.f32 [tilespmem:s24], [sflag:$0x3], $0x30, s21, s22, $0xb8;
	[tilespmem:$0x1AE60] =	vst v63  }
0xd1: {  	_ =	swait.ge [sflag:s20], $0x1800  }
0xd2: {  	[sflag:s20] =	ssyncset.done $0x0  }
0xd3: {  	s25 =	simm.s32 $0x9A80;
	[sflag:s20] =	ssyncadd.s32 $0xFFFFE800  }
0xd4: {  	[spmem:s2] =	stream.indirect.scatter.add.f32 [tilespmem:s26], [sflag:$0x3], $0x30, s25, s22, $0xb8;
	[tilespmem:$0x1AE60] =	vst v63  }
0xd5: {  	_ =	swait.ge [sflag:s20], $0x1800  }
0xd6: {  	[sflag:s20] =	ssyncset.done $0x0  }
0xd7: {  	s21 =	simm.s32 $0x4E00;
	[sflag:s20] =	ssyncadd.s32 $0xFFFFE800  }
0xd8: {  	[tilespmem:s23], [sflag:$0x1] =	stream.indirect.gather [hbm4b:s4+s22], $0x30, s21, s22, $0xb8;
	[tilespmem:$0x1AE60] =	vst v63  }
0xd9: {  	_ =	swait.ge [sflag:s1], $0x1800  }
0xda: {  	[sflag:s1] =	ssyncset.done $0x0  }
0xdb: {  	[sflag:s1] =	ssyncadd.s32 $0xFFFFE800  }
0xdc: {  	_ =	swait.ge [sflag:s1], $0x1800  }
0xdd: {  	[sflag:s1] =	ssyncset.done $0x0  }
0xde: {  	[sflag:s1] =	ssyncadd.s32 $0xFFFFE800  }
0xdf: {  	_ =	swait.ge [sflag:s1], $0x1800  }
0xe0: {  	[sflag:s1] =	ssyncset.done $0x0  }
0xe1: {  	s25 =	simm.s32 $0x9B00;
	[sflag:s1] =	ssyncadd.s32 $0xFFFFE800  }
0xe2: {  	[spmem:s2] =	stream.indirect.scatter.add.f32 [tilespmem:s29], [sflag:$0x3], $0x30, s25, s22, $0xb8;
	[tilespmem:$0x1AE60] =	vst v63  }
0xe3: {  	_ =	swait.ge [sflag:s20], $0x1800  }
0xe4: {  	[sflag:s20] =	ssyncset.done $0x0  }
0xe5: {  	s21 =	simm.s32 $0x9B80;
	[sflag:s20] =	ssyncadd.s32 $0xFFFFE800  }
0xe6: {  	[spmem:s2] =	stream.indirect.scatter.add.f32 [tilespmem:s30], [sflag:$0x3], $0x30, s21, s22, $0xb8;
	[tilespmem:$0x1AE60] =	vst v63  }
0xe7: {  	_ =	swait.ge [sflag:s20], $0x1800  }
0xe8: {  	[sflag:s20] =	ssyncset.done $0x0  }
0xe9: {  	s25 =	simm.s32 $0x9C00;
	[sflag:s20] =	ssyncadd.s32 $0xFFFFE800  }
0xea: {  	[spmem:s2] =	stream.indirect.scatter.add.f32 [tilespmem:s31], [sflag:$0x3], $0x30, s25, s22, $0xb8;
	[tilespmem:$0x1AE60] =	vst v63  }
0xeb: {  	_ =	swait.ge [sflag:s20], $0x1800  }
0xec: {  	[sflag:s20] =	ssyncset.done $0x0  }
0xed: {  	[sflag:s20] =	ssyncadd.s32 $0xFFFFE800  }
0xee: {  	_ =	swait.ge [sflag:s28], $0x1800  }
0xef: {  	[sflag:s28] =	ssyncset.done $0x0  }
0xf0: {  	s21 =	simm.s32 $0x9C80;
	[sflag:s28] =	ssyncadd.s32 $0xFFFFE800  }
0xf1: {  	[spmem:s2] =	stream.indirect.scatter.add.f32 [tilespmem:s23], [sflag:$0x3], $0x30, s21, s22, $0xb8;
	[tilespmem:$0x1AE60] =	vst v63  }
0xf2: {  	s25 =	stileid.u32;
	_ =	swait.ge [sflag:s20], $0x1800  }
0xf3: {  	s3 =	sadd.s32 $0x1, s3;
	s0 =	sshll.u32 s25, $0x6;
	[sflag:s20] =	ssyncset.done $0x0  }
0xf4: {  	p0 =	sne.s32 s3, s18;
	s0 =	sor.u32 $0x1C03, s0;
	[sflag:s20] =	ssyncadd.s32 $0xFFFFE800  }
.Ltmp2:
0xf5: {  	s21 =	sshrl.u32 s5, $0x3;
	[bflag:$0x0] =	sbarrier.arrive $0xFFFF;
	(pc) =	sbr.rel @p0 .LBB2_1-.Ltmp2, $4  }
0xf6: {  	[hbm:s17], [sflag:s0] =	dma.local [spmem:s21], $0xEAC  }
0xf7: {  	_ =	swait.ge [sflag:s20], $0xEAC  }
0xf8: {  	[sflag:s20] =	ssyncset.done $0x0  }
0xf9: {  	[sflag:s20] =	ssyncadd.s32 $0xFFFFF154  }
0xfa: {  	_ =	sfence.sel $0x180000  }
0xfb: {  	[bflag:$0x0] =	sbarrier.arrive $0xFFFF  }
0xfc: {  	_ =	strace $0x9000004D  }
0xfd: {  	s0 =	stileid.u32;
	[bflag:$0x2] =	sbarrier.arrive $0xFFFF  }
0xfe: {  	p0 =	sne.s32 s0, $0x0;
	s0 =	rddreg [dreg:$0x2]  }
0xff: {  	s0 =	sadd.s32 @!p0 $0x100000, s0  }
0x100: {  	[sflag:s0] =	ssyncadd.tile.s32 @!p0 $0x1;
	_ =	shalt  }
.Lfunc_end2:
_tile_overlayer_lowered:
.L_overlay_start_2:
0x101: {  	(tag) =	ssettag $0x2  }
0x102: {  	s0 =	rddreg [dreg:$0x0];
	s2 =	stileid.u32  }
0x103: {  	s1 =	rddreg [dreg:$0x1];
	p0 =	sne.s32 s2, $0x0  }
0x104: {  	s3 =	rddreg [dreg:$0x2];
	[bflag:$0x3] =	sbarrier.arrive $0xFFFF;
	s2 =	simm.s32 @!p0 $0x1C03  }
0x105: {  	[timem:s3], [sflag:s2] =	dma.local @!p0 [hbm:s0], s1  }
0x106: {  	s0 =	simm.s32 @!p0 $0x3  }
0x107: {  	_ =	swait.ge @!p0 [sflag:s0], s1  }
0x108: {  	s1 =	ssub.s32 @!p0 $0x0, s1;
	[sflag:s0] =	ssyncset.done @!p0 $0x0  }
0x109: {  	[sflag:s0] =	ssyncadd.s32 @!p0 s1  }
0x10a: {  	[bflag:$0x3] =	sbarrier.arrive $0xFFFF  }
0x10b: {  	_ =	shalt  }

// kernel: kernel.13.cloned.1.call-start
scs
__scs_entry_jumppad:
0x0: {  	(pc) =	sbr.rel $0x88, $3  }
0x1: {  	(tag) =	ssettag $0x0;
	lr =	simm.s32 $0x1  }
0x2: {  	[smem:$0x3F8E] =	sst lr;
	_ =	strace $0xD0000000  }
0x3: {  	_ = 	snop  }
0x4: {  	_ = 	snop  }
0x5: {  	_ = 	snop  }
0x6: {  	_ = 	snop  }
0x7: {  	_ = 	snop  }
__scs_overlays_trampoline_lowered:
0x8: {  	[smem:$0x3F9D] =	sst s0  }
0x9: {  	[smem:$0x3F9E] =	sst s1  }
0xa: {  	[smem:$0x3F9F] =	sst s2  }
0xb: {  	[smem:$0x3FA0] =	sst s3  }
0xc: {  	[smem:$0x3FA1] =	sst s4  }
0xd: {  	[smem:$0x3FA2] =	sst s5  }
0xe: {  	[smem:$0x3FA3] =	sst s6  }
0xf: {  	[smem:$0x3FA4] =	sst s7  }
0x10: {  	[smem:$0x3FA5] =	sst s8  }
0x11: {  	[smem:$0x3FA6] =	sst s9;
	s0 =	simm.s32 @!p0 $0x0  }
0x12: {  	s1 =	sld [smem:$0x3F8C];
	s0 =	simm.s32 @p0 $0x1  }
0x13: {  	[smem:$0x3FA7] =	sst s0;
	s0 =	simm.s32 @!p1 $0x0  }
0x14: {  	s2 =	sld [smem:$0x3F8B];
	s0 =	simm.s32 @p1 $0x1  }
0x15: {  	[smem:$0x3FA8] =	sst s0;
	s0 =	simm.s32 @!p2 $0x0  }
0x16: {  	s3 =	sld [smem:$0x3FDB];
	s0 =	simm.s32 @p2 $0x1  }
0x17: {  	s4 =	simm.s32 $0x1BF5;
	[smem:$0x3FAA] =	sst s0  }
0x18: {  	s0 =	sld [smem:$0x3F8D];
	_ =	swait.ge [sflag:s4], $0x0  }
0x19: {  	s7 =	sld [smem:$0x3F8E]  }
0x1a: {  	s8 =	sadd.s32 $0xFFFFE003, lr  }
0x1b: {  	s9 =	sadd.s32 $0xFFFFFEF7, lr;
	s5 =	simm.s32 $0xFFFFFFFF;
	p2 =	slt.u32 s8, $0xFFFFF086  }
0x1c: {  	p1 =	slt.u32 s9, $0xF7A;
	s5 =	simm.s32 @!p2 $0x0  }
0x1d: {  	s5 =	simm.s32 @p1 $0x1;
	p0 =	seq.s32 s7, s2  }
0x1e: {  	s7 =	smul.u32 @!p0 $0xF7A, s2;
	p2 =	seq.s32 @!p0 s5, $0x0  }
0x1f: {  	s9 =	smul.u32 $0xF7A, s1;
	s8 =	simm.s32 @!p0 $0x1BF5;
	p2 =	por !p2, p0  }
0x20: {  	[sflag:s8] =	ssyncset.s32 @!p0 $0xFFFFF086;
	s6 =	sadd.s32 @!p0 s3, s7;
	s7 =	simm.s32 @!p0 $0x108  }
0x21: {  	s3 =	sadd.s32 s3, s9;
	s6 =	sadd.s32 @!p0 $0x88, s6;
	s7 =	simm.s32 @p2 $0x1082  }
0x22: {  	[simem:s7], [sflag:s8] =	dma.local @!p0 [hbm:s6], $0xF7A  }
0x23: {  	s9 =	sor.u32 $0xD0000000, s2;
	s6 =	simm.s32 $0x108;
	_ =	swait.ge @!p0 [sflag:s8], $0x0  }
0x24: {  	s3 =	sadd.s32 $0x88, s3;
	s6 =	simm.s32 @!p1 $0x1082;
	[sflag:s4] =	ssyncset.s32 $0xFFFFF086  }
0x25: {  	[simem:s6], [sflag:s4] =	dma.local [hbm:s3], $0xF7A  }
0x26: {  	[smem:$0x3F8E] =	sst s1;
	(tag) =	ssettag s2;
	_ =	strace s9  }
0x27: {  	s1 =	sld [smem:$0x3F9E]  }
0x28: {  	s2 =	sld [smem:$0x3F9F]  }
0x29: {  	s4 =	sld [smem:$0x3FA1]  }
0x2a: {  	p0 =	seq.s32 s5, $0x0;
	s5 =	sld [smem:$0x3FA2]  }
0x2b: {  	s6 =	sld [smem:$0x3FA3]  }
0x2c: {  	s7 =	sld [smem:$0x3FA4]  }
0x2d: {  	s3 =	simm.s32 $0x108;
	s8 =	sld [smem:$0x3FA5]  }
0x2e: {  	s3 =	simm.s32 @!p0 $0x1082;
	s9 =	sld [smem:$0x3FA6]  }
0x2f: {  	lr =	sadd.s32 s0, s3;
	s0 =	sld [smem:$0x3F9D]  }
0x30: {  	s3 =	sld [smem:$0x3FA0]  }
0x31: {  	[smem:$0x3FA9] =	sst s10  }
0x32: {  	s10 =	sld [smem:$0x3FA7];
	_ =	sdelay $0x3  }
0x33: {  	p0 =	seq.s32 s10, $0x1;
	s10 =	sld [smem:$0x3FA9];
	_ =	sdelay $0x3  }
0x34: {  	[smem:$0x3FA9] =	sst s10  }
0x35: {  	s10 =	sld [smem:$0x3FA8];
	_ =	sdelay $0x3  }
0x36: {  	p1 =	seq.s32 s10, $0x1;
	s10 =	sld [smem:$0x3FA9];
	_ =	sdelay $0x3  }
0x37: {  	[smem:$0x3FA9] =	sst s10  }
0x38: {  	s10 =	sld [smem:$0x3FAA]  }
0x39: {  	_ = 	snop;
	(pc) =	sbr.ind lr, $3  }
0x3a: {  	_ = 	snop  }
0x3b: {  	_ = 	snop  }
0x3c: {  	p2 =	seq.s32 s10, $0x1;
	s10 =	sld [smem:$0x3FA9]  }
0x3d: {  	_ =	shalt  }
0x3e: {  	_ =	shalt  }
0x3f: {  	_ =	shalt  }
0x40: {  	_ =	shalt  }
0x41: {  	_ =	shalt  }
0x42: {  	_ =	shalt  }
0x43: {  	_ =	shalt  }
0x44: {  	_ =	shalt  }
0x45: {  	_ =	shalt  }
0x46: {  	_ =	shalt  }
0x47: {  	_ =	shalt  }
0x48: {  	_ =	shalt  }
0x49: {  	_ =	shalt  }
0x4a: {  	_ =	shalt  }
0x4b: {  	_ =	shalt  }
0x4c: {  	_ =	shalt  }
0x4d: {  	_ =	shalt  }
0x4e: {  	_ =	shalt  }
0x4f: {  	_ =	shalt  }
0x50: {  	_ =	shalt  }
0x51: {  	_ =	shalt  }
0x52: {  	_ =	shalt  }
0x53: {  	_ =	shalt  }
0x54: {  	_ =	shalt  }
0x55: {  	_ =	shalt  }
0x56: {  	_ =	shalt  }
0x57: {  	_ =	shalt  }
0x58: {  	_ =	shalt  }
0x59: {  	_ =	shalt  }
0x5a: {  	_ =	shalt  }
0x5b: {  	_ =	shalt  }
0x5c: {  	_ =	shalt  }
0x5d: {  	_ =	shalt  }
0x5e: {  	_ =	shalt  }
0x5f: {  	_ =	shalt  }
0x60: {  	_ =	shalt  }
0x61: {  	_ =	shalt  }
0x62: {  	_ =	shalt  }
0x63: {  	_ =	shalt  }
0x64: {  	_ =	shalt  }
0x65: {  	_ =	shalt  }
0x66: {  	_ =	shalt  }
0x67: {  	_ =	shalt  }
0x68: {  	_ =	shalt  }
0x69: {  	_ =	shalt  }
0x6a: {  	_ =	shalt  }
0x6b: {  	_ =	shalt  }
0x6c: {  	_ =	shalt  }
0x6d: {  	_ =	shalt  }
0x6e: {  	_ =	shalt  }
0x6f: {  	_ =	shalt  }
0x70: {  	_ =	shalt  }
0x71: {  	_ =	shalt  }
0x72: {  	_ =	shalt  }
0x73: {  	_ =	shalt  }
0x74: {  	_ =	shalt  }
0x75: {  	_ =	shalt  }
0x76: {  	_ =	shalt  }
0x77: {  	_ =	shalt  }
0x78: {  	_ =	shalt  }
0x79: {  	_ =	shalt  }
0x7a: {  	_ =	shalt  }
0x7b: {  	_ =	shalt  }
0x7c: {  	_ =	shalt  }
0x7d: {  	_ =	shalt  }
0x7e: {  	_ =	shalt  }
0x7f: {  	_ =	shalt  }
0x80: {  	_ =	shalt  }
0x81: {  	_ =	shalt  }
0x82: {  	_ =	shalt  }
0x83: {  	_ =	shalt  }
0x84: {  	_ =	shalt  }
0x85: {  	_ =	shalt  }
0x86: {  	_ =	shalt  }
0x87: {  	_ =	shalt  }
.Lfunc_end0:
.L_simem_size_0:
called_computation.2_lowered:
.L_overlay_start_0:
0x88: {  	s2 =	sld [smem:$0x3FD9]  }
0x89: {  	s3 =	sld [smem:$0x3FFE];
	_ =	sdelay $0x1  }
0x8a: {  	s1 =	srdreg.scid  }
0x8b: {  	s0 =	sand.u32 $0x1, s1  }
0x8c: {  	s16 =	sshll.u32 s0, $0xA;
	s2 =	sadd.s32 s3, s2  }
0x8d: {  	s2 =	sadd.s32 s2, s16  }
0x8e: {  	[smem:$0x3FB5] =	sst s2  }
0x8f: {  	_ = 	snop  }
0x90: {  	(tm) =	ssettm $0x1  }
0x91: {  	s17 =	sld [smem:$0x3FFB];
	_ =	sdelay $0x3  }
0x92: {  	_ =	strace s17  }
0x93: {  	s2 =	sld [smem:$0x3FFC];
	_ =	sdelay $0x3  }
0x94: {  	_ =	strace s2  }
0x95: {  	s2 =	sld [smem:$0x3FFD];
	_ =	sdelay $0x3  }
0x96: {  	_ =	strace s2  }
0x97: {  	_ =	strace $0x8FFFFFFF  }
0x98: {  	s18 =	sld [smem:$0x3FDB];
	_ =	sdelay $0x1  }
0x99: {  	s19 =	simm.s32 $_scs_section_size  }
0x9a: {  	s4 =	simm.s32 $_size__tile_overlayer_lowered;
	s5 =	simm.s32 $_tile_overlayer_lowered  }
0x9b: {  	s22 =	simm.s32 $0x1BFF;
	s21 =	sshll.u32 s5, $0x1;
	s2 =	sadd.s32 s19, s18  }
0x9c: {  	s6 =	simm.s32 $0x0;
	s20 =	sshll.u32 s4, $0x1;
	s4 =	sadd.s32 s21, s2  }
0x9d: {  	[timem:s6], [sflag:s22] =	dma.local [hbm:s4], s20  }
0x9e: {  	_ =	swait.ge [sflag:s22], s20  }
0x9f: {  	s3 =	ssub.s32 $0x0, s20;
	[sflag:s22] =	ssyncset.done $0x0  }
0xa0: {  	[sflag:s22] =	ssyncadd.s32 s3;
	_ =	sdelay $0x1  }
0xa1: {  	s23 =	simm.s32 $0x1B8B  }
0xa2: {  	_ =	swait.ge [sflag:s23], $0x1  }
0xa3: {  	[sflag:s23] =	ssyncset.done $0x0  }
0xa4: {  	s25 =	simm.s32 $0x1B8E;
	s24 =	sld [smem:$0x3FFE];
	[sflag:s23] =	ssyncadd.s32 $0xFFFFFFFF  }
0xa5: {  	s26 =	simm.s32 $execute0_lowered;
	[smem:$0x3FD2] =	sst s25  }
0xa6: {  	s4 =	sshll.u32 s26, $0x1;
	_ =	strace $0x80000049;
	[dreg:$0x1] =	wrdreg $0xFFFFFFFF  }
0xa7: {  	s28 =	simm.s32 $_size_execute0_lowered;
	s2 =	sadd.s32 s2, s4;
	[dreg:$0x0] =	wrdreg $0x0  }
0xa8: {  	s4 =	sshll.u32 s28, $0x1;
	[dreg:$0x2] =	wrdreg s2  }
0xa9: {  	[dreg:$0x3] =	wrdreg s4  }
0xaa: {  	[dreg:$0x4] =	wrdreg $0xC0  }
0xab: {  	_ =	task [dreg:s6], $0x5FFFF  }
0xac: {  	[dreg:$0x1] =	wrdreg $0xFFFFFFFF  }
0xad: {  	[dreg:$0x0] =	wrdreg $0x60  }
0xae: {  	[dreg:$0x2] =	wrdreg s24  }
0xaf: {  	[dreg:$0x3] =	wrdreg $0x139000  }
0xb0: {  	[dreg:$0x4] =	wrdreg $0xA  }
0xb1: {  	_ =	task.clear_ibuf [dreg:s6], $0x5FFFF;
	_ =	strace $0x90000049  }
0xb2: {  	s29 =	simm.s32 $0xA;
	_ =	strace $0x8000004B  }
0xb3: {  	_ =	swait.ge [sflag:s29], $0x1  }
0xb4: {  	[sflag:s29] =	ssyncadd.s32 $0xFFFFFFFF  }
0xb5: {  	_ =	strace $0x9000004B  }
0xb6: {  	_ =	sfence  }
0xb7: {  	s30 =	sld [smem:$0x0];
	_ =	sdelay $0x2  }
0xb8: {  	s31 =	sshll.u32 s1, $0xD;
	s1 =	sshrl.u32 s1, $0x2  }
0xb9: {  	s3 =	sand.u32 $0x4000, s31;
	s1 =	sadd.s32 s1, s30  }
0xba: {  	s0 =	sor.u32 s3, s0;
	s1 =	sshll.u32 s1, $0x11  }
0xbb: {  	s0 =	sor.u32 s1, s0  }
0xbc: {  	s0 =	sadd.s32 $0x8F2B, s0  }
0xbd: {  	[sflag:s0] =	ssyncadd.remote.s32 $0x1  }
0xbe: {  	_ =	sfence.sel $0xFFFF  }
0xbf: {  	[dreg:$0x0] =	wrdreg $0xFFFFFFFF;
	(pc) =	sbr.abs _section_cstart, $3  }
0xc0: {  	[dreg:$0x1] =	wrdreg $0xFFFFFFFF  }
0xc1: {  	_ =	task.clear_ibuf [dreg:s6], $0x2FFFF;
	_ =	strace $0x9FFFFFFF  }
0xc2: {  	(tm) =	ssettm $0x7FFFFFFF  }
0xc3: {  	_ =	shalt  }
tec
execute0_lowered:
.L_overlay_start_1:
0x0: {  	(tag) =	ssettag $0x1  }
0x1: {  	s0 =	srdreg.scid;
	s5 =	rddreg [dreg:$0x0]  }
0x2: {  	s4 =	stileid.u32;
	s2 =	rddreg [dreg:$0x1]  }
0x3: {  	s3 =	simm.s32 $0x0;
	s19 =	simm.s32 $0x12D00;
	s20 =	simm.s32 $0x3  }
0x4: {  	s22 =	simm.s32 $0x80;
	s23 =	simm.s32 $0x9D00;
	s24 =	simm.s32 $0xB500  }
0x5: {  	s28 =	simm.s32 $0x1;
	s29 =	simm.s32 $0xE500;
	s30 =	simm.s32 $0xFD00  }
0x6: {  	s31 =	simm.s32 $0x11500;
	s0 =	sand.u32 $0x1, s0;
	s6 =	smul.u32 $0x7560, s4  }
0x7: {  	s1 =	sshll.u32 s4, $0x1;
	[smem:$0x7FF] =	sst s3;
	s8 =	smul.u32 $0x1D580, s4  }
0x8: {  	s4 =	sadd.s32 $0x65E00, s5;
	s1 =	sor.u32 s0, s1;
	s7 =	smul.u32 $0x75600, s0  }
0x9: {  	_ =	strace $0x8000004A;
	s0 =	ssub.s32 $0x2, s0;
	s1 =	smul.u32 $0x9D0, s1  }
0xa: {  	s8 =	sshrl.u32 s8, $0x2;
	s26 =	sshrl.u32 s0, $0x1;
	s7 =	sadd.s32 s6, s7  }
0xb: {  	s14 =	sadd.s32 s8, s2;
	s0 =	ssub.s32 s0, s26;
	s26 =	simm.s32 $0xCD00  }
0xc: {  	s1 =	sadd.s32 s1, s5;
	s7 =	sshrl.u32 s7, $0x3;
	s8 =	sadd.s32 $0x2400, s14  }
0xd: {  	s9 =	sadd.s32 $0x3000, s14;
	s10 =	sadd.s32 $0x3C00, s14;
	s11 =	sadd.s32 $0x4800, s14  }
0xe: {  	s12 =	sadd.s32 $0x5400, s14;
	s13 =	sadd.s32 $0x6000, s14;
	s18 =	smax.u32 s0, $0x1  }
0xf: {  	s17 =	sadd.s32 s7, s5;
	s5 =	sadd.s32 s6, s2;
	s6 =	sadd.s32 $0xC00, s14  }
0x10: {  	s7 =	sadd.s32 $0x1800, s14;
	s14 =	sadd.s32 $0x6C00, s14;
	s15 =	sadd.s32 $0x534800, s1  }
0x11: {  	v0 =	vimm.f32 $0.0e+00;
	s16 =	sadd.s32 $0x2B200, s1;
	s1 =	simm.s32 $0x2;
	s17 =	sadd.s32 $0x74A00, s17  }
.LBB2_1:
0x12: {  	s21 =	simm.s32 $0xC0;
	s25 =	simm.s32 $0x0  }
.LBB2_2:
0x13: {  	p0 =	sne.s32 s21, $0x2F40;
	[tilespmem:s25+$0x12D20] =	vst v0;
	s0 =	smov.u32 s21;
	s21 =	sadd.s32 $0xC0, s21  }
.Ltmp0:
0x14: {  	[tilespmem:s25+$0x12D00] =	vst v0;
	(pc) =	sbr.rel @p0 .LBB2_2-.Ltmp0, $2  }
0x15: {  	[tilespmem:s25+$0x12D10] =	vst v0;
	_ =	sdelay $0x2  }
0x16: {  	s25 =	sshra.s32 s0, $0x2  }
0x17: {  	[tilespmem:s25+$0x12D20] =	vst v0  }
0x18: {  	[tilespmem:s25+$0x12D00] =	vst v0  }
0x19: {  	[tilespmem:s25+$0x12D10] =	vst v0  }
0x1a: {  	[spmem:s5] =	stream.linear.scatter [tilespmem:s19], [sflag:$0x3], $0xC00, $0x38;
	[tilespmem:$0x1AE60] =	vst v63  }
0x1b: {  	_ =	swait.ge [sflag:s20], $0xC00  }
0x1c: {  	[sflag:s20] =	ssyncset.done $0x0  }
0x1d: {  	[sflag:s20] =	ssyncadd.s32 $0xFFFFF400  }
0x1e: {  	[spmem:s6] =	stream.linear.scatter [tilespmem:s19], [sflag:$0x3], $0xC00, $0x38;
	[tilespmem:$0x1AE60] =	vst v63  }
0x1f: {  	_ =	swait.ge [sflag:s20], $0xC00  }
0x20: {  	[sflag:s20] =	ssyncset.done $0x0  }
0x21: {  	[sflag:s20] =	ssyncadd.s32 $0xFFFFF400  }
0x22: {  	[spmem:s7] =	stream.linear.scatter [tilespmem:s19], [sflag:$0x3], $0xC00, $0x38;
	[tilespmem:$0x1AE60] =	vst v63  }
0x23: {  	_ =	swait.ge [sflag:s20], $0xC00  }
0x24: {  	[sflag:s20] =	ssyncset.done $0x0  }
0x25: {  	[sflag:s20] =	ssyncadd.s32 $0xFFFFF400  }
0x26: {  	[spmem:s8] =	stream.linear.scatter [tilespmem:s19], [sflag:$0x3], $0xC00, $0x38;
	[tilespmem:$0x1AE60] =	vst v63  }
0x27: {  	_ =	swait.ge [sflag:s20], $0xC00  }
0x28: {  	[sflag:s20] =	ssyncset.done $0x0  }
0x29: {  	[sflag:s20] =	ssyncadd.s32 $0xFFFFF400  }
0x2a: {  	[spmem:s9] =	stream.linear.scatter [tilespmem:s19], [sflag:$0x3], $0xC00, $0x38;
	[tilespmem:$0x1AE60] =	vst v63  }
0x2b: {  	_ =	swait.ge [sflag:s20], $0xC00  }
0x2c: {  	[sflag:s20] =	ssyncset.done $0x0  }
0x2d: {  	[sflag:s20] =	ssyncadd.s32 $0xFFFFF400  }
0x2e: {  	[spmem:s10] =	stream.linear.scatter [tilespmem:s19], [sflag:$0x3], $0xC00, $0x38;
	[tilespmem:$0x1AE60] =	vst v63  }
0x2f: {  	_ =	swait.ge [sflag:s20], $0xC00  }
0x30: {  	[sflag:s20] =	ssyncset.done $0x0  }
0x31: {  	[sflag:s20] =	ssyncadd.s32 $0xFFFFF400  }
0x32: {  	[spmem:s11] =	stream.linear.scatter [tilespmem:s19], [sflag:$0x3], $0xC00, $0x38;
	[tilespmem:$0x1AE60] =	vst v63  }
0x33: {  	_ =	swait.ge [sflag:s20], $0xC00  }
0x34: {  	[sflag:s20] =	ssyncset.done $0x0  }
0x35: {  	[sflag:s20] =	ssyncadd.s32 $0xFFFFF400  }
0x36: {  	[spmem:s12] =	stream.linear.scatter [tilespmem:s19], [sflag:$0x3], $0xC00, $0x38;
	[tilespmem:$0x1AE60] =	vst v63  }
0x37: {  	_ =	swait.ge [sflag:s20], $0xC00  }
0x38: {  	[sflag:s20] =	ssyncset.done $0x0  }
0x39: {  	[sflag:s20] =	ssyncadd.s32 $0xFFFFF400  }
0x3a: {  	[spmem:s13] =	stream.linear.scatter [tilespmem:s19], [sflag:$0x3], $0xC00, $0x38;
	[tilespmem:$0x1AE60] =	vst v63  }
0x3b: {  	_ =	swait.ge [sflag:s20], $0xC00  }
0x3c: {  	[sflag:s20] =	ssyncset.done $0x0  }
0x3d: {  	[sflag:s20] =	ssyncadd.s32 $0xFFFFF400  }
0x3e: {  	[spmem:s14] =	stream.linear.scatter [tilespmem:s19], [sflag:$0x3], $0x960, $0x38;
	[tilespmem:$0x1AE60] =	vst v63  }
0x3f: {  	_ =	swait.ge [sflag:s20], $0x960  }
0x40: {  	[sflag:s20] =	ssyncset.done $0x0  }
0x41: {  	s0 =	simm.s32 $0x0;
	[sflag:s20] =	ssyncadd.s32 $0xFFFFF6A0  }
0x42: {  	[tilespmem:s0], [sflag:$0x3] =	stream.linear.gather [hbm4b:s15+s0], $0x4E80, $0x38;
	[tilespmem:$0x1AE60] =	vst v63  }
0x43: {  	_ =	swait.ge [sflag:s20], $0x4E80  }
0x44: {  	[sflag:s20] =	ssyncset.done $0x0  }
0x45: {  	s21 =	simm.s32 $0x4E80;
	[sflag:s20] =	ssyncadd.s32 $0xFFFFB180  }
0x46: {  	[tilespmem:s21], [sflag:$0x3] =	stream.linear.gather [hbm4b:s16+s0], $0x4E80, $0x38;
	[tilespmem:$0x1AE60] =	vst v63  }
0x47: {  	_ =	swait.ge [sflag:s20], $0x4E80  }
0x48: {  	[sflag:s20] =	ssyncset.done $0x0  }
0x49: {  	[sflag:s20] =	ssyncadd.s32 $0xFFFFB180  }
0x4a: {  	[bflag:$0x0] =	sbarrier.arrive $0xFFFF  }
0x4b: {  	[tilespmem:s23], [sflag:$0x1] =	stream.indirect.gather [hbm4b:s4+s22], $0x30, s0, s22, $0xb8;
	[tilespmem:$0x1AE60] =	vst v63  }
0x4c: {  	_ = 	snop  }
0x4d: {  	[tilespmem:s24], [sflag:$0x1] =	stream.indirect.gather [hbm4b:s4+s22], $0x30, s22, s22, $0xb8;
	[tilespmem:$0x1AE60] =	vst v63  }
0x4e: {  	s25 =	simm.s32 $0x100  }
0x4f: {  	[tilespmem:s26], [sflag:$0x1] =	stream.indirect.gather [hbm4b:s4+s22], $0x30, s25, s22, $0xb8;
	[tilespmem:$0x1AE60] =	vst v63  }
0x50: {  	_ =	swait.ge [sflag:s28], $0x1800  }
0x51: {  	[sflag:s28] =	ssyncset.done $0x0  }
0x52: {  	[sflag:s28] =	ssyncadd.s32 $0xFFFFE800  }
0x53: {  	_ =	swait.ge [sflag:s28], $0x1800  }
0x54: {  	[sflag:s28] =	ssyncset.done $0x0  }
0x55: {  	[sflag:s28] =	ssyncadd.s32 $0xFFFFE800  }
0x56: {  	_ =	swait.ge [sflag:s28], $0x1800  }
0x57: {  	[sflag:s28] =	ssyncset.done $0x0  }
0x58: {  	s21 =	simm.s32 $0x180;
	[sflag:s28] =	ssyncadd.s32 $0xFFFFE800  }
0x59: {  	[tilespmem:s29], [sflag:$0x2] =	stream.indirect.gather [hbm4b:s4+s22], $0x30, s21, s22, $0xb8;
	[tilespmem:$0x1AE60] =	vst v63  }
0x5a: {  	s25 =	simm.s32 $0x200  }
0x5b: {  	[tilespmem:s30], [sflag:$0x2] =	stream.indirect.gather [hbm4b:s4+s22], $0x30, s25, s22, $0xb8;
	[tilespmem:$0x1AE60] =	vst v63  }
0x5c: {  	s21 =	simm.s32 $0x280  }
0x5d: {  	[tilespmem:s31], [sflag:$0x2] =	stream.indirect.gather [hbm4b:s4+s22], $0x30, s21, s22, $0xb8;
	[tilespmem:$0x1AE60] =	vst v63  }
0x5e: {  	s25 =	simm.s32 $0x4E80  }
0x5f: {  	[spmem:s2] =	stream.indirect.scatter.add.f32 [tilespmem:s23], [sflag:$0x3], $0x30, s25, s22, $0xb8;
	[tilespmem:$0x1AE60] =	vst v63  }
0x60: {  	_ =	swait.ge [sflag:s20], $0x1800  }
0x61: {  	[sflag:s20] =	ssyncset.done $0x0  }
0x62: {  	s21 =	simm.s32 $0x4F00;
	[sflag:s20] =	ssyncadd.s32 $0xFFFFE800  }
0x63: {  	[spmem:s2] =	stream.indirect.scatter.add.f32 [tilespmem:s24], [sflag:$0x3], $0x30, s21, s22, $0xb8;
	[tilespmem:$0x1AE60] =	vst v63  }
0x64: {  	_ =	swait.ge [sflag:s20], $0x1800  }
0x65: {  	[sflag:s20] =	ssyncset.done $0x0  }
0x66: {  	s25 =	simm.s32 $0x4F80;
	[sflag:s20] =	ssyncadd.s32 $0xFFFFE800  }
0x67: {  	[spmem:s2] =	stream.indirect.scatter.add.f32 [tilespmem:s26], [sflag:$0x3], $0x30, s25, s22, $0xb8;
	[tilespmem:$0x1AE60] =	vst v63  }
0x68: {  	_ =	swait.ge [sflag:s20], $0x1800  }
0x69: {  	[sflag:s20] =	ssyncset.done $0x0  }
0x6a: {  	[sflag:s20] =	ssyncadd.s32 $0xFFFFE800  }
0x6b: {  	_ =	swait.ge [sflag:s1], $0x1800  }
0x6c: {  	[sflag:s1] =	ssyncset.done $0x0  }
0x6d: {  	[sflag:s1] =	ssyncadd.s32 $0xFFFFE800  }
0x6e: {  	_ =	swait.ge [sflag:s1], $0x1800  }
0x6f: {  	[sflag:s1] =	ssyncset.done $0x0  }
0x70: {  	[sflag:s1] =	ssyncadd.s32 $0xFFFFE800  }
0x71: {  	_ =	swait.ge [sflag:s1], $0x1800  }
0x72: {  	[sflag:s1] =	ssyncset.done $0x0  }
0x73: {  	s21 =	simm.s32 $0x300;
	[sflag:s1] =	ssyncadd.s32 $0xFFFFE800  }
0x74: {  	[tilespmem:s23], [sflag:$0x1] =	stream.indirect.gather [hbm4b:s4+s22], $0x30, s21, s22, $0xb8;
	[tilespmem:$0x1AE60] =	vst v63  }
0x75: {  	s25 =	simm.s32 $0x380  }
0x76: {  	[tilespmem:s24], [sflag:$0x1] =	stream.indirect.gather [hbm4b:s4+s22], $0x30, s25, s22, $0xb8;
	[tilespmem:$0x1AE60] =	vst v63  }
0x77: {  	s21 =	simm.s32 $0x400  }
0x78: {  	[tilespmem:s26], [sflag:$0x1] =	stream.indirect.gather [hbm4b:s4+s22], $0x30, s21, s22, $0xb8;
	[tilespmem:$0x1AE60] =	vst v63  }
0x79: {  	s25 =	simm.s32 $0x5000  }
0x7a: {  	[spmem:s2] =	stream.indirect.scatter.add.f32 [tilespmem:s29], [sflag:$0x3], $0x30, s25, s22, $0xb8;
	[tilespmem:$0x1AE60] =	vst v63  }
0x7b: {  	_ =	swait.ge [sflag:s20], $0x1800  }
0x7c: {  	[sflag:s20] =	ssyncset.done $0x0  }
0x7d: {  	s21 =	simm.s32 $0x5080;
	[sflag:s20] =	ssyncadd.s32 $0xFFFFE800  }
0x7e: {  	[spmem:s2] =	stream.indirect.scatter.add.f32 [tilespmem:s30], [sflag:$0x3], $0x30, s21, s22, $0xb8;
	[tilespmem:$0x1AE60] =	vst v63  }
0x7f: {  	_ =	swait.ge [sflag:s20], $0x1800  }
0x80: {  	[sflag:s20] =	ssyncset.done $0x0  }
0x81: {  	s25 =	simm.s32 $0x5100;
	[sflag:s20] =	ssyncadd.s32 $0xFFFFE800  }
0x82: {  	[spmem:s2] =	stream.indirect.scatter.add.f32 [tilespmem:s31], [sflag:$0x3], $0x30, s25, s22, $0xb8;
	[tilespmem:$0x1AE60] =	vst v63  }
0x83: {  	_ =	swait.ge [sflag:s20], $0x1800  }
0x84: {  	s25 =	simm.s32 $0xC00;
	[sflag:s20] =	ssyncset.done $0x0  }
.LBB2_4:
0x85: {  	p0 =	sne.s32 s25, $0x12000  }
0x86: {  	[sflag:s20] =	ssyncadd.s32 $0xFFFFE800;
	s0 =	smov.u32 s25;
	s25 =	sadd.s32 $0xC00, s25  }
0x87: {  	_ =	swait.ge [sflag:s28], $0x1800  }
0x88: {  	[sflag:s28] =	ssyncset.done $0x0  }
0x89: {  	[sflag:s28] =	ssyncadd.s32 $0xFFFFE800  }
0x8a: {  	_ =	swait.ge [sflag:s28], $0x1800  }
0x8b: {  	[sflag:s28] =	ssyncset.done $0x0  }
0x8c: {  	[sflag:s28] =	ssyncadd.s32 $0xFFFFE800  }
0x8d: {  	_ =	swait.ge [sflag:s28], $0x1800  }
0x8e: {  	s21 =	sshra.s32 s0, $0x2;
	[sflag:s28] =	ssyncset.done $0x0  }
0x8f: {  	s0 =	sadd.s32 $0x180, s21;
	[sflag:s28] =	ssyncadd.s32 $0xFFFFE800  }
0x90: {  	[tilespmem:s29], [sflag:$0x2] =	stream.indirect.gather [hbm4b:s4+s22], $0x30, s0, s22, $0xb8;
	[tilespmem:$0x1AE60] =	vst v63  }
0x91: {  	s0 =	sadd.s32 $0x200, s21  }
0x92: {  	[tilespmem:s30], [sflag:$0x2] =	stream.indirect.gather [hbm4b:s4+s22], $0x30, s0, s22, $0xb8;
	[tilespmem:$0x1AE60] =	vst v63  }
0x93: {  	s0 =	sadd.s32 $0x280, s21  }
0x94: {  	[tilespmem:s31], [sflag:$0x2] =	stream.indirect.gather [hbm4b:s4+s22], $0x30, s0, s22, $0xb8;
	[tilespmem:$0x1AE60] =	vst v63  }
0x95: {  	s0 =	sadd.s32 $0x4E80, s21  }
0x96: {  	[spmem:s2] =	stream.indirect.scatter.add.f32 [tilespmem:s23], [sflag:$0x3], $0x30, s0, s22, $0xb8;
	[tilespmem:$0x1AE60] =	vst v63  }
0x97: {  	_ =	swait.ge [sflag:s20], $0x1800  }
0x98: {  	[sflag:s20] =	ssyncset.done $0x0  }
0x99: {  	s0 =	sadd.s32 $0x4F00, s21;
	[sflag:s20] =	ssyncadd.s32 $0xFFFFE800  }
0x9a: {  	[spmem:s2] =	stream.indirect.scatter.add.f32 [tilespmem:s24], [sflag:$0x3], $0x30, s0, s22, $0xb8;
	[tilespmem:$0x1AE60] =	vst v63  }
0x9b: {  	_ =	swait.ge [sflag:s20], $0x1800  }
0x9c: {  	[sflag:s20] =	ssyncset.done $0x0  }
0x9d: {  	s0 =	sadd.s32 $0x4F80, s21;
	[sflag:s20] =	ssyncadd.s32 $0xFFFFE800  }
0x9e: {  	[spmem:s2] =	stream.indirect.scatter.add.f32 [tilespmem:s26], [sflag:$0x3], $0x30, s0, s22, $0xb8;
	[tilespmem:$0x1AE60] =	vst v63  }
0x9f: {  	_ =	swait.ge [sflag:s20], $0x1800  }
0xa0: {  	[sflag:s20] =	ssyncset.done $0x0  }
0xa1: {  	[sflag:s20] =	ssyncadd.s32 $0xFFFFE800  }
0xa2: {  	_ =	swait.ge [sflag:s1], $0x1800  }
0xa3: {  	[sflag:s1] =	ssyncset.done $0x0  }
0xa4: {  	[sflag:s1] =	ssyncadd.s32 $0xFFFFE800  }
0xa5: {  	_ =	swait.ge [sflag:s1], $0x1800  }
0xa6: {  	[sflag:s1] =	ssyncset.done $0x0  }
0xa7: {  	[sflag:s1] =	ssyncadd.s32 $0xFFFFE800  }
0xa8: {  	_ =	swait.ge [sflag:s1], $0x1800  }
0xa9: {  	[sflag:s1] =	ssyncset.done $0x0  }
0xaa: {  	s0 =	sadd.s32 $0x300, s21;
	[sflag:s1] =	ssyncadd.s32 $0xFFFFE800  }
0xab: {  	[tilespmem:s23], [sflag:$0x1] =	stream.indirect.gather [hbm4b:s4+s22], $0x30, s0, s22, $0xb8;
	[tilespmem:$0x1AE60] =	vst v63  }
0xac: {  	s0 =	sadd.s32 $0x380, s21  }
0xad: {  	[tilespmem:s24], [sflag:$0x1] =	stream.indirect.gather [hbm4b:s4+s22], $0x30, s0, s22, $0xb8;
	[tilespmem:$0x1AE60] =	vst v63  }
0xae: {  	s0 =	sadd.s32 $0x400, s21  }
0xaf: {  	[tilespmem:s26], [sflag:$0x1] =	stream.indirect.gather [hbm4b:s4+s22], $0x30, s0, s22, $0xb8;
	[tilespmem:$0x1AE60] =	vst v63  }
0xb0: {  	s0 =	sadd.s32 $0x5000, s21  }
0xb1: {  	[spmem:s2] =	stream.indirect.scatter.add.f32 [tilespmem:s29], [sflag:$0x3], $0x30, s0, s22, $0xb8;
	[tilespmem:$0x1AE60] =	vst v63  }
0xb2: {  	_ =	swait.ge [sflag:s20], $0x1800  }
0xb3: {  	[sflag:s20] =	ssyncset.done $0x0  }
0xb4: {  	s0 =	sadd.s32 $0x5080, s21;
	[sflag:s20] =	ssyncadd.s32 $0xFFFFE800  }
0xb5: {  	[spmem:s2] =	stream.indirect.scatter.add.f32 [tilespmem:s30], [sflag:$0x3], $0x30, s0, s22, $0xb8;
	[tilespmem:$0x1AE60] =	vst v63  }
0xb6: {  	_ =	swait.ge [sflag:s20], $0x1800  }
.Ltmp1:
0xb7: {  	[sflag:s20] =	ssyncset.done $0x0;
	(pc) =	sbr.rel @p0 .LBB2_4-.Ltmp1, $4  }
0xb8: {  	s0 =	sadd.s32 $0x5100, s21;
	[sflag:s20] =	ssyncadd.s32 $0xFFFFE800  }
0xb9: {  	[spmem:s2] =	stream.indirect.scatter.add.f32 [tilespmem:s31], [sflag:$0x3], $0x30, s0, s22, $0xb8;
	[tilespmem:$0x1AE60] =	vst v63  }
0xba: {  	_ =	swait.ge [sflag:s20], $0x1800  }
0xbb: {  	[sflag:s20] =	ssyncset.done $0x0  }
0xbc: {  	[sflag:s20] =	ssyncadd.s32 $0xFFFFE800  }
0xbd: {  	_ =	swait.ge [sflag:s28], $0x1800  }
0xbe: {  	[sflag:s28] =	ssyncset.done $0x0  }
0xbf: {  	[sflag:s28] =	ssyncadd.s32 $0xFFFFE800  }
0xc0: {  	_ =	swait.ge [sflag:s28], $0x1800  }
0xc1: {  	[sflag:s28] =	ssyncset.done $0x0  }
0xc2: {  	[sflag:s28] =	ssyncadd.s32 $0xFFFFE800  }
0xc3: {  	_ =	swait.ge [sflag:s28], $0x1800  }
0xc4: {  	[sflag:s28] =	ssyncset.done $0x0  }
0xc5: {  	s0 =	simm.s32 $0x4C80;
	[sflag:s28] =	ssyncadd.s32 $0xFFFFE800  }
0xc6: {  	[tilespmem:s29], [sflag:$0x2] =	stream.indirect.gather [hbm4b:s4+s22], $0x30, s0, s22, $0xb8;
	[tilespmem:$0x1AE60] =	vst v63  }
0xc7: {  	s25 =	simm.s32 $0x4D00  }
0xc8: {  	[tilespmem:s30], [sflag:$0x2] =	stream.indirect.gather [hbm4b:s4+s22], $0x30, s25, s22, $0xb8;
	[tilespmem:$0x1AE60] =	vst v63  }
0xc9: {  	s21 =	simm.s32 $0x4D80  }
0xca: {  	[tilespmem:s31], [sflag:$0x2] =	stream.indirect.gather [hbm4b:s4+s22], $0x30, s21, s22, $0xb8;
	[tilespmem:$0x1AE60] =	vst v63  }
0xcb: {  	s25 =	simm.s32 $0x9980  }
0xcc: {  	[spmem:s2] =	stream.indirect.scatter.add.f32 [tilespmem:s23], [sflag:$0x3], $0x30, s25, s22, $0xb8;
	[tilespmem:$0x1AE60] =	vst v63  }
0xcd: {  	_ =	swait.ge [sflag:s20], $0x1800  }
0xce: {  	[sflag:s20] =	ssyncset.done $0x0  }
0xcf: {  	s21 =	simm.s32 $0x9A00;
	[sflag:s20] =	ssyncadd.s32 $0xFFFFE800  }
0xd0: {  	[spmem:s2] =	stream.indirect.scatter.add.f32 [tilespmem:s24], [sflag:$0x3], $0x30, s21, s22, $0xb8;
	[tilespmem:$0x1AE60] =	vst v63  }
0xd1: {  	_ =	swait.ge [sflag:s20], $0x1800  }
0xd2: {  	[sflag:s20] =	ssyncset.done $0x0  }
0xd3: {  	s25 =	simm.s32 $0x9A80;
	[sflag:s20] =	ssyncadd.s32 $0xFFFFE800  }
0xd4: {  	[spmem:s2] =	stream.indirect.scatter.add.f32 [tilespmem:s26], [sflag:$0x3], $0x30, s25, s22, $0xb8;
	[tilespmem:$0x1AE60] =	vst v63  }
0xd5: {  	_ =	swait.ge [sflag:s20], $0x1800  }
0xd6: {  	[sflag:s20] =	ssyncset.done $0x0  }
0xd7: {  	s21 =	simm.s32 $0x4E00;
	[sflag:s20] =	ssyncadd.s32 $0xFFFFE800  }
0xd8: {  	[tilespmem:s23], [sflag:$0x1] =	stream.indirect.gather [hbm4b:s4+s22], $0x30, s21, s22, $0xb8;
	[tilespmem:$0x1AE60] =	vst v63  }
0xd9: {  	_ =	swait.ge [sflag:s1], $0x1800  }
0xda: {  	[sflag:s1] =	ssyncset.done $0x0  }
0xdb: {  	[sflag:s1] =	ssyncadd.s32 $0xFFFFE800  }
0xdc: {  	_ =	swait.ge [sflag:s1], $0x1800  }
0xdd: {  	[sflag:s1] =	ssyncset.done $0x0  }
0xde: {  	[sflag:s1] =	ssyncadd.s32 $0xFFFFE800  }
0xdf: {  	_ =	swait.ge [sflag:s1], $0x1800  }
0xe0: {  	[sflag:s1] =	ssyncset.done $0x0  }
0xe1: {  	s25 =	simm.s32 $0x9B00;
	[sflag:s1] =	ssyncadd.s32 $0xFFFFE800  }
0xe2: {  	[spmem:s2] =	stream.indirect.scatter.add.f32 [tilespmem:s29], [sflag:$0x3], $0x30, s25, s22, $0xb8;
	[tilespmem:$0x1AE60] =	vst v63  }
0xe3: {  	_ =	swait.ge [sflag:s20], $0x1800  }
0xe4: {  	[sflag:s20] =	ssyncset.done $0x0  }
0xe5: {  	s21 =	simm.s32 $0x9B80;
	[sflag:s20] =	ssyncadd.s32 $0xFFFFE800  }
0xe6: {  	[spmem:s2] =	stream.indirect.scatter.add.f32 [tilespmem:s30], [sflag:$0x3], $0x30, s21, s22, $0xb8;
	[tilespmem:$0x1AE60] =	vst v63  }
0xe7: {  	_ =	swait.ge [sflag:s20], $0x1800  }
0xe8: {  	[sflag:s20] =	ssyncset.done $0x0  }
0xe9: {  	s25 =	simm.s32 $0x9C00;
	[sflag:s20] =	ssyncadd.s32 $0xFFFFE800  }
0xea: {  	[spmem:s2] =	stream.indirect.scatter.add.f32 [tilespmem:s31], [sflag:$0x3], $0x30, s25, s22, $0xb8;
	[tilespmem:$0x1AE60] =	vst v63  }
0xeb: {  	_ =	swait.ge [sflag:s20], $0x1800  }
0xec: {  	[sflag:s20] =	ssyncset.done $0x0  }
0xed: {  	[sflag:s20] =	ssyncadd.s32 $0xFFFFE800  }
0xee: {  	_ =	swait.ge [sflag:s28], $0x1800  }
0xef: {  	[sflag:s28] =	ssyncset.done $0x0  }
0xf0: {  	s21 =	simm.s32 $0x9C80;
	[sflag:s28] =	ssyncadd.s32 $0xFFFFE800  }
0xf1: {  	[spmem:s2] =	stream.indirect.scatter.add.f32 [tilespmem:s23], [sflag:$0x3], $0x30, s21, s22, $0xb8;
	[tilespmem:$0x1AE60] =	vst v63  }
0xf2: {  	s25 =	stileid.u32;
	_ =	swait.ge [sflag:s20], $0x1800  }
0xf3: {  	s3 =	sadd.s32 $0x1, s3;
	s0 =	sshll.u32 s25, $0x6;
	[sflag:s20] =	ssyncset.done $0x0  }
0xf4: {  	p0 =	sne.s32 s3, s18;
	s0 =	sor.u32 $0x1C03, s0;
	[sflag:s20] =	ssyncadd.s32 $0xFFFFE800  }
.Ltmp2:
0xf5: {  	s21 =	sshrl.u32 s5, $0x3;
	[bflag:$0x0] =	sbarrier.arrive $0xFFFF;
	(pc) =	sbr.rel @p0 .LBB2_1-.Ltmp2, $4  }
0xf6: {  	[hbm:s17], [sflag:s0] =	dma.local [spmem:s21], $0xEAC  }
0xf7: {  	_ =	swait.ge [sflag:s20], $0xEAC  }
0xf8: {  	[sflag:s20] =	ssyncset.done $0x0  }
0xf9: {  	[sflag:s20] =	ssyncadd.s32 $0xFFFFF154  }
0xfa: {  	_ =	sfence.sel $0x180000  }
0xfb: {  	[bflag:$0x0] =	sbarrier.arrive $0xFFFF  }
0xfc: {  	_ =	strace $0x9000004A  }
0xfd: {  	s0 =	stileid.u32;
	[bflag:$0x2] =	sbarrier.arrive $0xFFFF  }
0xfe: {  	p0 =	sne.s32 s0, $0x0;
	s0 =	rddreg [dreg:$0x2]  }
0xff: {  	s0 =	sadd.s32 @!p0 $0x100000, s0  }
0x100: {  	[sflag:s0] =	ssyncadd.tile.s32 @!p0 $0x1;
	_ =	shalt  }
.Lfunc_end2:
_tile_overlayer_lowered:
.L_overlay_start_2:
0x101: {  	(tag) =	ssettag $0x2  }
0x102: {  	s0 =	rddreg [dreg:$0x0];
	s2 =	stileid.u32  }
0x103: {  	s1 =	rddreg [dreg:$0x1];
	p0 =	sne.s32 s2, $0x0  }
0x104: {  	s3 =	rddreg [dreg:$0x2];
	[bflag:$0x3] =	sbarrier.arrive $0xFFFF;
	s2 =	simm.s32 @!p0 $0x1C03  }
0x105: {  	[timem:s3], [sflag:s2] =	dma.local @!p0 [hbm:s0], s1  }
0x106: {  	s0 =	simm.s32 @!p0 $0x3  }
0x107: {  	_ =	swait.ge @!p0 [sflag:s0], s1  }
0x108: {  	s1 =	ssub.s32 @!p0 $0x0, s1;
	[sflag:s0] =	ssyncset.done @!p0 $0x0  }
0x109: {  	[sflag:s0] =	ssyncadd.s32 @!p0 s1  }
0x10a: {  	[bflag:$0x3] =	sbarrier.arrive $0xFFFF  }
0x10b: {  	_ =	shalt  }

// kernel: kernel.7.cloned.1.call-start
scs
__scs_entry_jumppad:
0x0: {  	(pc) =	sbr.rel $0x88, $3  }
0x1: {  	(tag) =	ssettag $0x0;
	lr =	simm.s32 $0x1  }
0x2: {  	[smem:$0x3F8E] =	sst lr;
	_ =	strace $0xD0000000  }
0x3: {  	_ = 	snop  }
0x4: {  	_ = 	snop  }
0x5: {  	_ = 	snop  }
0x6: {  	_ = 	snop  }
0x7: {  	_ = 	snop  }
__scs_overlays_trampoline_lowered:
0x8: {  	[smem:$0x3F9D] =	sst s0  }
0x9: {  	[smem:$0x3F9E] =	sst s1  }
0xa: {  	[smem:$0x3F9F] =	sst s2  }
0xb: {  	[smem:$0x3FA0] =	sst s3  }
0xc: {  	[smem:$0x3FA1] =	sst s4  }
0xd: {  	[smem:$0x3FA2] =	sst s5  }
0xe: {  	[smem:$0x3FA3] =	sst s6  }
0xf: {  	[smem:$0x3FA4] =	sst s7  }
0x10: {  	[smem:$0x3FA5] =	sst s8  }
0x11: {  	[smem:$0x3FA6] =	sst s9;
	s0 =	simm.s32 @!p0 $0x0  }
0x12: {  	s1 =	sld [smem:$0x3F8C];
	s0 =	simm.s32 @p0 $0x1  }
0x13: {  	[smem:$0x3FA7] =	sst s0;
	s0 =	simm.s32 @!p1 $0x0  }
0x14: {  	s2 =	sld [smem:$0x3F8B];
	s0 =	simm.s32 @p1 $0x1  }
0x15: {  	[smem:$0x3FA8] =	sst s0;
	s0 =	simm.s32 @!p2 $0x0  }
0x16: {  	s3 =	sld [smem:$0x3FDB];
	s0 =	simm.s32 @p2 $0x1  }
0x17: {  	s4 =	simm.s32 $0x1BF5;
	[smem:$0x3FAA] =	sst s0  }
0x18: {  	s0 =	sld [smem:$0x3F8D];
	_ =	swait.ge [sflag:s4], $0x0  }
0x19: {  	s7 =	sld [smem:$0x3F8E]  }
0x1a: {  	s8 =	sadd.s32 $0xFFFFE003, lr  }
0x1b: {  	s9 =	sadd.s32 $0xFFFFFEF7, lr;
	s5 =	simm.s32 $0xFFFFFFFF;
	p2 =	slt.u32 s8, $0xFFFFF086  }
0x1c: {  	p1 =	slt.u32 s9, $0xF7A;
	s5 =	simm.s32 @!p2 $0x0  }
0x1d: {  	s5 =	simm.s32 @p1 $0x1;
	p0 =	seq.s32 s7, s2  }
0x1e: {  	s7 =	smul.u32 @!p0 $0xF7A, s2;
	p2 =	seq.s32 @!p0 s5, $0x0  }
0x1f: {  	s9 =	smul.u32 $0xF7A, s1;
	s8 =	simm.s32 @!p0 $0x1BF5;
	p2 =	por !p2, p0  }
0x20: {  	[sflag:s8] =	ssyncset.s32 @!p0 $0xFFFFF086;
	s6 =	sadd.s32 @!p0 s3, s7;
	s7 =	simm.s32 @!p0 $0x108  }
0x21: {  	s3 =	sadd.s32 s3, s9;
	s6 =	sadd.s32 @!p0 $0x88, s6;
	s7 =	simm.s32 @p2 $0x1082  }
0x22: {  	[simem:s7], [sflag:s8] =	dma.local @!p0 [hbm:s6], $0xF7A  }
0x23: {  	s9 =	sor.u32 $0xD0000000, s2;
	s6 =	simm.s32 $0x108;
	_ =	swait.ge @!p0 [sflag:s8], $0x0  }
0x24: {  	s3 =	sadd.s32 $0x88, s3;
	s6 =	simm.s32 @!p1 $0x1082;
	[sflag:s4] =	ssyncset.s32 $0xFFFFF086  }
0x25: {  	[simem:s6], [sflag:s4] =	dma.local [hbm:s3], $0xF7A  }
0x26: {  	[smem:$0x3F8E] =	sst s1;
	(tag) =	ssettag s2;
	_ =	strace s9  }
0x27: {  	s1 =	sld [smem:$0x3F9E]  }
0x28: {  	s2 =	sld [smem:$0x3F9F]  }
0x29: {  	s4 =	sld [smem:$0x3FA1]  }
0x2a: {  	p0 =	seq.s32 s5, $0x0;
	s5 =	sld [smem:$0x3FA2]  }
0x2b: {  	s6 =	sld [smem:$0x3FA3]  }
0x2c: {  	s7 =	sld [smem:$0x3FA4]  }
0x2d: {  	s3 =	simm.s32 $0x108;
	s8 =	sld [smem:$0x3FA5]  }
0x2e: {  	s3 =	simm.s32 @!p0 $0x1082;
	s9 =	sld [smem:$0x3FA6]  }
0x2f: {  	lr =	sadd.s32 s0, s3;
	s0 =	sld [smem:$0x3F9D]  }
0x30: {  	s3 =	sld [smem:$0x3FA0]  }
0x31: {  	[smem:$0x3FA9] =	sst s10  }
0x32: {  	s10 =	sld [smem:$0x3FA7];
	_ =	sdelay $0x3  }
0x33: {  	p0 =	seq.s32 s10, $0x1;
	s10 =	sld [smem:$0x3FA9];
	_ =	sdelay $0x3  }
0x34: {  	[smem:$0x3FA9] =	sst s10  }
0x35: {  	s10 =	sld [smem:$0x3FA8];
	_ =	sdelay $0x3  }
0x36: {  	p1 =	seq.s32 s10, $0x1;
	s10 =	sld [smem:$0x3FA9];
	_ =	sdelay $0x3  }
0x37: {  	[smem:$0x3FA9] =	sst s10  }
0x38: {  	s10 =	sld [smem:$0x3FAA]  }
0x39: {  	_ = 	snop;
	(pc) =	sbr.ind lr, $3  }
0x3a: {  	_ = 	snop  }
0x3b: {  	_ = 	snop  }
0x3c: {  	p2 =	seq.s32 s10, $0x1;
	s10 =	sld [smem:$0x3FA9]  }
0x3d: {  	_ =	shalt  }
0x3e: {  	_ =	shalt  }
0x3f: {  	_ =	shalt  }
0x40: {  	_ =	shalt  }
0x41: {  	_ =	shalt  }
0x42: {  	_ =	shalt  }
0x43: {  	_ =	shalt  }
0x44: {  	_ =	shalt  }
0x45: {  	_ =	shalt  }
0x46: {  	_ =	shalt  }
0x47: {  	_ =	shalt  }
0x48: {  	_ =	shalt  }
0x49: {  	_ =	shalt  }
0x4a: {  	_ =	shalt  }
0x4b: {  	_ =	shalt  }
0x4c: {  	_ =	shalt  }
0x4d: {  	_ =	shalt  }
0x4e: {  	_ =	shalt  }
0x4f: {  	_ =	shalt  }
0x50: {  	_ =	shalt  }
0x51: {  	_ =	shalt  }
0x52: {  	_ =	shalt  }
0x53: {  	_ =	shalt  }
0x54: {  	_ =	shalt  }
0x55: {  	_ =	shalt  }
0x56: {  	_ =	shalt  }
0x57: {  	_ =	shalt  }
0x58: {  	_ =	shalt  }
0x59: {  	_ =	shalt  }
0x5a: {  	_ =	shalt  }
0x5b: {  	_ =	shalt  }
0x5c: {  	_ =	shalt  }
0x5d: {  	_ =	shalt  }
0x5e: {  	_ =	shalt  }
0x5f: {  	_ =	shalt  }
0x60: {  	_ =	shalt  }
0x61: {  	_ =	shalt  }
0x62: {  	_ =	shalt  }
0x63: {  	_ =	shalt  }
0x64: {  	_ =	shalt  }
0x65: {  	_ =	shalt  }
0x66: {  	_ =	shalt  }
0x67: {  	_ =	shalt  }
0x68: {  	_ =	shalt  }
0x69: {  	_ =	shalt  }
0x6a: {  	_ =	shalt  }
0x6b: {  	_ =	shalt  }
0x6c: {  	_ =	shalt  }
0x6d: {  	_ =	shalt  }
0x6e: {  	_ =	shalt  }
0x6f: {  	_ =	shalt  }
0x70: {  	_ =	shalt  }
0x71: {  	_ =	shalt  }
0x72: {  	_ =	shalt  }
0x73: {  	_ =	shalt  }
0x74: {  	_ =	shalt  }
0x75: {  	_ =	shalt  }
0x76: {  	_ =	shalt  }
0x77: {  	_ =	shalt  }
0x78: {  	_ =	shalt  }
0x79: {  	_ =	shalt  }
0x7a: {  	_ =	shalt  }
0x7b: {  	_ =	shalt  }
0x7c: {  	_ =	shalt  }
0x7d: {  	_ =	shalt  }
0x7e: {  	_ =	shalt  }
0x7f: {  	_ =	shalt  }
0x80: {  	_ =	shalt  }
0x81: {  	_ =	shalt  }
0x82: {  	_ =	shalt  }
0x83: {  	_ =	shalt  }
0x84: {  	_ =	shalt  }
0x85: {  	_ =	shalt  }
0x86: {  	_ =	shalt  }
0x87: {  	_ =	shalt  }
.Lfunc_end0:
.L_simem_size_0:
called_computation_lowered:
.L_overlay_start_0:
0x88: {  	s2 =	sld [smem:$0x3FD9]  }
0x89: {  	s3 =	sld [smem:$0x3FFE];
	_ =	sdelay $0x1  }
0x8a: {  	s1 =	srdreg.scid  }
0x8b: {  	s0 =	sand.u32 $0x1, s1  }
0x8c: {  	s16 =	sshll.u32 s0, $0xA;
	s2 =	sadd.s32 s3, s2  }
0x8d: {  	s2 =	sadd.s32 s2, s16  }
0x8e: {  	[smem:$0x3FB5] =	sst s2  }
0x8f: {  	_ = 	snop  }
0x90: {  	(tm) =	ssettm $0x1  }
0x91: {  	s17 =	sld [smem:$0x3FFB];
	_ =	sdelay $0x3  }
0x92: {  	_ =	strace s17  }
0x93: {  	s2 =	sld [smem:$0x3FFC];
	_ =	sdelay $0x3  }
0x94: {  	_ =	strace s2  }
0x95: {  	s2 =	sld [smem:$0x3FFD];
	_ =	sdelay $0x3  }
0x96: {  	_ =	strace s2  }
0x97: {  	_ =	strace $0x8FFFFFFF  }
0x98: {  	s18 =	sld [smem:$0x3FDB];
	_ =	sdelay $0x1  }
0x99: {  	s19 =	simm.s32 $_scs_section_size  }
0x9a: {  	s4 =	simm.s32 $_size__tile_overlayer_lowered;
	s5 =	simm.s32 $_tile_overlayer_lowered  }
0x9b: {  	s22 =	simm.s32 $0x1BFF;
	s21 =	sshll.u32 s5, $0x1;
	s2 =	sadd.s32 s19, s18  }
0x9c: {  	s6 =	simm.s32 $0x0;
	s20 =	sshll.u32 s4, $0x1;
	s4 =	sadd.s32 s21, s2  }
0x9d: {  	[timem:s6], [sflag:s22] =	dma.local [hbm:s4], s20  }
0x9e: {  	_ =	swait.ge [sflag:s22], s20  }
0x9f: {  	s3 =	ssub.s32 $0x0, s20;
	[sflag:s22] =	ssyncset.done $0x0  }
0xa0: {  	[sflag:s22] =	ssyncadd.s32 s3;
	_ =	sdelay $0x1  }
0xa1: {  	s23 =	simm.s32 $0x1B8B  }
0xa2: {  	_ =	swait.ge [sflag:s23], $0x1  }
0xa3: {  	[sflag:s23] =	ssyncset.done $0x0  }
0xa4: {  	s25 =	simm.s32 $0x1B8E;
	s24 =	sld [smem:$0x3FFE];
	[sflag:s23] =	ssyncadd.s32 $0xFFFFFFFF  }
0xa5: {  	s26 =	simm.s32 $execute0_lowered;
	[smem:$0x3FD2] =	sst s25  }
0xa6: {  	s4 =	sshll.u32 s26, $0x1;
	_ =	strace $0x80000046;
	[dreg:$0x1] =	wrdreg $0xFFFFFFFF  }
0xa7: {  	s28 =	simm.s32 $_size_execute0_lowered;
	s2 =	sadd.s32 s2, s4;
	[dreg:$0x0] =	wrdreg $0x0  }
0xa8: {  	s4 =	sshll.u32 s28, $0x1;
	[dreg:$0x2] =	wrdreg s2  }
0xa9: {  	[dreg:$0x3] =	wrdreg s4  }
0xaa: {  	[dreg:$0x4] =	wrdreg $0xC0  }
0xab: {  	_ =	task [dreg:s6], $0x5FFFF  }
0xac: {  	[dreg:$0x1] =	wrdreg $0xFFFFFFFF  }
0xad: {  	[dreg:$0x0] =	wrdreg $0x60  }
0xae: {  	[dreg:$0x2] =	wrdreg s24  }
0xaf: {  	[dreg:$0x3] =	wrdreg $0x7DA00  }
0xb0: {  	[dreg:$0x4] =	wrdreg $0xA4C00  }
0xb1: {  	[dreg:$0x5] =	wrdreg $0x9  }
0xb2: {  	_ =	task.clear_ibuf [dreg:s6], $0x6FFFF;
	_ =	strace $0x90000046  }
0xb3: {  	s29 =	simm.s32 $0x9;
	_ =	strace $0x80000048  }
0xb4: {  	_ =	swait.ge [sflag:s29], $0x1  }
0xb5: {  	[sflag:s29] =	ssyncadd.s32 $0xFFFFFFFF  }
0xb6: {  	_ =	strace $0x90000048  }
0xb7: {  	_ =	sfence  }
0xb8: {  	s30 =	sld [smem:$0x0];
	_ =	sdelay $0x2  }
0xb9: {  	s31 =	sshll.u32 s1, $0xD;
	s1 =	sshrl.u32 s1, $0x2  }
0xba: {  	s3 =	sand.u32 $0x4000, s31;
	s1 =	sadd.s32 s1, s30  }
0xbb: {  	s0 =	sor.u32 s3, s0;
	s1 =	sshll.u32 s1, $0x11  }
0xbc: {  	s0 =	sor.u32 s1, s0  }
0xbd: {  	s0 =	sadd.s32 $0x8F2B, s0  }
0xbe: {  	[sflag:s0] =	ssyncadd.remote.s32 $0x1  }
0xbf: {  	_ =	sfence.sel $0xFFFF  }
0xc0: {  	[dreg:$0x0] =	wrdreg $0xFFFFFFFF;
	(pc) =	sbr.abs _section_cstart, $3  }
0xc1: {  	[dreg:$0x1] =	wrdreg $0xFFFFFFFF  }
0xc2: {  	_ =	task.clear_ibuf [dreg:s6], $0x2FFFF;
	_ =	strace $0x9FFFFFFF  }
0xc3: {  	(tm) =	ssettm $0x7FFFFFFF  }
tec
execute0_lowered:
.L_overlay_start_1:
0x0: {  	(tag) =	ssettag $0x1  }
0x1: {  	s5 =	rddreg [dreg:$0x0]  }
0x2: {  	s2 =	rddreg [dreg:$0x1]  }
0x3: {  	s3 =	rddreg [dreg:$0x2]  }
0x4: {  	s0 =	rddreg [dreg:$0x3];
	s4 =	srdreg.scid  }
0x5: {  	s1 =	stileid.u32;
	s13 =	simm.s32 $0x1;
	s14 =	simm.s32 $0x80  }
0x6: {  	s15 =	simm.s32 $0x4E80;
	s16 =	simm.s32 $0x4D80;
	s17 =	simm.s32 $0x4E00  }
0x7: {  	s6 =	sand.u32 $0x1, s4;
	s7 =	sshll.u32 s1, $0x1;
	s8 =	smul.u32 $0x2720, s1  }
0x8: {  	s4 =	simm.s32 $0x0;
	s7 =	sor.u32 s6, s7;
	s9 =	smul.u32 $0x27200, s6  }
0x9: {  	[smem:$0x7FF] =	sst s4;
	s6 =	ssub.s32 $0x2, s6;
	s7 =	smul.u32 $0x9D0, s7  }
0xa: {  	_ =	strace $0x80000047;
	s31 =	sshrl.u32 s6, $0x1;
	s9 =	sadd.s32 s8, s9  }
0xb: {  	s12 =	ssub.s32 s6, s31;
	s6 =	sadd.s32 s8, s3;
	s30 =	sshrl.u32 s9, $0x3  }
0xc: {  	s10 =	sadd.s32 s7, s5;
	s11 =	sadd.s32 s30, s5;
	s5 =	sadd.s32 s8, s2  }
0xd: {  	s7 =	sadd.s32 $0x17800, s10;
	s8 =	sadd.s32 $0x2B200, s10;
	s9 =	sadd.s32 $0x3EC00, s11  }
0xe: {  	v0 =	vimm.f32 $0.0e+00;
	v1 =	vimm.f32 $1.000000000e+00;
	s10 =	sadd.s32 $0x48A00, s11;
	s11 =	smax.u32 s12, $0x1;
	s12 =	simm.s32 $0x5680  }
.LBB2_1:
0xf: {  	s18 =	simm.s32 $0x0  }
.LBB2_2:
0x10: {  	p0 =	sne.s32 s18, $0x9C40  }
.Ltmp0:
0x11: {  	_ = 	snop;
	(pc) =	sbr.rel @p0 .LBB2_2-.Ltmp0, $3  }
0x12: {  	_ =	sdelay $0x1  }
0x13: {  	s19 =	sshra.s32 s18, $0x2  }
0x14: {  	s18 =	sadd.s32 $0x40, s18;
	[tilespmem:s19+$0x5680] =	vst v0  }
0x15: {  	s18 =	simm.s32 $0x40;
	s19 =	simm.s32 $0x0  }
.LBB2_4:
0x16: {  	p0 =	sne.s32 s18, $0x1FC0;
	[tilespmem:s19+$0x4E80] =	vst v1;
	s19 =	smov.u32 s18;
	s18 =	sadd.s32 $0x40, s18  }
.Ltmp1:
0x17: {  	(pc) =	sbr.rel @p0 .LBB2_4-.Ltmp1, $2  }
0x18: {  	_ =	sdelay $0x2  }
0x19: {  	s19 =	sshra.s32 s19, $0x2  }
0x1a: {  	[tilespmem:s19+$0x4E80] =	vst v1  }
0x1b: {  	[spmem:s5] =	stream.linear.scatter [tilespmem:s12], [sflag:$0x1], $0x2720, $0x38;
	[tilespmem:$0xCBE0] =	vst v63  }
0x1c: {  	_ =	swait.ge [sflag:s13], $0x2720  }
0x1d: {  	[sflag:s13] =	ssyncset.done $0x0  }
0x1e: {  	[sflag:s13] =	ssyncadd.s32 $0xFFFFD8E0  }
0x1f: {  	[spmem:s6] =	stream.linear.scatter [tilespmem:s12], [sflag:$0x1], $0x2720, $0x38;
	[tilespmem:$0xCBE0] =	vst v63  }
0x20: {  	_ =	swait.ge [sflag:s13], $0x2720  }
0x21: {  	[sflag:s13] =	ssyncset.done $0x0  }
0x22: {  	[sflag:s13] =	ssyncadd.s32 $0xFFFFD8E0  }
0x23: {  	s18 =	simm.s32 $0x0;
	[bflag:$0x0] =	sbarrier.arrive $0xFFFF  }
0x24: {  	[tilespmem:s18], [sflag:$0x1] =	stream.linear.gather [hbm4b:s7+s18], $0x4E80, $0x38;
	[tilespmem:$0xCBE0] =	vst v63  }
0x25: {  	_ =	swait.ge [sflag:s13], $0x4E80  }
0x26: {  	[sflag:s13] =	ssyncset.done $0x0  }
0x27: {  	s26 =	simm.s32 $0x0;
	[sflag:s13] =	ssyncadd.s32 $0xFFFFB180  }
0x28: {  	[spmem:s2] =	stream.indirect.scatter.add.f32 [tilespmem:s15], [sflag:$0x1], $0x10, s26, s14, $0xb8;
	[tilespmem:$0xCBE0] =	vst v63  }
0x29: {  	_ =	swait.ge [sflag:s13], $0x800  }
0x2a: {  	[sflag:s13] =	ssyncset.done $0x0  }
0x2b: {  	s28 =	simm.s32 $0x80;
	[sflag:s13] =	ssyncadd.s32 $0xFFFFF800  }
0x2c: {  	[spmem:s2] =	stream.indirect.scatter.add.f32 [tilespmem:s15], [sflag:$0x1], $0x10, s28, s14, $0xb8;
	[tilespmem:$0xCBE0] =	vst v63  }
0x2d: {  	_ =	swait.ge [sflag:s13], $0x800  }
0x2e: {  	[sflag:s13] =	ssyncset.done $0x0  }
0x2f: {  	s29 =	simm.s32 $0x100;
	[sflag:s13] =	ssyncadd.s32 $0xFFFFF800  }
0x30: {  	[spmem:s2] =	stream.indirect.scatter.add.f32 [tilespmem:s15], [sflag:$0x1], $0x10, s29, s14, $0xb8;
	[tilespmem:$0xCBE0] =	vst v63  }
0x31: {  	_ =	swait.ge [sflag:s13], $0x800  }
0x32: {  	[sflag:s13] =	ssyncset.done $0x0  }
0x33: {  	s30 =	simm.s32 $0x180;
	[sflag:s13] =	ssyncadd.s32 $0xFFFFF800  }
0x34: {  	[spmem:s2] =	stream.indirect.scatter.add.f32 [tilespmem:s15], [sflag:$0x1], $0x10, s30, s14, $0xb8;
	[tilespmem:$0xCBE0] =	vst v63  }
0x35: {  	_ =	swait.ge [sflag:s13], $0x800  }
0x36: {  	[sflag:s13] =	ssyncset.done $0x0  }
0x37: {  	s31 =	simm.s32 $0x200;
	[sflag:s13] =	ssyncadd.s32 $0xFFFFF800  }
0x38: {  	[spmem:s2] =	stream.indirect.scatter.add.f32 [tilespmem:s15], [sflag:$0x1], $0x10, s31, s14, $0xb8;
	[tilespmem:$0xCBE0] =	vst v63  }
0x39: {  	_ =	swait.ge [sflag:s13], $0x800  }
0x3a: {  	s19 =	simm.s32 $0x1400;
	s18 =	simm.s32 $0xA00;
	[sflag:s13] =	ssyncset.done $0x0  }
.LBB2_6:
0x3b: {  	s20 =	sshra.s32 s18, $0x2  }
0x3c: {  	[sflag:s13] =	ssyncadd.s32 $0xFFFFF800;
	s18 =	smov.u32 s19;
	s21 =	sadd.s32 $0xA00, s19  }
0x3d: {  	[spmem:s2] =	stream.indirect.scatter.add.f32 [tilespmem:s15], [sflag:$0x1], $0x10, s20, s14, $0xb8;
	[tilespmem:$0xCBE0] =	vst v63  }
0x3e: {  	p0 =	sne.s32 s19, $0x12C00;
	_ =	swait.ge [sflag:s13], $0x800  }
0x3f: {  	[sflag:s13] =	ssyncset.done $0x0  }
0x40: {  	s19 =	sadd.s32 $0x80, s20;
	[sflag:s13] =	ssyncadd.s32 $0xFFFFF800  }
0x41: {  	[spmem:s2] =	stream.indirect.scatter.add.f32 [tilespmem:s15], [sflag:$0x1], $0x10, s19, s14, $0xb8;
	[tilespmem:$0xCBE0] =	vst v63  }
0x42: {  	_ =	swait.ge [sflag:s13], $0x800  }
0x43: {  	[sflag:s13] =	ssyncset.done $0x0  }
0x44: {  	s19 =	sadd.s32 $0x100, s20;
	[sflag:s13] =	ssyncadd.s32 $0xFFFFF800  }
0x45: {  	[spmem:s2] =	stream.indirect.scatter.add.f32 [tilespmem:s15], [sflag:$0x1], $0x10, s19, s14, $0xb8;
	[tilespmem:$0xCBE0] =	vst v63  }
0x46: {  	_ =	swait.ge [sflag:s13], $0x800  }
0x47: {  	[sflag:s13] =	ssyncset.done $0x0  }
0x48: {  	s19 =	sadd.s32 $0x180, s20;
	[sflag:s13] =	ssyncadd.s32 $0xFFFFF800  }
0x49: {  	[spmem:s2] =	stream.indirect.scatter.add.f32 [tilespmem:s15], [sflag:$0x1], $0x10, s19, s14, $0xb8;
	[tilespmem:$0xCBE0] =	vst v63  }
0x4a: {  	_ =	swait.ge [sflag:s13], $0x800  }
.Ltmp2:
0x4b: {  	[sflag:s13] =	ssyncset.done $0x0;
	(pc) =	sbr.rel @p0 .LBB2_6-.Ltmp2, $4  }
0x4c: {  	s19 =	sadd.s32 $0x200, s20;
	[sflag:s13] =	ssyncadd.s32 $0xFFFFF800  }
0x4d: {  	[spmem:s2] =	stream.indirect.scatter.add.f32 [tilespmem:s15], [sflag:$0x1], $0x10, s19, s14, $0xb8;
	[tilespmem:$0xCBE0] =	vst v63  }
0x4e: {  	_ =	swait.ge [sflag:s13], $0x800  }
0x4f: {  	s19 =	smov.u32 s21;
	[sflag:s13] =	ssyncset.done $0x0  }
0x50: {  	s18 =	sshra.s32 s18, $0x2;
	[sflag:s13] =	ssyncadd.s32 $0xFFFFF800  }
0x51: {  	[spmem:s2] =	stream.indirect.scatter.add.f32 [tilespmem:s15], [sflag:$0x1], $0x10, s18, s14, $0xb8;
	[tilespmem:$0xCBE0] =	vst v63  }
0x52: {  	_ =	swait.ge [sflag:s13], $0x800  }
0x53: {  	[sflag:s13] =	ssyncset.done $0x0  }
0x54: {  	s19 =	sadd.s32 $0x80, s18;
	[sflag:s13] =	ssyncadd.s32 $0xFFFFF800  }
0x55: {  	[spmem:s2] =	stream.indirect.scatter.add.f32 [tilespmem:s15], [sflag:$0x1], $0x10, s19, s14, $0xb8;
	[tilespmem:$0xCBE0] =	vst v63  }
0x56: {  	_ =	swait.ge [sflag:s13], $0x800  }
0x57: {  	[sflag:s13] =	ssyncset.done $0x0  }
0x58: {  	s23 =	sadd.s32 $0x100, s18;
	[sflag:s13] =	ssyncadd.s32 $0xFFFFF800  }
0x59: {  	[spmem:s2] =	stream.indirect.scatter.add.f32 [tilespmem:s15], [sflag:$0x1], $0x10, s23, s14, $0xb8;
	[tilespmem:$0xCBE0] =	vst v63  }
0x5a: {  	_ =	swait.ge [sflag:s13], $0x800  }
0x5b: {  	[sflag:s13] =	ssyncset.done $0x0  }
0x5c: {  	s24 =	sadd.s32 $0x180, s18;
	[sflag:s13] =	ssyncadd.s32 $0xFFFFF800  }
0x5d: {  	[spmem:s2] =	stream.indirect.scatter.add.f32 [tilespmem:s15], [sflag:$0x1], $0x10, s24, s14, $0xb8;
	[tilespmem:$0xCBE0] =	vst v63  }
0x5e: {  	_ =	swait.ge [sflag:s13], $0x800  }
0x5f: {  	[sflag:s13] =	ssyncset.done $0x0  }
0x60: {  	s18 =	sadd.s32 $0x200, s18;
	[sflag:s13] =	ssyncadd.s32 $0xFFFFF800  }
0x61: {  	[spmem:s2] =	stream.indirect.scatter.add.f32 [tilespmem:s15], [sflag:$0x1], $0x10, s18, s14, $0xb8;
	[tilespmem:$0xCBE0] =	vst v63  }
0x62: {  	_ =	swait.ge [sflag:s13], $0x800  }
0x63: {  	[sflag:s13] =	ssyncset.done $0x0  }
0x64: {  	[sflag:s13] =	ssyncadd.s32 $0xFFFFF800  }
0x65: {  	[spmem:s2] =	stream.indirect.scatter.add.f32 [tilespmem:s15], [sflag:$0x1], $0x10, s16, s14, $0xb8;
	[tilespmem:$0xCBE0] =	vst v63  }
0x66: {  	_ =	swait.ge [sflag:s13], $0x800  }
0x67: {  	[sflag:s13] =	ssyncset.done $0x0  }
0x68: {  	[sflag:s13] =	ssyncadd.s32 $0xFFFFF800  }
0x69: {  	[spmem:s2] =	stream.indirect.scatter.add.f32 [tilespmem:s15], [sflag:$0x1], $0x10, s17, s14, $0xb8;
	[tilespmem:$0xCBE0] =	vst v63  }
0x6a: {  	_ =	swait.ge [sflag:s13], $0x800  }
0x6b: {  	[sflag:s13] =	ssyncset.done $0x0  }
0x6c: {  	s25 =	simm.s32 $0x0;
	[sflag:s13] =	ssyncadd.s32 $0xFFFFF800  }
0x6d: {  	[tilespmem:s25], [sflag:$0x1] =	stream.linear.gather [hbm4b:s8+s25], $0x4E80, $0x38;
	[tilespmem:$0xCBE0] =	vst v63  }
0x6e: {  	_ =	swait.ge [sflag:s13], $0x4E80  }
0x6f: {  	[sflag:s13] =	ssyncset.done $0x0  }
0x70: {  	s26 =	simm.s32 $0x0;
	[sflag:s13] =	ssyncadd.s32 $0xFFFFB180  }
0x71: {  	[spmem:s3] =	stream.indirect.scatter.add.f32 [tilespmem:s15], [sflag:$0x1], $0x10, s26, s14, $0xb8;
	[tilespmem:$0xCBE0] =	vst v63  }
0x72: {  	_ =	swait.ge [sflag:s13], $0x800  }
0x73: {  	[sflag:s13] =	ssyncset.done $0x0  }
0x74: {  	s28 =	simm.s32 $0x80;
	[sflag:s13] =	ssyncadd.s32 $0xFFFFF800  }
0x75: {  	[spmem:s3] =	stream.indirect.scatter.add.f32 [tilespmem:s15], [sflag:$0x1], $0x10, s28, s14, $0xb8;
	[tilespmem:$0xCBE0] =	vst v63  }
0x76: {  	_ =	swait.ge [sflag:s13], $0x800  }
0x77: {  	[sflag:s13] =	ssyncset.done $0x0  }
0x78: {  	s29 =	simm.s32 $0x100;
	[sflag:s13] =	ssyncadd.s32 $0xFFFFF800  }
0x79: {  	[spmem:s3] =	stream.indirect.scatter.add.f32 [tilespmem:s15], [sflag:$0x1], $0x10, s29, s14, $0xb8;
	[tilespmem:$0xCBE0] =	vst v63  }
0x7a: {  	_ =	swait.ge [sflag:s13], $0x800  }
0x7b: {  	[sflag:s13] =	ssyncset.done $0x0  }
0x7c: {  	s30 =	simm.s32 $0x180;
	[sflag:s13] =	ssyncadd.s32 $0xFFFFF800  }
0x7d: {  	[spmem:s3] =	stream.indirect.scatter.add.f32 [tilespmem:s15], [sflag:$0x1], $0x10, s30, s14, $0xb8;
	[tilespmem:$0xCBE0] =	vst v63  }
0x7e: {  	_ =	swait.ge [sflag:s13], $0x800  }
0x7f: {  	[sflag:s13] =	ssyncset.done $0x0  }
0x80: {  	s31 =	simm.s32 $0x200;
	[sflag:s13] =	ssyncadd.s32 $0xFFFFF800  }
0x81: {  	[spmem:s3] =	stream.indirect.scatter.add.f32 [tilespmem:s15], [sflag:$0x1], $0x10, s31, s14, $0xb8;
	[tilespmem:$0xCBE0] =	vst v63  }
0x82: {  	_ =	swait.ge [sflag:s13], $0x800  }
0x83: {  	s19 =	simm.s32 $0x1400;
	s18 =	simm.s32 $0xA00;
	[sflag:s13] =	ssyncset.done $0x0  }
.LBB2_8:
0x84: {  	s20 =	sshra.s32 s18, $0x2  }
0x85: {  	[sflag:s13] =	ssyncadd.s32 $0xFFFFF800;
	s18 =	smov.u32 s19;
	s21 =	sadd.s32 $0xA00, s19  }
0x86: {  	[spmem:s3] =	stream.indirect.scatter.add.f32 [tilespmem:s15], [sflag:$0x1], $0x10, s20, s14, $0xb8;
	[tilespmem:$0xCBE0] =	vst v63  }
0x87: {  	p0 =	sne.s32 s19, $0x12C00;
	_ =	swait.ge [sflag:s13], $0x800  }
0x88: {  	[sflag:s13] =	ssyncset.done $0x0  }
0x89: {  	s19 =	sadd.s32 $0x80, s20;
	[sflag:s13] =	ssyncadd.s32 $0xFFFFF800  }
0x8a: {  	[spmem:s3] =	stream.indirect.scatter.add.f32 [tilespmem:s15], [sflag:$0x1], $0x10, s19, s14, $0xb8;
	[tilespmem:$0xCBE0] =	vst v63  }
0x8b: {  	_ =	swait.ge [sflag:s13], $0x800  }
0x8c: {  	[sflag:s13] =	ssyncset.done $0x0  }
0x8d: {  	s19 =	sadd.s32 $0x100, s20;
	[sflag:s13] =	ssyncadd.s32 $0xFFFFF800  }
0x8e: {  	[spmem:s3] =	stream.indirect.scatter.add.f32 [tilespmem:s15], [sflag:$0x1], $0x10, s19, s14, $0xb8;
	[tilespmem:$0xCBE0] =	vst v63  }
0x8f: {  	_ =	swait.ge [sflag:s13], $0x800  }
0x90: {  	[sflag:s13] =	ssyncset.done $0x0  }
0x91: {  	s19 =	sadd.s32 $0x180, s20;
	[sflag:s13] =	ssyncadd.s32 $0xFFFFF800  }
0x92: {  	[spmem:s3] =	stream.indirect.scatter.add.f32 [tilespmem:s15], [sflag:$0x1], $0x10, s19, s14, $0xb8;
	[tilespmem:$0xCBE0] =	vst v63  }
0x93: {  	_ =	swait.ge [sflag:s13], $0x800  }
.Ltmp3:
0x94: {  	[sflag:s13] =	ssyncset.done $0x0;
	(pc) =	sbr.rel @p0 .LBB2_8-.Ltmp3, $4  }
0x95: {  	s19 =	sadd.s32 $0x200, s20;
	[sflag:s13] =	ssyncadd.s32 $0xFFFFF800  }
0x96: {  	[spmem:s3] =	stream.indirect.scatter.add.f32 [tilespmem:s15], [sflag:$0x1], $0x10, s19, s14, $0xb8;
	[tilespmem:$0xCBE0] =	vst v63  }
0x97: {  	_ =	swait.ge [sflag:s13], $0x800  }
0x98: {  	s19 =	smov.u32 s21;
	[sflag:s13] =	ssyncset.done $0x0  }
0x99: {  	s18 =	sshra.s32 s18, $0x2;
	[sflag:s13] =	ssyncadd.s32 $0xFFFFF800  }
0x9a: {  	[spmem:s3] =	stream.indirect.scatter.add.f32 [tilespmem:s15], [sflag:$0x1], $0x10, s18, s14, $0xb8;
	[tilespmem:$0xCBE0] =	vst v63  }
0x9b: {  	_ =	swait.ge [sflag:s13], $0x800  }
0x9c: {  	[sflag:s13] =	ssyncset.done $0x0  }
0x9d: {  	s19 =	sadd.s32 $0x80, s18;
	[sflag:s13] =	ssyncadd.s32 $0xFFFFF800  }
0x9e: {  	[spmem:s3] =	stream.indirect.scatter.add.f32 [tilespmem:s15], [sflag:$0x1], $0x10, s19, s14, $0xb8;
	[tilespmem:$0xCBE0] =	vst v63  }
0x9f: {  	_ =	swait.ge [sflag:s13], $0x800  }
0xa0: {  	[sflag:s13] =	ssyncset.done $0x0  }
0xa1: {  	s26 =	sadd.s32 $0x100, s18;
	[sflag:s13] =	ssyncadd.s32 $0xFFFFF800  }
0xa2: {  	[spmem:s3] =	stream.indirect.scatter.add.f32 [tilespmem:s15], [sflag:$0x1], $0x10, s26, s14, $0xb8;
	[tilespmem:$0xCBE0] =	vst v63  }
0xa3: {  	_ =	swait.ge [sflag:s13], $0x800  }
0xa4: {  	[sflag:s13] =	ssyncset.done $0x0  }
0xa5: {  	s28 =	sadd.s32 $0x180, s18;
	[sflag:s13] =	ssyncadd.s32 $0xFFFFF800  }
0xa6: {  	[spmem:s3] =	stream.indirect.scatter.add.f32 [tilespmem:s15], [sflag:$0x1], $0x10, s28, s14, $0xb8;
	[tilespmem:$0xCBE0] =	vst v63  }
0xa7: {  	_ =	swait.ge [sflag:s13], $0x800  }
0xa8: {  	[sflag:s13] =	ssyncset.done $0x0  }
0xa9: {  	s18 =	sadd.s32 $0x200, s18;
	[sflag:s13] =	ssyncadd.s32 $0xFFFFF800  }
0xaa: {  	[spmem:s3] =	stream.indirect.scatter.add.f32 [tilespmem:s15], [sflag:$0x1], $0x10, s18, s14, $0xb8;
	[tilespmem:$0xCBE0] =	vst v63  }
0xab: {  	_ =	swait.ge [sflag:s13], $0x800  }
0xac: {  	[sflag:s13] =	ssyncset.done $0x0  }
0xad: {  	[sflag:s13] =	ssyncadd.s32 $0xFFFFF800  }
0xae: {  	[spmem:s3] =	stream.indirect.scatter.add.f32 [tilespmem:s15], [sflag:$0x1], $0x10, s16, s14, $0xb8;
	[tilespmem:$0xCBE0] =	vst v63  }
0xaf: {  	_ =	swait.ge [sflag:s13], $0x800  }
0xb0: {  	[sflag:s13] =	ssyncset.done $0x0  }
0xb1: {  	[sflag:s13] =	ssyncadd.s32 $0xFFFFF800  }
0xb2: {  	[spmem:s3] =	stream.indirect.scatter.add.f32 [tilespmem:s15], [sflag:$0x1], $0x10, s17, s14, $0xb8;
	[tilespmem:$0xCBE0] =	vst v63  }
0xb3: {  	_ =	swait.ge [sflag:s13], $0x800  }
0xb4: {  	[sflag:s13] =	ssyncset.done $0x0  }
0xb5: {  	s29 =	sshll.u32 s1, $0x6;
	[sflag:s13] =	ssyncadd.s32 $0xFFFFF800  }
0xb6: {  	s30 =	sshrl.u32 s5, $0x3;
	s18 =	sor.u32 $0x1C01, s29;
	[bflag:$0x0] =	sbarrier.arrive $0xFFFF  }
0xb7: {  	[hbm:s9], [sflag:s18] =	dma.local [spmem:s30], $0x4E4  }
0xb8: {  	s4 =	sadd.s32 $0x1, s4;
	_ =	swait.ge [sflag:s13], $0x4E4  }
0xb9: {  	p0 =	sne.s32 s4, s11;
	[sflag:s13] =	ssyncset.done $0x0  }
.Ltmp4:
0xba: {  	s31 =	sshrl.u32 s6, $0x3;
	[sflag:s13] =	ssyncadd.s32 $0xFFFFFB1C;
	(pc) =	sbr.rel @p0 .LBB2_1-.Ltmp4, $4  }
0xbb: {  	[hbm:s10], [sflag:s18] =	dma.local [spmem:s31], $0x4E4  }
0xbc: {  	_ =	swait.ge [sflag:s13], $0x4E4  }
0xbd: {  	[sflag:s13] =	ssyncset.done $0x0  }
0xbe: {  	[sflag:s13] =	ssyncadd.s32 $0xFFFFFB1C  }
0xbf: {  	_ =	sfence.sel $0x180000  }
0xc0: {  	[bflag:$0x0] =	sbarrier.arrive $0xFFFF  }
0xc1: {  	p0 =	sne.s32 s1, $0x0;
	_ =	strace $0x90000047  }
0xc2: {  	s0 =	sadd.s32 @!p0 $0x100000, s0;
	[bflag:$0x2] =	sbarrier.arrive $0xFFFF  }
0xc3: {  	[sflag:s0] =	ssyncadd.tile.s32 @!p0 $0x1;
	_ =	shalt  }
.Lfunc_end2:
_tile_overlayer_lowered:
.L_overlay_start_2:
0xc4: {  	(tag) =	ssettag $0x2  }
0xc5: {  	s0 =	rddreg [dreg:$0x0];
	s2 =	stileid.u32  }
0xc6: {  	s1 =	rddreg [dreg:$0x1];
	p0 =	sne.s32 s2, $0x0  }
0xc7: {  	s3 =	rddreg [dreg:$0x2];
	[bflag:$0x3] =	sbarrier.arrive $0xFFFF;
	s2 =	simm.s32 @!p0 $0x1C01  }
0xc8: {  	[timem:s3], [sflag:s2] =	dma.local @!p0 [hbm:s0], s1  }
0xc9: {  	s0 =	simm.s32 @!p0 $0x1  }
0xca: {  	_ =	swait.ge @!p0 [sflag:s0], s1  }
0xcb: {  	s1 =	ssub.s32 @!p0 $0x0, s1;
	[sflag:s0] =	ssyncset.done @!p0 $0x0  }
0xcc: {  	[sflag:s0] =	ssyncadd.s32 @!p0 s1  }
0xcd: {  	[bflag:$0x3] =	sbarrier.arrive $0xFFFF  }
0xce: {  	_ =	shalt  }

</sc_bundles>
